<compile_context>
chip_gen: v7x
topology: tpu7x:2x2x1
jax: 0.10.2.dev20260603
libtpu: 0.0.44.dev20260713+nightly
codegen_flags: <defaults>
</compile_context>

<pallas_src>
import functools

import jax
import jax.numpy as jnp
from jax import lax
from jax.experimental import pallas as pl
from jax.experimental.pallas import tpu as pltpu
from jax.experimental.pallas import tpu_sc as plsc

_NC, _NS, _L = 2, 16, 16
_NW = _NC * _NS
_NB = 1024
_NG = _NB // _L

_KEEP_RATIO_HIGH = 0.25
_UNROLL = 8
_CUNROLL = 4


def _sc_topk_mask_body(k, t, rows_per_w,
                       probs_hbm, out_hbm,
                       data_v, cbits_v, cidx_v, hist_v, btot_v, gtot_s):
    wid = lax.axis_index("s") * _NC + lax.axis_index("c")
    lanes = lax.broadcasted_iota(jnp.int32, (_L,), 0)
    lanes_nb = lanes * _NB
    ones = jnp.ones((_L,), jnp.int32)
    zeros = jnp.zeros((_L,), jnp.int32)
    n_chunks = t // _L

    def load_bits(ref, base):
        return lax.bitcast_convert_type(ref[pl.ds(base, _L)], jnp.int32)

    def splat_to_scalar(v):
        return jnp.max(v)

    def consume_hist(kneed, ngroups, from_top):
        def _cg(c, carry):
            acc = zeros
            for r in range(_L):
                sl = pl.ds(r * _NB + c * _L, _L)
                acc = acc + hist_v[sl]
                hist_v[sl] = zeros
            btot_v[pl.ds(c * _L, _L)] = acc
            gtot_s[c] = jnp.sum(acc)
            return carry
        lax.fori_loop(0, ngroups, _cg, 0)

        z = jnp.int32(0)

        def sg(i, cy):
            cum, gstar, cat, found = cy
            g = (ngroups - 1 - i) if from_top else i
            tt = gtot_s[g]
            hit = jnp.logical_and(found == 0, cum + tt >= kneed)
            gstar = jnp.where(hit, g, gstar)
            cat = jnp.where(hit, cum, cat)
            found = jnp.where(hit, 1, found)
            return (cum + tt, gstar, cat, found)

        _, gstar, cat, _ = lax.fori_loop(0, ngroups, sg, (z, z, z, z))

        hv = btot_v[pl.ds(gstar * _L, _L)]
        sv = lax.rev(hv, (0,)) if from_top else hv
        cs = plsc.cumsum(sv) + cat
        fs = plsc.all_reduce_ffs(cs >= kneed)
        jpos = splat_to_scalar(fs) if fs.ndim else fs
        before = jnp.sum(jnp.where(lanes == jpos, cs - sv, 0))
        b_in = (15 - jpos) if from_top else jpos
        return gstar * _L + b_in, before

    def cand_hist_pass(src_v, n, bucket_fn, mask_fn):
        def _hb(i, c):
            bases = [(i * _CUNROLL + u) * _L for u in range(_CUNROLL)]
            bs = [src_v[pl.ds(base, _L)] for base in bases]
            for base, b in zip(bases, bs):
                valid = (base + lanes) < n
                m = mask_fn(b)
                m = valid if m is None else jnp.logical_and(valid, m)
                plsc.addupdate_scatter(hist_v, [lanes_nb + bucket_fn(b)],
                                       ones, mask=m)
            return c
        lax.fori_loop(0, (n + _L * _CUNROLL - 1) // (_L * _CUNROLL), _hb, 0)

    def row_body(r, carry):
        row = wid * rows_per_w + r
        pltpu.sync_copy(probs_hbm.at[row], data_v)

        def _h1(i, c):
            bs = [load_bits(data_v, (i * _UNROLL + u) * _L)
                  for u in range(_UNROLL)]
            for b in bs:
                plsc.addupdate_scatter(
                    hist_v, [lanes_nb + lax.shift_right_logical(b, 20)], ones)
            return c
        lax.fori_loop(0, n_chunks // _UNROLL, _h1, 0)

        b1, above1 = consume_hist(k, _NG, True)
        k1 = k - above1

        @plsc.parallel_loop(0, n_chunks, unroll=_UNROLL)
        def _cpa(i):
            base = i * _L
            b = load_bits(data_v, base)
            m = lax.shift_right_logical(b, 20) == b1
            cidx_v[pl.ds(base, _L)] = plsc.cumsum(m.astype(jnp.int32))

        def cp(i, offv):
            bases = [(i * _UNROLL + u) * _L for u in range(_UNROLL)]
            bs = [load_bits(data_v, base) for base in bases]
            pcs = [cidx_v[pl.ds(base, _L)] for base in bases]
            for base, b, pc in zip(bases, bs, pcs):
                m = lax.shift_right_logical(b, 20) == b1
                dest = offv + pc - 1
                plsc.store_scatter(cbits_v, [dest], b, mask=m)
                plsc.store_scatter(cidx_v, [dest], base + lanes, mask=m)
                offv = offv + plsc.all_reduce_population_count(m)
            return offv
        n1 = splat_to_scalar(
            lax.fori_loop(0, n_chunks // _UNROLL, cp, zeros))

        cand_hist_pass(cbits_v, n1,
                       lambda b: lax.shift_right_logical(b, 10) & 1023,
                       lambda b: None)
        b2, above2 = consume_hist(k1, _NG, True)
        k2 = k1 - above2

        def cp2(i, offv):
            base = i * _L
            b = cbits_v[pl.ds(base, _L)]
            iv = cidx_v[pl.ds(base, _L)]
            valid = (base + lanes) < n1
            m = jnp.logical_and(
                valid, (lax.shift_right_logical(b, 10) & 1023) == b2)
            dest = offv + plsc.cumsum(m.astype(jnp.int32)) - 1
            plsc.store_scatter(cbits_v, [dest], b, mask=m)
            plsc.store_scatter(cidx_v, [dest], iv, mask=m)
            return offv + plsc.all_reduce_population_count(m)
        n2 = splat_to_scalar(
            lax.fori_loop(0, (n1 + _L - 1) // _L, cp2, zeros))

        def fast_path(_):
            b = cbits_v[pl.ds(0, _L)]
            iv = cidx_v[pl.ds(0, _L)]
            valid = lanes < n2
            bpad = jnp.where(valid, b, jnp.int32(-2147483648))
            skeys, _ = plsc.sort_key_val(bpad, iv, descending=True)
            thr_f = jnp.sum(jnp.where(lanes == k2 - 1, skeys, 0))
            meq = jnp.logical_and(valid, b == thr_f)
            need_t = k2 - jnp.sum(
                jnp.where(jnp.logical_and(valid, b > thr_f), 1, 0))
            cms = plsc.cumsum(meq.astype(jnp.int32))
            hit = jnp.logical_and(meq, cms == need_t)
            istar_f = jnp.sum(jnp.where(hit, iv, 0))
            return thr_f, istar_f

        def slow_path(_):
            cand_hist_pass(cbits_v, n2, lambda b: b & 1023, lambda b: None)
            b3, above3 = consume_hist(k2, _NG, True)
            need = k2 - above3
            thr_s = (((b1 << 10) | b2) << 10) | b3

            def cp3(i, offv):
                base = i * _L
                b = cbits_v[pl.ds(base, _L)]
                iv = cidx_v[pl.ds(base, _L)]
                valid = (base + lanes) < n2
                m = jnp.logical_and(valid, (b & 1023) == b3)
                dest = offv + plsc.cumsum(m.astype(jnp.int32)) - 1
                plsc.store_scatter(cidx_v, [dest], iv, mask=m)
                return offv + plsc.all_reduce_population_count(m)
            n3 = splat_to_scalar(
                lax.fori_loop(0, (n2 + _L - 1) // _L, cp3, zeros))

            cand_hist_pass(cidx_v, n3,
                           lambda iv: lax.shift_right_logical(iv, 5),
                           lambda iv: None)
            ib1, below1 = consume_hist(need, _NG, False)
            need2 = need - below1

            cand_hist_pass(cidx_v, n3, lambda iv: iv & 31,
                           lambda iv: lax.shift_right_logical(iv, 5) == ib1)
            ib2, _ = consume_hist(need2, 2, False)
            return thr_s, (ib1 << 5) | ib2

        thr, istar = lax.cond(n2 <= _L, fast_path, slow_path, 0)

        @plsc.parallel_loop(0, n_chunks, unroll=_UNROLL)
        def _mb(i):
            base = i * _L
            b = load_bits(data_v, base)
            iv = base + lanes
            keep = jnp.logical_or(
                b > thr, jnp.logical_and(b == thr, iv <= istar))
            data_v[pl.ds(base, _L)] = jnp.where(
                keep, jnp.float32(1.0), jnp.float32(0.0))

        pltpu.sync_copy(data_v, out_hbm.at[row])
        return carry

    @plsc.parallel_loop(0, _NB, unroll=_UNROLL)
    def _zb(j):
        hist_v[pl.ds(j * _L, _L)] = zeros

    lax.fori_loop(0, rows_per_w, row_body, 0)


def kernel(probs):
    b, t = probs.shape
    k = min(max(1, int(t * _KEEP_RATIO_HIGH)), t)
    rows_per_w = b // _NW
    pad = _L * (_UNROLL + 1)
    mesh = plsc.VectorSubcoreMesh(core_axis_name="c", subcore_axis_name="s",
                                  num_cores=_NC, num_subcores=_NS)
    f = pl.kernel(
        functools.partial(_sc_topk_mask_body, k, t, rows_per_w),
        out_type=jax.ShapeDtypeStruct((b, t), jnp.float32),
        mesh=mesh,
        compiler_params=pltpu.CompilerParams(needs_layout_passes=False),
        scratch_types=[
            pltpu.VMEM((t,), jnp.float32),
            pltpu.VMEM((t + pad,), jnp.int32),
            pltpu.VMEM((t + pad,), jnp.int32),
            pltpu.VMEM((_L * _NB,), jnp.int32),
            pltpu.VMEM((_NB,), jnp.int32),
            pltpu.SMEM((_NG,), jnp.int32),
        ],
    )
    return f(probs)

# --- scband reference (transcript-rebuilt; emitter-appended) ---
"""Pipeline reference for scband-dscavl-27315992002864 (READ-ONLY COPY).

The authoritative reference and input builder live on the scoring server;
editing this copy changes nothing except your own understanding.
"""

import jax, jax.numpy as jnp
import numpy as np

KEEP_RATIO_LOW = 0.1
KEEP_RATIO_HIGH = 0.25


def setup_inputs(seed: int = 0) -> dict:
    key = jax.random.key(seed)
    probs = jax.random.uniform(key, (128, 32768), dtype=jnp.float32)
    return {"probs": probs}


def reference(probs):
    # Faithful translation of DSCAVL._select_actions_infer (the topk-masking core).
    b, t = probs.shape
    k_low = max(1, int(t * KEEP_RATIO_LOW))
    k_high = max(k_low, int(t * KEEP_RATIO_HIGH))
    k = min(k_high, t)
    # top-k per row, then scatter-overwrite 1.0 at selected indices
    _, idx = jax.lax.top_k(probs, k)
    actions = jnp.zeros_like(probs)
    actions = actions.at[jnp.arange(b)[:, None], idx].set(1.0)
    # Original code has a fallback: if fewer than k_low frames selected, top-up
    # from the unselected frames. Statically, exactly k (= k_high >= k_low)
    # indices are set, so the fallback branch is a structural no-op here.
    return actions

if __name__ == "__main__":
    import jax
    _d = setup_inputs()
    print(jax.jit(kernel)(*tuple(_d.values())))

</pallas_src>

<mosaic_0001>
#map = affine_map<(d0, d1) -> (0, 0)>
module attributes {stable_mosaic.version = 14 : i64} {
  func.func @_sc_topk_mask_body(%arg0: i32, %arg1: i32, %arg2: memref<128x32768xf32, #tpu.memory_space<hbm>>, %arg3: memref<128x32768xf32, #tpu.memory_space<hbm>>, %arg4: memref<32768xf32, #tpu.memory_space<vmem>>, %arg5: memref<32912xi32, #tpu.memory_space<vmem>>, %arg6: memref<32912xi32, #tpu.memory_space<vmem>>, %arg7: memref<16384xi32, #tpu.memory_space<vmem>>, %arg8: memref<1024xi32, #tpu.memory_space<vmem>>, %arg9: memref<64xi32, #tpu.memory_space<smem>>) attributes {dimension_semantics = [#tpu.dimension_semantics<core_parallel>, #tpu.dimension_semantics<subcore_parallel>], iteration_bounds = array<i64: 2, 16>, scalar_prefetch = 0 : i64, scratch_operands = 6 : i64, tpu.core_type = #tpu.core_type<sc_vector_subcore>, window_params = [{transform_indices = #map}, {transform_indices = #map}]} {
    %mul3A = arith.constant 2 : i32
    %mul3A_0 = arith.muli %arg1, %mul3A : i32
    %add3A = arith.addi %mul3A_0, %arg0 : i32
    %iota3A = tpu.iota {dimensions = array<i32: 0>} : vector<16xi32>
    %mul3A_1 = arith.constant 1024 : i32
    %mul3A_2 = vector.broadcast %mul3A_1 : i32 to vector<16xi32>
    %mul3A_3 = arith.muli %iota3A, %mul3A_2 : vector<16xi32>
    %broadcast_in_dim3A = arith.constant 1 : i32
    %broadcast_in_dim3A_4 = vector.broadcast %broadcast_in_dim3A : i32 to vector<16xi32>
    %broadcast_in_dim3A_5 = arith.constant 0 : i32
    %broadcast_in_dim3A_6 = vector.broadcast %broadcast_in_dim3A_5 : i32 to vector<16xi32>
    %parallel_loop3A = arith.constant 0 : i32
    %parallel_loop3A_7 = arith.constant 1024 : i32
    %parallel_loop3A_8 = arith.constant 1 : i32
    scf.for %parallel_loop3A_14 = %parallel_loop3A to %parallel_loop3A_7 step %parallel_loop3A_8  : i32 {
      %parallel_loop3A_15 = arith.constant 16 : i32
      %parallel_loop3A_16 = arith.muli %parallel_loop3A_14, %parallel_loop3A_15 : i32
      %parallel_loop3A_17 = arith.index_cast %parallel_loop3A_16 : i32 to index
      %parallel_loop3A_18 = tpu.vector_load %arg7[%parallel_loop3A_17] {strides = array<i32>} : memref<16384xi32, #tpu.memory_space<vmem>>, vector<16xi32>,
      tpu.vector_store %arg7[%parallel_loop3A_17], %broadcast_in_dim3A_6 {strides = array<i32>} : memref<16384xi32, #tpu.memory_space<vmem>>, vector<16xi32>,
    } {sc.loop_unroll_factor = 8 : i64, sc.parallel_access}
    %scan3A = arith.constant 0 : i32
    %scan3A_9 = arith.constant 0 : i32
    %scan3A_10 = arith.constant 4 : i32
    %scan3A_11 = arith.addi %scan3A_9, %scan3A_10 : i32
    %scan3A_12 = arith.constant 1 : i32
    scf.for %scan3A_14 = %scan3A_9 to %scan3A_11 step %scan3A_12  : i32 {
      %mul3A_15 = arith.constant 4 : i32
      %mul3A_16 = arith.muli %add3A, %mul3A_15 : i32
      %add3A_17 = arith.addi %mul3A_16, %scan3A_14 : i32
      "tpu.region"() ({
        %run_scoped3A = tpu.sem_alloc : memref<!tpu.dma_semaphore, #tpu.memory_space<semaphore_mem>>
        %dma_start3A = arith.constant 0 : i32
        %dma_start3A_232 = tpu.memref_slice %arg2[%add3A_17, %dma_start3A] : memref<128x32768xf32, #tpu.memory_space<hbm>> -> memref<1x32768xf32, #tpu.memory_space<hbm>>
        %dma_start3A_233 = tpu.memref_squeeze %dma_start3A_232 : memref<1x32768xf32, #tpu.memory_space<hbm>> -> memref<32768xf32, #tpu.memory_space<hbm>>
        %dma_start3A_234 = arith.constant 0 : i32
        %dma_start3A_235 = tpu.memref_slice %arg2[%add3A_17, %dma_start3A_234] : memref<128x32768xf32, #tpu.memory_space<hbm>> -> memref<1x32768xf32, #tpu.memory_space<hbm>>
        %dma_start3A_236 = tpu.memref_squeeze %dma_start3A_235 : memref<1x32768xf32, #tpu.memory_space<hbm>> -> memref<32768xf32, #tpu.memory_space<hbm>>
        tpu.enqueue_dma source(%dma_start3A_236 : memref<32768xf32, #tpu.memory_space<hbm>>) target(%arg4 : memref<32768xf32, #tpu.memory_space<vmem>>) target_semaphore(%run_scoped3A : memref<!tpu.dma_semaphore, #tpu.memory_space<semaphore_mem>>)
        %dma_wait3A = arith.constant 0 : i32
        %dma_wait3A_237 = tpu.memref_slice %arg2[%add3A_17, %dma_wait3A] : memref<128x32768xf32, #tpu.memory_space<hbm>> -> memref<1x32768xf32, #tpu.memory_space<hbm>>
        %dma_wait3A_238 = tpu.memref_squeeze %dma_wait3A_237 : memref<1x32768xf32, #tpu.memory_space<hbm>> -> memref<32768xf32, #tpu.memory_space<hbm>>
        %dma_wait3A_239 = arith.constant 0 : i32
        %dma_wait3A_240 = tpu.memref_slice %arg2[%add3A_17, %dma_wait3A_239] : memref<128x32768xf32, #tpu.memory_space<hbm>> -> memref<1x32768xf32, #tpu.memory_space<hbm>>
        %dma_wait3A_241 = tpu.memref_squeeze %dma_wait3A_240 : memref<1x32768xf32, #tpu.memory_space<hbm>> -> memref<32768xf32, #tpu.memory_space<hbm>>
        tpu.wait_dma2 semaphore(%run_scoped3A : memref<!tpu.dma_semaphore, #tpu.memory_space<semaphore_mem>>) src(%dma_wait3A_241 : memref<32768xf32, #tpu.memory_space<hbm>>) dst(%arg4 : memref<32768xf32, #tpu.memory_space<vmem>>)
        tpu.yield
      }) : () -> ()
      %scan3A_18 = arith.constant 0 : i32
      %scan3A_19 = arith.constant 0 : i32
      %scan3A_20 = arith.constant 256 : i32
      %scan3A_21 = arith.addi %scan3A_19, %scan3A_20 : i32
      %scan3A_22 = arith.constant 1 : i32
      scf.for %scan3A_232 = %scan3A_19 to %scan3A_21 step %scan3A_22  : i32 {
        %mul3A_233 = arith.constant 8 : i32
        %mul3A_234 = arith.muli %scan3A_232, %mul3A_233 : i32
        %add3A_235 = arith.constant 0 : i32
        %add3A_236 = arith.addi %mul3A_234, %add3A_235 : i32
        %mul3A_237 = arith.constant 16 : i32
        %mul3A_238 = arith.muli %add3A_236, %mul3A_237 : i32
        %get3A_239 = arith.index_cast %mul3A_238 : i32 to index
        %get3A_240 = tpu.vector_load %arg4[%get3A_239] {strides = array<i32>} : memref<32768xf32, #tpu.memory_space<vmem>>, vector<16xf32>,
        %bitcast_convert_type3A = tpu.bitcast %get3A_240 : vector<16xf32> -> vector<16xi32>
        %mul3A_241 = arith.constant 8 : i32
        %mul3A_242 = arith.muli %scan3A_232, %mul3A_241 : i32
        %add3A_243 = arith.constant 1 : i32
        %add3A_244 = arith.addi %mul3A_242, %add3A_243 : i32
        %mul3A_245 = arith.constant 16 : i32
        %mul3A_246 = arith.muli %add3A_244, %mul3A_245 : i32
        %get3A_247 = arith.index_cast %mul3A_246 : i32 to index
        %get3A_248 = tpu.vector_load %arg4[%get3A_247] {strides = array<i32>} : memref<32768xf32, #tpu.memory_space<vmem>>, vector<16xf32>,
        %bitcast_convert_type3A_249 = tpu.bitcast %get3A_248 : vector<16xf32> -> vector<16xi32>
        %mul3A_250 = arith.constant 8 : i32
        %mul3A_251 = arith.muli %scan3A_232, %mul3A_250 : i32
        %add3A_252 = arith.constant 2 : i32
        %add3A_253 = arith.addi %mul3A_251, %add3A_252 : i32
        %mul3A_254 = arith.constant 16 : i32
        %mul3A_255 = arith.muli %add3A_253, %mul3A_254 : i32
        %get3A_256 = arith.index_cast %mul3A_255 : i32 to index
        %get3A_257 = tpu.vector_load %arg4[%get3A_256] {strides = array<i32>} : memref<32768xf32, #tpu.memory_space<vmem>>, vector<16xf32>,
        %bitcast_convert_type3A_258 = tpu.bitcast %get3A_257 : vector<16xf32> -> vector<16xi32>
        %mul3A_259 = arith.constant 8 : i32
        %mul3A_260 = arith.muli %scan3A_232, %mul3A_259 : i32
        %add3A_261 = arith.constant 3 : i32
        %add3A_262 = arith.addi %mul3A_260, %add3A_261 : i32
        %mul3A_263 = arith.constant 16 : i32
        %mul3A_264 = arith.muli %add3A_262, %mul3A_263 : i32
        %get3A_265 = arith.index_cast %mul3A_264 : i32 to index
        %get3A_266 = tpu.vector_load %arg4[%get3A_265] {strides = array<i32>} : memref<32768xf32, #tpu.memory_space<vmem>>, vector<16xf32>,
        %bitcast_convert_type3A_267 = tpu.bitcast %get3A_266 : vector<16xf32> -> vector<16xi32>
        %mul3A_268 = arith.constant 8 : i32
        %mul3A_269 = arith.muli %scan3A_232, %mul3A_268 : i32
        %add3A_270 = arith.constant 4 : i32
        %add3A_271 = arith.addi %mul3A_269, %add3A_270 : i32
        %mul3A_272 = arith.constant 16 : i32
        %mul3A_273 = arith.muli %add3A_271, %mul3A_272 : i32
        %get3A_274 = arith.index_cast %mul3A_273 : i32 to index
        %get3A_275 = tpu.vector_load %arg4[%get3A_274] {strides = array<i32>} : memref<32768xf32, #tpu.memory_space<vmem>>, vector<16xf32>,
        %bitcast_convert_type3A_276 = tpu.bitcast %get3A_275 : vector<16xf32> -> vector<16xi32>
        %mul3A_277 = arith.constant 8 : i32
        %mul3A_278 = arith.muli %scan3A_232, %mul3A_277 : i32
        %add3A_279 = arith.constant 5 : i32
        %add3A_280 = arith.addi %mul3A_278, %add3A_279 : i32
        %mul3A_281 = arith.constant 16 : i32
        %mul3A_282 = arith.muli %add3A_280, %mul3A_281 : i32
        %get3A_283 = arith.index_cast %mul3A_282 : i32 to index
        %get3A_284 = tpu.vector_load %arg4[%get3A_283] {strides = array<i32>} : memref<32768xf32, #tpu.memory_space<vmem>>, vector<16xf32>,
        %bitcast_convert_type3A_285 = tpu.bitcast %get3A_284 : vector<16xf32> -> vector<16xi32>
        %mul3A_286 = arith.constant 8 : i32
        %mul3A_287 = arith.muli %scan3A_232, %mul3A_286 : i32
        %add3A_288 = arith.constant 6 : i32
        %add3A_289 = arith.addi %mul3A_287, %add3A_288 : i32
        %mul3A_290 = arith.constant 16 : i32
        %mul3A_291 = arith.muli %add3A_289, %mul3A_290 : i32
        %get3A_292 = arith.index_cast %mul3A_291 : i32 to index
        %get3A_293 = tpu.vector_load %arg4[%get3A_292] {strides = array<i32>} : memref<32768xf32, #tpu.memory_space<vmem>>, vector<16xf32>,
        %bitcast_convert_type3A_294 = tpu.bitcast %get3A_293 : vector<16xf32> -> vector<16xi32>
        %mul3A_295 = arith.constant 8 : i32
        %mul3A_296 = arith.muli %scan3A_232, %mul3A_295 : i32
        %add3A_297 = arith.constant 7 : i32
        %add3A_298 = arith.addi %mul3A_296, %add3A_297 : i32
        %mul3A_299 = arith.constant 16 : i32
        %mul3A_300 = arith.muli %add3A_298, %mul3A_299 : i32
        %get3A_301 = arith.index_cast %mul3A_300 : i32 to index
        %get3A_302 = tpu.vector_load %arg4[%get3A_301] {strides = array<i32>} : memref<32768xf32, #tpu.memory_space<vmem>>, vector<16xf32>,
        %bitcast_convert_type3A_303 = tpu.bitcast %get3A_302 : vector<16xf32> -> vector<16xi32>
        %shift_right_logical3A = arith.constant 20 : i32
        %shift_right_logical3A_304 = vector.broadcast %shift_right_logical3A : i32 to vector<16xi32>
        %shift_right_logical3A_305 = arith.shrui %bitcast_convert_type3A, %shift_right_logical3A_304 : vector<16xi32>
        %add3A_306 = arith.addi %mul3A_3, %shift_right_logical3A_305 : vector<16xi32>
        tpu.vector_store_idx %arg7[%add3A_306], %broadcast_in_dim3A_4 {add = true} : memref<16384xi32, #tpu.memory_space<vmem>>[vector<16xi32>], vector<16xi32>,
        %shift_right_logical3A_307 = arith.constant 20 : i32
        %shift_right_logical3A_308 = vector.broadcast %shift_right_logical3A_307 : i32 to vector<16xi32>
        %shift_right_logical3A_309 = arith.shrui %bitcast_convert_type3A_249, %shift_right_logical3A_308 : vector<16xi32>
        %add3A_310 = arith.addi %mul3A_3, %shift_right_logical3A_309 : vector<16xi32>
        tpu.vector_store_idx %arg7[%add3A_310], %broadcast_in_dim3A_4 {add = true} : memref<16384xi32, #tpu.memory_space<vmem>>[vector<16xi32>], vector<16xi32>,
        %shift_right_logical3A_311 = arith.constant 20 : i32
        %shift_right_logical3A_312 = vector.broadcast %shift_right_logical3A_311 : i32 to vector<16xi32>
        %shift_right_logical3A_313 = arith.shrui %bitcast_convert_type3A_258, %shift_right_logical3A_312 : vector<16xi32>
        %add3A_314 = arith.addi %mul3A_3, %shift_right_logical3A_313 : vector<16xi32>
        tpu.vector_store_idx %arg7[%add3A_314], %broadcast_in_dim3A_4 {add = true} : memref<16384xi32, #tpu.memory_space<vmem>>[vector<16xi32>], vector<16xi32>,
        %shift_right_logical3A_315 = arith.constant 20 : i32
        %shift_right_logical3A_316 = vector.broadcast %shift_right_logical3A_315 : i32 to vector<16xi32>
        %shift_right_logical3A_317 = arith.shrui %bitcast_convert_type3A_267, %shift_right_logical3A_316 : vector<16xi32>
        %add3A_318 = arith.addi %mul3A_3, %shift_right_logical3A_317 : vector<16xi32>
        tpu.vector_store_idx %arg7[%add3A_318], %broadcast_in_dim3A_4 {add = true} : memref<16384xi32, #tpu.memory_space<vmem>>[vector<16xi32>], vector<16xi32>,
        %shift_right_logical3A_319 = arith.constant 20 : i32
        %shift_right_logical3A_320 = vector.broadcast %shift_right_logical3A_319 : i32 to vector<16xi32>
        %shift_right_logical3A_321 = arith.shrui %bitcast_convert_type3A_276, %shift_right_logical3A_320 : vector<16xi32>
        %add3A_322 = arith.addi %mul3A_3, %shift_right_logical3A_321 : vector<16xi32>
        tpu.vector_store_idx %arg7[%add3A_322], %broadcast_in_dim3A_4 {add = true} : memref<16384xi32, #tpu.memory_space<vmem>>[vector<16xi32>], vector<16xi32>,
        %shift_right_logical3A_323 = arith.constant 20 : i32
        %shift_right_logical3A_324 = vector.broadcast %shift_right_logical3A_323 : i32 to vector<16xi32>
        %shift_right_logical3A_325 = arith.shrui %bitcast_convert_type3A_285, %shift_right_logical3A_324 : vector<16xi32>
        %add3A_326 = arith.addi %mul3A_3, %shift_right_logical3A_325 : vector<16xi32>
        tpu.vector_store_idx %arg7[%add3A_326], %broadcast_in_dim3A_4 {add = true} : memref<16384xi32, #tpu.memory_space<vmem>>[vector<16xi32>], vector<16xi32>,
        %shift_right_logical3A_327 = arith.constant 20 : i32
        %shift_right_logical3A_328 = vector.broadcast %shift_right_logical3A_327 : i32 to vector<16xi32>
        %shift_right_logical3A_329 = arith.shrui %bitcast_convert_type3A_294, %shift_right_logical3A_328 : vector<16xi32>
        %add3A_330 = arith.addi %mul3A_3, %shift_right_logical3A_329 : vector<16xi32>
        tpu.vector_store_idx %arg7[%add3A_330], %broadcast_in_dim3A_4 {add = true} : memref<16384xi32, #tpu.memory_space<vmem>>[vector<16xi32>], vector<16xi32>,
        %shift_right_logical3A_331 = arith.constant 20 : i32
        %shift_right_logical3A_332 = vector.broadcast %shift_right_logical3A_331 : i32 to vector<16xi32>
        %shift_right_logical3A_333 = arith.shrui %bitcast_convert_type3A_303, %shift_right_logical3A_332 : vector<16xi32>
        %add3A_334 = arith.addi %mul3A_3, %shift_right_logical3A_333 : vector<16xi32>
        tpu.vector_store_idx %arg7[%add3A_334], %broadcast_in_dim3A_4 {add = true} : memref<16384xi32, #tpu.memory_space<vmem>>[vector<16xi32>], vector<16xi32>,
      }
      %scan3A_23 = arith.constant 256 : i32
      %scan3A_24 = arith.constant 0 : i32
      %scan3A_25 = arith.constant 0 : i32
      %scan3A_26 = arith.constant 64 : i32
      %scan3A_27 = arith.addi %scan3A_25, %scan3A_26 : i32
      %scan3A_28 = arith.constant 1 : i32
      scf.for %scan3A_232 = %scan3A_25 to %scan3A_27 step %scan3A_28  : i32 {
        %mul3A_233 = arith.constant 16 : i32
        %mul3A_234 = arith.muli %scan3A_232, %mul3A_233 : i32
        %add3A_235 = arith.constant 0 : i32
        %add3A_236 = arith.addi %add3A_235, %mul3A_234 : i32
        %get3A_237 = arith.index_cast %add3A_236 : i32 to index
        %get3A_238 = tpu.vector_load %arg7[%get3A_237] {strides = array<i32>} : memref<16384xi32, #tpu.memory_space<vmem>>, vector<16xi32>,
        %add3A_239 = arith.addi %broadcast_in_dim3A_6, %get3A_238 : vector<16xi32>
        %swap3A = arith.index_cast %add3A_236 : i32 to index
        %swap3A_240 = tpu.vector_load %arg7[%swap3A] {strides = array<i32>} : memref<16384xi32, #tpu.memory_space<vmem>>, vector<16xi32>,
        tpu.vector_store %arg7[%swap3A], %broadcast_in_dim3A_6 {strides = array<i32>} : memref<16384xi32, #tpu.memory_space<vmem>>, vector<16xi32>,
        %mul3A_241 = arith.constant 16 : i32
        %mul3A_242 = arith.muli %scan3A_232, %mul3A_241 : i32
        %add3A_243 = arith.constant 1024 : i32
        %add3A_244 = arith.addi %add3A_243, %mul3A_242 : i32
        %get3A_245 = arith.index_cast %add3A_244 : i32 to index
        %get3A_246 = tpu.vector_load %arg7[%get3A_245] {strides = array<i32>} : memref<16384xi32, #tpu.memory_space<vmem>>, vector<16xi32>,
        %add3A_247 = arith.addi %add3A_239, %get3A_246 : vector<16xi32>
        %swap3A_248 = arith.index_cast %add3A_244 : i32 to index
        %swap3A_249 = tpu.vector_load %arg7[%swap3A_248] {strides = array<i32>} : memref<16384xi32, #tpu.memory_space<vmem>>, vector<16xi32>,
        tpu.vector_store %arg7[%swap3A_248], %broadcast_in_dim3A_6 {strides = array<i32>} : memref<16384xi32, #tpu.memory_space<vmem>>, vector<16xi32>,
        %mul3A_250 = arith.constant 16 : i32
        %mul3A_251 = arith.muli %scan3A_232, %mul3A_250 : i32
        %add3A_252 = arith.constant 2048 : i32
        %add3A_253 = arith.addi %add3A_252, %mul3A_251 : i32
        %get3A_254 = arith.index_cast %add3A_253 : i32 to index
        %get3A_255 = tpu.vector_load %arg7[%get3A_254] {strides = array<i32>} : memref<16384xi32, #tpu.memory_space<vmem>>, vector<16xi32>,
        %add3A_256 = arith.addi %add3A_247, %get3A_255 : vector<16xi32>
        %swap3A_257 = arith.index_cast %add3A_253 : i32 to index
        %swap3A_258 = tpu.vector_load %arg7[%swap3A_257] {strides = array<i32>} : memref<16384xi32, #tpu.memory_space<vmem>>, vector<16xi32>,
        tpu.vector_store %arg7[%swap3A_257], %broadcast_in_dim3A_6 {strides = array<i32>} : memref<16384xi32, #tpu.memory_space<vmem>>, vector<16xi32>,
        %mul3A_259 = arith.constant 16 : i32
        %mul3A_260 = arith.muli %scan3A_232, %mul3A_259 : i32
        %add3A_261 = arith.constant 3072 : i32
        %add3A_262 = arith.addi %add3A_261, %mul3A_260 : i32
        %get3A_263 = arith.index_cast %add3A_262 : i32 to index
        %get3A_264 = tpu.vector_load %arg7[%get3A_263] {strides = array<i32>} : memref<16384xi32, #tpu.memory_space<vmem>>, vector<16xi32>,
        %add3A_265 = arith.addi %add3A_256, %get3A_264 : vector<16xi32>
        %swap3A_266 = arith.index_cast %add3A_262 : i32 to index
        %swap3A_267 = tpu.vector_load %arg7[%swap3A_266] {strides = array<i32>} : memref<16384xi32, #tpu.memory_space<vmem>>, vector<16xi32>,
        tpu.vector_store %arg7[%swap3A_266], %broadcast_in_dim3A_6 {strides = array<i32>} : memref<16384xi32, #tpu.memory_space<vmem>>, vector<16xi32>,
        %mul3A_268 = arith.constant 16 : i32
        %mul3A_269 = arith.muli %scan3A_232, %mul3A_268 : i32
        %add3A_270 = arith.constant 4096 : i32
        %add3A_271 = arith.addi %add3A_270, %mul3A_269 : i32
        %get3A_272 = arith.index_cast %add3A_271 : i32 to index
        %get3A_273 = tpu.vector_load %arg7[%get3A_272] {strides = array<i32>} : memref<16384xi32, #tpu.memory_space<vmem>>, vector<16xi32>,
        %add3A_274 = arith.addi %add3A_265, %get3A_273 : vector<16xi32>
        %swap3A_275 = arith.index_cast %add3A_271 : i32 to index
        %swap3A_276 = tpu.vector_load %arg7[%swap3A_275] {strides = array<i32>} : memref<16384xi32, #tpu.memory_space<vmem>>, vector<16xi32>,
        tpu.vector_store %arg7[%swap3A_275], %broadcast_in_dim3A_6 {strides = array<i32>} : memref<16384xi32, #tpu.memory_space<vmem>>, vector<16xi32>,
        %mul3A_277 = arith.constant 16 : i32
        %mul3A_278 = arith.muli %scan3A_232, %mul3A_277 : i32
        %add3A_279 = arith.constant 5120 : i32
        %add3A_280 = arith.addi %add3A_279, %mul3A_278 : i32
        %get3A_281 = arith.index_cast %add3A_280 : i32 to index
        %get3A_282 = tpu.vector_load %arg7[%get3A_281] {strides = array<i32>} : memref<16384xi32, #tpu.memory_space<vmem>>, vector<16xi32>,
        %add3A_283 = arith.addi %add3A_274, %get3A_282 : vector<16xi32>
        %swap3A_284 = arith.index_cast %add3A_280 : i32 to index
        %swap3A_285 = tpu.vector_load %arg7[%swap3A_284] {strides = array<i32>} : memref<16384xi32, #tpu.memory_space<vmem>>, vector<16xi32>,
        tpu.vector_store %arg7[%swap3A_284], %broadcast_in_dim3A_6 {strides = array<i32>} : memref<16384xi32, #tpu.memory_space<vmem>>, vector<16xi32>,
        %mul3A_286 = arith.constant 16 : i32
        %mul3A_287 = arith.muli %scan3A_232, %mul3A_286 : i32
        %add3A_288 = arith.constant 6144 : i32
        %add3A_289 = arith.addi %add3A_288, %mul3A_287 : i32
        %get3A_290 = arith.index_cast %add3A_289 : i32 to index
        %get3A_291 = tpu.vector_load %arg7[%get3A_290] {strides = array<i32>} : memref<16384xi32, #tpu.memory_space<vmem>>, vector<16xi32>,
        %add3A_292 = arith.addi %add3A_283, %get3A_291 : vector<16xi32>
        %swap3A_293 = arith.index_cast %add3A_289 : i32 to index
        %swap3A_294 = tpu.vector_load %arg7[%swap3A_293] {strides = array<i32>} : memref<16384xi32, #tpu.memory_space<vmem>>, vector<16xi32>,
        tpu.vector_store %arg7[%swap3A_293], %broadcast_in_dim3A_6 {strides = array<i32>} : memref<16384xi32, #tpu.memory_space<vmem>>, vector<16xi32>,
        %mul3A_295 = arith.constant 16 : i32
        %mul3A_296 = arith.muli %scan3A_232, %mul3A_295 : i32
        %add3A_297 = arith.constant 7168 : i32
        %add3A_298 = arith.addi %add3A_297, %mul3A_296 : i32
        %get3A_299 = arith.index_cast %add3A_298 : i32 to index
        %get3A_300 = tpu.vector_load %arg7[%get3A_299] {strides = array<i32>} : memref<16384xi32, #tpu.memory_space<vmem>>, vector<16xi32>,
        %add3A_301 = arith.addi %add3A_292, %get3A_300 : vector<16xi32>
        %swap3A_302 = arith.index_cast %add3A_298 : i32 to index
        %swap3A_303 = tpu.vector_load %arg7[%swap3A_302] {strides = array<i32>} : memref<16384xi32, #tpu.memory_space<vmem>>, vector<16xi32>,
        tpu.vector_store %arg7[%swap3A_302], %broadcast_in_dim3A_6 {strides = array<i32>} : memref<16384xi32, #tpu.memory_space<vmem>>, vector<16xi32>,
        %mul3A_304 = arith.constant 16 : i32
        %mul3A_305 = arith.muli %scan3A_232, %mul3A_304 : i32
        %add3A_306 = arith.constant 8192 : i32
        %add3A_307 = arith.addi %add3A_306, %mul3A_305 : i32
        %get3A_308 = arith.index_cast %add3A_307 : i32 to index
        %get3A_309 = tpu.vector_load %arg7[%get3A_308] {strides = array<i32>} : memref<16384xi32, #tpu.memory_space<vmem>>, vector<16xi32>,
        %add3A_310 = arith.addi %add3A_301, %get3A_309 : vector<16xi32>
        %swap3A_311 = arith.index_cast %add3A_307 : i32 to index
        %swap3A_312 = tpu.vector_load %arg7[%swap3A_311] {strides = array<i32>} : memref<16384xi32, #tpu.memory_space<vmem>>, vector<16xi32>,
        tpu.vector_store %arg7[%swap3A_311], %broadcast_in_dim3A_6 {strides = array<i32>} : memref<16384xi32, #tpu.memory_space<vmem>>, vector<16xi32>,
        %mul3A_313 = arith.constant 16 : i32
        %mul3A_314 = arith.muli %scan3A_232, %mul3A_313 : i32
        %add3A_315 = arith.constant 9216 : i32
        %add3A_316 = arith.addi %add3A_315, %mul3A_314 : i32
        %get3A_317 = arith.index_cast %add3A_316 : i32 to index
        %get3A_318 = tpu.vector_load %arg7[%get3A_317] {strides = array<i32>} : memref<16384xi32, #tpu.memory_space<vmem>>, vector<16xi32>,
        %add3A_319 = arith.addi %add3A_310, %get3A_318 : vector<16xi32>
        %swap3A_320 = arith.index_cast %add3A_316 : i32 to index
        %swap3A_321 = tpu.vector_load %arg7[%swap3A_320] {strides = array<i32>} : memref<16384xi32, #tpu.memory_space<vmem>>, vector<16xi32>,
        tpu.vector_store %arg7[%swap3A_320], %broadcast_in_dim3A_6 {strides = array<i32>} : memref<16384xi32, #tpu.memory_space<vmem>>, vector<16xi32>,
        %mul3A_322 = arith.constant 16 : i32
        %mul3A_323 = arith.muli %scan3A_232, %mul3A_322 : i32
        %add3A_324 = arith.constant 10240 : i32
        %add3A_325 = arith.addi %add3A_324, %mul3A_323 : i32
        %get3A_326 = arith.index_cast %add3A_325 : i32 to index
        %get3A_327 = tpu.vector_load %arg7[%get3A_326] {strides = array<i32>} : memref<16384xi32, #tpu.memory_space<vmem>>, vector<16xi32>,
        %add3A_328 = arith.addi %add3A_319, %get3A_327 : vector<16xi32>
        %swap3A_329 = arith.index_cast %add3A_325 : i32 to index
        %swap3A_330 = tpu.vector_load %arg7[%swap3A_329] {strides = array<i32>} : memref<16384xi32, #tpu.memory_space<vmem>>, vector<16xi32>,
        tpu.vector_store %arg7[%swap3A_329], %broadcast_in_dim3A_6 {strides = array<i32>} : memref<16384xi32, #tpu.memory_space<vmem>>, vector<16xi32>,
        %mul3A_331 = arith.constant 16 : i32
        %mul3A_332 = arith.muli %scan3A_232, %mul3A_331 : i32
        %add3A_333 = arith.constant 11264 : i32
        %add3A_334 = arith.addi %add3A_333, %mul3A_332 : i32
        %get3A_335 = arith.index_cast %add3A_334 : i32 to index
        %get3A_336 = tpu.vector_load %arg7[%get3A_335] {strides = array<i32>} : memref<16384xi32, #tpu.memory_space<vmem>>, vector<16xi32>,
        %add3A_337 = arith.addi %add3A_328, %get3A_336 : vector<16xi32>
        %swap3A_338 = arith.index_cast %add3A_334 : i32 to index
        %swap3A_339 = tpu.vector_load %arg7[%swap3A_338] {strides = array<i32>} : memref<16384xi32, #tpu.memory_space<vmem>>, vector<16xi32>,
        tpu.vector_store %arg7[%swap3A_338], %broadcast_in_dim3A_6 {strides = array<i32>} : memref<16384xi32, #tpu.memory_space<vmem>>, vector<16xi32>,
        %mul3A_340 = arith.constant 16 : i32
        %mul3A_341 = arith.muli %scan3A_232, %mul3A_340 : i32
        %add3A_342 = arith.constant 12288 : i32
        %add3A_343 = arith.addi %add3A_342, %mul3A_341 : i32
        %get3A_344 = arith.index_cast %add3A_343 : i32 to index
        %get3A_345 = tpu.vector_load %arg7[%get3A_344] {strides = array<i32>} : memref<16384xi32, #tpu.memory_space<vmem>>, vector<16xi32>,
        %add3A_346 = arith.addi %add3A_337, %get3A_345 : vector<16xi32>
        %swap3A_347 = arith.index_cast %add3A_343 : i32 to index
        %swap3A_348 = tpu.vector_load %arg7[%swap3A_347] {strides = array<i32>} : memref<16384xi32, #tpu.memory_space<vmem>>, vector<16xi32>,
        tpu.vector_store %arg7[%swap3A_347], %broadcast_in_dim3A_6 {strides = array<i32>} : memref<16384xi32, #tpu.memory_space<vmem>>, vector<16xi32>,
        %mul3A_349 = arith.constant 16 : i32
        %mul3A_350 = arith.muli %scan3A_232, %mul3A_349 : i32
        %add3A_351 = arith.constant 13312 : i32
        %add3A_352 = arith.addi %add3A_351, %mul3A_350 : i32
        %get3A_353 = arith.index_cast %add3A_352 : i32 to index
        %get3A_354 = tpu.vector_load %arg7[%get3A_353] {strides = array<i32>} : memref<16384xi32, #tpu.memory_space<vmem>>, vector<16xi32>,
        %add3A_355 = arith.addi %add3A_346, %get3A_354 : vector<16xi32>
        %swap3A_356 = arith.index_cast %add3A_352 : i32 to index
        %swap3A_357 = tpu.vector_load %arg7[%swap3A_356] {strides = array<i32>} : memref<16384xi32, #tpu.memory_space<vmem>>, vector<16xi32>,
        tpu.vector_store %arg7[%swap3A_356], %broadcast_in_dim3A_6 {strides = array<i32>} : memref<16384xi32, #tpu.memory_space<vmem>>, vector<16xi32>,
        %mul3A_358 = arith.constant 16 : i32
        %mul3A_359 = arith.muli %scan3A_232, %mul3A_358 : i32
        %add3A_360 = arith.constant 14336 : i32
        %add3A_361 = arith.addi %add3A_360, %mul3A_359 : i32
        %get3A_362 = arith.index_cast %add3A_361 : i32 to index
        %get3A_363 = tpu.vector_load %arg7[%get3A_362] {strides = array<i32>} : memref<16384xi32, #tpu.memory_space<vmem>>, vector<16xi32>,
        %add3A_364 = arith.addi %add3A_355, %get3A_363 : vector<16xi32>
        %swap3A_365 = arith.index_cast %add3A_361 : i32 to index
        %swap3A_366 = tpu.vector_load %arg7[%swap3A_365] {strides = array<i32>} : memref<16384xi32, #tpu.memory_space<vmem>>, vector<16xi32>,
        tpu.vector_store %arg7[%swap3A_365], %broadcast_in_dim3A_6 {strides = array<i32>} : memref<16384xi32, #tpu.memory_space<vmem>>, vector<16xi32>,
        %mul3A_367 = arith.constant 16 : i32
        %mul3A_368 = arith.muli %scan3A_232, %mul3A_367 : i32
        %add3A_369 = arith.constant 15360 : i32
        %add3A_370 = arith.addi %add3A_369, %mul3A_368 : i32
        %get3A_371 = arith.index_cast %add3A_370 : i32 to index
        %get3A_372 = tpu.vector_load %arg7[%get3A_371] {strides = array<i32>} : memref<16384xi32, #tpu.memory_space<vmem>>, vector<16xi32>,
        %add3A_373 = arith.addi %add3A_364, %get3A_372 : vector<16xi32>
        %swap3A_374 = arith.index_cast %add3A_370 : i32 to index
        %swap3A_375 = tpu.vector_load %arg7[%swap3A_374] {strides = array<i32>} : memref<16384xi32, #tpu.memory_space<vmem>>, vector<16xi32>,
        tpu.vector_store %arg7[%swap3A_374], %broadcast_in_dim3A_6 {strides = array<i32>} : memref<16384xi32, #tpu.memory_space<vmem>>, vector<16xi32>,
        %mul3A_376 = arith.constant 16 : i32
        %mul3A_377 = arith.muli %scan3A_232, %mul3A_376 : i32
        %swap3A_378 = arith.index_cast %mul3A_377 : i32 to index
        %swap3A_379 = tpu.vector_load %arg8[%swap3A_378] {strides = array<i32>} : memref<1024xi32, #tpu.memory_space<vmem>>, vector<16xi32>,
        tpu.vector_store %arg8[%swap3A_378], %add3A_373 {strides = array<i32>} : memref<1024xi32, #tpu.memory_space<vmem>>, vector<16xi32>,
        %reduce_sum3A_380 = arith.constant true
        %reduce_sum3A_381 = vector.broadcast %reduce_sum3A_380 : i1 to vector<16xi1>
        %reduce_sum3A_382 = tpu.scan <sum>, %add3A_373 masked %reduce_sum3A_381 : vector<16xi32>, vector<16xi1> -> vector<16xi32>
        %reduce_sum3A_383 = vector.extract %reduce_sum3A_382[15] : i32 from vector<16xi32>
        %swap3A_384 = arith.index_cast %scan3A_232 : i32 to index
        %swap3A_385 = memref.load %arg9[%swap3A_384] : memref<64xi32, #tpu.memory_space<smem>>
        memref.store %reduce_sum3A_383, %arg9[%swap3A_384] : memref<64xi32, #tpu.memory_space<smem>>
      }
      %scan3A_29 = arith.constant 64 : i32
      %scan3A_30 = arith.constant 0 : i32
      %scan3A_31 = arith.constant 0 : i32
      %scan3A_32 = arith.constant 0 : i32
      %scan3A_33 = arith.constant 0 : i32
      %scan3A_34 = arith.constant 0 : i32
      %scan3A_35 = arith.constant 64 : i32
      %scan3A_36 = arith.addi %scan3A_34, %scan3A_35 : i32
      %scan3A_37 = arith.constant 1 : i32
      %scan3A_38:4 = scf.for %scan3A_232 = %scan3A_34 to %scan3A_36 step %scan3A_37 iter_args(%scan3A_233 = %scan3A_30, %scan3A_234 = %scan3A_31, %scan3A_235 = %scan3A_32, %scan3A_236 = %scan3A_33) -> (i32, i32, i32, i32)  : i32 {
        %sub3A_237 = arith.constant 63 : i32
        %sub3A_238 = arith.subi %sub3A_237, %scan3A_232 : i32
        %get3A_239 = arith.index_cast %sub3A_238 : i32 to index
        %get3A_240 = memref.load %arg9[%get3A_239] : memref<64xi32, #tpu.memory_space<smem>>
        %eq3A_241 = arith.constant 0 : i32
        %eq3A_242 = arith.cmpi eq, %scan3A_236, %eq3A_241 : i32
        %add3A_243 = arith.addi %scan3A_233, %get3A_240 : i32
        %ge3A_244 = arith.constant 8192 : i32
        %ge3A_245 = arith.cmpi sge, %add3A_243, %ge3A_244 : i32
        %and3A_246 = arith.andi %eq3A_242, %ge3A_245 : i1
        %select_n3A_247 = arith.select %and3A_246, %sub3A_238, %scan3A_234 : i32
        %select_n3A_248 = arith.select %and3A_246, %scan3A_233, %scan3A_235 : i32
        %jit3A_249 = arith.constant 1 : i32
        %select_n3A_250 = arith.select %and3A_246, %jit3A_249, %scan3A_236 : i32
        %add3A_251 = arith.addi %scan3A_233, %get3A_240 : i32
        scf.yield %add3A_251, %select_n3A_247, %select_n3A_248, %select_n3A_250 : i32, i32, i32, i32
      }
      %scan3A_39 = arith.constant 64 : i32
      %mul3A_40 = arith.constant 16 : i32
      %mul3A_41 = arith.muli %scan3A_38#1, %mul3A_40 : i32
      %get3A = arith.index_cast %mul3A_41 : i32 to index
      %get3A_42 = tpu.vector_load %arg8[%get3A] {strides = array<i32>} : memref<1024xi32, #tpu.memory_space<vmem>>, vector<16xi32>,
      %rev3A = arith.constant 15 : i32
      %rev3A_43 = vector.broadcast %rev3A : i32 to vector<16xi32>
      %rev3A_44 = tpu.iota {dimensions = array<i32: 0>} : vector<16xi32>
      %rev3A_45 = arith.subi %rev3A_43, %rev3A_44 : vector<16xi32>
      %rev3A_46 = tpu.dynamic_gather %get3A_42[%rev3A_45] in [0] : vector<16xi32>, vector<16xi32> -> vector<16xi32>
      %broadcast_in_dim3A_47 = arith.constant true
      %broadcast_in_dim3A_48 = vector.broadcast %broadcast_in_dim3A_47 : i1 to vector<16xi1>
      %masked_cumsum3A = tpu.scan <sum>, %rev3A_46 masked %broadcast_in_dim3A_48 : vector<16xi32>, vector<16xi1> -> vector<16xi32>
      %add3A_49 = vector.broadcast %scan3A_38#2 : i32 to vector<16xi32>
      %add3A_50 = arith.addi %masked_cumsum3A, %add3A_49 : vector<16xi32>
      %ge3A = arith.constant 8192 : i32
      %ge3A_51 = vector.broadcast %ge3A : i32 to vector<16xi32>
      %ge3A_52 = arith.cmpi sge, %add3A_50, %ge3A_51 : vector<16xi32>
      %all_reduce_ffs3A = tpu.all_reduce %ge3A_52 {dim = 0 : i64, kind = #tpu.reduction_kind<find_first_set>} : vector<16xi1> -> vector<16xi32>
      %reduce_max3A = arith.constant true
      %reduce_max3A_53 = vector.broadcast %reduce_max3A : i1 to vector<16xi1>
      %reduce_max3A_54 = arith.constant -2147483648 : i32
      %reduce_max3A_55 = vector.broadcast %reduce_max3A_54 : i32 to vector<16xi32>
      %reduce_max3A_56 = arith.xori %all_reduce_ffs3A, %reduce_max3A_55 : vector<16xi32>
      %reduce_max3A_57 = tpu.scan <max>, %reduce_max3A_56 masked %reduce_max3A_53 : vector<16xi32>, vector<16xi1> -> vector<16xi32>
      %reduce_max3A_58 = arith.xori %reduce_max3A_57, %reduce_max3A_55 : vector<16xi32>
      %reduce_max3A_59 = vector.extract %reduce_max3A_58[15] : i32 from vector<16xi32>
      %eq3A = vector.broadcast %reduce_max3A_59 : i32 to vector<16xi32>
      %eq3A_60 = arith.cmpi eq, %iota3A, %eq3A : vector<16xi32>
      %sub3A = arith.subi %add3A_50, %rev3A_46 : vector<16xi32>
      %jit3A = arith.constant 0 : i32
      %broadcast_in_dim3A_61 = vector.broadcast %jit3A : i32 to vector<16xi32>
      %select_n3A = arith.select %eq3A_60, %sub3A, %broadcast_in_dim3A_61 : vector<16xi1>, vector<16xi32>
      %reduce_sum3A = arith.constant true
      %reduce_sum3A_62 = vector.broadcast %reduce_sum3A : i1 to vector<16xi1>
      %reduce_sum3A_63 = tpu.scan <sum>, %select_n3A masked %reduce_sum3A_62 : vector<16xi32>, vector<16xi1> -> vector<16xi32>
      %reduce_sum3A_64 = vector.extract %reduce_sum3A_63[15] : i32 from vector<16xi32>
      %sub3A_65 = arith.constant 15 : i32
      %sub3A_66 = arith.subi %sub3A_65, %reduce_max3A_59 : i32
      %mul3A_67 = arith.constant 16 : i32
      %mul3A_68 = arith.muli %scan3A_38#1, %mul3A_67 : i32
      %add3A_69 = arith.addi %mul3A_68, %sub3A_66 : i32
      %sub3A_70 = arith.constant 8192 : i32
      %sub3A_71 = arith.subi %sub3A_70, %reduce_sum3A_64 : i32
      %parallel_loop3A_72 = arith.constant 0 : i32
      %parallel_loop3A_73 = arith.constant 2048 : i32
      %parallel_loop3A_74 = arith.constant 1 : i32
      scf.for %parallel_loop3A_232 = %parallel_loop3A_72 to %parallel_loop3A_73 step %parallel_loop3A_74  : i32 {
        %parallel_loop3A_233 = arith.constant 16 : i32
        %parallel_loop3A_234 = arith.muli %parallel_loop3A_232, %parallel_loop3A_233 : i32
        %parallel_loop3A_235 = arith.index_cast %parallel_loop3A_234 : i32 to index
        %parallel_loop3A_236 = tpu.vector_load %arg4[%parallel_loop3A_235] {strides = array<i32>} : memref<32768xf32, #tpu.memory_space<vmem>>, vector<16xf32>,
        %parallel_loop3A_237 = tpu.bitcast %parallel_loop3A_236 : vector<16xf32> -> vector<16xi32>
        %parallel_loop3A_238 = arith.constant 20 : i32
        %parallel_loop3A_239 = vector.broadcast %parallel_loop3A_238 : i32 to vector<16xi32>
        %parallel_loop3A_240 = arith.shrui %parallel_loop3A_237, %parallel_loop3A_239 : vector<16xi32>
        %parallel_loop3A_241 = vector.broadcast %add3A_69 : i32 to vector<16xi32>
        %parallel_loop3A_242 = arith.cmpi eq, %parallel_loop3A_240, %parallel_loop3A_241 : vector<16xi32>
        %parallel_loop3A_243 = arith.extui %parallel_loop3A_242 : vector<16xi1> to vector<16xi32>
        %parallel_loop3A_244 = arith.constant true
        %parallel_loop3A_245 = vector.broadcast %parallel_loop3A_244 : i1 to vector<16xi1>
        %parallel_loop3A_246 = tpu.scan <sum>, %parallel_loop3A_243 masked %parallel_loop3A_245 : vector<16xi32>, vector<16xi1> -> vector<16xi32>
        %parallel_loop3A_247 = arith.index_cast %parallel_loop3A_234 : i32 to index
        %parallel_loop3A_248 = tpu.vector_load %arg6[%parallel_loop3A_247] {strides = array<i32>} : memref<32912xi32, #tpu.memory_space<vmem>>, vector<16xi32>,
        tpu.vector_store %arg6[%parallel_loop3A_247], %parallel_loop3A_246 {strides = array<i32>} : memref<32912xi32, #tpu.memory_space<vmem>>, vector<16xi32>,
      } {sc.loop_unroll_factor = 8 : i64, sc.parallel_access}
      %scan3A_75 = arith.constant 0 : i32
      %scan3A_76 = arith.constant 256 : i32
      %scan3A_77 = arith.addi %scan3A_75, %scan3A_76 : i32
      %scan3A_78 = arith.constant 1 : i32
      %scan3A_79 = scf.for %scan3A_232 = %scan3A_75 to %scan3A_77 step %scan3A_78 iter_args(%scan3A_233 = %broadcast_in_dim3A_6) -> (vector<16xi32>)  : i32 {
        %mul3A_234 = arith.constant 8 : i32
        %mul3A_235 = arith.muli %scan3A_232, %mul3A_234 : i32
        %add3A_236 = arith.constant 0 : i32
        %add3A_237 = arith.addi %mul3A_235, %add3A_236 : i32
        %mul3A_238 = arith.constant 16 : i32
        %mul3A_239 = arith.muli %add3A_237, %mul3A_238 : i32
        %mul3A_240 = arith.constant 8 : i32
        %mul3A_241 = arith.muli %scan3A_232, %mul3A_240 : i32
        %add3A_242 = arith.constant 1 : i32
        %add3A_243 = arith.addi %mul3A_241, %add3A_242 : i32
        %mul3A_244 = arith.constant 16 : i32
        %mul3A_245 = arith.muli %add3A_243, %mul3A_244 : i32
        %mul3A_246 = arith.constant 8 : i32
        %mul3A_247 = arith.muli %scan3A_232, %mul3A_246 : i32
        %add3A_248 = arith.constant 2 : i32
        %add3A_249 = arith.addi %mul3A_247, %add3A_248 : i32
        %mul3A_250 = arith.constant 16 : i32
        %mul3A_251 = arith.muli %add3A_249, %mul3A_250 : i32
        %mul3A_252 = arith.constant 8 : i32
        %mul3A_253 = arith.muli %scan3A_232, %mul3A_252 : i32
        %add3A_254 = arith.constant 3 : i32
        %add3A_255 = arith.addi %mul3A_253, %add3A_254 : i32
        %mul3A_256 = arith.constant 16 : i32
        %mul3A_257 = arith.muli %add3A_255, %mul3A_256 : i32
        %mul3A_258 = arith.constant 8 : i32
        %mul3A_259 = arith.muli %scan3A_232, %mul3A_258 : i32
        %add3A_260 = arith.constant 4 : i32
        %add3A_261 = arith.addi %mul3A_259, %add3A_260 : i32
        %mul3A_262 = arith.constant 16 : i32
        %mul3A_263 = arith.muli %add3A_261, %mul3A_262 : i32
        %mul3A_264 = arith.constant 8 : i32
        %mul3A_265 = arith.muli %scan3A_232, %mul3A_264 : i32
        %add3A_266 = arith.constant 5 : i32
        %add3A_267 = arith.addi %mul3A_265, %add3A_266 : i32
        %mul3A_268 = arith.constant 16 : i32
        %mul3A_269 = arith.muli %add3A_267, %mul3A_268 : i32
        %mul3A_270 = arith.constant 8 : i32
        %mul3A_271 = arith.muli %scan3A_232, %mul3A_270 : i32
        %add3A_272 = arith.constant 6 : i32
        %add3A_273 = arith.addi %mul3A_271, %add3A_272 : i32
        %mul3A_274 = arith.constant 16 : i32
        %mul3A_275 = arith.muli %add3A_273, %mul3A_274 : i32
        %mul3A_276 = arith.constant 8 : i32
        %mul3A_277 = arith.muli %scan3A_232, %mul3A_276 : i32
        %add3A_278 = arith.constant 7 : i32
        %add3A_279 = arith.addi %mul3A_277, %add3A_278 : i32
        %mul3A_280 = arith.constant 16 : i32
        %mul3A_281 = arith.muli %add3A_279, %mul3A_280 : i32
        %get3A_282 = arith.index_cast %mul3A_239 : i32 to index
        %get3A_283 = tpu.vector_load %arg4[%get3A_282] {strides = array<i32>} : memref<32768xf32, #tpu.memory_space<vmem>>, vector<16xf32>,
        %bitcast_convert_type3A = tpu.bitcast %get3A_283 : vector<16xf32> -> vector<16xi32>
        %get3A_284 = arith.index_cast %mul3A_245 : i32 to index
        %get3A_285 = tpu.vector_load %arg4[%get3A_284] {strides = array<i32>} : memref<32768xf32, #tpu.memory_space<vmem>>, vector<16xf32>,
        %bitcast_convert_type3A_286 = tpu.bitcast %get3A_285 : vector<16xf32> -> vector<16xi32>
        %get3A_287 = arith.index_cast %mul3A_251 : i32 to index
        %get3A_288 = tpu.vector_load %arg4[%get3A_287] {strides = array<i32>} : memref<32768xf32, #tpu.memory_space<vmem>>, vector<16xf32>,
        %bitcast_convert_type3A_289 = tpu.bitcast %get3A_288 : vector<16xf32> -> vector<16xi32>
        %get3A_290 = arith.index_cast %mul3A_257 : i32 to index
        %get3A_291 = tpu.vector_load %arg4[%get3A_290] {strides = array<i32>} : memref<32768xf32, #tpu.memory_space<vmem>>, vector<16xf32>,
        %bitcast_convert_type3A_292 = tpu.bitcast %get3A_291 : vector<16xf32> -> vector<16xi32>
        %get3A_293 = arith.index_cast %mul3A_263 : i32 to index
        %get3A_294 = tpu.vector_load %arg4[%get3A_293] {strides = array<i32>} : memref<32768xf32, #tpu.memory_space<vmem>>, vector<16xf32>,
        %bitcast_convert_type3A_295 = tpu.bitcast %get3A_294 : vector<16xf32> -> vector<16xi32>
        %get3A_296 = arith.index_cast %mul3A_269 : i32 to index
        %get3A_297 = tpu.vector_load %arg4[%get3A_296] {strides = array<i32>} : memref<32768xf32, #tpu.memory_space<vmem>>, vector<16xf32>,
        %bitcast_convert_type3A_298 = tpu.bitcast %get3A_297 : vector<16xf32> -> vector<16xi32>
        %get3A_299 = arith.index_cast %mul3A_275 : i32 to index
        %get3A_300 = tpu.vector_load %arg4[%get3A_299] {strides = array<i32>} : memref<32768xf32, #tpu.memory_space<vmem>>, vector<16xf32>,
        %bitcast_convert_type3A_301 = tpu.bitcast %get3A_300 : vector<16xf32> -> vector<16xi32>
        %get3A_302 = arith.index_cast %mul3A_281 : i32 to index
        %get3A_303 = tpu.vector_load %arg4[%get3A_302] {strides = array<i32>} : memref<32768xf32, #tpu.memory_space<vmem>>, vector<16xf32>,
        %bitcast_convert_type3A_304 = tpu.bitcast %get3A_303 : vector<16xf32> -> vector<16xi32>
        %get3A_305 = arith.index_cast %mul3A_239 : i32 to index
        %get3A_306 = tpu.vector_load %arg6[%get3A_305] {strides = array<i32>} : memref<32912xi32, #tpu.memory_space<vmem>>, vector<16xi32>,
        %get3A_307 = arith.index_cast %mul3A_245 : i32 to index
        %get3A_308 = tpu.vector_load %arg6[%get3A_307] {strides = array<i32>} : memref<32912xi32, #tpu.memory_space<vmem>>, vector<16xi32>,
        %get3A_309 = arith.index_cast %mul3A_251 : i32 to index
        %get3A_310 = tpu.vector_load %arg6[%get3A_309] {strides = array<i32>} : memref<32912xi32, #tpu.memory_space<vmem>>, vector<16xi32>,
        %get3A_311 = arith.index_cast %mul3A_257 : i32 to index
        %get3A_312 = tpu.vector_load %arg6[%get3A_311] {strides = array<i32>} : memref<32912xi32, #tpu.memory_space<vmem>>, vector<16xi32>,
        %get3A_313 = arith.index_cast %mul3A_263 : i32 to index
        %get3A_314 = tpu.vector_load %arg6[%get3A_313] {strides = array<i32>} : memref<32912xi32, #tpu.memory_space<vmem>>, vector<16xi32>,
        %get3A_315 = arith.index_cast %mul3A_269 : i32 to index
        %get3A_316 = tpu.vector_load %arg6[%get3A_315] {strides = array<i32>} : memref<32912xi32, #tpu.memory_space<vmem>>, vector<16xi32>,
        %get3A_317 = arith.index_cast %mul3A_275 : i32 to index
        %get3A_318 = tpu.vector_load %arg6[%get3A_317] {strides = array<i32>} : memref<32912xi32, #tpu.memory_space<vmem>>, vector<16xi32>,
        %get3A_319 = arith.index_cast %mul3A_281 : i32 to index
        %get3A_320 = tpu.vector_load %arg6[%get3A_319] {strides = array<i32>} : memref<32912xi32, #tpu.memory_space<vmem>>, vector<16xi32>,
        %shift_right_logical3A = arith.constant 20 : i32
        %shift_right_logical3A_321 = vector.broadcast %shift_right_logical3A : i32 to vector<16xi32>
        %shift_right_logical3A_322 = arith.shrui %bitcast_convert_type3A, %shift_right_logical3A_321 : vector<16xi32>
        %eq3A_323 = vector.broadcast %add3A_69 : i32 to vector<16xi32>
        %eq3A_324 = arith.cmpi eq, %shift_right_logical3A_322, %eq3A_323 : vector<16xi32>
        %add3A_325 = arith.addi %scan3A_233, %get3A_306 : vector<16xi32>
        %sub3A_326 = arith.constant 1 : i32
        %sub3A_327 = vector.broadcast %sub3A_326 : i32 to vector<16xi32>
        %sub3A_328 = arith.subi %add3A_325, %sub3A_327 : vector<16xi32>
        tpu.vector_store_idx %arg5[%sub3A_328], %bitcast_convert_type3A masked %eq3A_324 : memref<32912xi32, #tpu.memory_space<vmem>>[vector<16xi32>], vector<16xi32>, vector<16xi1>
        %add3A_329 = vector.broadcast %mul3A_239 : i32 to vector<16xi32>
        %add3A_330 = arith.addi %add3A_329, %iota3A : vector<16xi32>
        tpu.vector_store_idx %arg6[%sub3A_328], %add3A_330 masked %eq3A_324 : memref<32912xi32, #tpu.memory_space<vmem>>[vector<16xi32>], vector<16xi32>, vector<16xi1>
        %all_reduce_population_count3A = tpu.all_reduce %eq3A_324 {dim = 0 : i64, kind = #tpu.reduction_kind<sum>} : vector<16xi1> -> vector<16xi32>
        %add3A_331 = arith.addi %scan3A_233, %all_reduce_population_count3A : vector<16xi32>
        %shift_right_logical3A_332 = arith.constant 20 : i32
        %shift_right_logical3A_333 = vector.broadcast %shift_right_logical3A_332 : i32 to vector<16xi32>
        %shift_right_logical3A_334 = arith.shrui %bitcast_convert_type3A_286, %shift_right_logical3A_333 : vector<16xi32>
        %eq3A_335 = vector.broadcast %add3A_69 : i32 to vector<16xi32>
        %eq3A_336 = arith.cmpi eq, %shift_right_logical3A_334, %eq3A_335 : vector<16xi32>
        %add3A_337 = arith.addi %add3A_331, %get3A_308 : vector<16xi32>
        %sub3A_338 = arith.constant 1 : i32
        %sub3A_339 = vector.broadcast %sub3A_338 : i32 to vector<16xi32>
        %sub3A_340 = arith.subi %add3A_337, %sub3A_339 : vector<16xi32>
        tpu.vector_store_idx %arg5[%sub3A_340], %bitcast_convert_type3A_286 masked %eq3A_336 : memref<32912xi32, #tpu.memory_space<vmem>>[vector<16xi32>], vector<16xi32>, vector<16xi1>
        %add3A_341 = vector.broadcast %mul3A_245 : i32 to vector<16xi32>
        %add3A_342 = arith.addi %add3A_341, %iota3A : vector<16xi32>
        tpu.vector_store_idx %arg6[%sub3A_340], %add3A_342 masked %eq3A_336 : memref<32912xi32, #tpu.memory_space<vmem>>[vector<16xi32>], vector<16xi32>, vector<16xi1>
        %all_reduce_population_count3A_343 = tpu.all_reduce %eq3A_336 {dim = 0 : i64, kind = #tpu.reduction_kind<sum>} : vector<16xi1> -> vector<16xi32>
        %add3A_344 = arith.addi %add3A_331, %all_reduce_population_count3A_343 : vector<16xi32>
        %shift_right_logical3A_345 = arith.constant 20 : i32
        %shift_right_logical3A_346 = vector.broadcast %shift_right_logical3A_345 : i32 to vector<16xi32>
        %shift_right_logical3A_347 = arith.shrui %bitcast_convert_type3A_289, %shift_right_logical3A_346 : vector<16xi32>
        %eq3A_348 = vector.broadcast %add3A_69 : i32 to vector<16xi32>
        %eq3A_349 = arith.cmpi eq, %shift_right_logical3A_347, %eq3A_348 : vector<16xi32>
        %add3A_350 = arith.addi %add3A_344, %get3A_310 : vector<16xi32>
        %sub3A_351 = arith.constant 1 : i32
        %sub3A_352 = vector.broadcast %sub3A_351 : i32 to vector<16xi32>
        %sub3A_353 = arith.subi %add3A_350, %sub3A_352 : vector<16xi32>
        tpu.vector_store_idx %arg5[%sub3A_353], %bitcast_convert_type3A_289 masked %eq3A_349 : memref<32912xi32, #tpu.memory_space<vmem>>[vector<16xi32>], vector<16xi32>, vector<16xi1>
        %add3A_354 = vector.broadcast %mul3A_251 : i32 to vector<16xi32>
        %add3A_355 = arith.addi %add3A_354, %iota3A : vector<16xi32>
        tpu.vector_store_idx %arg6[%sub3A_353], %add3A_355 masked %eq3A_349 : memref<32912xi32, #tpu.memory_space<vmem>>[vector<16xi32>], vector<16xi32>, vector<16xi1>
        %all_reduce_population_count3A_356 = tpu.all_reduce %eq3A_349 {dim = 0 : i64, kind = #tpu.reduction_kind<sum>} : vector<16xi1> -> vector<16xi32>
        %add3A_357 = arith.addi %add3A_344, %all_reduce_population_count3A_356 : vector<16xi32>
        %shift_right_logical3A_358 = arith.constant 20 : i32
        %shift_right_logical3A_359 = vector.broadcast %shift_right_logical3A_358 : i32 to vector<16xi32>
        %shift_right_logical3A_360 = arith.shrui %bitcast_convert_type3A_292, %shift_right_logical3A_359 : vector<16xi32>
        %eq3A_361 = vector.broadcast %add3A_69 : i32 to vector<16xi32>
        %eq3A_362 = arith.cmpi eq, %shift_right_logical3A_360, %eq3A_361 : vector<16xi32>
        %add3A_363 = arith.addi %add3A_357, %get3A_312 : vector<16xi32>
        %sub3A_364 = arith.constant 1 : i32
        %sub3A_365 = vector.broadcast %sub3A_364 : i32 to vector<16xi32>
        %sub3A_366 = arith.subi %add3A_363, %sub3A_365 : vector<16xi32>
        tpu.vector_store_idx %arg5[%sub3A_366], %bitcast_convert_type3A_292 masked %eq3A_362 : memref<32912xi32, #tpu.memory_space<vmem>>[vector<16xi32>], vector<16xi32>, vector<16xi1>
        %add3A_367 = vector.broadcast %mul3A_257 : i32 to vector<16xi32>
        %add3A_368 = arith.addi %add3A_367, %iota3A : vector<16xi32>
        tpu.vector_store_idx %arg6[%sub3A_366], %add3A_368 masked %eq3A_362 : memref<32912xi32, #tpu.memory_space<vmem>>[vector<16xi32>], vector<16xi32>, vector<16xi1>
        %all_reduce_population_count3A_369 = tpu.all_reduce %eq3A_362 {dim = 0 : i64, kind = #tpu.reduction_kind<sum>} : vector<16xi1> -> vector<16xi32>
        %add3A_370 = arith.addi %add3A_357, %all_reduce_population_count3A_369 : vector<16xi32>
        %shift_right_logical3A_371 = arith.constant 20 : i32
        %shift_right_logical3A_372 = vector.broadcast %shift_right_logical3A_371 : i32 to vector<16xi32>
        %shift_right_logical3A_373 = arith.shrui %bitcast_convert_type3A_295, %shift_right_logical3A_372 : vector<16xi32>
        %eq3A_374 = vector.broadcast %add3A_69 : i32 to vector<16xi32>
        %eq3A_375 = arith.cmpi eq, %shift_right_logical3A_373, %eq3A_374 : vector<16xi32>
        %add3A_376 = arith.addi %add3A_370, %get3A_314 : vector<16xi32>
        %sub3A_377 = arith.constant 1 : i32
        %sub3A_378 = vector.broadcast %sub3A_377 : i32 to vector<16xi32>
        %sub3A_379 = arith.subi %add3A_376, %sub3A_378 : vector<16xi32>
        tpu.vector_store_idx %arg5[%sub3A_379], %bitcast_convert_type3A_295 masked %eq3A_375 : memref<32912xi32, #tpu.memory_space<vmem>>[vector<16xi32>], vector<16xi32>, vector<16xi1>
        %add3A_380 = vector.broadcast %mul3A_263 : i32 to vector<16xi32>
        %add3A_381 = arith.addi %add3A_380, %iota3A : vector<16xi32>
        tpu.vector_store_idx %arg6[%sub3A_379], %add3A_381 masked %eq3A_375 : memref<32912xi32, #tpu.memory_space<vmem>>[vector<16xi32>], vector<16xi32>, vector<16xi1>
        %all_reduce_population_count3A_382 = tpu.all_reduce %eq3A_375 {dim = 0 : i64, kind = #tpu.reduction_kind<sum>} : vector<16xi1> -> vector<16xi32>
        %add3A_383 = arith.addi %add3A_370, %all_reduce_population_count3A_382 : vector<16xi32>
        %shift_right_logical3A_384 = arith.constant 20 : i32
        %shift_right_logical3A_385 = vector.broadcast %shift_right_logical3A_384 : i32 to vector<16xi32>
        %shift_right_logical3A_386 = arith.shrui %bitcast_convert_type3A_298, %shift_right_logical3A_385 : vector<16xi32>
        %eq3A_387 = vector.broadcast %add3A_69 : i32 to vector<16xi32>
        %eq3A_388 = arith.cmpi eq, %shift_right_logical3A_386, %eq3A_387 : vector<16xi32>
        %add3A_389 = arith.addi %add3A_383, %get3A_316 : vector<16xi32>
        %sub3A_390 = arith.constant 1 : i32
        %sub3A_391 = vector.broadcast %sub3A_390 : i32 to vector<16xi32>
        %sub3A_392 = arith.subi %add3A_389, %sub3A_391 : vector<16xi32>
        tpu.vector_store_idx %arg5[%sub3A_392], %bitcast_convert_type3A_298 masked %eq3A_388 : memref<32912xi32, #tpu.memory_space<vmem>>[vector<16xi32>], vector<16xi32>, vector<16xi1>
        %add3A_393 = vector.broadcast %mul3A_269 : i32 to vector<16xi32>
        %add3A_394 = arith.addi %add3A_393, %iota3A : vector<16xi32>
        tpu.vector_store_idx %arg6[%sub3A_392], %add3A_394 masked %eq3A_388 : memref<32912xi32, #tpu.memory_space<vmem>>[vector<16xi32>], vector<16xi32>, vector<16xi1>
        %all_reduce_population_count3A_395 = tpu.all_reduce %eq3A_388 {dim = 0 : i64, kind = #tpu.reduction_kind<sum>} : vector<16xi1> -> vector<16xi32>
        %add3A_396 = arith.addi %add3A_383, %all_reduce_population_count3A_395 : vector<16xi32>
        %shift_right_logical3A_397 = arith.constant 20 : i32
        %shift_right_logical3A_398 = vector.broadcast %shift_right_logical3A_397 : i32 to vector<16xi32>
        %shift_right_logical3A_399 = arith.shrui %bitcast_convert_type3A_301, %shift_right_logical3A_398 : vector<16xi32>
        %eq3A_400 = vector.broadcast %add3A_69 : i32 to vector<16xi32>
        %eq3A_401 = arith.cmpi eq, %shift_right_logical3A_399, %eq3A_400 : vector<16xi32>
        %add3A_402 = arith.addi %add3A_396, %get3A_318 : vector<16xi32>
        %sub3A_403 = arith.constant 1 : i32
        %sub3A_404 = vector.broadcast %sub3A_403 : i32 to vector<16xi32>
        %sub3A_405 = arith.subi %add3A_402, %sub3A_404 : vector<16xi32>
        tpu.vector_store_idx %arg5[%sub3A_405], %bitcast_convert_type3A_301 masked %eq3A_401 : memref<32912xi32, #tpu.memory_space<vmem>>[vector<16xi32>], vector<16xi32>, vector<16xi1>
        %add3A_406 = vector.broadcast %mul3A_275 : i32 to vector<16xi32>
        %add3A_407 = arith.addi %add3A_406, %iota3A : vector<16xi32>
        tpu.vector_store_idx %arg6[%sub3A_405], %add3A_407 masked %eq3A_401 : memref<32912xi32, #tpu.memory_space<vmem>>[vector<16xi32>], vector<16xi32>, vector<16xi1>
        %all_reduce_population_count3A_408 = tpu.all_reduce %eq3A_401 {dim = 0 : i64, kind = #tpu.reduction_kind<sum>} : vector<16xi1> -> vector<16xi32>
        %add3A_409 = arith.addi %add3A_396, %all_reduce_population_count3A_408 : vector<16xi32>
        %shift_right_logical3A_410 = arith.constant 20 : i32
        %shift_right_logical3A_411 = vector.broadcast %shift_right_logical3A_410 : i32 to vector<16xi32>
        %shift_right_logical3A_412 = arith.shrui %bitcast_convert_type3A_304, %shift_right_logical3A_411 : vector<16xi32>
        %eq3A_413 = vector.broadcast %add3A_69 : i32 to vector<16xi32>
        %eq3A_414 = arith.cmpi eq, %shift_right_logical3A_412, %eq3A_413 : vector<16xi32>
        %add3A_415 = arith.addi %add3A_409, %get3A_320 : vector<16xi32>
        %sub3A_416 = arith.constant 1 : i32
        %sub3A_417 = vector.broadcast %sub3A_416 : i32 to vector<16xi32>
        %sub3A_418 = arith.subi %add3A_415, %sub3A_417 : vector<16xi32>
        tpu.vector_store_idx %arg5[%sub3A_418], %bitcast_convert_type3A_304 masked %eq3A_414 : memref<32912xi32, #tpu.memory_space<vmem>>[vector<16xi32>], vector<16xi32>, vector<16xi1>
        %add3A_419 = vector.broadcast %mul3A_281 : i32 to vector<16xi32>
        %add3A_420 = arith.addi %add3A_419, %iota3A : vector<16xi32>
        tpu.vector_store_idx %arg6[%sub3A_418], %add3A_420 masked %eq3A_414 : memref<32912xi32, #tpu.memory_space<vmem>>[vector<16xi32>], vector<16xi32>, vector<16xi1>
        %all_reduce_population_count3A_421 = tpu.all_reduce %eq3A_414 {dim = 0 : i64, kind = #tpu.reduction_kind<sum>} : vector<16xi1> -> vector<16xi32>
        %add3A_422 = arith.addi %add3A_409, %all_reduce_population_count3A_421 : vector<16xi32>
        scf.yield %add3A_422 : vector<16xi32>
      }
      %scan3A_80 = arith.constant 256 : i32
      %reduce_max3A_81 = arith.constant true
      %reduce_max3A_82 = vector.broadcast %reduce_max3A_81 : i1 to vector<16xi1>
      %reduce_max3A_83 = arith.constant -2147483648 : i32
      %reduce_max3A_84 = vector.broadcast %reduce_max3A_83 : i32 to vector<16xi32>
      %reduce_max3A_85 = arith.xori %scan3A_79, %reduce_max3A_84 : vector<16xi32>
      %reduce_max3A_86 = tpu.scan <max>, %reduce_max3A_85 masked %reduce_max3A_82 : vector<16xi32>, vector<16xi1> -> vector<16xi32>
      %reduce_max3A_87 = arith.xori %reduce_max3A_86, %reduce_max3A_84 : vector<16xi32>
      %reduce_max3A_88 = vector.extract %reduce_max3A_87[15] : i32 from vector<16xi32>
      %add3A_89 = arith.constant 64 : i32
      %add3A_90 = arith.addi %reduce_max3A_88, %add3A_89 : i32
      %sub3A_91 = arith.constant 1 : i32
      %sub3A_92 = arith.subi %add3A_90, %sub3A_91 : i32
      %jit3A_93 = arith.constant 64 : i32
      %div3A = arith.divsi %sub3A_92, %jit3A_93 : i32
      %sign3A = arith.constant 0 : i32
      %sign3A_94 = arith.cmpi sgt, %sub3A_92, %sign3A : i32
      %sign3A_95 = arith.extui %sign3A_94 : i1 to i32
      %sign3A_96 = arith.constant 0 : i32
      %sign3A_97 = arith.cmpi slt, %sub3A_92, %sign3A_96 : i32
      %sign3A_98 = arith.extui %sign3A_97 : i1 to i32
      %sign3A_99 = arith.subi %sign3A_95, %sign3A_98 : i32
      %sign3A_100 = arith.constant 0 : i32
      %sign3A_101 = arith.cmpi sgt, %jit3A_93, %sign3A_100 : i32
      %sign3A_102 = arith.extui %sign3A_101 : i1 to i32
      %sign3A_103 = arith.constant 0 : i32
      %sign3A_104 = arith.cmpi slt, %jit3A_93, %sign3A_103 : i32
      %sign3A_105 = arith.extui %sign3A_104 : i1 to i32
      %sign3A_106 = arith.subi %sign3A_102, %sign3A_105 : i32
      %ne3A = arith.cmpi ne, %sign3A_99, %sign3A_106 : i32
      %rem3A = arith.remsi %sub3A_92, %jit3A_93 : i32
      %ne3A_107 = arith.constant 0 : i32
      %ne3A_108 = arith.cmpi ne, %rem3A, %ne3A_107 : i32
      %and3A = arith.andi %ne3A, %ne3A_108 : i1
      %sub3A_109 = arith.constant 1 : i32
      %sub3A_110 = arith.subi %div3A, %sub3A_109 : i32
      %select_n3A_111 = arith.select %and3A, %sub3A_110, %div3A : i32
      %while3A = arith.constant 0 : i32
      %while3A_112 = arith.constant 0 : i32
      %while3A_113 = arith.subi %select_n3A_111, %while3A_112 : i32
      %while3A_114 = arith.addi %while3A_112, %while3A_113 : i32
      %while3A_115 = arith.constant 1 : i32
      %while3A_116 = arith.divsi %while3A_113, %while3A_115 : i32
      %while3A_117 = arith.muli %while3A_116, %while3A_115 : i32
      %while3A_118 = arith.addi %while3A_112, %while3A_117 : i32
      %while3A_119 = arith.constant 1 : i32
      scf.for %while3A_232 = %while3A_112 to %while3A_118 step %while3A_119  : i32 {
        %mul3A_233 = arith.constant 4 : i32
        %mul3A_234 = arith.muli %while3A_232, %mul3A_233 : i32
        %add3A_235 = arith.constant 0 : i32
        %add3A_236 = arith.addi %mul3A_234, %add3A_235 : i32
        %mul3A_237 = arith.constant 16 : i32
        %mul3A_238 = arith.muli %add3A_236, %mul3A_237 : i32
        %mul3A_239 = arith.constant 4 : i32
        %mul3A_240 = arith.muli %while3A_232, %mul3A_239 : i32
        %add3A_241 = arith.constant 1 : i32
        %add3A_242 = arith.addi %mul3A_240, %add3A_241 : i32
        %mul3A_243 = arith.constant 16 : i32
        %mul3A_244 = arith.muli %add3A_242, %mul3A_243 : i32
        %mul3A_245 = arith.constant 4 : i32
        %mul3A_246 = arith.muli %while3A_232, %mul3A_245 : i32
        %add3A_247 = arith.constant 2 : i32
        %add3A_248 = arith.addi %mul3A_246, %add3A_247 : i32
        %mul3A_249 = arith.constant 16 : i32
        %mul3A_250 = arith.muli %add3A_248, %mul3A_249 : i32
        %mul3A_251 = arith.constant 4 : i32
        %mul3A_252 = arith.muli %while3A_232, %mul3A_251 : i32
        %add3A_253 = arith.constant 3 : i32
        %add3A_254 = arith.addi %mul3A_252, %add3A_253 : i32
        %mul3A_255 = arith.constant 16 : i32
        %mul3A_256 = arith.muli %add3A_254, %mul3A_255 : i32
        %get3A_257 = arith.index_cast %mul3A_238 : i32 to index
        %get3A_258 = tpu.vector_load %arg5[%get3A_257] {strides = array<i32>} : memref<32912xi32, #tpu.memory_space<vmem>>, vector<16xi32>,
        %get3A_259 = arith.index_cast %mul3A_244 : i32 to index
        %get3A_260 = tpu.vector_load %arg5[%get3A_259] {strides = array<i32>} : memref<32912xi32, #tpu.memory_space<vmem>>, vector<16xi32>,
        %get3A_261 = arith.index_cast %mul3A_250 : i32 to index
        %get3A_262 = tpu.vector_load %arg5[%get3A_261] {strides = array<i32>} : memref<32912xi32, #tpu.memory_space<vmem>>, vector<16xi32>,
        %get3A_263 = arith.index_cast %mul3A_256 : i32 to index
        %get3A_264 = tpu.vector_load %arg5[%get3A_263] {strides = array<i32>} : memref<32912xi32, #tpu.memory_space<vmem>>, vector<16xi32>,
        %add3A_265 = vector.broadcast %mul3A_238 : i32 to vector<16xi32>
        %add3A_266 = arith.addi %add3A_265, %iota3A : vector<16xi32>
        %lt3A = vector.broadcast %reduce_max3A_88 : i32 to vector<16xi32>
        %lt3A_267 = arith.cmpi slt, %add3A_266, %lt3A : vector<16xi32>
        %shift_right_logical3A = arith.constant 10 : i32
        %shift_right_logical3A_268 = vector.broadcast %shift_right_logical3A : i32 to vector<16xi32>
        %shift_right_logical3A_269 = arith.shrui %get3A_258, %shift_right_logical3A_268 : vector<16xi32>
        %and3A_270 = arith.constant 1023 : i32
        %and3A_271 = vector.broadcast %and3A_270 : i32 to vector<16xi32>
        %and3A_272 = arith.andi %shift_right_logical3A_269, %and3A_271 : vector<16xi32>
        %add3A_273 = arith.addi %mul3A_3, %and3A_272 : vector<16xi32>
        tpu.vector_store_idx %arg7[%add3A_273], %broadcast_in_dim3A_4 masked %lt3A_267 {add = true} : memref<16384xi32, #tpu.memory_space<vmem>>[vector<16xi32>], vector<16xi32>, vector<16xi1>
        %add3A_274 = vector.broadcast %mul3A_244 : i32 to vector<16xi32>
        %add3A_275 = arith.addi %add3A_274, %iota3A : vector<16xi32>
        %lt3A_276 = vector.broadcast %reduce_max3A_88 : i32 to vector<16xi32>
        %lt3A_277 = arith.cmpi slt, %add3A_275, %lt3A_276 : vector<16xi32>
        %shift_right_logical3A_278 = arith.constant 10 : i32
        %shift_right_logical3A_279 = vector.broadcast %shift_right_logical3A_278 : i32 to vector<16xi32>
        %shift_right_logical3A_280 = arith.shrui %get3A_260, %shift_right_logical3A_279 : vector<16xi32>
        %and3A_281 = arith.constant 1023 : i32
        %and3A_282 = vector.broadcast %and3A_281 : i32 to vector<16xi32>
        %and3A_283 = arith.andi %shift_right_logical3A_280, %and3A_282 : vector<16xi32>
        %add3A_284 = arith.addi %mul3A_3, %and3A_283 : vector<16xi32>
        tpu.vector_store_idx %arg7[%add3A_284], %broadcast_in_dim3A_4 masked %lt3A_277 {add = true} : memref<16384xi32, #tpu.memory_space<vmem>>[vector<16xi32>], vector<16xi32>, vector<16xi1>
        %add3A_285 = vector.broadcast %mul3A_250 : i32 to vector<16xi32>
        %add3A_286 = arith.addi %add3A_285, %iota3A : vector<16xi32>
        %lt3A_287 = vector.broadcast %reduce_max3A_88 : i32 to vector<16xi32>
        %lt3A_288 = arith.cmpi slt, %add3A_286, %lt3A_287 : vector<16xi32>
        %shift_right_logical3A_289 = arith.constant 10 : i32
        %shift_right_logical3A_290 = vector.broadcast %shift_right_logical3A_289 : i32 to vector<16xi32>
        %shift_right_logical3A_291 = arith.shrui %get3A_262, %shift_right_logical3A_290 : vector<16xi32>
        %and3A_292 = arith.constant 1023 : i32
        %and3A_293 = vector.broadcast %and3A_292 : i32 to vector<16xi32>
        %and3A_294 = arith.andi %shift_right_logical3A_291, %and3A_293 : vector<16xi32>
        %add3A_295 = arith.addi %mul3A_3, %and3A_294 : vector<16xi32>
        tpu.vector_store_idx %arg7[%add3A_295], %broadcast_in_dim3A_4 masked %lt3A_288 {add = true} : memref<16384xi32, #tpu.memory_space<vmem>>[vector<16xi32>], vector<16xi32>, vector<16xi1>
        %add3A_296 = vector.broadcast %mul3A_256 : i32 to vector<16xi32>
        %add3A_297 = arith.addi %add3A_296, %iota3A : vector<16xi32>
        %lt3A_298 = vector.broadcast %reduce_max3A_88 : i32 to vector<16xi32>
        %lt3A_299 = arith.cmpi slt, %add3A_297, %lt3A_298 : vector<16xi32>
        %shift_right_logical3A_300 = arith.constant 10 : i32
        %shift_right_logical3A_301 = vector.broadcast %shift_right_logical3A_300 : i32 to vector<16xi32>
        %shift_right_logical3A_302 = arith.shrui %get3A_264, %shift_right_logical3A_301 : vector<16xi32>
        %and3A_303 = arith.constant 1023 : i32
        %and3A_304 = vector.broadcast %and3A_303 : i32 to vector<16xi32>
        %and3A_305 = arith.andi %shift_right_logical3A_302, %and3A_304 : vector<16xi32>
        %add3A_306 = arith.addi %mul3A_3, %and3A_305 : vector<16xi32>
        tpu.vector_store_idx %arg7[%add3A_306], %broadcast_in_dim3A_4 masked %lt3A_299 {add = true} : memref<16384xi32, #tpu.memory_space<vmem>>[vector<16xi32>], vector<16xi32>, vector<16xi1>
      }
      %while3A_120 = arith.constant 1 : i32
      scf.for %while3A_232 = %while3A_118 to %while3A_114 step %while3A_120  : i32 {
        %mul3A_233 = arith.constant 4 : i32
        %mul3A_234 = arith.muli %while3A_232, %mul3A_233 : i32
        %add3A_235 = arith.constant 0 : i32
        %add3A_236 = arith.addi %mul3A_234, %add3A_235 : i32
        %mul3A_237 = arith.constant 16 : i32
        %mul3A_238 = arith.muli %add3A_236, %mul3A_237 : i32
        %mul3A_239 = arith.constant 4 : i32
        %mul3A_240 = arith.muli %while3A_232, %mul3A_239 : i32
        %add3A_241 = arith.constant 1 : i32
        %add3A_242 = arith.addi %mul3A_240, %add3A_241 : i32
        %mul3A_243 = arith.constant 16 : i32
        %mul3A_244 = arith.muli %add3A_242, %mul3A_243 : i32
        %mul3A_245 = arith.constant 4 : i32
        %mul3A_246 = arith.muli %while3A_232, %mul3A_245 : i32
        %add3A_247 = arith.constant 2 : i32
        %add3A_248 = arith.addi %mul3A_246, %add3A_247 : i32
        %mul3A_249 = arith.constant 16 : i32
        %mul3A_250 = arith.muli %add3A_248, %mul3A_249 : i32
        %mul3A_251 = arith.constant 4 : i32
        %mul3A_252 = arith.muli %while3A_232, %mul3A_251 : i32
        %add3A_253 = arith.constant 3 : i32
        %add3A_254 = arith.addi %mul3A_252, %add3A_253 : i32
        %mul3A_255 = arith.constant 16 : i32
        %mul3A_256 = arith.muli %add3A_254, %mul3A_255 : i32
        %get3A_257 = arith.index_cast %mul3A_238 : i32 to index
        %get3A_258 = tpu.vector_load %arg5[%get3A_257] {strides = array<i32>} : memref<32912xi32, #tpu.memory_space<vmem>>, vector<16xi32>,
        %get3A_259 = arith.index_cast %mul3A_244 : i32 to index
        %get3A_260 = tpu.vector_load %arg5[%get3A_259] {strides = array<i32>} : memref<32912xi32, #tpu.memory_space<vmem>>, vector<16xi32>,
        %get3A_261 = arith.index_cast %mul3A_250 : i32 to index
        %get3A_262 = tpu.vector_load %arg5[%get3A_261] {strides = array<i32>} : memref<32912xi32, #tpu.memory_space<vmem>>, vector<16xi32>,
        %get3A_263 = arith.index_cast %mul3A_256 : i32 to index
        %get3A_264 = tpu.vector_load %arg5[%get3A_263] {strides = array<i32>} : memref<32912xi32, #tpu.memory_space<vmem>>, vector<16xi32>,
        %add3A_265 = vector.broadcast %mul3A_238 : i32 to vector<16xi32>
        %add3A_266 = arith.addi %add3A_265, %iota3A : vector<16xi32>
        %lt3A = vector.broadcast %reduce_max3A_88 : i32 to vector<16xi32>
        %lt3A_267 = arith.cmpi slt, %add3A_266, %lt3A : vector<16xi32>
        %shift_right_logical3A = arith.constant 10 : i32
        %shift_right_logical3A_268 = vector.broadcast %shift_right_logical3A : i32 to vector<16xi32>
        %shift_right_logical3A_269 = arith.shrui %get3A_258, %shift_right_logical3A_268 : vector<16xi32>
        %and3A_270 = arith.constant 1023 : i32
        %and3A_271 = vector.broadcast %and3A_270 : i32 to vector<16xi32>
        %and3A_272 = arith.andi %shift_right_logical3A_269, %and3A_271 : vector<16xi32>
        %add3A_273 = arith.addi %mul3A_3, %and3A_272 : vector<16xi32>
        tpu.vector_store_idx %arg7[%add3A_273], %broadcast_in_dim3A_4 masked %lt3A_267 {add = true} : memref<16384xi32, #tpu.memory_space<vmem>>[vector<16xi32>], vector<16xi32>, vector<16xi1>
        %add3A_274 = vector.broadcast %mul3A_244 : i32 to vector<16xi32>
        %add3A_275 = arith.addi %add3A_274, %iota3A : vector<16xi32>
        %lt3A_276 = vector.broadcast %reduce_max3A_88 : i32 to vector<16xi32>
        %lt3A_277 = arith.cmpi slt, %add3A_275, %lt3A_276 : vector<16xi32>
        %shift_right_logical3A_278 = arith.constant 10 : i32
        %shift_right_logical3A_279 = vector.broadcast %shift_right_logical3A_278 : i32 to vector<16xi32>
        %shift_right_logical3A_280 = arith.shrui %get3A_260, %shift_right_logical3A_279 : vector<16xi32>
        %and3A_281 = arith.constant 1023 : i32
        %and3A_282 = vector.broadcast %and3A_281 : i32 to vector<16xi32>
        %and3A_283 = arith.andi %shift_right_logical3A_280, %and3A_282 : vector<16xi32>
        %add3A_284 = arith.addi %mul3A_3, %and3A_283 : vector<16xi32>
        tpu.vector_store_idx %arg7[%add3A_284], %broadcast_in_dim3A_4 masked %lt3A_277 {add = true} : memref<16384xi32, #tpu.memory_space<vmem>>[vector<16xi32>], vector<16xi32>, vector<16xi1>
        %add3A_285 = vector.broadcast %mul3A_250 : i32 to vector<16xi32>
        %add3A_286 = arith.addi %add3A_285, %iota3A : vector<16xi32>
        %lt3A_287 = vector.broadcast %reduce_max3A_88 : i32 to vector<16xi32>
        %lt3A_288 = arith.cmpi slt, %add3A_286, %lt3A_287 : vector<16xi32>
        %shift_right_logical3A_289 = arith.constant 10 : i32
        %shift_right_logical3A_290 = vector.broadcast %shift_right_logical3A_289 : i32 to vector<16xi32>
        %shift_right_logical3A_291 = arith.shrui %get3A_262, %shift_right_logical3A_290 : vector<16xi32>
        %and3A_292 = arith.constant 1023 : i32
        %and3A_293 = vector.broadcast %and3A_292 : i32 to vector<16xi32>
        %and3A_294 = arith.andi %shift_right_logical3A_291, %and3A_293 : vector<16xi32>
        %add3A_295 = arith.addi %mul3A_3, %and3A_294 : vector<16xi32>
        tpu.vector_store_idx %arg7[%add3A_295], %broadcast_in_dim3A_4 masked %lt3A_288 {add = true} : memref<16384xi32, #tpu.memory_space<vmem>>[vector<16xi32>], vector<16xi32>, vector<16xi1>
        %add3A_296 = vector.broadcast %mul3A_256 : i32 to vector<16xi32>
        %add3A_297 = arith.addi %add3A_296, %iota3A : vector<16xi32>
        %lt3A_298 = vector.broadcast %reduce_max3A_88 : i32 to vector<16xi32>
        %lt3A_299 = arith.cmpi slt, %add3A_297, %lt3A_298 : vector<16xi32>
        %shift_right_logical3A_300 = arith.constant 10 : i32
        %shift_right_logical3A_301 = vector.broadcast %shift_right_logical3A_300 : i32 to vector<16xi32>
        %shift_right_logical3A_302 = arith.shrui %get3A_264, %shift_right_logical3A_301 : vector<16xi32>
        %and3A_303 = arith.constant 1023 : i32
        %and3A_304 = vector.broadcast %and3A_303 : i32 to vector<16xi32>
        %and3A_305 = arith.andi %shift_right_logical3A_302, %and3A_304 : vector<16xi32>
        %add3A_306 = arith.addi %mul3A_3, %and3A_305 : vector<16xi32>
        tpu.vector_store_idx %arg7[%add3A_306], %broadcast_in_dim3A_4 masked %lt3A_299 {add = true} : memref<16384xi32, #tpu.memory_space<vmem>>[vector<16xi32>], vector<16xi32>, vector<16xi1>
      }
      %scan3A_121 = arith.constant 0 : i32
      %scan3A_122 = arith.constant 0 : i32
      %scan3A_123 = arith.constant 64 : i32
      %scan3A_124 = arith.addi %scan3A_122, %scan3A_123 : i32
      %scan3A_125 = arith.constant 1 : i32
      scf.for %scan3A_232 = %scan3A_122 to %scan3A_124 step %scan3A_125  : i32 {
        %mul3A_233 = arith.constant 16 : i32
        %mul3A_234 = arith.muli %scan3A_232, %mul3A_233 : i32
        %add3A_235 = arith.constant 0 : i32
        %add3A_236 = arith.addi %add3A_235, %mul3A_234 : i32
        %get3A_237 = arith.index_cast %add3A_236 : i32 to index
        %get3A_238 = tpu.vector_load %arg7[%get3A_237] {strides = array<i32>} : memref<16384xi32, #tpu.memory_space<vmem>>, vector<16xi32>,
        %add3A_239 = arith.addi %broadcast_in_dim3A_6, %get3A_238 : vector<16xi32>
        %swap3A = arith.index_cast %add3A_236 : i32 to index
        %swap3A_240 = tpu.vector_load %arg7[%swap3A] {strides = array<i32>} : memref<16384xi32, #tpu.memory_space<vmem>>, vector<16xi32>,
        tpu.vector_store %arg7[%swap3A], %broadcast_in_dim3A_6 {strides = array<i32>} : memref<16384xi32, #tpu.memory_space<vmem>>, vector<16xi32>,
        %mul3A_241 = arith.constant 16 : i32
        %mul3A_242 = arith.muli %scan3A_232, %mul3A_241 : i32
        %add3A_243 = arith.constant 1024 : i32
        %add3A_244 = arith.addi %add3A_243, %mul3A_242 : i32
        %get3A_245 = arith.index_cast %add3A_244 : i32 to index
        %get3A_246 = tpu.vector_load %arg7[%get3A_245] {strides = array<i32>} : memref<16384xi32, #tpu.memory_space<vmem>>, vector<16xi32>,
        %add3A_247 = arith.addi %add3A_239, %get3A_246 : vector<16xi32>
        %swap3A_248 = arith.index_cast %add3A_244 : i32 to index
        %swap3A_249 = tpu.vector_load %arg7[%swap3A_248] {strides = array<i32>} : memref<16384xi32, #tpu.memory_space<vmem>>, vector<16xi32>,
        tpu.vector_store %arg7[%swap3A_248], %broadcast_in_dim3A_6 {strides = array<i32>} : memref<16384xi32, #tpu.memory_space<vmem>>, vector<16xi32>,
        %mul3A_250 = arith.constant 16 : i32
        %mul3A_251 = arith.muli %scan3A_232, %mul3A_250 : i32
        %add3A_252 = arith.constant 2048 : i32
        %add3A_253 = arith.addi %add3A_252, %mul3A_251 : i32
        %get3A_254 = arith.index_cast %add3A_253 : i32 to index
        %get3A_255 = tpu.vector_load %arg7[%get3A_254] {strides = array<i32>} : memref<16384xi32, #tpu.memory_space<vmem>>, vector<16xi32>,
        %add3A_256 = arith.addi %add3A_247, %get3A_255 : vector<16xi32>
        %swap3A_257 = arith.index_cast %add3A_253 : i32 to index
        %swap3A_258 = tpu.vector_load %arg7[%swap3A_257] {strides = array<i32>} : memref<16384xi32, #tpu.memory_space<vmem>>, vector<16xi32>,
        tpu.vector_store %arg7[%swap3A_257], %broadcast_in_dim3A_6 {strides = array<i32>} : memref<16384xi32, #tpu.memory_space<vmem>>, vector<16xi32>,
        %mul3A_259 = arith.constant 16 : i32
        %mul3A_260 = arith.muli %scan3A_232, %mul3A_259 : i32
        %add3A_261 = arith.constant 3072 : i32
        %add3A_262 = arith.addi %add3A_261, %mul3A_260 : i32
        %get3A_263 = arith.index_cast %add3A_262 : i32 to index
        %get3A_264 = tpu.vector_load %arg7[%get3A_263] {strides = array<i32>} : memref<16384xi32, #tpu.memory_space<vmem>>, vector<16xi32>,
        %add3A_265 = arith.addi %add3A_256, %get3A_264 : vector<16xi32>
        %swap3A_266 = arith.index_cast %add3A_262 : i32 to index
        %swap3A_267 = tpu.vector_load %arg7[%swap3A_266] {strides = array<i32>} : memref<16384xi32, #tpu.memory_space<vmem>>, vector<16xi32>,
        tpu.vector_store %arg7[%swap3A_266], %broadcast_in_dim3A_6 {strides = array<i32>} : memref<16384xi32, #tpu.memory_space<vmem>>, vector<16xi32>,
        %mul3A_268 = arith.constant 16 : i32
        %mul3A_269 = arith.muli %scan3A_232, %mul3A_268 : i32
        %add3A_270 = arith.constant 4096 : i32
        %add3A_271 = arith.addi %add3A_270, %mul3A_269 : i32
        %get3A_272 = arith.index_cast %add3A_271 : i32 to index
        %get3A_273 = tpu.vector_load %arg7[%get3A_272] {strides = array<i32>} : memref<16384xi32, #tpu.memory_space<vmem>>, vector<16xi32>,
        %add3A_274 = arith.addi %add3A_265, %get3A_273 : vector<16xi32>
        %swap3A_275 = arith.index_cast %add3A_271 : i32 to index
        %swap3A_276 = tpu.vector_load %arg7[%swap3A_275] {strides = array<i32>} : memref<16384xi32, #tpu.memory_space<vmem>>, vector<16xi32>,
        tpu.vector_store %arg7[%swap3A_275], %broadcast_in_dim3A_6 {strides = array<i32>} : memref<16384xi32, #tpu.memory_space<vmem>>, vector<16xi32>,
        %mul3A_277 = arith.constant 16 : i32
        %mul3A_278 = arith.muli %scan3A_232, %mul3A_277 : i32
        %add3A_279 = arith.constant 5120 : i32
        %add3A_280 = arith.addi %add3A_279, %mul3A_278 : i32
        %get3A_281 = arith.index_cast %add3A_280 : i32 to index
        %get3A_282 = tpu.vector_load %arg7[%get3A_281] {strides = array<i32>} : memref<16384xi32, #tpu.memory_space<vmem>>, vector<16xi32>,
        %add3A_283 = arith.addi %add3A_274, %get3A_282 : vector<16xi32>
        %swap3A_284 = arith.index_cast %add3A_280 : i32 to index
        %swap3A_285 = tpu.vector_load %arg7[%swap3A_284] {strides = array<i32>} : memref<16384xi32, #tpu.memory_space<vmem>>, vector<16xi32>,
        tpu.vector_store %arg7[%swap3A_284], %broadcast_in_dim3A_6 {strides = array<i32>} : memref<16384xi32, #tpu.memory_space<vmem>>, vector<16xi32>,
        %mul3A_286 = arith.constant 16 : i32
        %mul3A_287 = arith.muli %scan3A_232, %mul3A_286 : i32
        %add3A_288 = arith.constant 6144 : i32
        %add3A_289 = arith.addi %add3A_288, %mul3A_287 : i32
        %get3A_290 = arith.index_cast %add3A_289 : i32 to index
        %get3A_291 = tpu.vector_load %arg7[%get3A_290] {strides = array<i32>} : memref<16384xi32, #tpu.memory_space<vmem>>, vector<16xi32>,
        %add3A_292 = arith.addi %add3A_283, %get3A_291 : vector<16xi32>
        %swap3A_293 = arith.index_cast %add3A_289 : i32 to index
        %swap3A_294 = tpu.vector_load %arg7[%swap3A_293] {strides = array<i32>} : memref<16384xi32, #tpu.memory_space<vmem>>, vector<16xi32>,
        tpu.vector_store %arg7[%swap3A_293], %broadcast_in_dim3A_6 {strides = array<i32>} : memref<16384xi32, #tpu.memory_space<vmem>>, vector<16xi32>,
        %mul3A_295 = arith.constant 16 : i32
        %mul3A_296 = arith.muli %scan3A_232, %mul3A_295 : i32
        %add3A_297 = arith.constant 7168 : i32
        %add3A_298 = arith.addi %add3A_297, %mul3A_296 : i32
        %get3A_299 = arith.index_cast %add3A_298 : i32 to index
        %get3A_300 = tpu.vector_load %arg7[%get3A_299] {strides = array<i32>} : memref<16384xi32, #tpu.memory_space<vmem>>, vector<16xi32>,
        %add3A_301 = arith.addi %add3A_292, %get3A_300 : vector<16xi32>
        %swap3A_302 = arith.index_cast %add3A_298 : i32 to index
        %swap3A_303 = tpu.vector_load %arg7[%swap3A_302] {strides = array<i32>} : memref<16384xi32, #tpu.memory_space<vmem>>, vector<16xi32>,
        tpu.vector_store %arg7[%swap3A_302], %broadcast_in_dim3A_6 {strides = array<i32>} : memref<16384xi32, #tpu.memory_space<vmem>>, vector<16xi32>,
        %mul3A_304 = arith.constant 16 : i32
        %mul3A_305 = arith.muli %scan3A_232, %mul3A_304 : i32
        %add3A_306 = arith.constant 8192 : i32
        %add3A_307 = arith.addi %add3A_306, %mul3A_305 : i32
        %get3A_308 = arith.index_cast %add3A_307 : i32 to index
        %get3A_309 = tpu.vector_load %arg7[%get3A_308] {strides = array<i32>} : memref<16384xi32, #tpu.memory_space<vmem>>, vector<16xi32>,
        %add3A_310 = arith.addi %add3A_301, %get3A_309 : vector<16xi32>
        %swap3A_311 = arith.index_cast %add3A_307 : i32 to index
        %swap3A_312 = tpu.vector_load %arg7[%swap3A_311] {strides = array<i32>} : memref<16384xi32, #tpu.memory_space<vmem>>, vector<16xi32>,
        tpu.vector_store %arg7[%swap3A_311], %broadcast_in_dim3A_6 {strides = array<i32>} : memref<16384xi32, #tpu.memory_space<vmem>>, vector<16xi32>,
        %mul3A_313 = arith.constant 16 : i32
        %mul3A_314 = arith.muli %scan3A_232, %mul3A_313 : i32
        %add3A_315 = arith.constant 9216 : i32
        %add3A_316 = arith.addi %add3A_315, %mul3A_314 : i32
        %get3A_317 = arith.index_cast %add3A_316 : i32 to index
        %get3A_318 = tpu.vector_load %arg7[%get3A_317] {strides = array<i32>} : memref<16384xi32, #tpu.memory_space<vmem>>, vector<16xi32>,
        %add3A_319 = arith.addi %add3A_310, %get3A_318 : vector<16xi32>
        %swap3A_320 = arith.index_cast %add3A_316 : i32 to index
        %swap3A_321 = tpu.vector_load %arg7[%swap3A_320] {strides = array<i32>} : memref<16384xi32, #tpu.memory_space<vmem>>, vector<16xi32>,
        tpu.vector_store %arg7[%swap3A_320], %broadcast_in_dim3A_6 {strides = array<i32>} : memref<16384xi32, #tpu.memory_space<vmem>>, vector<16xi32>,
        %mul3A_322 = arith.constant 16 : i32
        %mul3A_323 = arith.muli %scan3A_232, %mul3A_322 : i32
        %add3A_324 = arith.constant 10240 : i32
        %add3A_325 = arith.addi %add3A_324, %mul3A_323 : i32
        %get3A_326 = arith.index_cast %add3A_325 : i32 to index
        %get3A_327 = tpu.vector_load %arg7[%get3A_326] {strides = array<i32>} : memref<16384xi32, #tpu.memory_space<vmem>>, vector<16xi32>,
        %add3A_328 = arith.addi %add3A_319, %get3A_327 : vector<16xi32>
        %swap3A_329 = arith.index_cast %add3A_325 : i32 to index
        %swap3A_330 = tpu.vector_load %arg7[%swap3A_329] {strides = array<i32>} : memref<16384xi32, #tpu.memory_space<vmem>>, vector<16xi32>,
        tpu.vector_store %arg7[%swap3A_329], %broadcast_in_dim3A_6 {strides = array<i32>} : memref<16384xi32, #tpu.memory_space<vmem>>, vector<16xi32>,
        %mul3A_331 = arith.constant 16 : i32
        %mul3A_332 = arith.muli %scan3A_232, %mul3A_331 : i32
        %add3A_333 = arith.constant 11264 : i32
        %add3A_334 = arith.addi %add3A_333, %mul3A_332 : i32
        %get3A_335 = arith.index_cast %add3A_334 : i32 to index
        %get3A_336 = tpu.vector_load %arg7[%get3A_335] {strides = array<i32>} : memref<16384xi32, #tpu.memory_space<vmem>>, vector<16xi32>,
        %add3A_337 = arith.addi %add3A_328, %get3A_336 : vector<16xi32>
        %swap3A_338 = arith.index_cast %add3A_334 : i32 to index
        %swap3A_339 = tpu.vector_load %arg7[%swap3A_338] {strides = array<i32>} : memref<16384xi32, #tpu.memory_space<vmem>>, vector<16xi32>,
        tpu.vector_store %arg7[%swap3A_338], %broadcast_in_dim3A_6 {strides = array<i32>} : memref<16384xi32, #tpu.memory_space<vmem>>, vector<16xi32>,
        %mul3A_340 = arith.constant 16 : i32
        %mul3A_341 = arith.muli %scan3A_232, %mul3A_340 : i32
        %add3A_342 = arith.constant 12288 : i32
        %add3A_343 = arith.addi %add3A_342, %mul3A_341 : i32
        %get3A_344 = arith.index_cast %add3A_343 : i32 to index
        %get3A_345 = tpu.vector_load %arg7[%get3A_344] {strides = array<i32>} : memref<16384xi32, #tpu.memory_space<vmem>>, vector<16xi32>,
        %add3A_346 = arith.addi %add3A_337, %get3A_345 : vector<16xi32>
        %swap3A_347 = arith.index_cast %add3A_343 : i32 to index
        %swap3A_348 = tpu.vector_load %arg7[%swap3A_347] {strides = array<i32>} : memref<16384xi32, #tpu.memory_space<vmem>>, vector<16xi32>,
        tpu.vector_store %arg7[%swap3A_347], %broadcast_in_dim3A_6 {strides = array<i32>} : memref<16384xi32, #tpu.memory_space<vmem>>, vector<16xi32>,
        %mul3A_349 = arith.constant 16 : i32
        %mul3A_350 = arith.muli %scan3A_232, %mul3A_349 : i32
        %add3A_351 = arith.constant 13312 : i32
        %add3A_352 = arith.addi %add3A_351, %mul3A_350 : i32
        %get3A_353 = arith.index_cast %add3A_352 : i32 to index
        %get3A_354 = tpu.vector_load %arg7[%get3A_353] {strides = array<i32>} : memref<16384xi32, #tpu.memory_space<vmem>>, vector<16xi32>,
        %add3A_355 = arith.addi %add3A_346, %get3A_354 : vector<16xi32>
        %swap3A_356 = arith.index_cast %add3A_352 : i32 to index
        %swap3A_357 = tpu.vector_load %arg7[%swap3A_356] {strides = array<i32>} : memref<16384xi32, #tpu.memory_space<vmem>>, vector<16xi32>,
        tpu.vector_store %arg7[%swap3A_356], %broadcast_in_dim3A_6 {strides = array<i32>} : memref<16384xi32, #tpu.memory_space<vmem>>, vector<16xi32>,
        %mul3A_358 = arith.constant 16 : i32
        %mul3A_359 = arith.muli %scan3A_232, %mul3A_358 : i32
        %add3A_360 = arith.constant 14336 : i32
        %add3A_361 = arith.addi %add3A_360, %mul3A_359 : i32
        %get3A_362 = arith.index_cast %add3A_361 : i32 to index
        %get3A_363 = tpu.vector_load %arg7[%get3A_362] {strides = array<i32>} : memref<16384xi32, #tpu.memory_space<vmem>>, vector<16xi32>,
        %add3A_364 = arith.addi %add3A_355, %get3A_363 : vector<16xi32>
        %swap3A_365 = arith.index_cast %add3A_361 : i32 to index
        %swap3A_366 = tpu.vector_load %arg7[%swap3A_365] {strides = array<i32>} : memref<16384xi32, #tpu.memory_space<vmem>>, vector<16xi32>,
        tpu.vector_store %arg7[%swap3A_365], %broadcast_in_dim3A_6 {strides = array<i32>} : memref<16384xi32, #tpu.memory_space<vmem>>, vector<16xi32>,
        %mul3A_367 = arith.constant 16 : i32
        %mul3A_368 = arith.muli %scan3A_232, %mul3A_367 : i32
        %add3A_369 = arith.constant 15360 : i32
        %add3A_370 = arith.addi %add3A_369, %mul3A_368 : i32
        %get3A_371 = arith.index_cast %add3A_370 : i32 to index
        %get3A_372 = tpu.vector_load %arg7[%get3A_371] {strides = array<i32>} : memref<16384xi32, #tpu.memory_space<vmem>>, vector<16xi32>,
        %add3A_373 = arith.addi %add3A_364, %get3A_372 : vector<16xi32>
        %swap3A_374 = arith.index_cast %add3A_370 : i32 to index
        %swap3A_375 = tpu.vector_load %arg7[%swap3A_374] {strides = array<i32>} : memref<16384xi32, #tpu.memory_space<vmem>>, vector<16xi32>,
        tpu.vector_store %arg7[%swap3A_374], %broadcast_in_dim3A_6 {strides = array<i32>} : memref<16384xi32, #tpu.memory_space<vmem>>, vector<16xi32>,
        %mul3A_376 = arith.constant 16 : i32
        %mul3A_377 = arith.muli %scan3A_232, %mul3A_376 : i32
        %swap3A_378 = arith.index_cast %mul3A_377 : i32 to index
        %swap3A_379 = tpu.vector_load %arg8[%swap3A_378] {strides = array<i32>} : memref<1024xi32, #tpu.memory_space<vmem>>, vector<16xi32>,
        tpu.vector_store %arg8[%swap3A_378], %add3A_373 {strides = array<i32>} : memref<1024xi32, #tpu.memory_space<vmem>>, vector<16xi32>,
        %reduce_sum3A_380 = arith.constant true
        %reduce_sum3A_381 = vector.broadcast %reduce_sum3A_380 : i1 to vector<16xi1>
        %reduce_sum3A_382 = tpu.scan <sum>, %add3A_373 masked %reduce_sum3A_381 : vector<16xi32>, vector<16xi1> -> vector<16xi32>
        %reduce_sum3A_383 = vector.extract %reduce_sum3A_382[15] : i32 from vector<16xi32>
        %swap3A_384 = arith.index_cast %scan3A_232 : i32 to index
        %swap3A_385 = memref.load %arg9[%swap3A_384] : memref<64xi32, #tpu.memory_space<smem>>
        memref.store %reduce_sum3A_383, %arg9[%swap3A_384] : memref<64xi32, #tpu.memory_space<smem>>
      }
      %scan3A_126 = arith.constant 64 : i32
      %scan3A_127 = arith.constant 0 : i32
      %scan3A_128 = arith.constant 0 : i32
      %scan3A_129 = arith.constant 0 : i32
      %scan3A_130 = arith.constant 0 : i32
      %scan3A_131 = arith.constant 0 : i32
      %scan3A_132 = arith.constant 64 : i32
      %scan3A_133 = arith.addi %scan3A_131, %scan3A_132 : i32
      %scan3A_134 = arith.constant 1 : i32
      %scan3A_135:4 = scf.for %scan3A_232 = %scan3A_131 to %scan3A_133 step %scan3A_134 iter_args(%scan3A_233 = %scan3A_127, %scan3A_234 = %scan3A_128, %scan3A_235 = %scan3A_129, %scan3A_236 = %scan3A_130) -> (i32, i32, i32, i32)  : i32 {
        %sub3A_237 = arith.constant 63 : i32
        %sub3A_238 = arith.subi %sub3A_237, %scan3A_232 : i32
        %get3A_239 = arith.index_cast %sub3A_238 : i32 to index
        %get3A_240 = memref.load %arg9[%get3A_239] : memref<64xi32, #tpu.memory_space<smem>>
        %eq3A_241 = arith.constant 0 : i32
        %eq3A_242 = arith.cmpi eq, %scan3A_236, %eq3A_241 : i32
        %add3A_243 = arith.addi %scan3A_233, %get3A_240 : i32
        %ge3A_244 = arith.cmpi sge, %add3A_243, %sub3A_71 : i32
        %and3A_245 = arith.andi %eq3A_242, %ge3A_244 : i1
        %select_n3A_246 = arith.select %and3A_245, %sub3A_238, %scan3A_234 : i32
        %select_n3A_247 = arith.select %and3A_245, %scan3A_233, %scan3A_235 : i32
        %jit3A_248 = arith.constant 1 : i32
        %select_n3A_249 = arith.select %and3A_245, %jit3A_248, %scan3A_236 : i32
        %add3A_250 = arith.addi %scan3A_233, %get3A_240 : i32
        scf.yield %add3A_250, %select_n3A_246, %select_n3A_247, %select_n3A_249 : i32, i32, i32, i32
      }
      %scan3A_136 = arith.constant 64 : i32
      %mul3A_137 = arith.constant 16 : i32
      %mul3A_138 = arith.muli %scan3A_135#1, %mul3A_137 : i32
      %get3A_139 = arith.index_cast %mul3A_138 : i32 to index
      %get3A_140 = tpu.vector_load %arg8[%get3A_139] {strides = array<i32>} : memref<1024xi32, #tpu.memory_space<vmem>>, vector<16xi32>,
      %rev3A_141 = arith.constant 15 : i32
      %rev3A_142 = vector.broadcast %rev3A_141 : i32 to vector<16xi32>
      %rev3A_143 = tpu.iota {dimensions = array<i32: 0>} : vector<16xi32>
      %rev3A_144 = arith.subi %rev3A_142, %rev3A_143 : vector<16xi32>
      %rev3A_145 = tpu.dynamic_gather %get3A_140[%rev3A_144] in [0] : vector<16xi32>, vector<16xi32> -> vector<16xi32>
      %broadcast_in_dim3A_146 = arith.constant true
      %broadcast_in_dim3A_147 = vector.broadcast %broadcast_in_dim3A_146 : i1 to vector<16xi1>
      %masked_cumsum3A_148 = tpu.scan <sum>, %rev3A_145 masked %broadcast_in_dim3A_147 : vector<16xi32>, vector<16xi1> -> vector<16xi32>
      %add3A_149 = vector.broadcast %scan3A_135#2 : i32 to vector<16xi32>
      %add3A_150 = arith.addi %masked_cumsum3A_148, %add3A_149 : vector<16xi32>
      %ge3A_151 = vector.broadcast %sub3A_71 : i32 to vector<16xi32>
      %ge3A_152 = arith.cmpi sge, %add3A_150, %ge3A_151 : vector<16xi32>
      %all_reduce_ffs3A_153 = tpu.all_reduce %ge3A_152 {dim = 0 : i64, kind = #tpu.reduction_kind<find_first_set>} : vector<16xi1> -> vector<16xi32>
      %reduce_max3A_154 = arith.constant true
      %reduce_max3A_155 = vector.broadcast %reduce_max3A_154 : i1 to vector<16xi1>
      %reduce_max3A_156 = arith.constant -2147483648 : i32
      %reduce_max3A_157 = vector.broadcast %reduce_max3A_156 : i32 to vector<16xi32>
      %reduce_max3A_158 = arith.xori %all_reduce_ffs3A_153, %reduce_max3A_157 : vector<16xi32>
      %reduce_max3A_159 = tpu.scan <max>, %reduce_max3A_158 masked %reduce_max3A_155 : vector<16xi32>, vector<16xi1> -> vector<16xi32>
      %reduce_max3A_160 = arith.xori %reduce_max3A_159, %reduce_max3A_157 : vector<16xi32>
      %reduce_max3A_161 = vector.extract %reduce_max3A_160[15] : i32 from vector<16xi32>
      %eq3A_162 = vector.broadcast %reduce_max3A_161 : i32 to vector<16xi32>
      %eq3A_163 = arith.cmpi eq, %iota3A, %eq3A_162 : vector<16xi32>
      %sub3A_164 = arith.subi %add3A_150, %rev3A_145 : vector<16xi32>
      %jit3A_165 = arith.constant 0 : i32
      %broadcast_in_dim3A_166 = vector.broadcast %jit3A_165 : i32 to vector<16xi32>
      %select_n3A_167 = arith.select %eq3A_163, %sub3A_164, %broadcast_in_dim3A_166 : vector<16xi1>, vector<16xi32>
      %reduce_sum3A_168 = arith.constant true
      %reduce_sum3A_169 = vector.broadcast %reduce_sum3A_168 : i1 to vector<16xi1>
      %reduce_sum3A_170 = tpu.scan <sum>, %select_n3A_167 masked %reduce_sum3A_169 : vector<16xi32>, vector<16xi1> -> vector<16xi32>
      %reduce_sum3A_171 = vector.extract %reduce_sum3A_170[15] : i32 from vector<16xi32>
      %sub3A_172 = arith.constant 15 : i32
      %sub3A_173 = arith.subi %sub3A_172, %reduce_max3A_161 : i32
      %mul3A_174 = arith.constant 16 : i32
      %mul3A_175 = arith.muli %scan3A_135#1, %mul3A_174 : i32
      %add3A_176 = arith.addi %mul3A_175, %sub3A_173 : i32
      %sub3A_177 = arith.subi %sub3A_71, %reduce_sum3A_171 : i32
      %add3A_178 = arith.constant 16 : i32
      %add3A_179 = arith.addi %reduce_max3A_88, %add3A_178 : i32
      %sub3A_180 = arith.constant 1 : i32
      %sub3A_181 = arith.subi %add3A_179, %sub3A_180 : i32
      %jit3A_182 = arith.constant 16 : i32
      %div3A_183 = arith.divsi %sub3A_181, %jit3A_182 : i32
      %sign3A_184 = arith.constant 0 : i32
      %sign3A_185 = arith.cmpi sgt, %sub3A_181, %sign3A_184 : i32
      %sign3A_186 = arith.extui %sign3A_185 : i1 to i32
      %sign3A_187 = arith.constant 0 : i32
      %sign3A_188 = arith.cmpi slt, %sub3A_181, %sign3A_187 : i32
      %sign3A_189 = arith.extui %sign3A_188 : i1 to i32
      %sign3A_190 = arith.subi %sign3A_186, %sign3A_189 : i32
      %sign3A_191 = arith.constant 0 : i32
      %sign3A_192 = arith.cmpi sgt, %jit3A_182, %sign3A_191 : i32
      %sign3A_193 = arith.extui %sign3A_192 : i1 to i32
      %sign3A_194 = arith.constant 0 : i32
      %sign3A_195 = arith.cmpi slt, %jit3A_182, %sign3A_194 : i32
      %sign3A_196 = arith.extui %sign3A_195 : i1 to i32
      %sign3A_197 = arith.subi %sign3A_193, %sign3A_196 : i32
      %ne3A_198 = arith.cmpi ne, %sign3A_190, %sign3A_197 : i32
      %rem3A_199 = arith.remsi %sub3A_181, %jit3A_182 : i32
      %ne3A_200 = arith.constant 0 : i32
      %ne3A_201 = arith.cmpi ne, %rem3A_199, %ne3A_200 : i32
      %and3A_202 = arith.andi %ne3A_198, %ne3A_201 : i1
      %sub3A_203 = arith.constant 1 : i32
      %sub3A_204 = arith.subi %div3A_183, %sub3A_203 : i32
      %select_n3A_205 = arith.select %and3A_202, %sub3A_204, %div3A_183 : i32
      %while3A_206 = arith.constant 0 : i32
      %while3A_207 = arith.subi %select_n3A_205, %while3A_206 : i32
      %while3A_208 = arith.addi %while3A_206, %while3A_207 : i32
      %while3A_209 = arith.constant 1 : i32
      %while3A_210 = arith.divsi %while3A_207, %while3A_209 : i32
      %while3A_211 = arith.muli %while3A_210, %while3A_209 : i32
      %while3A_212 = arith.addi %while3A_206, %while3A_211 : i32
      %while3A_213 = arith.constant 1 : i32
      %while3A_214 = scf.for %while3A_232 = %while3A_206 to %while3A_212 step %while3A_213 iter_args(%while3A_233 = %broadcast_in_dim3A_6) -> (vector<16xi32>)  : i32 {
        %mul3A_234 = arith.constant 16 : i32
        %mul3A_235 = arith.muli %while3A_232, %mul3A_234 : i32
        %get3A_236 = arith.index_cast %mul3A_235 : i32 to index
        %get3A_237 = tpu.vector_load %arg5[%get3A_236] {strides = array<i32>} : memref<32912xi32, #tpu.memory_space<vmem>>, vector<16xi32>,
        %get3A_238 = arith.index_cast %mul3A_235 : i32 to index
        %get3A_239 = tpu.vector_load %arg6[%get3A_238] {strides = array<i32>} : memref<32912xi32, #tpu.memory_space<vmem>>, vector<16xi32>,
        %add3A_240 = vector.broadcast %mul3A_235 : i32 to vector<16xi32>
        %add3A_241 = arith.addi %add3A_240, %iota3A : vector<16xi32>
        %lt3A = vector.broadcast %reduce_max3A_88 : i32 to vector<16xi32>
        %lt3A_242 = arith.cmpi slt, %add3A_241, %lt3A : vector<16xi32>
        %shift_right_logical3A = arith.constant 10 : i32
        %shift_right_logical3A_243 = vector.broadcast %shift_right_logical3A : i32 to vector<16xi32>
        %shift_right_logical3A_244 = arith.shrui %get3A_237, %shift_right_logical3A_243 : vector<16xi32>
        %and3A_245 = arith.constant 1023 : i32
        %and3A_246 = vector.broadcast %and3A_245 : i32 to vector<16xi32>
        %and3A_247 = arith.andi %shift_right_logical3A_244, %and3A_246 : vector<16xi32>
        %eq3A_248 = vector.broadcast %add3A_176 : i32 to vector<16xi32>
        %eq3A_249 = arith.cmpi eq, %and3A_247, %eq3A_248 : vector<16xi32>
        %and3A_250 = arith.andi %lt3A_242, %eq3A_249 : vector<16xi1>
        %convert_element_type3A_251 = arith.extui %and3A_250 : vector<16xi1> to vector<16xi32>
        %broadcast_in_dim3A_252 = arith.constant true
        %broadcast_in_dim3A_253 = vector.broadcast %broadcast_in_dim3A_252 : i1 to vector<16xi1>
        %masked_cumsum3A_254 = tpu.scan <sum>, %convert_element_type3A_251 masked %broadcast_in_dim3A_253 : vector<16xi32>, vector<16xi1> -> vector<16xi32>
        %add3A_255 = arith.addi %while3A_233, %masked_cumsum3A_254 : vector<16xi32>
        %sub3A_256 = arith.constant 1 : i32
        %sub3A_257 = vector.broadcast %sub3A_256 : i32 to vector<16xi32>
        %sub3A_258 = arith.subi %add3A_255, %sub3A_257 : vector<16xi32>
        tpu.vector_store_idx %arg5[%sub3A_258], %get3A_237 masked %and3A_250 : memref<32912xi32, #tpu.memory_space<vmem>>[vector<16xi32>], vector<16xi32>, vector<16xi1>
        tpu.vector_store_idx %arg6[%sub3A_258], %get3A_239 masked %and3A_250 : memref<32912xi32, #tpu.memory_space<vmem>>[vector<16xi32>], vector<16xi32>, vector<16xi1>
        %all_reduce_population_count3A = tpu.all_reduce %and3A_250 {dim = 0 : i64, kind = #tpu.reduction_kind<sum>} : vector<16xi1> -> vector<16xi32>
        %add3A_259 = arith.addi %while3A_233, %all_reduce_population_count3A : vector<16xi32>
        scf.yield %add3A_259 : vector<16xi32>
      }
      %while3A_215 = arith.constant 1 : i32
      %while3A_216 = scf.for %while3A_232 = %while3A_212 to %while3A_208 step %while3A_215 iter_args(%while3A_233 = %while3A_214) -> (vector<16xi32>)  : i32 {
        %mul3A_234 = arith.constant 16 : i32
        %mul3A_235 = arith.muli %while3A_232, %mul3A_234 : i32
        %get3A_236 = arith.index_cast %mul3A_235 : i32 to index
        %get3A_237 = tpu.vector_load %arg5[%get3A_236] {strides = array<i32>} : memref<32912xi32, #tpu.memory_space<vmem>>, vector<16xi32>,
        %get3A_238 = arith.index_cast %mul3A_235 : i32 to index
        %get3A_239 = tpu.vector_load %arg6[%get3A_238] {strides = array<i32>} : memref<32912xi32, #tpu.memory_space<vmem>>, vector<16xi32>,
        %add3A_240 = vector.broadcast %mul3A_235 : i32 to vector<16xi32>
        %add3A_241 = arith.addi %add3A_240, %iota3A : vector<16xi32>
        %lt3A = vector.broadcast %reduce_max3A_88 : i32 to vector<16xi32>
        %lt3A_242 = arith.cmpi slt, %add3A_241, %lt3A : vector<16xi32>
        %shift_right_logical3A = arith.constant 10 : i32
        %shift_right_logical3A_243 = vector.broadcast %shift_right_logical3A : i32 to vector<16xi32>
        %shift_right_logical3A_244 = arith.shrui %get3A_237, %shift_right_logical3A_243 : vector<16xi32>
        %and3A_245 = arith.constant 1023 : i32
        %and3A_246 = vector.broadcast %and3A_245 : i32 to vector<16xi32>
        %and3A_247 = arith.andi %shift_right_logical3A_244, %and3A_246 : vector<16xi32>
        %eq3A_248 = vector.broadcast %add3A_176 : i32 to vector<16xi32>
        %eq3A_249 = arith.cmpi eq, %and3A_247, %eq3A_248 : vector<16xi32>
        %and3A_250 = arith.andi %lt3A_242, %eq3A_249 : vector<16xi1>
        %convert_element_type3A_251 = arith.extui %and3A_250 : vector<16xi1> to vector<16xi32>
        %broadcast_in_dim3A_252 = arith.constant true
        %broadcast_in_dim3A_253 = vector.broadcast %broadcast_in_dim3A_252 : i1 to vector<16xi1>
        %masked_cumsum3A_254 = tpu.scan <sum>, %convert_element_type3A_251 masked %broadcast_in_dim3A_253 : vector<16xi32>, vector<16xi1> -> vector<16xi32>
        %add3A_255 = arith.addi %while3A_233, %masked_cumsum3A_254 : vector<16xi32>
        %sub3A_256 = arith.constant 1 : i32
        %sub3A_257 = vector.broadcast %sub3A_256 : i32 to vector<16xi32>
        %sub3A_258 = arith.subi %add3A_255, %sub3A_257 : vector<16xi32>
        tpu.vector_store_idx %arg5[%sub3A_258], %get3A_237 masked %and3A_250 : memref<32912xi32, #tpu.memory_space<vmem>>[vector<16xi32>], vector<16xi32>, vector<16xi1>
        tpu.vector_store_idx %arg6[%sub3A_258], %get3A_239 masked %and3A_250 : memref<32912xi32, #tpu.memory_space<vmem>>[vector<16xi32>], vector<16xi32>, vector<16xi1>
        %all_reduce_population_count3A = tpu.all_reduce %and3A_250 {dim = 0 : i64, kind = #tpu.reduction_kind<sum>} : vector<16xi1> -> vector<16xi32>
        %add3A_259 = arith.addi %while3A_233, %all_reduce_population_count3A : vector<16xi32>
        scf.yield %add3A_259 : vector<16xi32>
      }
      %reduce_max3A_217 = arith.constant true
      %reduce_max3A_218 = vector.broadcast %reduce_max3A_217 : i1 to vector<16xi1>
      %reduce_max3A_219 = arith.constant -2147483648 : i32
      %reduce_max3A_220 = vector.broadcast %reduce_max3A_219 : i32 to vector<16xi32>
      %reduce_max3A_221 = arith.xori %while3A_216, %reduce_max3A_220 : vector<16xi32>
      %reduce_max3A_222 = tpu.scan <max>, %reduce_max3A_221 masked %reduce_max3A_218 : vector<16xi32>, vector<16xi1> -> vector<16xi32>
      %reduce_max3A_223 = arith.xori %reduce_max3A_222, %reduce_max3A_220 : vector<16xi32>
      %reduce_max3A_224 = vector.extract %reduce_max3A_223[15] : i32 from vector<16xi32>
      %le3A = arith.constant 16 : i32
      %le3A_225 = arith.cmpi sle, %reduce_max3A_224, %le3A : i32
      %convert_element_type3A = arith.extui %le3A_225 : i1 to i32
      %cond3A = arith.constant 0 : i32
      %cond3A_226 = arith.constant 0 : i32
      %cond3A_227 = arith.cmpi ne, %convert_element_type3A, %cond3A_226 : i32
      %cond3A_228:2 = scf.if %cond3A_227 -> (i32, i32) {
        %get3A_232 = arith.constant 0 : index
        %get3A_233 = tpu.vector_load %arg5[%get3A_232] {strides = array<i32>} : memref<32912xi32, #tpu.memory_space<vmem>>, vector<16xi32>,
        %get3A_234 = arith.constant 0 : index
        %get3A_235 = tpu.vector_load %arg6[%get3A_234] {strides = array<i32>} : memref<32912xi32, #tpu.memory_space<vmem>>, vector<16xi32>,
        %lt3A = vector.broadcast %reduce_max3A_224 : i32 to vector<16xi32>
        %lt3A_236 = arith.cmpi slt, %iota3A, %lt3A : vector<16xi32>
        %jit3A_237 = arith.constant -2147483648 : i32
        %broadcast_in_dim3A_238 = vector.broadcast %jit3A_237 : i32 to vector<16xi32>
        %select_n3A_239 = arith.select %lt3A_236, %get3A_233, %broadcast_in_dim3A_238 : vector<16xi1>, vector<16xi32>
        %masked_sort3A = arith.constant dense<true> : vector<16xi1>
        %masked_sort3A_240 = arith.constant -2147483648 : i32
        %masked_sort3A_241 = vector.broadcast %masked_sort3A_240 : i32 to vector<16xi32>
        %masked_sort3A_242 = arith.xori %select_n3A_239, %masked_sort3A_241 : vector<16xi32>
        %masked_sort3A_243, %masked_sort3A_244, %masked_sort3A_245 = tpu.sort %masked_sort3A_242, %get3A_235 masked %masked_sort3A {descending = true} : (vector<16xi32>, vector<16xi32>, vector<16xi1>) -> (vector<16xi1>, vector<16xi32>, vector<16xi32>)
        %masked_sort3A_246 = arith.xori %masked_sort3A_244, %masked_sort3A_241 : vector<16xi32>
        %sub3A_247 = arith.constant 1 : i32
        %sub3A_248 = arith.subi %sub3A_177, %sub3A_247 : i32
        %eq3A_249 = vector.broadcast %sub3A_248 : i32 to vector<16xi32>
        %eq3A_250 = arith.cmpi eq, %iota3A, %eq3A_249 : vector<16xi32>
        %jit3A_251 = arith.constant 0 : i32
        %broadcast_in_dim3A_252 = vector.broadcast %jit3A_251 : i32 to vector<16xi32>
        %select_n3A_253 = arith.select %eq3A_250, %masked_sort3A_246, %broadcast_in_dim3A_252 : vector<16xi1>, vector<16xi32>
        %reduce_sum3A_254 = arith.constant true
        %reduce_sum3A_255 = vector.broadcast %reduce_sum3A_254 : i1 to vector<16xi1>
        %reduce_sum3A_256 = tpu.scan <sum>, %select_n3A_253 masked %reduce_sum3A_255 : vector<16xi32>, vector<16xi1> -> vector<16xi32>
        %reduce_sum3A_257 = vector.extract %reduce_sum3A_256[15] : i32 from vector<16xi32>
        %eq3A_258 = vector.broadcast %reduce_sum3A_257 : i32 to vector<16xi32>
        %eq3A_259 = arith.cmpi eq, %get3A_233, %eq3A_258 : vector<16xi32>
        %and3A_260 = arith.andi %lt3A_236, %eq3A_259 : vector<16xi1>
        %gt3A = vector.broadcast %reduce_sum3A_257 : i32 to vector<16xi32>
        %gt3A_261 = arith.cmpi sgt, %get3A_233, %gt3A : vector<16xi32>
        %and3A_262 = arith.andi %lt3A_236, %gt3A_261 : vector<16xi1>
        %jit3A_263 = arith.constant 1 : i32
        %jit3A_264 = arith.constant 0 : i32
        %broadcast_in_dim3A_265 = vector.broadcast %jit3A_263 : i32 to vector<16xi32>
        %broadcast_in_dim3A_266 = vector.broadcast %jit3A_264 : i32 to vector<16xi32>
        %select_n3A_267 = arith.select %and3A_262, %broadcast_in_dim3A_265, %broadcast_in_dim3A_266 : vector<16xi1>, vector<16xi32>
        %reduce_sum3A_268 = arith.constant true
        %reduce_sum3A_269 = vector.broadcast %reduce_sum3A_268 : i1 to vector<16xi1>
        %reduce_sum3A_270 = tpu.scan <sum>, %select_n3A_267 masked %reduce_sum3A_269 : vector<16xi32>, vector<16xi1> -> vector<16xi32>
        %reduce_sum3A_271 = vector.extract %reduce_sum3A_270[15] : i32 from vector<16xi32>
        %sub3A_272 = arith.subi %sub3A_177, %reduce_sum3A_271 : i32
        %convert_element_type3A_273 = arith.extui %and3A_260 : vector<16xi1> to vector<16xi32>
        %broadcast_in_dim3A_274 = arith.constant true
        %broadcast_in_dim3A_275 = vector.broadcast %broadcast_in_dim3A_274 : i1 to vector<16xi1>
        %masked_cumsum3A_276 = tpu.scan <sum>, %convert_element_type3A_273 masked %broadcast_in_dim3A_275 : vector<16xi32>, vector<16xi1> -> vector<16xi32>
        %eq3A_277 = vector.broadcast %sub3A_272 : i32 to vector<16xi32>
        %eq3A_278 = arith.cmpi eq, %masked_cumsum3A_276, %eq3A_277 : vector<16xi32>
        %and3A_279 = arith.andi %and3A_260, %eq3A_278 : vector<16xi1>
        %jit3A_280 = arith.constant 0 : i32
        %broadcast_in_dim3A_281 = vector.broadcast %jit3A_280 : i32 to vector<16xi32>
        %select_n3A_282 = arith.select %and3A_279, %get3A_235, %broadcast_in_dim3A_281 : vector<16xi1>, vector<16xi32>
        %reduce_sum3A_283 = arith.constant true
        %reduce_sum3A_284 = vector.broadcast %reduce_sum3A_283 : i1 to vector<16xi1>
        %reduce_sum3A_285 = tpu.scan <sum>, %select_n3A_282 masked %reduce_sum3A_284 : vector<16xi32>, vector<16xi1> -> vector<16xi32>
        %reduce_sum3A_286 = vector.extract %reduce_sum3A_285[15] : i32 from vector<16xi32>
        scf.yield %reduce_sum3A_257, %reduce_sum3A_286 : i32, i32
      } else {
        %add3A_232 = arith.constant 64 : i32
        %add3A_233 = arith.addi %reduce_max3A_224, %add3A_232 : i32
        %sub3A_234 = arith.constant 1 : i32
        %sub3A_235 = arith.subi %add3A_233, %sub3A_234 : i32
        %jit3A_236 = arith.constant 64 : i32
        %div3A_237 = arith.divsi %sub3A_235, %jit3A_236 : i32
        %sign3A_238 = arith.constant 0 : i32
        %sign3A_239 = arith.cmpi sgt, %sub3A_235, %sign3A_238 : i32
        %sign3A_240 = arith.extui %sign3A_239 : i1 to i32
        %sign3A_241 = arith.constant 0 : i32
        %sign3A_242 = arith.cmpi slt, %sub3A_235, %sign3A_241 : i32
        %sign3A_243 = arith.extui %sign3A_242 : i1 to i32
        %sign3A_244 = arith.subi %sign3A_240, %sign3A_243 : i32
        %sign3A_245 = arith.constant 0 : i32
        %sign3A_246 = arith.cmpi sgt, %jit3A_236, %sign3A_245 : i32
        %sign3A_247 = arith.extui %sign3A_246 : i1 to i32
        %sign3A_248 = arith.constant 0 : i32
        %sign3A_249 = arith.cmpi slt, %jit3A_236, %sign3A_248 : i32
        %sign3A_250 = arith.extui %sign3A_249 : i1 to i32
        %sign3A_251 = arith.subi %sign3A_247, %sign3A_250 : i32
        %ne3A_252 = arith.cmpi ne, %sign3A_244, %sign3A_251 : i32
        %rem3A_253 = arith.remsi %sub3A_235, %jit3A_236 : i32
        %ne3A_254 = arith.constant 0 : i32
        %ne3A_255 = arith.cmpi ne, %rem3A_253, %ne3A_254 : i32
        %and3A_256 = arith.andi %ne3A_252, %ne3A_255 : i1
        %sub3A_257 = arith.constant 1 : i32
        %sub3A_258 = arith.subi %div3A_237, %sub3A_257 : i32
        %select_n3A_259 = arith.select %and3A_256, %sub3A_258, %div3A_237 : i32
        %while3A_260 = arith.constant 0 : i32
        %while3A_261 = arith.constant 0 : i32
        %while3A_262 = arith.subi %select_n3A_259, %while3A_261 : i32
        %while3A_263 = arith.addi %while3A_261, %while3A_262 : i32
        %while3A_264 = arith.constant 1 : i32
        %while3A_265 = arith.divsi %while3A_262, %while3A_264 : i32
        %while3A_266 = arith.muli %while3A_265, %while3A_264 : i32
        %while3A_267 = arith.addi %while3A_261, %while3A_266 : i32
        %while3A_268 = arith.constant 1 : i32
        scf.for %while3A_556 = %while3A_261 to %while3A_267 step %while3A_268  : i32 {
          %mul3A_557 = arith.constant 4 : i32
          %mul3A_558 = arith.muli %while3A_556, %mul3A_557 : i32
          %add3A_559 = arith.constant 0 : i32
          %add3A_560 = arith.addi %mul3A_558, %add3A_559 : i32
          %mul3A_561 = arith.constant 16 : i32
          %mul3A_562 = arith.muli %add3A_560, %mul3A_561 : i32
          %mul3A_563 = arith.constant 4 : i32
          %mul3A_564 = arith.muli %while3A_556, %mul3A_563 : i32
          %add3A_565 = arith.constant 1 : i32
          %add3A_566 = arith.addi %mul3A_564, %add3A_565 : i32
          %mul3A_567 = arith.constant 16 : i32
          %mul3A_568 = arith.muli %add3A_566, %mul3A_567 : i32
          %mul3A_569 = arith.constant 4 : i32
          %mul3A_570 = arith.muli %while3A_556, %mul3A_569 : i32
          %add3A_571 = arith.constant 2 : i32
          %add3A_572 = arith.addi %mul3A_570, %add3A_571 : i32
          %mul3A_573 = arith.constant 16 : i32
          %mul3A_574 = arith.muli %add3A_572, %mul3A_573 : i32
          %mul3A_575 = arith.constant 4 : i32
          %mul3A_576 = arith.muli %while3A_556, %mul3A_575 : i32
          %add3A_577 = arith.constant 3 : i32
          %add3A_578 = arith.addi %mul3A_576, %add3A_577 : i32
          %mul3A_579 = arith.constant 16 : i32
          %mul3A_580 = arith.muli %add3A_578, %mul3A_579 : i32
          %get3A_581 = arith.index_cast %mul3A_562 : i32 to index
          %get3A_582 = tpu.vector_load %arg5[%get3A_581] {strides = array<i32>} : memref<32912xi32, #tpu.memory_space<vmem>>, vector<16xi32>,
          %get3A_583 = arith.index_cast %mul3A_568 : i32 to index
          %get3A_584 = tpu.vector_load %arg5[%get3A_583] {strides = array<i32>} : memref<32912xi32, #tpu.memory_space<vmem>>, vector<16xi32>,
          %get3A_585 = arith.index_cast %mul3A_574 : i32 to index
          %get3A_586 = tpu.vector_load %arg5[%get3A_585] {strides = array<i32>} : memref<32912xi32, #tpu.memory_space<vmem>>, vector<16xi32>,
          %get3A_587 = arith.index_cast %mul3A_580 : i32 to index
          %get3A_588 = tpu.vector_load %arg5[%get3A_587] {strides = array<i32>} : memref<32912xi32, #tpu.memory_space<vmem>>, vector<16xi32>,
          %add3A_589 = vector.broadcast %mul3A_562 : i32 to vector<16xi32>
          %add3A_590 = arith.addi %add3A_589, %iota3A : vector<16xi32>
          %lt3A = vector.broadcast %reduce_max3A_224 : i32 to vector<16xi32>
          %lt3A_591 = arith.cmpi slt, %add3A_590, %lt3A : vector<16xi32>
          %and3A_592 = arith.constant 1023 : i32
          %and3A_593 = vector.broadcast %and3A_592 : i32 to vector<16xi32>
          %and3A_594 = arith.andi %get3A_582, %and3A_593 : vector<16xi32>
          %add3A_595 = arith.addi %mul3A_3, %and3A_594 : vector<16xi32>
          tpu.vector_store_idx %arg7[%add3A_595], %broadcast_in_dim3A_4 masked %lt3A_591 {add = true} : memref<16384xi32, #tpu.memory_space<vmem>>[vector<16xi32>], vector<16xi32>, vector<16xi1>
          %add3A_596 = vector.broadcast %mul3A_568 : i32 to vector<16xi32>
          %add3A_597 = arith.addi %add3A_596, %iota3A : vector<16xi32>
          %lt3A_598 = vector.broadcast %reduce_max3A_224 : i32 to vector<16xi32>
          %lt3A_599 = arith.cmpi slt, %add3A_597, %lt3A_598 : vector<16xi32>
          %and3A_600 = arith.constant 1023 : i32
          %and3A_601 = vector.broadcast %and3A_600 : i32 to vector<16xi32>
          %and3A_602 = arith.andi %get3A_584, %and3A_601 : vector<16xi32>
          %add3A_603 = arith.addi %mul3A_3, %and3A_602 : vector<16xi32>
          tpu.vector_store_idx %arg7[%add3A_603], %broadcast_in_dim3A_4 masked %lt3A_599 {add = true} : memref<16384xi32, #tpu.memory_space<vmem>>[vector<16xi32>], vector<16xi32>, vector<16xi1>
          %add3A_604 = vector.broadcast %mul3A_574 : i32 to vector<16xi32>
          %add3A_605 = arith.addi %add3A_604, %iota3A : vector<16xi32>
          %lt3A_606 = vector.broadcast %reduce_max3A_224 : i32 to vector<16xi32>
          %lt3A_607 = arith.cmpi slt, %add3A_605, %lt3A_606 : vector<16xi32>
          %and3A_608 = arith.constant 1023 : i32
          %and3A_609 = vector.broadcast %and3A_608 : i32 to vector<16xi32>
          %and3A_610 = arith.andi %get3A_586, %and3A_609 : vector<16xi32>
          %add3A_611 = arith.addi %mul3A_3, %and3A_610 : vector<16xi32>
          tpu.vector_store_idx %arg7[%add3A_611], %broadcast_in_dim3A_4 masked %lt3A_607 {add = true} : memref<16384xi32, #tpu.memory_space<vmem>>[vector<16xi32>], vector<16xi32>, vector<16xi1>
          %add3A_612 = vector.broadcast %mul3A_580 : i32 to vector<16xi32>
          %add3A_613 = arith.addi %add3A_612, %iota3A : vector<16xi32>
          %lt3A_614 = vector.broadcast %reduce_max3A_224 : i32 to vector<16xi32>
          %lt3A_615 = arith.cmpi slt, %add3A_613, %lt3A_614 : vector<16xi32>
          %and3A_616 = arith.constant 1023 : i32
          %and3A_617 = vector.broadcast %and3A_616 : i32 to vector<16xi32>
          %and3A_618 = arith.andi %get3A_588, %and3A_617 : vector<16xi32>
          %add3A_619 = arith.addi %mul3A_3, %and3A_618 : vector<16xi32>
          tpu.vector_store_idx %arg7[%add3A_619], %broadcast_in_dim3A_4 masked %lt3A_615 {add = true} : memref<16384xi32, #tpu.memory_space<vmem>>[vector<16xi32>], vector<16xi32>, vector<16xi1>
        }
        %while3A_269 = arith.constant 1 : i32
        scf.for %while3A_556 = %while3A_267 to %while3A_263 step %while3A_269  : i32 {
          %mul3A_557 = arith.constant 4 : i32
          %mul3A_558 = arith.muli %while3A_556, %mul3A_557 : i32
          %add3A_559 = arith.constant 0 : i32
          %add3A_560 = arith.addi %mul3A_558, %add3A_559 : i32
          %mul3A_561 = arith.constant 16 : i32
          %mul3A_562 = arith.muli %add3A_560, %mul3A_561 : i32
          %mul3A_563 = arith.constant 4 : i32
          %mul3A_564 = arith.muli %while3A_556, %mul3A_563 : i32
          %add3A_565 = arith.constant 1 : i32
          %add3A_566 = arith.addi %mul3A_564, %add3A_565 : i32
          %mul3A_567 = arith.constant 16 : i32
          %mul3A_568 = arith.muli %add3A_566, %mul3A_567 : i32
          %mul3A_569 = arith.constant 4 : i32
          %mul3A_570 = arith.muli %while3A_556, %mul3A_569 : i32
          %add3A_571 = arith.constant 2 : i32
          %add3A_572 = arith.addi %mul3A_570, %add3A_571 : i32
          %mul3A_573 = arith.constant 16 : i32
          %mul3A_574 = arith.muli %add3A_572, %mul3A_573 : i32
          %mul3A_575 = arith.constant 4 : i32
          %mul3A_576 = arith.muli %while3A_556, %mul3A_575 : i32
          %add3A_577 = arith.constant 3 : i32
          %add3A_578 = arith.addi %mul3A_576, %add3A_577 : i32
          %mul3A_579 = arith.constant 16 : i32
          %mul3A_580 = arith.muli %add3A_578, %mul3A_579 : i32
          %get3A_581 = arith.index_cast %mul3A_562 : i32 to index
          %get3A_582 = tpu.vector_load %arg5[%get3A_581] {strides = array<i32>} : memref<32912xi32, #tpu.memory_space<vmem>>, vector<16xi32>,
          %get3A_583 = arith.index_cast %mul3A_568 : i32 to index
          %get3A_584 = tpu.vector_load %arg5[%get3A_583] {strides = array<i32>} : memref<32912xi32, #tpu.memory_space<vmem>>, vector<16xi32>,
          %get3A_585 = arith.index_cast %mul3A_574 : i32 to index
          %get3A_586 = tpu.vector_load %arg5[%get3A_585] {strides = array<i32>} : memref<32912xi32, #tpu.memory_space<vmem>>, vector<16xi32>,
          %get3A_587 = arith.index_cast %mul3A_580 : i32 to index
          %get3A_588 = tpu.vector_load %arg5[%get3A_587] {strides = array<i32>} : memref<32912xi32, #tpu.memory_space<vmem>>, vector<16xi32>,
          %add3A_589 = vector.broadcast %mul3A_562 : i32 to vector<16xi32>
          %add3A_590 = arith.addi %add3A_589, %iota3A : vector<16xi32>
          %lt3A = vector.broadcast %reduce_max3A_224 : i32 to vector<16xi32>
          %lt3A_591 = arith.cmpi slt, %add3A_590, %lt3A : vector<16xi32>
          %and3A_592 = arith.constant 1023 : i32
          %and3A_593 = vector.broadcast %and3A_592 : i32 to vector<16xi32>
          %and3A_594 = arith.andi %get3A_582, %and3A_593 : vector<16xi32>
          %add3A_595 = arith.addi %mul3A_3, %and3A_594 : vector<16xi32>
          tpu.vector_store_idx %arg7[%add3A_595], %broadcast_in_dim3A_4 masked %lt3A_591 {add = true} : memref<16384xi32, #tpu.memory_space<vmem>>[vector<16xi32>], vector<16xi32>, vector<16xi1>
          %add3A_596 = vector.broadcast %mul3A_568 : i32 to vector<16xi32>
          %add3A_597 = arith.addi %add3A_596, %iota3A : vector<16xi32>
          %lt3A_598 = vector.broadcast %reduce_max3A_224 : i32 to vector<16xi32>
          %lt3A_599 = arith.cmpi slt, %add3A_597, %lt3A_598 : vector<16xi32>
          %and3A_600 = arith.constant 1023 : i32
          %and3A_601 = vector.broadcast %and3A_600 : i32 to vector<16xi32>
          %and3A_602 = arith.andi %get3A_584, %and3A_601 : vector<16xi32>
          %add3A_603 = arith.addi %mul3A_3, %and3A_602 : vector<16xi32>
          tpu.vector_store_idx %arg7[%add3A_603], %broadcast_in_dim3A_4 masked %lt3A_599 {add = true} : memref<16384xi32, #tpu.memory_space<vmem>>[vector<16xi32>], vector<16xi32>, vector<16xi1>
          %add3A_604 = vector.broadcast %mul3A_574 : i32 to vector<16xi32>
          %add3A_605 = arith.addi %add3A_604, %iota3A : vector<16xi32>
          %lt3A_606 = vector.broadcast %reduce_max3A_224 : i32 to vector<16xi32>
          %lt3A_607 = arith.cmpi slt, %add3A_605, %lt3A_606 : vector<16xi32>
          %and3A_608 = arith.constant 1023 : i32
          %and3A_609 = vector.broadcast %and3A_608 : i32 to vector<16xi32>
          %and3A_610 = arith.andi %get3A_586, %and3A_609 : vector<16xi32>
          %add3A_611 = arith.addi %mul3A_3, %and3A_610 : vector<16xi32>
          tpu.vector_store_idx %arg7[%add3A_611], %broadcast_in_dim3A_4 masked %lt3A_607 {add = true} : memref<16384xi32, #tpu.memory_space<vmem>>[vector<16xi32>], vector<16xi32>, vector<16xi1>
          %add3A_612 = vector.broadcast %mul3A_580 : i32 to vector<16xi32>
          %add3A_613 = arith.addi %add3A_612, %iota3A : vector<16xi32>
          %lt3A_614 = vector.broadcast %reduce_max3A_224 : i32 to vector<16xi32>
          %lt3A_615 = arith.cmpi slt, %add3A_613, %lt3A_614 : vector<16xi32>
          %and3A_616 = arith.constant 1023 : i32
          %and3A_617 = vector.broadcast %and3A_616 : i32 to vector<16xi32>
          %and3A_618 = arith.andi %get3A_588, %and3A_617 : vector<16xi32>
          %add3A_619 = arith.addi %mul3A_3, %and3A_618 : vector<16xi32>
          tpu.vector_store_idx %arg7[%add3A_619], %broadcast_in_dim3A_4 masked %lt3A_615 {add = true} : memref<16384xi32, #tpu.memory_space<vmem>>[vector<16xi32>], vector<16xi32>, vector<16xi1>
        }
        %scan3A_270 = arith.constant 0 : i32
        %scan3A_271 = arith.constant 0 : i32
        %scan3A_272 = arith.constant 64 : i32
        %scan3A_273 = arith.addi %scan3A_271, %scan3A_272 : i32
        %scan3A_274 = arith.constant 1 : i32
        scf.for %scan3A_556 = %scan3A_271 to %scan3A_273 step %scan3A_274  : i32 {
          %mul3A_557 = arith.constant 16 : i32
          %mul3A_558 = arith.muli %scan3A_556, %mul3A_557 : i32
          %add3A_559 = arith.constant 0 : i32
          %add3A_560 = arith.addi %add3A_559, %mul3A_558 : i32
          %get3A_561 = arith.index_cast %add3A_560 : i32 to index
          %get3A_562 = tpu.vector_load %arg7[%get3A_561] {strides = array<i32>} : memref<16384xi32, #tpu.memory_space<vmem>>, vector<16xi32>,
          %add3A_563 = arith.addi %broadcast_in_dim3A_6, %get3A_562 : vector<16xi32>
          %swap3A = arith.index_cast %add3A_560 : i32 to index
          %swap3A_564 = tpu.vector_load %arg7[%swap3A] {strides = array<i32>} : memref<16384xi32, #tpu.memory_space<vmem>>, vector<16xi32>,
          tpu.vector_store %arg7[%swap3A], %broadcast_in_dim3A_6 {strides = array<i32>} : memref<16384xi32, #tpu.memory_space<vmem>>, vector<16xi32>,
          %mul3A_565 = arith.constant 16 : i32
          %mul3A_566 = arith.muli %scan3A_556, %mul3A_565 : i32
          %add3A_567 = arith.constant 1024 : i32
          %add3A_568 = arith.addi %add3A_567, %mul3A_566 : i32
          %get3A_569 = arith.index_cast %add3A_568 : i32 to index
          %get3A_570 = tpu.vector_load %arg7[%get3A_569] {strides = array<i32>} : memref<16384xi32, #tpu.memory_space<vmem>>, vector<16xi32>,
          %add3A_571 = arith.addi %add3A_563, %get3A_570 : vector<16xi32>
          %swap3A_572 = arith.index_cast %add3A_568 : i32 to index
          %swap3A_573 = tpu.vector_load %arg7[%swap3A_572] {strides = array<i32>} : memref<16384xi32, #tpu.memory_space<vmem>>, vector<16xi32>,
          tpu.vector_store %arg7[%swap3A_572], %broadcast_in_dim3A_6 {strides = array<i32>} : memref<16384xi32, #tpu.memory_space<vmem>>, vector<16xi32>,
          %mul3A_574 = arith.constant 16 : i32
          %mul3A_575 = arith.muli %scan3A_556, %mul3A_574 : i32
          %add3A_576 = arith.constant 2048 : i32
          %add3A_577 = arith.addi %add3A_576, %mul3A_575 : i32
          %get3A_578 = arith.index_cast %add3A_577 : i32 to index
          %get3A_579 = tpu.vector_load %arg7[%get3A_578] {strides = array<i32>} : memref<16384xi32, #tpu.memory_space<vmem>>, vector<16xi32>,
          %add3A_580 = arith.addi %add3A_571, %get3A_579 : vector<16xi32>
          %swap3A_581 = arith.index_cast %add3A_577 : i32 to index
          %swap3A_582 = tpu.vector_load %arg7[%swap3A_581] {strides = array<i32>} : memref<16384xi32, #tpu.memory_space<vmem>>, vector<16xi32>,
          tpu.vector_store %arg7[%swap3A_581], %broadcast_in_dim3A_6 {strides = array<i32>} : memref<16384xi32, #tpu.memory_space<vmem>>, vector<16xi32>,
          %mul3A_583 = arith.constant 16 : i32
          %mul3A_584 = arith.muli %scan3A_556, %mul3A_583 : i32
          %add3A_585 = arith.constant 3072 : i32
          %add3A_586 = arith.addi %add3A_585, %mul3A_584 : i32
          %get3A_587 = arith.index_cast %add3A_586 : i32 to index
          %get3A_588 = tpu.vector_load %arg7[%get3A_587] {strides = array<i32>} : memref<16384xi32, #tpu.memory_space<vmem>>, vector<16xi32>,
          %add3A_589 = arith.addi %add3A_580, %get3A_588 : vector<16xi32>
          %swap3A_590 = arith.index_cast %add3A_586 : i32 to index
          %swap3A_591 = tpu.vector_load %arg7[%swap3A_590] {strides = array<i32>} : memref<16384xi32, #tpu.memory_space<vmem>>, vector<16xi32>,
          tpu.vector_store %arg7[%swap3A_590], %broadcast_in_dim3A_6 {strides = array<i32>} : memref<16384xi32, #tpu.memory_space<vmem>>, vector<16xi32>,
          %mul3A_592 = arith.constant 16 : i32
          %mul3A_593 = arith.muli %scan3A_556, %mul3A_592 : i32
          %add3A_594 = arith.constant 4096 : i32
          %add3A_595 = arith.addi %add3A_594, %mul3A_593 : i32
          %get3A_596 = arith.index_cast %add3A_595 : i32 to index
          %get3A_597 = tpu.vector_load %arg7[%get3A_596] {strides = array<i32>} : memref<16384xi32, #tpu.memory_space<vmem>>, vector<16xi32>,
          %add3A_598 = arith.addi %add3A_589, %get3A_597 : vector<16xi32>
          %swap3A_599 = arith.index_cast %add3A_595 : i32 to index
          %swap3A_600 = tpu.vector_load %arg7[%swap3A_599] {strides = array<i32>} : memref<16384xi32, #tpu.memory_space<vmem>>, vector<16xi32>,
          tpu.vector_store %arg7[%swap3A_599], %broadcast_in_dim3A_6 {strides = array<i32>} : memref<16384xi32, #tpu.memory_space<vmem>>, vector<16xi32>,
          %mul3A_601 = arith.constant 16 : i32
          %mul3A_602 = arith.muli %scan3A_556, %mul3A_601 : i32
          %add3A_603 = arith.constant 5120 : i32
          %add3A_604 = arith.addi %add3A_603, %mul3A_602 : i32
          %get3A_605 = arith.index_cast %add3A_604 : i32 to index
          %get3A_606 = tpu.vector_load %arg7[%get3A_605] {strides = array<i32>} : memref<16384xi32, #tpu.memory_space<vmem>>, vector<16xi32>,
          %add3A_607 = arith.addi %add3A_598, %get3A_606 : vector<16xi32>
          %swap3A_608 = arith.index_cast %add3A_604 : i32 to index
          %swap3A_609 = tpu.vector_load %arg7[%swap3A_608] {strides = array<i32>} : memref<16384xi32, #tpu.memory_space<vmem>>, vector<16xi32>,
          tpu.vector_store %arg7[%swap3A_608], %broadcast_in_dim3A_6 {strides = array<i32>} : memref<16384xi32, #tpu.memory_space<vmem>>, vector<16xi32>,
          %mul3A_610 = arith.constant 16 : i32
          %mul3A_611 = arith.muli %scan3A_556, %mul3A_610 : i32
          %add3A_612 = arith.constant 6144 : i32
          %add3A_613 = arith.addi %add3A_612, %mul3A_611 : i32
          %get3A_614 = arith.index_cast %add3A_613 : i32 to index
          %get3A_615 = tpu.vector_load %arg7[%get3A_614] {strides = array<i32>} : memref<16384xi32, #tpu.memory_space<vmem>>, vector<16xi32>,
          %add3A_616 = arith.addi %add3A_607, %get3A_615 : vector<16xi32>
          %swap3A_617 = arith.index_cast %add3A_613 : i32 to index
          %swap3A_618 = tpu.vector_load %arg7[%swap3A_617] {strides = array<i32>} : memref<16384xi32, #tpu.memory_space<vmem>>, vector<16xi32>,
          tpu.vector_store %arg7[%swap3A_617], %broadcast_in_dim3A_6 {strides = array<i32>} : memref<16384xi32, #tpu.memory_space<vmem>>, vector<16xi32>,
          %mul3A_619 = arith.constant 16 : i32
          %mul3A_620 = arith.muli %scan3A_556, %mul3A_619 : i32
          %add3A_621 = arith.constant 7168 : i32
          %add3A_622 = arith.addi %add3A_621, %mul3A_620 : i32
          %get3A_623 = arith.index_cast %add3A_622 : i32 to index
          %get3A_624 = tpu.vector_load %arg7[%get3A_623] {strides = array<i32>} : memref<16384xi32, #tpu.memory_space<vmem>>, vector<16xi32>,
          %add3A_625 = arith.addi %add3A_616, %get3A_624 : vector<16xi32>
          %swap3A_626 = arith.index_cast %add3A_622 : i32 to index
          %swap3A_627 = tpu.vector_load %arg7[%swap3A_626] {strides = array<i32>} : memref<16384xi32, #tpu.memory_space<vmem>>, vector<16xi32>,
          tpu.vector_store %arg7[%swap3A_626], %broadcast_in_dim3A_6 {strides = array<i32>} : memref<16384xi32, #tpu.memory_space<vmem>>, vector<16xi32>,
          %mul3A_628 = arith.constant 16 : i32
          %mul3A_629 = arith.muli %scan3A_556, %mul3A_628 : i32
          %add3A_630 = arith.constant 8192 : i32
          %add3A_631 = arith.addi %add3A_630, %mul3A_629 : i32
          %get3A_632 = arith.index_cast %add3A_631 : i32 to index
          %get3A_633 = tpu.vector_load %arg7[%get3A_632] {strides = array<i32>} : memref<16384xi32, #tpu.memory_space<vmem>>, vector<16xi32>,
          %add3A_634 = arith.addi %add3A_625, %get3A_633 : vector<16xi32>
          %swap3A_635 = arith.index_cast %add3A_631 : i32 to index
          %swap3A_636 = tpu.vector_load %arg7[%swap3A_635] {strides = array<i32>} : memref<16384xi32, #tpu.memory_space<vmem>>, vector<16xi32>,
          tpu.vector_store %arg7[%swap3A_635], %broadcast_in_dim3A_6 {strides = array<i32>} : memref<16384xi32, #tpu.memory_space<vmem>>, vector<16xi32>,
          %mul3A_637 = arith.constant 16 : i32
          %mul3A_638 = arith.muli %scan3A_556, %mul3A_637 : i32
          %add3A_639 = arith.constant 9216 : i32
          %add3A_640 = arith.addi %add3A_639, %mul3A_638 : i32
          %get3A_641 = arith.index_cast %add3A_640 : i32 to index
          %get3A_642 = tpu.vector_load %arg7[%get3A_641] {strides = array<i32>} : memref<16384xi32, #tpu.memory_space<vmem>>, vector<16xi32>,
          %add3A_643 = arith.addi %add3A_634, %get3A_642 : vector<16xi32>
          %swap3A_644 = arith.index_cast %add3A_640 : i32 to index
          %swap3A_645 = tpu.vector_load %arg7[%swap3A_644] {strides = array<i32>} : memref<16384xi32, #tpu.memory_space<vmem>>, vector<16xi32>,
          tpu.vector_store %arg7[%swap3A_644], %broadcast_in_dim3A_6 {strides = array<i32>} : memref<16384xi32, #tpu.memory_space<vmem>>, vector<16xi32>,
          %mul3A_646 = arith.constant 16 : i32
          %mul3A_647 = arith.muli %scan3A_556, %mul3A_646 : i32
          %add3A_648 = arith.constant 10240 : i32
          %add3A_649 = arith.addi %add3A_648, %mul3A_647 : i32
          %get3A_650 = arith.index_cast %add3A_649 : i32 to index
          %get3A_651 = tpu.vector_load %arg7[%get3A_650] {strides = array<i32>} : memref<16384xi32, #tpu.memory_space<vmem>>, vector<16xi32>,
          %add3A_652 = arith.addi %add3A_643, %get3A_651 : vector<16xi32>
          %swap3A_653 = arith.index_cast %add3A_649 : i32 to index
          %swap3A_654 = tpu.vector_load %arg7[%swap3A_653] {strides = array<i32>} : memref<16384xi32, #tpu.memory_space<vmem>>, vector<16xi32>,
          tpu.vector_store %arg7[%swap3A_653], %broadcast_in_dim3A_6 {strides = array<i32>} : memref<16384xi32, #tpu.memory_space<vmem>>, vector<16xi32>,
          %mul3A_655 = arith.constant 16 : i32
          %mul3A_656 = arith.muli %scan3A_556, %mul3A_655 : i32
          %add3A_657 = arith.constant 11264 : i32
          %add3A_658 = arith.addi %add3A_657, %mul3A_656 : i32
          %get3A_659 = arith.index_cast %add3A_658 : i32 to index
          %get3A_660 = tpu.vector_load %arg7[%get3A_659] {strides = array<i32>} : memref<16384xi32, #tpu.memory_space<vmem>>, vector<16xi32>,
          %add3A_661 = arith.addi %add3A_652, %get3A_660 : vector<16xi32>
          %swap3A_662 = arith.index_cast %add3A_658 : i32 to index
          %swap3A_663 = tpu.vector_load %arg7[%swap3A_662] {strides = array<i32>} : memref<16384xi32, #tpu.memory_space<vmem>>, vector<16xi32>,
          tpu.vector_store %arg7[%swap3A_662], %broadcast_in_dim3A_6 {strides = array<i32>} : memref<16384xi32, #tpu.memory_space<vmem>>, vector<16xi32>,
          %mul3A_664 = arith.constant 16 : i32
          %mul3A_665 = arith.muli %scan3A_556, %mul3A_664 : i32
          %add3A_666 = arith.constant 12288 : i32
          %add3A_667 = arith.addi %add3A_666, %mul3A_665 : i32
          %get3A_668 = arith.index_cast %add3A_667 : i32 to index
          %get3A_669 = tpu.vector_load %arg7[%get3A_668] {strides = array<i32>} : memref<16384xi32, #tpu.memory_space<vmem>>, vector<16xi32>,
          %add3A_670 = arith.addi %add3A_661, %get3A_669 : vector<16xi32>
          %swap3A_671 = arith.index_cast %add3A_667 : i32 to index
          %swap3A_672 = tpu.vector_load %arg7[%swap3A_671] {strides = array<i32>} : memref<16384xi32, #tpu.memory_space<vmem>>, vector<16xi32>,
          tpu.vector_store %arg7[%swap3A_671], %broadcast_in_dim3A_6 {strides = array<i32>} : memref<16384xi32, #tpu.memory_space<vmem>>, vector<16xi32>,
          %mul3A_673 = arith.constant 16 : i32
          %mul3A_674 = arith.muli %scan3A_556, %mul3A_673 : i32
          %add3A_675 = arith.constant 13312 : i32
          %add3A_676 = arith.addi %add3A_675, %mul3A_674 : i32
          %get3A_677 = arith.index_cast %add3A_676 : i32 to index
          %get3A_678 = tpu.vector_load %arg7[%get3A_677] {strides = array<i32>} : memref<16384xi32, #tpu.memory_space<vmem>>, vector<16xi32>,
          %add3A_679 = arith.addi %add3A_670, %get3A_678 : vector<16xi32>
          %swap3A_680 = arith.index_cast %add3A_676 : i32 to index
          %swap3A_681 = tpu.vector_load %arg7[%swap3A_680] {strides = array<i32>} : memref<16384xi32, #tpu.memory_space<vmem>>, vector<16xi32>,
          tpu.vector_store %arg7[%swap3A_680], %broadcast_in_dim3A_6 {strides = array<i32>} : memref<16384xi32, #tpu.memory_space<vmem>>, vector<16xi32>,
          %mul3A_682 = arith.constant 16 : i32
          %mul3A_683 = arith.muli %scan3A_556, %mul3A_682 : i32
          %add3A_684 = arith.constant 14336 : i32
          %add3A_685 = arith.addi %add3A_684, %mul3A_683 : i32
          %get3A_686 = arith.index_cast %add3A_685 : i32 to index
          %get3A_687 = tpu.vector_load %arg7[%get3A_686] {strides = array<i32>} : memref<16384xi32, #tpu.memory_space<vmem>>, vector<16xi32>,
          %add3A_688 = arith.addi %add3A_679, %get3A_687 : vector<16xi32>
          %swap3A_689 = arith.index_cast %add3A_685 : i32 to index
          %swap3A_690 = tpu.vector_load %arg7[%swap3A_689] {strides = array<i32>} : memref<16384xi32, #tpu.memory_space<vmem>>, vector<16xi32>,
          tpu.vector_store %arg7[%swap3A_689], %broadcast_in_dim3A_6 {strides = array<i32>} : memref<16384xi32, #tpu.memory_space<vmem>>, vector<16xi32>,
          %mul3A_691 = arith.constant 16 : i32
          %mul3A_692 = arith.muli %scan3A_556, %mul3A_691 : i32
          %add3A_693 = arith.constant 15360 : i32
          %add3A_694 = arith.addi %add3A_693, %mul3A_692 : i32
          %get3A_695 = arith.index_cast %add3A_694 : i32 to index
          %get3A_696 = tpu.vector_load %arg7[%get3A_695] {strides = array<i32>} : memref<16384xi32, #tpu.memory_space<vmem>>, vector<16xi32>,
          %add3A_697 = arith.addi %add3A_688, %get3A_696 : vector<16xi32>
          %swap3A_698 = arith.index_cast %add3A_694 : i32 to index
          %swap3A_699 = tpu.vector_load %arg7[%swap3A_698] {strides = array<i32>} : memref<16384xi32, #tpu.memory_space<vmem>>, vector<16xi32>,
          tpu.vector_store %arg7[%swap3A_698], %broadcast_in_dim3A_6 {strides = array<i32>} : memref<16384xi32, #tpu.memory_space<vmem>>, vector<16xi32>,
          %mul3A_700 = arith.constant 16 : i32
          %mul3A_701 = arith.muli %scan3A_556, %mul3A_700 : i32
          %swap3A_702 = arith.index_cast %mul3A_701 : i32 to index
          %swap3A_703 = tpu.vector_load %arg8[%swap3A_702] {strides = array<i32>} : memref<1024xi32, #tpu.memory_space<vmem>>, vector<16xi32>,
          tpu.vector_store %arg8[%swap3A_702], %add3A_697 {strides = array<i32>} : memref<1024xi32, #tpu.memory_space<vmem>>, vector<16xi32>,
          %reduce_sum3A_704 = arith.constant true
          %reduce_sum3A_705 = vector.broadcast %reduce_sum3A_704 : i1 to vector<16xi1>
          %reduce_sum3A_706 = tpu.scan <sum>, %add3A_697 masked %reduce_sum3A_705 : vector<16xi32>, vector<16xi1> -> vector<16xi32>
          %reduce_sum3A_707 = vector.extract %reduce_sum3A_706[15] : i32 from vector<16xi32>
          %swap3A_708 = arith.index_cast %scan3A_556 : i32 to index
          %swap3A_709 = memref.load %arg9[%swap3A_708] : memref<64xi32, #tpu.memory_space<smem>>
          memref.store %reduce_sum3A_707, %arg9[%swap3A_708] : memref<64xi32, #tpu.memory_space<smem>>
        }
        %scan3A_275 = arith.constant 64 : i32
        %scan3A_276 = arith.constant 0 : i32
        %scan3A_277 = arith.constant 0 : i32
        %scan3A_278 = arith.constant 0 : i32
        %scan3A_279 = arith.constant 0 : i32
        %scan3A_280 = arith.constant 0 : i32
        %scan3A_281 = arith.constant 64 : i32
        %scan3A_282 = arith.addi %scan3A_280, %scan3A_281 : i32
        %scan3A_283 = arith.constant 1 : i32
        %scan3A_284:4 = scf.for %scan3A_556 = %scan3A_280 to %scan3A_282 step %scan3A_283 iter_args(%scan3A_557 = %scan3A_276, %scan3A_558 = %scan3A_277, %scan3A_559 = %scan3A_278, %scan3A_560 = %scan3A_279) -> (i32, i32, i32, i32)  : i32 {
          %sub3A_561 = arith.constant 63 : i32
          %sub3A_562 = arith.subi %sub3A_561, %scan3A_556 : i32
          %get3A_563 = arith.index_cast %sub3A_562 : i32 to index
          %get3A_564 = memref.load %arg9[%get3A_563] : memref<64xi32, #tpu.memory_space<smem>>
          %eq3A_565 = arith.constant 0 : i32
          %eq3A_566 = arith.cmpi eq, %scan3A_560, %eq3A_565 : i32
          %add3A_567 = arith.addi %scan3A_557, %get3A_564 : i32
          %ge3A_568 = arith.cmpi sge, %add3A_567, %sub3A_177 : i32
          %and3A_569 = arith.andi %eq3A_566, %ge3A_568 : i1
          %select_n3A_570 = arith.select %and3A_569, %sub3A_562, %scan3A_558 : i32
          %select_n3A_571 = arith.select %and3A_569, %scan3A_557, %scan3A_559 : i32
          %jit3A_572 = arith.constant 1 : i32
          %select_n3A_573 = arith.select %and3A_569, %jit3A_572, %scan3A_560 : i32
          %add3A_574 = arith.addi %scan3A_557, %get3A_564 : i32
          scf.yield %add3A_574, %select_n3A_570, %select_n3A_571, %select_n3A_573 : i32, i32, i32, i32
        }
        %scan3A_285 = arith.constant 64 : i32
        %mul3A_286 = arith.constant 16 : i32
        %mul3A_287 = arith.muli %scan3A_284#1, %mul3A_286 : i32
        %get3A_288 = arith.index_cast %mul3A_287 : i32 to index
        %get3A_289 = tpu.vector_load %arg8[%get3A_288] {strides = array<i32>} : memref<1024xi32, #tpu.memory_space<vmem>>, vector<16xi32>,
        %rev3A_290 = arith.constant 15 : i32
        %rev3A_291 = vector.broadcast %rev3A_290 : i32 to vector<16xi32>
        %rev3A_292 = tpu.iota {dimensions = array<i32: 0>} : vector<16xi32>
        %rev3A_293 = arith.subi %rev3A_291, %rev3A_292 : vector<16xi32>
        %rev3A_294 = tpu.dynamic_gather %get3A_289[%rev3A_293] in [0] : vector<16xi32>, vector<16xi32> -> vector<16xi32>
        %broadcast_in_dim3A_295 = arith.constant true
        %broadcast_in_dim3A_296 = vector.broadcast %broadcast_in_dim3A_295 : i1 to vector<16xi1>
        %masked_cumsum3A_297 = tpu.scan <sum>, %rev3A_294 masked %broadcast_in_dim3A_296 : vector<16xi32>, vector<16xi1> -> vector<16xi32>
        %add3A_298 = vector.broadcast %scan3A_284#2 : i32 to vector<16xi32>
        %add3A_299 = arith.addi %masked_cumsum3A_297, %add3A_298 : vector<16xi32>
        %ge3A_300 = vector.broadcast %sub3A_177 : i32 to vector<16xi32>
        %ge3A_301 = arith.cmpi sge, %add3A_299, %ge3A_300 : vector<16xi32>
        %all_reduce_ffs3A_302 = tpu.all_reduce %ge3A_301 {dim = 0 : i64, kind = #tpu.reduction_kind<find_first_set>} : vector<16xi1> -> vector<16xi32>
        %reduce_max3A_303 = arith.constant true
        %reduce_max3A_304 = vector.broadcast %reduce_max3A_303 : i1 to vector<16xi1>
        %reduce_max3A_305 = arith.constant -2147483648 : i32
        %reduce_max3A_306 = vector.broadcast %reduce_max3A_305 : i32 to vector<16xi32>
        %reduce_max3A_307 = arith.xori %all_reduce_ffs3A_302, %reduce_max3A_306 : vector<16xi32>
        %reduce_max3A_308 = tpu.scan <max>, %reduce_max3A_307 masked %reduce_max3A_304 : vector<16xi32>, vector<16xi1> -> vector<16xi32>
        %reduce_max3A_309 = arith.xori %reduce_max3A_308, %reduce_max3A_306 : vector<16xi32>
        %reduce_max3A_310 = vector.extract %reduce_max3A_309[15] : i32 from vector<16xi32>
        %eq3A_311 = vector.broadcast %reduce_max3A_310 : i32 to vector<16xi32>
        %eq3A_312 = arith.cmpi eq, %iota3A, %eq3A_311 : vector<16xi32>
        %sub3A_313 = arith.subi %add3A_299, %rev3A_294 : vector<16xi32>
        %jit3A_314 = arith.constant 0 : i32
        %broadcast_in_dim3A_315 = vector.broadcast %jit3A_314 : i32 to vector<16xi32>
        %select_n3A_316 = arith.select %eq3A_312, %sub3A_313, %broadcast_in_dim3A_315 : vector<16xi1>, vector<16xi32>
        %reduce_sum3A_317 = arith.constant true
        %reduce_sum3A_318 = vector.broadcast %reduce_sum3A_317 : i1 to vector<16xi1>
        %reduce_sum3A_319 = tpu.scan <sum>, %select_n3A_316 masked %reduce_sum3A_318 : vector<16xi32>, vector<16xi1> -> vector<16xi32>
        %reduce_sum3A_320 = vector.extract %reduce_sum3A_319[15] : i32 from vector<16xi32>
        %sub3A_321 = arith.constant 15 : i32
        %sub3A_322 = arith.subi %sub3A_321, %reduce_max3A_310 : i32
        %mul3A_323 = arith.constant 16 : i32
        %mul3A_324 = arith.muli %scan3A_284#1, %mul3A_323 : i32
        %add3A_325 = arith.addi %mul3A_324, %sub3A_322 : i32
        %sub3A_326 = arith.subi %sub3A_177, %reduce_sum3A_320 : i32
        %shift_left3A = arith.constant 10 : i32
        %shift_left3A_327 = arith.shli %add3A_69, %shift_left3A : i32
        %or3A = arith.ori %shift_left3A_327, %add3A_176 : i32
        %shift_left3A_328 = arith.constant 10 : i32
        %shift_left3A_329 = arith.shli %or3A, %shift_left3A_328 : i32
        %or3A_330 = arith.ori %shift_left3A_329, %add3A_325 : i32
        %add3A_331 = arith.constant 16 : i32
        %add3A_332 = arith.addi %reduce_max3A_224, %add3A_331 : i32
        %sub3A_333 = arith.constant 1 : i32
        %sub3A_334 = arith.subi %add3A_332, %sub3A_333 : i32
        %jit3A_335 = arith.constant 16 : i32
        %div3A_336 = arith.divsi %sub3A_334, %jit3A_335 : i32
        %sign3A_337 = arith.constant 0 : i32
        %sign3A_338 = arith.cmpi sgt, %sub3A_334, %sign3A_337 : i32
        %sign3A_339 = arith.extui %sign3A_338 : i1 to i32
        %sign3A_340 = arith.constant 0 : i32
        %sign3A_341 = arith.cmpi slt, %sub3A_334, %sign3A_340 : i32
        %sign3A_342 = arith.extui %sign3A_341 : i1 to i32
        %sign3A_343 = arith.subi %sign3A_339, %sign3A_342 : i32
        %sign3A_344 = arith.constant 0 : i32
        %sign3A_345 = arith.cmpi sgt, %jit3A_335, %sign3A_344 : i32
        %sign3A_346 = arith.extui %sign3A_345 : i1 to i32
        %sign3A_347 = arith.constant 0 : i32
        %sign3A_348 = arith.cmpi slt, %jit3A_335, %sign3A_347 : i32
        %sign3A_349 = arith.extui %sign3A_348 : i1 to i32
        %sign3A_350 = arith.subi %sign3A_346, %sign3A_349 : i32
        %ne3A_351 = arith.cmpi ne, %sign3A_343, %sign3A_350 : i32
        %rem3A_352 = arith.remsi %sub3A_334, %jit3A_335 : i32
        %ne3A_353 = arith.constant 0 : i32
        %ne3A_354 = arith.cmpi ne, %rem3A_352, %ne3A_353 : i32
        %and3A_355 = arith.andi %ne3A_351, %ne3A_354 : i1
        %sub3A_356 = arith.constant 1 : i32
        %sub3A_357 = arith.subi %div3A_336, %sub3A_356 : i32
        %select_n3A_358 = arith.select %and3A_355, %sub3A_357, %div3A_336 : i32
        %while3A_359 = arith.constant 0 : i32
        %while3A_360 = arith.subi %select_n3A_358, %while3A_359 : i32
        %while3A_361 = arith.addi %while3A_359, %while3A_360 : i32
        %while3A_362 = arith.constant 1 : i32
        %while3A_363 = arith.divsi %while3A_360, %while3A_362 : i32
        %while3A_364 = arith.muli %while3A_363, %while3A_362 : i32
        %while3A_365 = arith.addi %while3A_359, %while3A_364 : i32
        %while3A_366 = arith.constant 1 : i32
        %while3A_367 = scf.for %while3A_556 = %while3A_359 to %while3A_365 step %while3A_366 iter_args(%while3A_557 = %broadcast_in_dim3A_6) -> (vector<16xi32>)  : i32 {
          %mul3A_558 = arith.constant 16 : i32
          %mul3A_559 = arith.muli %while3A_556, %mul3A_558 : i32
          %get3A_560 = arith.index_cast %mul3A_559 : i32 to index
          %get3A_561 = tpu.vector_load %arg5[%get3A_560] {strides = array<i32>} : memref<32912xi32, #tpu.memory_space<vmem>>, vector<16xi32>,
          %get3A_562 = arith.index_cast %mul3A_559 : i32 to index
          %get3A_563 = tpu.vector_load %arg6[%get3A_562] {strides = array<i32>} : memref<32912xi32, #tpu.memory_space<vmem>>, vector<16xi32>,
          %add3A_564 = vector.broadcast %mul3A_559 : i32 to vector<16xi32>
          %add3A_565 = arith.addi %add3A_564, %iota3A : vector<16xi32>
          %lt3A = vector.broadcast %reduce_max3A_224 : i32 to vector<16xi32>
          %lt3A_566 = arith.cmpi slt, %add3A_565, %lt3A : vector<16xi32>
          %and3A_567 = arith.constant 1023 : i32
          %and3A_568 = vector.broadcast %and3A_567 : i32 to vector<16xi32>
          %and3A_569 = arith.andi %get3A_561, %and3A_568 : vector<16xi32>
          %eq3A_570 = vector.broadcast %add3A_325 : i32 to vector<16xi32>
          %eq3A_571 = arith.cmpi eq, %and3A_569, %eq3A_570 : vector<16xi32>
          %and3A_572 = arith.andi %lt3A_566, %eq3A_571 : vector<16xi1>
          %convert_element_type3A_573 = arith.extui %and3A_572 : vector<16xi1> to vector<16xi32>
          %broadcast_in_dim3A_574 = arith.constant true
          %broadcast_in_dim3A_575 = vector.broadcast %broadcast_in_dim3A_574 : i1 to vector<16xi1>
          %masked_cumsum3A_576 = tpu.scan <sum>, %convert_element_type3A_573 masked %broadcast_in_dim3A_575 : vector<16xi32>, vector<16xi1> -> vector<16xi32>
          %add3A_577 = arith.addi %while3A_557, %masked_cumsum3A_576 : vector<16xi32>
          %sub3A_578 = arith.constant 1 : i32
          %sub3A_579 = vector.broadcast %sub3A_578 : i32 to vector<16xi32>
          %sub3A_580 = arith.subi %add3A_577, %sub3A_579 : vector<16xi32>
          tpu.vector_store_idx %arg6[%sub3A_580], %get3A_563 masked %and3A_572 : memref<32912xi32, #tpu.memory_space<vmem>>[vector<16xi32>], vector<16xi32>, vector<16xi1>
          %all_reduce_population_count3A = tpu.all_reduce %and3A_572 {dim = 0 : i64, kind = #tpu.reduction_kind<sum>} : vector<16xi1> -> vector<16xi32>
          %add3A_581 = arith.addi %while3A_557, %all_reduce_population_count3A : vector<16xi32>
          scf.yield %add3A_581 : vector<16xi32>
        }
        %while3A_368 = arith.constant 1 : i32
        %while3A_369 = scf.for %while3A_556 = %while3A_365 to %while3A_361 step %while3A_368 iter_args(%while3A_557 = %while3A_367) -> (vector<16xi32>)  : i32 {
          %mul3A_558 = arith.constant 16 : i32
          %mul3A_559 = arith.muli %while3A_556, %mul3A_558 : i32
          %get3A_560 = arith.index_cast %mul3A_559 : i32 to index
          %get3A_561 = tpu.vector_load %arg5[%get3A_560] {strides = array<i32>} : memref<32912xi32, #tpu.memory_space<vmem>>, vector<16xi32>,
          %get3A_562 = arith.index_cast %mul3A_559 : i32 to index
          %get3A_563 = tpu.vector_load %arg6[%get3A_562] {strides = array<i32>} : memref<32912xi32, #tpu.memory_space<vmem>>, vector<16xi32>,
          %add3A_564 = vector.broadcast %mul3A_559 : i32 to vector<16xi32>
          %add3A_565 = arith.addi %add3A_564, %iota3A : vector<16xi32>
          %lt3A = vector.broadcast %reduce_max3A_224 : i32 to vector<16xi32>
          %lt3A_566 = arith.cmpi slt, %add3A_565, %lt3A : vector<16xi32>
          %and3A_567 = arith.constant 1023 : i32
          %and3A_568 = vector.broadcast %and3A_567 : i32 to vector<16xi32>
          %and3A_569 = arith.andi %get3A_561, %and3A_568 : vector<16xi32>
          %eq3A_570 = vector.broadcast %add3A_325 : i32 to vector<16xi32>
          %eq3A_571 = arith.cmpi eq, %and3A_569, %eq3A_570 : vector<16xi32>
          %and3A_572 = arith.andi %lt3A_566, %eq3A_571 : vector<16xi1>
          %convert_element_type3A_573 = arith.extui %and3A_572 : vector<16xi1> to vector<16xi32>
          %broadcast_in_dim3A_574 = arith.constant true
          %broadcast_in_dim3A_575 = vector.broadcast %broadcast_in_dim3A_574 : i1 to vector<16xi1>
          %masked_cumsum3A_576 = tpu.scan <sum>, %convert_element_type3A_573 masked %broadcast_in_dim3A_575 : vector<16xi32>, vector<16xi1> -> vector<16xi32>
          %add3A_577 = arith.addi %while3A_557, %masked_cumsum3A_576 : vector<16xi32>
          %sub3A_578 = arith.constant 1 : i32
          %sub3A_579 = vector.broadcast %sub3A_578 : i32 to vector<16xi32>
          %sub3A_580 = arith.subi %add3A_577, %sub3A_579 : vector<16xi32>
          tpu.vector_store_idx %arg6[%sub3A_580], %get3A_563 masked %and3A_572 : memref<32912xi32, #tpu.memory_space<vmem>>[vector<16xi32>], vector<16xi32>, vector<16xi1>
          %all_reduce_population_count3A = tpu.all_reduce %and3A_572 {dim = 0 : i64, kind = #tpu.reduction_kind<sum>} : vector<16xi1> -> vector<16xi32>
          %add3A_581 = arith.addi %while3A_557, %all_reduce_population_count3A : vector<16xi32>
          scf.yield %add3A_581 : vector<16xi32>
        }
        %reduce_max3A_370 = arith.constant true
        %reduce_max3A_371 = vector.broadcast %reduce_max3A_370 : i1 to vector<16xi1>
        %reduce_max3A_372 = arith.constant -2147483648 : i32
        %reduce_max3A_373 = vector.broadcast %reduce_max3A_372 : i32 to vector<16xi32>
        %reduce_max3A_374 = arith.xori %while3A_369, %reduce_max3A_373 : vector<16xi32>
        %reduce_max3A_375 = tpu.scan <max>, %reduce_max3A_374 masked %reduce_max3A_371 : vector<16xi32>, vector<16xi1> -> vector<16xi32>
        %reduce_max3A_376 = arith.xori %reduce_max3A_375, %reduce_max3A_373 : vector<16xi32>
        %reduce_max3A_377 = vector.extract %reduce_max3A_376[15] : i32 from vector<16xi32>
        %add3A_378 = arith.constant 64 : i32
        %add3A_379 = arith.addi %reduce_max3A_377, %add3A_378 : i32
        %sub3A_380 = arith.constant 1 : i32
        %sub3A_381 = arith.subi %add3A_379, %sub3A_380 : i32
        %jit3A_382 = arith.constant 64 : i32
        %div3A_383 = arith.divsi %sub3A_381, %jit3A_382 : i32
        %sign3A_384 = arith.constant 0 : i32
        %sign3A_385 = arith.cmpi sgt, %sub3A_381, %sign3A_384 : i32
        %sign3A_386 = arith.extui %sign3A_385 : i1 to i32
        %sign3A_387 = arith.constant 0 : i32
        %sign3A_388 = arith.cmpi slt, %sub3A_381, %sign3A_387 : i32
        %sign3A_389 = arith.extui %sign3A_388 : i1 to i32
        %sign3A_390 = arith.subi %sign3A_386, %sign3A_389 : i32
        %sign3A_391 = arith.constant 0 : i32
        %sign3A_392 = arith.cmpi sgt, %jit3A_382, %sign3A_391 : i32
        %sign3A_393 = arith.extui %sign3A_392 : i1 to i32
        %sign3A_394 = arith.constant 0 : i32
        %sign3A_395 = arith.cmpi slt, %jit3A_382, %sign3A_394 : i32
        %sign3A_396 = arith.extui %sign3A_395 : i1 to i32
        %sign3A_397 = arith.subi %sign3A_393, %sign3A_396 : i32
        %ne3A_398 = arith.cmpi ne, %sign3A_390, %sign3A_397 : i32
        %rem3A_399 = arith.remsi %sub3A_381, %jit3A_382 : i32
        %ne3A_400 = arith.constant 0 : i32
        %ne3A_401 = arith.cmpi ne, %rem3A_399, %ne3A_400 : i32
        %and3A_402 = arith.andi %ne3A_398, %ne3A_401 : i1
        %sub3A_403 = arith.constant 1 : i32
        %sub3A_404 = arith.subi %div3A_383, %sub3A_403 : i32
        %select_n3A_405 = arith.select %and3A_402, %sub3A_404, %div3A_383 : i32
        %while3A_406 = arith.constant 0 : i32
        %while3A_407 = arith.constant 0 : i32
        %while3A_408 = arith.subi %select_n3A_405, %while3A_407 : i32
        %while3A_409 = arith.addi %while3A_407, %while3A_408 : i32
        %while3A_410 = arith.constant 1 : i32
        %while3A_411 = arith.divsi %while3A_408, %while3A_410 : i32
        %while3A_412 = arith.muli %while3A_411, %while3A_410 : i32
        %while3A_413 = arith.addi %while3A_407, %while3A_412 : i32
        %while3A_414 = arith.constant 1 : i32
        scf.for %while3A_556 = %while3A_407 to %while3A_413 step %while3A_414  : i32 {
          %mul3A_557 = arith.constant 4 : i32
          %mul3A_558 = arith.muli %while3A_556, %mul3A_557 : i32
          %add3A_559 = arith.constant 0 : i32
          %add3A_560 = arith.addi %mul3A_558, %add3A_559 : i32
          %mul3A_561 = arith.constant 16 : i32
          %mul3A_562 = arith.muli %add3A_560, %mul3A_561 : i32
          %mul3A_563 = arith.constant 4 : i32
          %mul3A_564 = arith.muli %while3A_556, %mul3A_563 : i32
          %add3A_565 = arith.constant 1 : i32
          %add3A_566 = arith.addi %mul3A_564, %add3A_565 : i32
          %mul3A_567 = arith.constant 16 : i32
          %mul3A_568 = arith.muli %add3A_566, %mul3A_567 : i32
          %mul3A_569 = arith.constant 4 : i32
          %mul3A_570 = arith.muli %while3A_556, %mul3A_569 : i32
          %add3A_571 = arith.constant 2 : i32
          %add3A_572 = arith.addi %mul3A_570, %add3A_571 : i32
          %mul3A_573 = arith.constant 16 : i32
          %mul3A_574 = arith.muli %add3A_572, %mul3A_573 : i32
          %mul3A_575 = arith.constant 4 : i32
          %mul3A_576 = arith.muli %while3A_556, %mul3A_575 : i32
          %add3A_577 = arith.constant 3 : i32
          %add3A_578 = arith.addi %mul3A_576, %add3A_577 : i32
          %mul3A_579 = arith.constant 16 : i32
          %mul3A_580 = arith.muli %add3A_578, %mul3A_579 : i32
          %get3A_581 = arith.index_cast %mul3A_562 : i32 to index
          %get3A_582 = tpu.vector_load %arg6[%get3A_581] {strides = array<i32>} : memref<32912xi32, #tpu.memory_space<vmem>>, vector<16xi32>,
          %get3A_583 = arith.index_cast %mul3A_568 : i32 to index
          %get3A_584 = tpu.vector_load %arg6[%get3A_583] {strides = array<i32>} : memref<32912xi32, #tpu.memory_space<vmem>>, vector<16xi32>,
          %get3A_585 = arith.index_cast %mul3A_574 : i32 to index
          %get3A_586 = tpu.vector_load %arg6[%get3A_585] {strides = array<i32>} : memref<32912xi32, #tpu.memory_space<vmem>>, vector<16xi32>,
          %get3A_587 = arith.index_cast %mul3A_580 : i32 to index
          %get3A_588 = tpu.vector_load %arg6[%get3A_587] {strides = array<i32>} : memref<32912xi32, #tpu.memory_space<vmem>>, vector<16xi32>,
          %add3A_589 = vector.broadcast %mul3A_562 : i32 to vector<16xi32>
          %add3A_590 = arith.addi %add3A_589, %iota3A : vector<16xi32>
          %lt3A = vector.broadcast %reduce_max3A_377 : i32 to vector<16xi32>
          %lt3A_591 = arith.cmpi slt, %add3A_590, %lt3A : vector<16xi32>
          %shift_right_logical3A = arith.constant 5 : i32
          %shift_right_logical3A_592 = vector.broadcast %shift_right_logical3A : i32 to vector<16xi32>
          %shift_right_logical3A_593 = arith.shrui %get3A_582, %shift_right_logical3A_592 : vector<16xi32>
          %add3A_594 = arith.addi %mul3A_3, %shift_right_logical3A_593 : vector<16xi32>
          tpu.vector_store_idx %arg7[%add3A_594], %broadcast_in_dim3A_4 masked %lt3A_591 {add = true} : memref<16384xi32, #tpu.memory_space<vmem>>[vector<16xi32>], vector<16xi32>, vector<16xi1>
          %add3A_595 = vector.broadcast %mul3A_568 : i32 to vector<16xi32>
          %add3A_596 = arith.addi %add3A_595, %iota3A : vector<16xi32>
          %lt3A_597 = vector.broadcast %reduce_max3A_377 : i32 to vector<16xi32>
          %lt3A_598 = arith.cmpi slt, %add3A_596, %lt3A_597 : vector<16xi32>
          %shift_right_logical3A_599 = arith.constant 5 : i32
          %shift_right_logical3A_600 = vector.broadcast %shift_right_logical3A_599 : i32 to vector<16xi32>
          %shift_right_logical3A_601 = arith.shrui %get3A_584, %shift_right_logical3A_600 : vector<16xi32>
          %add3A_602 = arith.addi %mul3A_3, %shift_right_logical3A_601 : vector<16xi32>
          tpu.vector_store_idx %arg7[%add3A_602], %broadcast_in_dim3A_4 masked %lt3A_598 {add = true} : memref<16384xi32, #tpu.memory_space<vmem>>[vector<16xi32>], vector<16xi32>, vector<16xi1>
          %add3A_603 = vector.broadcast %mul3A_574 : i32 to vector<16xi32>
          %add3A_604 = arith.addi %add3A_603, %iota3A : vector<16xi32>
          %lt3A_605 = vector.broadcast %reduce_max3A_377 : i32 to vector<16xi32>
          %lt3A_606 = arith.cmpi slt, %add3A_604, %lt3A_605 : vector<16xi32>
          %shift_right_logical3A_607 = arith.constant 5 : i32
          %shift_right_logical3A_608 = vector.broadcast %shift_right_logical3A_607 : i32 to vector<16xi32>
          %shift_right_logical3A_609 = arith.shrui %get3A_586, %shift_right_logical3A_608 : vector<16xi32>
          %add3A_610 = arith.addi %mul3A_3, %shift_right_logical3A_609 : vector<16xi32>
          tpu.vector_store_idx %arg7[%add3A_610], %broadcast_in_dim3A_4 masked %lt3A_606 {add = true} : memref<16384xi32, #tpu.memory_space<vmem>>[vector<16xi32>], vector<16xi32>, vector<16xi1>
          %add3A_611 = vector.broadcast %mul3A_580 : i32 to vector<16xi32>
          %add3A_612 = arith.addi %add3A_611, %iota3A : vector<16xi32>
          %lt3A_613 = vector.broadcast %reduce_max3A_377 : i32 to vector<16xi32>
          %lt3A_614 = arith.cmpi slt, %add3A_612, %lt3A_613 : vector<16xi32>
          %shift_right_logical3A_615 = arith.constant 5 : i32
          %shift_right_logical3A_616 = vector.broadcast %shift_right_logical3A_615 : i32 to vector<16xi32>
          %shift_right_logical3A_617 = arith.shrui %get3A_588, %shift_right_logical3A_616 : vector<16xi32>
          %add3A_618 = arith.addi %mul3A_3, %shift_right_logical3A_617 : vector<16xi32>
          tpu.vector_store_idx %arg7[%add3A_618], %broadcast_in_dim3A_4 masked %lt3A_614 {add = true} : memref<16384xi32, #tpu.memory_space<vmem>>[vector<16xi32>], vector<16xi32>, vector<16xi1>
        }
        %while3A_415 = arith.constant 1 : i32
        scf.for %while3A_556 = %while3A_413 to %while3A_409 step %while3A_415  : i32 {
          %mul3A_557 = arith.constant 4 : i32
          %mul3A_558 = arith.muli %while3A_556, %mul3A_557 : i32
          %add3A_559 = arith.constant 0 : i32
          %add3A_560 = arith.addi %mul3A_558, %add3A_559 : i32
          %mul3A_561 = arith.constant 16 : i32
          %mul3A_562 = arith.muli %add3A_560, %mul3A_561 : i32
          %mul3A_563 = arith.constant 4 : i32
          %mul3A_564 = arith.muli %while3A_556, %mul3A_563 : i32
          %add3A_565 = arith.constant 1 : i32
          %add3A_566 = arith.addi %mul3A_564, %add3A_565 : i32
          %mul3A_567 = arith.constant 16 : i32
          %mul3A_568 = arith.muli %add3A_566, %mul3A_567 : i32
          %mul3A_569 = arith.constant 4 : i32
          %mul3A_570 = arith.muli %while3A_556, %mul3A_569 : i32
          %add3A_571 = arith.constant 2 : i32
          %add3A_572 = arith.addi %mul3A_570, %add3A_571 : i32
          %mul3A_573 = arith.constant 16 : i32
          %mul3A_574 = arith.muli %add3A_572, %mul3A_573 : i32
          %mul3A_575 = arith.constant 4 : i32
          %mul3A_576 = arith.muli %while3A_556, %mul3A_575 : i32
          %add3A_577 = arith.constant 3 : i32
          %add3A_578 = arith.addi %mul3A_576, %add3A_577 : i32
          %mul3A_579 = arith.constant 16 : i32
          %mul3A_580 = arith.muli %add3A_578, %mul3A_579 : i32
          %get3A_581 = arith.index_cast %mul3A_562 : i32 to index
          %get3A_582 = tpu.vector_load %arg6[%get3A_581] {strides = array<i32>} : memref<32912xi32, #tpu.memory_space<vmem>>, vector<16xi32>,
          %get3A_583 = arith.index_cast %mul3A_568 : i32 to index
          %get3A_584 = tpu.vector_load %arg6[%get3A_583] {strides = array<i32>} : memref<32912xi32, #tpu.memory_space<vmem>>, vector<16xi32>,
          %get3A_585 = arith.index_cast %mul3A_574 : i32 to index
          %get3A_586 = tpu.vector_load %arg6[%get3A_585] {strides = array<i32>} : memref<32912xi32, #tpu.memory_space<vmem>>, vector<16xi32>,
          %get3A_587 = arith.index_cast %mul3A_580 : i32 to index
          %get3A_588 = tpu.vector_load %arg6[%get3A_587] {strides = array<i32>} : memref<32912xi32, #tpu.memory_space<vmem>>, vector<16xi32>,
          %add3A_589 = vector.broadcast %mul3A_562 : i32 to vector<16xi32>
          %add3A_590 = arith.addi %add3A_589, %iota3A : vector<16xi32>
          %lt3A = vector.broadcast %reduce_max3A_377 : i32 to vector<16xi32>
          %lt3A_591 = arith.cmpi slt, %add3A_590, %lt3A : vector<16xi32>
          %shift_right_logical3A = arith.constant 5 : i32
          %shift_right_logical3A_592 = vector.broadcast %shift_right_logical3A : i32 to vector<16xi32>
          %shift_right_logical3A_593 = arith.shrui %get3A_582, %shift_right_logical3A_592 : vector<16xi32>
          %add3A_594 = arith.addi %mul3A_3, %shift_right_logical3A_593 : vector<16xi32>
          tpu.vector_store_idx %arg7[%add3A_594], %broadcast_in_dim3A_4 masked %lt3A_591 {add = true} : memref<16384xi32, #tpu.memory_space<vmem>>[vector<16xi32>], vector<16xi32>, vector<16xi1>
          %add3A_595 = vector.broadcast %mul3A_568 : i32 to vector<16xi32>
          %add3A_596 = arith.addi %add3A_595, %iota3A : vector<16xi32>
          %lt3A_597 = vector.broadcast %reduce_max3A_377 : i32 to vector<16xi32>
          %lt3A_598 = arith.cmpi slt, %add3A_596, %lt3A_597 : vector<16xi32>
          %shift_right_logical3A_599 = arith.constant 5 : i32
          %shift_right_logical3A_600 = vector.broadcast %shift_right_logical3A_599 : i32 to vector<16xi32>
          %shift_right_logical3A_601 = arith.shrui %get3A_584, %shift_right_logical3A_600 : vector<16xi32>
          %add3A_602 = arith.addi %mul3A_3, %shift_right_logical3A_601 : vector<16xi32>
          tpu.vector_store_idx %arg7[%add3A_602], %broadcast_in_dim3A_4 masked %lt3A_598 {add = true} : memref<16384xi32, #tpu.memory_space<vmem>>[vector<16xi32>], vector<16xi32>, vector<16xi1>
          %add3A_603 = vector.broadcast %mul3A_574 : i32 to vector<16xi32>
          %add3A_604 = arith.addi %add3A_603, %iota3A : vector<16xi32>
          %lt3A_605 = vector.broadcast %reduce_max3A_377 : i32 to vector<16xi32>
          %lt3A_606 = arith.cmpi slt, %add3A_604, %lt3A_605 : vector<16xi32>
          %shift_right_logical3A_607 = arith.constant 5 : i32
          %shift_right_logical3A_608 = vector.broadcast %shift_right_logical3A_607 : i32 to vector<16xi32>
          %shift_right_logical3A_609 = arith.shrui %get3A_586, %shift_right_logical3A_608 : vector<16xi32>
          %add3A_610 = arith.addi %mul3A_3, %shift_right_logical3A_609 : vector<16xi32>
          tpu.vector_store_idx %arg7[%add3A_610], %broadcast_in_dim3A_4 masked %lt3A_606 {add = true} : memref<16384xi32, #tpu.memory_space<vmem>>[vector<16xi32>], vector<16xi32>, vector<16xi1>
          %add3A_611 = vector.broadcast %mul3A_580 : i32 to vector<16xi32>
          %add3A_612 = arith.addi %add3A_611, %iota3A : vector<16xi32>
          %lt3A_613 = vector.broadcast %reduce_max3A_377 : i32 to vector<16xi32>
          %lt3A_614 = arith.cmpi slt, %add3A_612, %lt3A_613 : vector<16xi32>
          %shift_right_logical3A_615 = arith.constant 5 : i32
          %shift_right_logical3A_616 = vector.broadcast %shift_right_logical3A_615 : i32 to vector<16xi32>
          %shift_right_logical3A_617 = arith.shrui %get3A_588, %shift_right_logical3A_616 : vector<16xi32>
          %add3A_618 = arith.addi %mul3A_3, %shift_right_logical3A_617 : vector<16xi32>
          tpu.vector_store_idx %arg7[%add3A_618], %broadcast_in_dim3A_4 masked %lt3A_614 {add = true} : memref<16384xi32, #tpu.memory_space<vmem>>[vector<16xi32>], vector<16xi32>, vector<16xi1>
        }
        %scan3A_416 = arith.constant 0 : i32
        %scan3A_417 = arith.constant 0 : i32
        %scan3A_418 = arith.constant 64 : i32
        %scan3A_419 = arith.addi %scan3A_417, %scan3A_418 : i32
        %scan3A_420 = arith.constant 1 : i32
        scf.for %scan3A_556 = %scan3A_417 to %scan3A_419 step %scan3A_420  : i32 {
          %mul3A_557 = arith.constant 16 : i32
          %mul3A_558 = arith.muli %scan3A_556, %mul3A_557 : i32
          %add3A_559 = arith.constant 0 : i32
          %add3A_560 = arith.addi %add3A_559, %mul3A_558 : i32
          %get3A_561 = arith.index_cast %add3A_560 : i32 to index
          %get3A_562 = tpu.vector_load %arg7[%get3A_561] {strides = array<i32>} : memref<16384xi32, #tpu.memory_space<vmem>>, vector<16xi32>,
          %add3A_563 = arith.addi %broadcast_in_dim3A_6, %get3A_562 : vector<16xi32>
          %swap3A = arith.index_cast %add3A_560 : i32 to index
          %swap3A_564 = tpu.vector_load %arg7[%swap3A] {strides = array<i32>} : memref<16384xi32, #tpu.memory_space<vmem>>, vector<16xi32>,
          tpu.vector_store %arg7[%swap3A], %broadcast_in_dim3A_6 {strides = array<i32>} : memref<16384xi32, #tpu.memory_space<vmem>>, vector<16xi32>,
          %mul3A_565 = arith.constant 16 : i32
          %mul3A_566 = arith.muli %scan3A_556, %mul3A_565 : i32
          %add3A_567 = arith.constant 1024 : i32
          %add3A_568 = arith.addi %add3A_567, %mul3A_566 : i32
          %get3A_569 = arith.index_cast %add3A_568 : i32 to index
          %get3A_570 = tpu.vector_load %arg7[%get3A_569] {strides = array<i32>} : memref<16384xi32, #tpu.memory_space<vmem>>, vector<16xi32>,
          %add3A_571 = arith.addi %add3A_563, %get3A_570 : vector<16xi32>
          %swap3A_572 = arith.index_cast %add3A_568 : i32 to index
          %swap3A_573 = tpu.vector_load %arg7[%swap3A_572] {strides = array<i32>} : memref<16384xi32, #tpu.memory_space<vmem>>, vector<16xi32>,
          tpu.vector_store %arg7[%swap3A_572], %broadcast_in_dim3A_6 {strides = array<i32>} : memref<16384xi32, #tpu.memory_space<vmem>>, vector<16xi32>,
          %mul3A_574 = arith.constant 16 : i32
          %mul3A_575 = arith.muli %scan3A_556, %mul3A_574 : i32
          %add3A_576 = arith.constant 2048 : i32
          %add3A_577 = arith.addi %add3A_576, %mul3A_575 : i32
          %get3A_578 = arith.index_cast %add3A_577 : i32 to index
          %get3A_579 = tpu.vector_load %arg7[%get3A_578] {strides = array<i32>} : memref<16384xi32, #tpu.memory_space<vmem>>, vector<16xi32>,
          %add3A_580 = arith.addi %add3A_571, %get3A_579 : vector<16xi32>
          %swap3A_581 = arith.index_cast %add3A_577 : i32 to index
          %swap3A_582 = tpu.vector_load %arg7[%swap3A_581] {strides = array<i32>} : memref<16384xi32, #tpu.memory_space<vmem>>, vector<16xi32>,
          tpu.vector_store %arg7[%swap3A_581], %broadcast_in_dim3A_6 {strides = array<i32>} : memref<16384xi32, #tpu.memory_space<vmem>>, vector<16xi32>,
          %mul3A_583 = arith.constant 16 : i32
          %mul3A_584 = arith.muli %scan3A_556, %mul3A_583 : i32
          %add3A_585 = arith.constant 3072 : i32
          %add3A_586 = arith.addi %add3A_585, %mul3A_584 : i32
          %get3A_587 = arith.index_cast %add3A_586 : i32 to index
          %get3A_588 = tpu.vector_load %arg7[%get3A_587] {strides = array<i32>} : memref<16384xi32, #tpu.memory_space<vmem>>, vector<16xi32>,
          %add3A_589 = arith.addi %add3A_580, %get3A_588 : vector<16xi32>
          %swap3A_590 = arith.index_cast %add3A_586 : i32 to index
          %swap3A_591 = tpu.vector_load %arg7[%swap3A_590] {strides = array<i32>} : memref<16384xi32, #tpu.memory_space<vmem>>, vector<16xi32>,
          tpu.vector_store %arg7[%swap3A_590], %broadcast_in_dim3A_6 {strides = array<i32>} : memref<16384xi32, #tpu.memory_space<vmem>>, vector<16xi32>,
          %mul3A_592 = arith.constant 16 : i32
          %mul3A_593 = arith.muli %scan3A_556, %mul3A_592 : i32
          %add3A_594 = arith.constant 4096 : i32
          %add3A_595 = arith.addi %add3A_594, %mul3A_593 : i32
          %get3A_596 = arith.index_cast %add3A_595 : i32 to index
          %get3A_597 = tpu.vector_load %arg7[%get3A_596] {strides = array<i32>} : memref<16384xi32, #tpu.memory_space<vmem>>, vector<16xi32>,
          %add3A_598 = arith.addi %add3A_589, %get3A_597 : vector<16xi32>
          %swap3A_599 = arith.index_cast %add3A_595 : i32 to index
          %swap3A_600 = tpu.vector_load %arg7[%swap3A_599] {strides = array<i32>} : memref<16384xi32, #tpu.memory_space<vmem>>, vector<16xi32>,
          tpu.vector_store %arg7[%swap3A_599], %broadcast_in_dim3A_6 {strides = array<i32>} : memref<16384xi32, #tpu.memory_space<vmem>>, vector<16xi32>,
          %mul3A_601 = arith.constant 16 : i32
          %mul3A_602 = arith.muli %scan3A_556, %mul3A_601 : i32
          %add3A_603 = arith.constant 5120 : i32
          %add3A_604 = arith.addi %add3A_603, %mul3A_602 : i32
          %get3A_605 = arith.index_cast %add3A_604 : i32 to index
          %get3A_606 = tpu.vector_load %arg7[%get3A_605] {strides = array<i32>} : memref<16384xi32, #tpu.memory_space<vmem>>, vector<16xi32>,
          %add3A_607 = arith.addi %add3A_598, %get3A_606 : vector<16xi32>
          %swap3A_608 = arith.index_cast %add3A_604 : i32 to index
          %swap3A_609 = tpu.vector_load %arg7[%swap3A_608] {strides = array<i32>} : memref<16384xi32, #tpu.memory_space<vmem>>, vector<16xi32>,
          tpu.vector_store %arg7[%swap3A_608], %broadcast_in_dim3A_6 {strides = array<i32>} : memref<16384xi32, #tpu.memory_space<vmem>>, vector<16xi32>,
          %mul3A_610 = arith.constant 16 : i32
          %mul3A_611 = arith.muli %scan3A_556, %mul3A_610 : i32
          %add3A_612 = arith.constant 6144 : i32
          %add3A_613 = arith.addi %add3A_612, %mul3A_611 : i32
          %get3A_614 = arith.index_cast %add3A_613 : i32 to index
          %get3A_615 = tpu.vector_load %arg7[%get3A_614] {strides = array<i32>} : memref<16384xi32, #tpu.memory_space<vmem>>, vector<16xi32>,
          %add3A_616 = arith.addi %add3A_607, %get3A_615 : vector<16xi32>
          %swap3A_617 = arith.index_cast %add3A_613 : i32 to index
          %swap3A_618 = tpu.vector_load %arg7[%swap3A_617] {strides = array<i32>} : memref<16384xi32, #tpu.memory_space<vmem>>, vector<16xi32>,
          tpu.vector_store %arg7[%swap3A_617], %broadcast_in_dim3A_6 {strides = array<i32>} : memref<16384xi32, #tpu.memory_space<vmem>>, vector<16xi32>,
          %mul3A_619 = arith.constant 16 : i32
          %mul3A_620 = arith.muli %scan3A_556, %mul3A_619 : i32
          %add3A_621 = arith.constant 7168 : i32
          %add3A_622 = arith.addi %add3A_621, %mul3A_620 : i32
          %get3A_623 = arith.index_cast %add3A_622 : i32 to index
          %get3A_624 = tpu.vector_load %arg7[%get3A_623] {strides = array<i32>} : memref<16384xi32, #tpu.memory_space<vmem>>, vector<16xi32>,
          %add3A_625 = arith.addi %add3A_616, %get3A_624 : vector<16xi32>
          %swap3A_626 = arith.index_cast %add3A_622 : i32 to index
          %swap3A_627 = tpu.vector_load %arg7[%swap3A_626] {strides = array<i32>} : memref<16384xi32, #tpu.memory_space<vmem>>, vector<16xi32>,
          tpu.vector_store %arg7[%swap3A_626], %broadcast_in_dim3A_6 {strides = array<i32>} : memref<16384xi32, #tpu.memory_space<vmem>>, vector<16xi32>,
          %mul3A_628 = arith.constant 16 : i32
          %mul3A_629 = arith.muli %scan3A_556, %mul3A_628 : i32
          %add3A_630 = arith.constant 8192 : i32
          %add3A_631 = arith.addi %add3A_630, %mul3A_629 : i32
          %get3A_632 = arith.index_cast %add3A_631 : i32 to index
          %get3A_633 = tpu.vector_load %arg7[%get3A_632] {strides = array<i32>} : memref<16384xi32, #tpu.memory_space<vmem>>, vector<16xi32>,
          %add3A_634 = arith.addi %add3A_625, %get3A_633 : vector<16xi32>
          %swap3A_635 = arith.index_cast %add3A_631 : i32 to index
          %swap3A_636 = tpu.vector_load %arg7[%swap3A_635] {strides = array<i32>} : memref<16384xi32, #tpu.memory_space<vmem>>, vector<16xi32>,
          tpu.vector_store %arg7[%swap3A_635], %broadcast_in_dim3A_6 {strides = array<i32>} : memref<16384xi32, #tpu.memory_space<vmem>>, vector<16xi32>,
          %mul3A_637 = arith.constant 16 : i32
          %mul3A_638 = arith.muli %scan3A_556, %mul3A_637 : i32
          %add3A_639 = arith.constant 9216 : i32
          %add3A_640 = arith.addi %add3A_639, %mul3A_638 : i32
          %get3A_641 = arith.index_cast %add3A_640 : i32 to index
          %get3A_642 = tpu.vector_load %arg7[%get3A_641] {strides = array<i32>} : memref<16384xi32, #tpu.memory_space<vmem>>, vector<16xi32>,
          %add3A_643 = arith.addi %add3A_634, %get3A_642 : vector<16xi32>
          %swap3A_644 = arith.index_cast %add3A_640 : i32 to index
          %swap3A_645 = tpu.vector_load %arg7[%swap3A_644] {strides = array<i32>} : memref<16384xi32, #tpu.memory_space<vmem>>, vector<16xi32>,
          tpu.vector_store %arg7[%swap3A_644], %broadcast_in_dim3A_6 {strides = array<i32>} : memref<16384xi32, #tpu.memory_space<vmem>>, vector<16xi32>,
          %mul3A_646 = arith.constant 16 : i32
          %mul3A_647 = arith.muli %scan3A_556, %mul3A_646 : i32
          %add3A_648 = arith.constant 10240 : i32
          %add3A_649 = arith.addi %add3A_648, %mul3A_647 : i32
          %get3A_650 = arith.index_cast %add3A_649 : i32 to index
          %get3A_651 = tpu.vector_load %arg7[%get3A_650] {strides = array<i32>} : memref<16384xi32, #tpu.memory_space<vmem>>, vector<16xi32>,
          %add3A_652 = arith.addi %add3A_643, %get3A_651 : vector<16xi32>
          %swap3A_653 = arith.index_cast %add3A_649 : i32 to index
          %swap3A_654 = tpu.vector_load %arg7[%swap3A_653] {strides = array<i32>} : memref<16384xi32, #tpu.memory_space<vmem>>, vector<16xi32>,
          tpu.vector_store %arg7[%swap3A_653], %broadcast_in_dim3A_6 {strides = array<i32>} : memref<16384xi32, #tpu.memory_space<vmem>>, vector<16xi32>,
          %mul3A_655 = arith.constant 16 : i32
          %mul3A_656 = arith.muli %scan3A_556, %mul3A_655 : i32
          %add3A_657 = arith.constant 11264 : i32
          %add3A_658 = arith.addi %add3A_657, %mul3A_656 : i32
          %get3A_659 = arith.index_cast %add3A_658 : i32 to index
          %get3A_660 = tpu.vector_load %arg7[%get3A_659] {strides = array<i32>} : memref<16384xi32, #tpu.memory_space<vmem>>, vector<16xi32>,
          %add3A_661 = arith.addi %add3A_652, %get3A_660 : vector<16xi32>
          %swap3A_662 = arith.index_cast %add3A_658 : i32 to index
          %swap3A_663 = tpu.vector_load %arg7[%swap3A_662] {strides = array<i32>} : memref<16384xi32, #tpu.memory_space<vmem>>, vector<16xi32>,
          tpu.vector_store %arg7[%swap3A_662], %broadcast_in_dim3A_6 {strides = array<i32>} : memref<16384xi32, #tpu.memory_space<vmem>>, vector<16xi32>,
          %mul3A_664 = arith.constant 16 : i32
          %mul3A_665 = arith.muli %scan3A_556, %mul3A_664 : i32
          %add3A_666 = arith.constant 12288 : i32
          %add3A_667 = arith.addi %add3A_666, %mul3A_665 : i32
          %get3A_668 = arith.index_cast %add3A_667 : i32 to index
          %get3A_669 = tpu.vector_load %arg7[%get3A_668] {strides = array<i32>} : memref<16384xi32, #tpu.memory_space<vmem>>, vector<16xi32>,
          %add3A_670 = arith.addi %add3A_661, %get3A_669 : vector<16xi32>
          %swap3A_671 = arith.index_cast %add3A_667 : i32 to index
          %swap3A_672 = tpu.vector_load %arg7[%swap3A_671] {strides = array<i32>} : memref<16384xi32, #tpu.memory_space<vmem>>, vector<16xi32>,
          tpu.vector_store %arg7[%swap3A_671], %broadcast_in_dim3A_6 {strides = array<i32>} : memref<16384xi32, #tpu.memory_space<vmem>>, vector<16xi32>,
          %mul3A_673 = arith.constant 16 : i32
          %mul3A_674 = arith.muli %scan3A_556, %mul3A_673 : i32
          %add3A_675 = arith.constant 13312 : i32
          %add3A_676 = arith.addi %add3A_675, %mul3A_674 : i32
          %get3A_677 = arith.index_cast %add3A_676 : i32 to index
          %get3A_678 = tpu.vector_load %arg7[%get3A_677] {strides = array<i32>} : memref<16384xi32, #tpu.memory_space<vmem>>, vector<16xi32>,
          %add3A_679 = arith.addi %add3A_670, %get3A_678 : vector<16xi32>
          %swap3A_680 = arith.index_cast %add3A_676 : i32 to index
          %swap3A_681 = tpu.vector_load %arg7[%swap3A_680] {strides = array<i32>} : memref<16384xi32, #tpu.memory_space<vmem>>, vector<16xi32>,
          tpu.vector_store %arg7[%swap3A_680], %broadcast_in_dim3A_6 {strides = array<i32>} : memref<16384xi32, #tpu.memory_space<vmem>>, vector<16xi32>,
          %mul3A_682 = arith.constant 16 : i32
          %mul3A_683 = arith.muli %scan3A_556, %mul3A_682 : i32
          %add3A_684 = arith.constant 14336 : i32
          %add3A_685 = arith.addi %add3A_684, %mul3A_683 : i32
          %get3A_686 = arith.index_cast %add3A_685 : i32 to index
          %get3A_687 = tpu.vector_load %arg7[%get3A_686] {strides = array<i32>} : memref<16384xi32, #tpu.memory_space<vmem>>, vector<16xi32>,
          %add3A_688 = arith.addi %add3A_679, %get3A_687 : vector<16xi32>
          %swap3A_689 = arith.index_cast %add3A_685 : i32 to index
          %swap3A_690 = tpu.vector_load %arg7[%swap3A_689] {strides = array<i32>} : memref<16384xi32, #tpu.memory_space<vmem>>, vector<16xi32>,
          tpu.vector_store %arg7[%swap3A_689], %broadcast_in_dim3A_6 {strides = array<i32>} : memref<16384xi32, #tpu.memory_space<vmem>>, vector<16xi32>,
          %mul3A_691 = arith.constant 16 : i32
          %mul3A_692 = arith.muli %scan3A_556, %mul3A_691 : i32
          %add3A_693 = arith.constant 15360 : i32
          %add3A_694 = arith.addi %add3A_693, %mul3A_692 : i32
          %get3A_695 = arith.index_cast %add3A_694 : i32 to index
          %get3A_696 = tpu.vector_load %arg7[%get3A_695] {strides = array<i32>} : memref<16384xi32, #tpu.memory_space<vmem>>, vector<16xi32>,
          %add3A_697 = arith.addi %add3A_688, %get3A_696 : vector<16xi32>
          %swap3A_698 = arith.index_cast %add3A_694 : i32 to index
          %swap3A_699 = tpu.vector_load %arg7[%swap3A_698] {strides = array<i32>} : memref<16384xi32, #tpu.memory_space<vmem>>, vector<16xi32>,
          tpu.vector_store %arg7[%swap3A_698], %broadcast_in_dim3A_6 {strides = array<i32>} : memref<16384xi32, #tpu.memory_space<vmem>>, vector<16xi32>,
          %mul3A_700 = arith.constant 16 : i32
          %mul3A_701 = arith.muli %scan3A_556, %mul3A_700 : i32
          %swap3A_702 = arith.index_cast %mul3A_701 : i32 to index
          %swap3A_703 = tpu.vector_load %arg8[%swap3A_702] {strides = array<i32>} : memref<1024xi32, #tpu.memory_space<vmem>>, vector<16xi32>,
          tpu.vector_store %arg8[%swap3A_702], %add3A_697 {strides = array<i32>} : memref<1024xi32, #tpu.memory_space<vmem>>, vector<16xi32>,
          %reduce_sum3A_704 = arith.constant true
          %reduce_sum3A_705 = vector.broadcast %reduce_sum3A_704 : i1 to vector<16xi1>
          %reduce_sum3A_706 = tpu.scan <sum>, %add3A_697 masked %reduce_sum3A_705 : vector<16xi32>, vector<16xi1> -> vector<16xi32>
          %reduce_sum3A_707 = vector.extract %reduce_sum3A_706[15] : i32 from vector<16xi32>
          %swap3A_708 = arith.index_cast %scan3A_556 : i32 to index
          %swap3A_709 = memref.load %arg9[%swap3A_708] : memref<64xi32, #tpu.memory_space<smem>>
          memref.store %reduce_sum3A_707, %arg9[%swap3A_708] : memref<64xi32, #tpu.memory_space<smem>>
        }
        %scan3A_421 = arith.constant 64 : i32
        %scan3A_422 = arith.constant 0 : i32
        %scan3A_423 = arith.constant 0 : i32
        %scan3A_424 = arith.constant 0 : i32
        %scan3A_425 = arith.constant 0 : i32
        %scan3A_426 = arith.constant 0 : i32
        %scan3A_427 = arith.constant 64 : i32
        %scan3A_428 = arith.addi %scan3A_426, %scan3A_427 : i32
        %scan3A_429 = arith.constant 1 : i32
        %scan3A_430:4 = scf.for %scan3A_556 = %scan3A_426 to %scan3A_428 step %scan3A_429 iter_args(%scan3A_557 = %scan3A_422, %scan3A_558 = %scan3A_423, %scan3A_559 = %scan3A_424, %scan3A_560 = %scan3A_425) -> (i32, i32, i32, i32)  : i32 {
          %get3A_561 = arith.index_cast %scan3A_556 : i32 to index
          %get3A_562 = memref.load %arg9[%get3A_561] : memref<64xi32, #tpu.memory_space<smem>>
          %eq3A_563 = arith.constant 0 : i32
          %eq3A_564 = arith.cmpi eq, %scan3A_560, %eq3A_563 : i32
          %add3A_565 = arith.addi %scan3A_557, %get3A_562 : i32
          %ge3A_566 = arith.cmpi sge, %add3A_565, %sub3A_326 : i32
          %and3A_567 = arith.andi %eq3A_564, %ge3A_566 : i1
          %select_n3A_568 = arith.select %and3A_567, %scan3A_556, %scan3A_558 : i32
          %select_n3A_569 = arith.select %and3A_567, %scan3A_557, %scan3A_559 : i32
          %jit3A_570 = arith.constant 1 : i32
          %select_n3A_571 = arith.select %and3A_567, %jit3A_570, %scan3A_560 : i32
          %add3A_572 = arith.addi %scan3A_557, %get3A_562 : i32
          scf.yield %add3A_572, %select_n3A_568, %select_n3A_569, %select_n3A_571 : i32, i32, i32, i32
        }
        %scan3A_431 = arith.constant 64 : i32
        %mul3A_432 = arith.constant 16 : i32
        %mul3A_433 = arith.muli %scan3A_430#1, %mul3A_432 : i32
        %get3A_434 = arith.index_cast %mul3A_433 : i32 to index
        %get3A_435 = tpu.vector_load %arg8[%get3A_434] {strides = array<i32>} : memref<1024xi32, #tpu.memory_space<vmem>>, vector<16xi32>,
        %broadcast_in_dim3A_436 = arith.constant true
        %broadcast_in_dim3A_437 = vector.broadcast %broadcast_in_dim3A_436 : i1 to vector<16xi1>
        %masked_cumsum3A_438 = tpu.scan <sum>, %get3A_435 masked %broadcast_in_dim3A_437 : vector<16xi32>, vector<16xi1> -> vector<16xi32>
        %add3A_439 = vector.broadcast %scan3A_430#2 : i32 to vector<16xi32>
        %add3A_440 = arith.addi %masked_cumsum3A_438, %add3A_439 : vector<16xi32>
        %ge3A_441 = vector.broadcast %sub3A_326 : i32 to vector<16xi32>
        %ge3A_442 = arith.cmpi sge, %add3A_440, %ge3A_441 : vector<16xi32>
        %all_reduce_ffs3A_443 = tpu.all_reduce %ge3A_442 {dim = 0 : i64, kind = #tpu.reduction_kind<find_first_set>} : vector<16xi1> -> vector<16xi32>
        %reduce_max3A_444 = arith.constant true
        %reduce_max3A_445 = vector.broadcast %reduce_max3A_444 : i1 to vector<16xi1>
        %reduce_max3A_446 = arith.constant -2147483648 : i32
        %reduce_max3A_447 = vector.broadcast %reduce_max3A_446 : i32 to vector<16xi32>
        %reduce_max3A_448 = arith.xori %all_reduce_ffs3A_443, %reduce_max3A_447 : vector<16xi32>
        %reduce_max3A_449 = tpu.scan <max>, %reduce_max3A_448 masked %reduce_max3A_445 : vector<16xi32>, vector<16xi1> -> vector<16xi32>
        %reduce_max3A_450 = arith.xori %reduce_max3A_449, %reduce_max3A_447 : vector<16xi32>
        %reduce_max3A_451 = vector.extract %reduce_max3A_450[15] : i32 from vector<16xi32>
        %eq3A_452 = vector.broadcast %reduce_max3A_451 : i32 to vector<16xi32>
        %eq3A_453 = arith.cmpi eq, %iota3A, %eq3A_452 : vector<16xi32>
        %sub3A_454 = arith.subi %add3A_440, %get3A_435 : vector<16xi32>
        %jit3A_455 = arith.constant 0 : i32
        %broadcast_in_dim3A_456 = vector.broadcast %jit3A_455 : i32 to vector<16xi32>
        %select_n3A_457 = arith.select %eq3A_453, %sub3A_454, %broadcast_in_dim3A_456 : vector<16xi1>, vector<16xi32>
        %reduce_sum3A_458 = arith.constant true
        %reduce_sum3A_459 = vector.broadcast %reduce_sum3A_458 : i1 to vector<16xi1>
        %reduce_sum3A_460 = tpu.scan <sum>, %select_n3A_457 masked %reduce_sum3A_459 : vector<16xi32>, vector<16xi1> -> vector<16xi32>
        %reduce_sum3A_461 = vector.extract %reduce_sum3A_460[15] : i32 from vector<16xi32>
        %mul3A_462 = arith.constant 16 : i32
        %mul3A_463 = arith.muli %scan3A_430#1, %mul3A_462 : i32
        %add3A_464 = arith.addi %mul3A_463, %reduce_max3A_451 : i32
        %sub3A_465 = arith.subi %sub3A_326, %reduce_sum3A_461 : i32
        %add3A_466 = arith.constant 64 : i32
        %add3A_467 = arith.addi %reduce_max3A_377, %add3A_466 : i32
        %sub3A_468 = arith.constant 1 : i32
        %sub3A_469 = arith.subi %add3A_467, %sub3A_468 : i32
        %jit3A_470 = arith.constant 64 : i32
        %div3A_471 = arith.divsi %sub3A_469, %jit3A_470 : i32
        %sign3A_472 = arith.constant 0 : i32
        %sign3A_473 = arith.cmpi sgt, %sub3A_469, %sign3A_472 : i32
        %sign3A_474 = arith.extui %sign3A_473 : i1 to i32
        %sign3A_475 = arith.constant 0 : i32
        %sign3A_476 = arith.cmpi slt, %sub3A_469, %sign3A_475 : i32
        %sign3A_477 = arith.extui %sign3A_476 : i1 to i32
        %sign3A_478 = arith.subi %sign3A_474, %sign3A_477 : i32
        %sign3A_479 = arith.constant 0 : i32
        %sign3A_480 = arith.cmpi sgt, %jit3A_470, %sign3A_479 : i32
        %sign3A_481 = arith.extui %sign3A_480 : i1 to i32
        %sign3A_482 = arith.constant 0 : i32
        %sign3A_483 = arith.cmpi slt, %jit3A_470, %sign3A_482 : i32
        %sign3A_484 = arith.extui %sign3A_483 : i1 to i32
        %sign3A_485 = arith.subi %sign3A_481, %sign3A_484 : i32
        %ne3A_486 = arith.cmpi ne, %sign3A_478, %sign3A_485 : i32
        %rem3A_487 = arith.remsi %sub3A_469, %jit3A_470 : i32
        %ne3A_488 = arith.constant 0 : i32
        %ne3A_489 = arith.cmpi ne, %rem3A_487, %ne3A_488 : i32
        %and3A_490 = arith.andi %ne3A_486, %ne3A_489 : i1
        %sub3A_491 = arith.constant 1 : i32
        %sub3A_492 = arith.subi %div3A_471, %sub3A_491 : i32
        %select_n3A_493 = arith.select %and3A_490, %sub3A_492, %div3A_471 : i32
        %while3A_494 = arith.constant 0 : i32
        %while3A_495 = arith.constant 0 : i32
        %while3A_496 = arith.subi %select_n3A_493, %while3A_495 : i32
        %while3A_497 = arith.addi %while3A_495, %while3A_496 : i32
        %while3A_498 = arith.constant 1 : i32
        %while3A_499 = arith.divsi %while3A_496, %while3A_498 : i32
        %while3A_500 = arith.muli %while3A_499, %while3A_498 : i32
        %while3A_501 = arith.addi %while3A_495, %while3A_500 : i32
        %while3A_502 = arith.constant 1 : i32
        scf.for %while3A_556 = %while3A_495 to %while3A_501 step %while3A_502  : i32 {
          %mul3A_557 = arith.constant 4 : i32
          %mul3A_558 = arith.muli %while3A_556, %mul3A_557 : i32
          %add3A_559 = arith.constant 0 : i32
          %add3A_560 = arith.addi %mul3A_558, %add3A_559 : i32
          %mul3A_561 = arith.constant 16 : i32
          %mul3A_562 = arith.muli %add3A_560, %mul3A_561 : i32
          %mul3A_563 = arith.constant 4 : i32
          %mul3A_564 = arith.muli %while3A_556, %mul3A_563 : i32
          %add3A_565 = arith.constant 1 : i32
          %add3A_566 = arith.addi %mul3A_564, %add3A_565 : i32
          %mul3A_567 = arith.constant 16 : i32
          %mul3A_568 = arith.muli %add3A_566, %mul3A_567 : i32
          %mul3A_569 = arith.constant 4 : i32
          %mul3A_570 = arith.muli %while3A_556, %mul3A_569 : i32
          %add3A_571 = arith.constant 2 : i32
          %add3A_572 = arith.addi %mul3A_570, %add3A_571 : i32
          %mul3A_573 = arith.constant 16 : i32
          %mul3A_574 = arith.muli %add3A_572, %mul3A_573 : i32
          %mul3A_575 = arith.constant 4 : i32
          %mul3A_576 = arith.muli %while3A_556, %mul3A_575 : i32
          %add3A_577 = arith.constant 3 : i32
          %add3A_578 = arith.addi %mul3A_576, %add3A_577 : i32
          %mul3A_579 = arith.constant 16 : i32
          %mul3A_580 = arith.muli %add3A_578, %mul3A_579 : i32
          %get3A_581 = arith.index_cast %mul3A_562 : i32 to index
          %get3A_582 = tpu.vector_load %arg6[%get3A_581] {strides = array<i32>} : memref<32912xi32, #tpu.memory_space<vmem>>, vector<16xi32>,
          %get3A_583 = arith.index_cast %mul3A_568 : i32 to index
          %get3A_584 = tpu.vector_load %arg6[%get3A_583] {strides = array<i32>} : memref<32912xi32, #tpu.memory_space<vmem>>, vector<16xi32>,
          %get3A_585 = arith.index_cast %mul3A_574 : i32 to index
          %get3A_586 = tpu.vector_load %arg6[%get3A_585] {strides = array<i32>} : memref<32912xi32, #tpu.memory_space<vmem>>, vector<16xi32>,
          %get3A_587 = arith.index_cast %mul3A_580 : i32 to index
          %get3A_588 = tpu.vector_load %arg6[%get3A_587] {strides = array<i32>} : memref<32912xi32, #tpu.memory_space<vmem>>, vector<16xi32>,
          %add3A_589 = vector.broadcast %mul3A_562 : i32 to vector<16xi32>
          %add3A_590 = arith.addi %add3A_589, %iota3A : vector<16xi32>
          %lt3A = vector.broadcast %reduce_max3A_377 : i32 to vector<16xi32>
          %lt3A_591 = arith.cmpi slt, %add3A_590, %lt3A : vector<16xi32>
          %shift_right_logical3A = arith.constant 5 : i32
          %shift_right_logical3A_592 = vector.broadcast %shift_right_logical3A : i32 to vector<16xi32>
          %shift_right_logical3A_593 = arith.shrui %get3A_582, %shift_right_logical3A_592 : vector<16xi32>
          %eq3A_594 = vector.broadcast %add3A_464 : i32 to vector<16xi32>
          %eq3A_595 = arith.cmpi eq, %shift_right_logical3A_593, %eq3A_594 : vector<16xi32>
          %and3A_596 = arith.andi %lt3A_591, %eq3A_595 : vector<16xi1>
          %and3A_597 = arith.constant 31 : i32
          %and3A_598 = vector.broadcast %and3A_597 : i32 to vector<16xi32>
          %and3A_599 = arith.andi %get3A_582, %and3A_598 : vector<16xi32>
          %add3A_600 = arith.addi %mul3A_3, %and3A_599 : vector<16xi32>
          tpu.vector_store_idx %arg7[%add3A_600], %broadcast_in_dim3A_4 masked %and3A_596 {add = true} : memref<16384xi32, #tpu.memory_space<vmem>>[vector<16xi32>], vector<16xi32>, vector<16xi1>
          %add3A_601 = vector.broadcast %mul3A_568 : i32 to vector<16xi32>
          %add3A_602 = arith.addi %add3A_601, %iota3A : vector<16xi32>
          %lt3A_603 = vector.broadcast %reduce_max3A_377 : i32 to vector<16xi32>
          %lt3A_604 = arith.cmpi slt, %add3A_602, %lt3A_603 : vector<16xi32>
          %shift_right_logical3A_605 = arith.constant 5 : i32
          %shift_right_logical3A_606 = vector.broadcast %shift_right_logical3A_605 : i32 to vector<16xi32>
          %shift_right_logical3A_607 = arith.shrui %get3A_584, %shift_right_logical3A_606 : vector<16xi32>
          %eq3A_608 = vector.broadcast %add3A_464 : i32 to vector<16xi32>
          %eq3A_609 = arith.cmpi eq, %shift_right_logical3A_607, %eq3A_608 : vector<16xi32>
          %and3A_610 = arith.andi %lt3A_604, %eq3A_609 : vector<16xi1>
          %and3A_611 = arith.constant 31 : i32
          %and3A_612 = vector.broadcast %and3A_611 : i32 to vector<16xi32>
          %and3A_613 = arith.andi %get3A_584, %and3A_612 : vector<16xi32>
          %add3A_614 = arith.addi %mul3A_3, %and3A_613 : vector<16xi32>
          tpu.vector_store_idx %arg7[%add3A_614], %broadcast_in_dim3A_4 masked %and3A_610 {add = true} : memref<16384xi32, #tpu.memory_space<vmem>>[vector<16xi32>], vector<16xi32>, vector<16xi1>
          %add3A_615 = vector.broadcast %mul3A_574 : i32 to vector<16xi32>
          %add3A_616 = arith.addi %add3A_615, %iota3A : vector<16xi32>
          %lt3A_617 = vector.broadcast %reduce_max3A_377 : i32 to vector<16xi32>
          %lt3A_618 = arith.cmpi slt, %add3A_616, %lt3A_617 : vector<16xi32>
          %shift_right_logical3A_619 = arith.constant 5 : i32
          %shift_right_logical3A_620 = vector.broadcast %shift_right_logical3A_619 : i32 to vector<16xi32>
          %shift_right_logical3A_621 = arith.shrui %get3A_586, %shift_right_logical3A_620 : vector<16xi32>
          %eq3A_622 = vector.broadcast %add3A_464 : i32 to vector<16xi32>
          %eq3A_623 = arith.cmpi eq, %shift_right_logical3A_621, %eq3A_622 : vector<16xi32>
          %and3A_624 = arith.andi %lt3A_618, %eq3A_623 : vector<16xi1>
          %and3A_625 = arith.constant 31 : i32
          %and3A_626 = vector.broadcast %and3A_625 : i32 to vector<16xi32>
          %and3A_627 = arith.andi %get3A_586, %and3A_626 : vector<16xi32>
          %add3A_628 = arith.addi %mul3A_3, %and3A_627 : vector<16xi32>
          tpu.vector_store_idx %arg7[%add3A_628], %broadcast_in_dim3A_4 masked %and3A_624 {add = true} : memref<16384xi32, #tpu.memory_space<vmem>>[vector<16xi32>], vector<16xi32>, vector<16xi1>
          %add3A_629 = vector.broadcast %mul3A_580 : i32 to vector<16xi32>
          %add3A_630 = arith.addi %add3A_629, %iota3A : vector<16xi32>
          %lt3A_631 = vector.broadcast %reduce_max3A_377 : i32 to vector<16xi32>
          %lt3A_632 = arith.cmpi slt, %add3A_630, %lt3A_631 : vector<16xi32>
          %shift_right_logical3A_633 = arith.constant 5 : i32
          %shift_right_logical3A_634 = vector.broadcast %shift_right_logical3A_633 : i32 to vector<16xi32>
          %shift_right_logical3A_635 = arith.shrui %get3A_588, %shift_right_logical3A_634 : vector<16xi32>
          %eq3A_636 = vector.broadcast %add3A_464 : i32 to vector<16xi32>
          %eq3A_637 = arith.cmpi eq, %shift_right_logical3A_635, %eq3A_636 : vector<16xi32>
          %and3A_638 = arith.andi %lt3A_632, %eq3A_637 : vector<16xi1>
          %and3A_639 = arith.constant 31 : i32
          %and3A_640 = vector.broadcast %and3A_639 : i32 to vector<16xi32>
          %and3A_641 = arith.andi %get3A_588, %and3A_640 : vector<16xi32>
          %add3A_642 = arith.addi %mul3A_3, %and3A_641 : vector<16xi32>
          tpu.vector_store_idx %arg7[%add3A_642], %broadcast_in_dim3A_4 masked %and3A_638 {add = true} : memref<16384xi32, #tpu.memory_space<vmem>>[vector<16xi32>], vector<16xi32>, vector<16xi1>
        }
        %while3A_503 = arith.constant 1 : i32
        scf.for %while3A_556 = %while3A_501 to %while3A_497 step %while3A_503  : i32 {
          %mul3A_557 = arith.constant 4 : i32
          %mul3A_558 = arith.muli %while3A_556, %mul3A_557 : i32
          %add3A_559 = arith.constant 0 : i32
          %add3A_560 = arith.addi %mul3A_558, %add3A_559 : i32
          %mul3A_561 = arith.constant 16 : i32
          %mul3A_562 = arith.muli %add3A_560, %mul3A_561 : i32
          %mul3A_563 = arith.constant 4 : i32
          %mul3A_564 = arith.muli %while3A_556, %mul3A_563 : i32
          %add3A_565 = arith.constant 1 : i32
          %add3A_566 = arith.addi %mul3A_564, %add3A_565 : i32
          %mul3A_567 = arith.constant 16 : i32
          %mul3A_568 = arith.muli %add3A_566, %mul3A_567 : i32
          %mul3A_569 = arith.constant 4 : i32
          %mul3A_570 = arith.muli %while3A_556, %mul3A_569 : i32
          %add3A_571 = arith.constant 2 : i32
          %add3A_572 = arith.addi %mul3A_570, %add3A_571 : i32
          %mul3A_573 = arith.constant 16 : i32
          %mul3A_574 = arith.muli %add3A_572, %mul3A_573 : i32
          %mul3A_575 = arith.constant 4 : i32
          %mul3A_576 = arith.muli %while3A_556, %mul3A_575 : i32
          %add3A_577 = arith.constant 3 : i32
          %add3A_578 = arith.addi %mul3A_576, %add3A_577 : i32
          %mul3A_579 = arith.constant 16 : i32
          %mul3A_580 = arith.muli %add3A_578, %mul3A_579 : i32
          %get3A_581 = arith.index_cast %mul3A_562 : i32 to index
          %get3A_582 = tpu.vector_load %arg6[%get3A_581] {strides = array<i32>} : memref<32912xi32, #tpu.memory_space<vmem>>, vector<16xi32>,
          %get3A_583 = arith.index_cast %mul3A_568 : i32 to index
          %get3A_584 = tpu.vector_load %arg6[%get3A_583] {strides = array<i32>} : memref<32912xi32, #tpu.memory_space<vmem>>, vector<16xi32>,
          %get3A_585 = arith.index_cast %mul3A_574 : i32 to index
          %get3A_586 = tpu.vector_load %arg6[%get3A_585] {strides = array<i32>} : memref<32912xi32, #tpu.memory_space<vmem>>, vector<16xi32>,
          %get3A_587 = arith.index_cast %mul3A_580 : i32 to index
          %get3A_588 = tpu.vector_load %arg6[%get3A_587] {strides = array<i32>} : memref<32912xi32, #tpu.memory_space<vmem>>, vector<16xi32>,
          %add3A_589 = vector.broadcast %mul3A_562 : i32 to vector<16xi32>
          %add3A_590 = arith.addi %add3A_589, %iota3A : vector<16xi32>
          %lt3A = vector.broadcast %reduce_max3A_377 : i32 to vector<16xi32>
          %lt3A_591 = arith.cmpi slt, %add3A_590, %lt3A : vector<16xi32>
          %shift_right_logical3A = arith.constant 5 : i32
          %shift_right_logical3A_592 = vector.broadcast %shift_right_logical3A : i32 to vector<16xi32>
          %shift_right_logical3A_593 = arith.shrui %get3A_582, %shift_right_logical3A_592 : vector<16xi32>
          %eq3A_594 = vector.broadcast %add3A_464 : i32 to vector<16xi32>
          %eq3A_595 = arith.cmpi eq, %shift_right_logical3A_593, %eq3A_594 : vector<16xi32>
          %and3A_596 = arith.andi %lt3A_591, %eq3A_595 : vector<16xi1>
          %and3A_597 = arith.constant 31 : i32
          %and3A_598 = vector.broadcast %and3A_597 : i32 to vector<16xi32>
          %and3A_599 = arith.andi %get3A_582, %and3A_598 : vector<16xi32>
          %add3A_600 = arith.addi %mul3A_3, %and3A_599 : vector<16xi32>
          tpu.vector_store_idx %arg7[%add3A_600], %broadcast_in_dim3A_4 masked %and3A_596 {add = true} : memref<16384xi32, #tpu.memory_space<vmem>>[vector<16xi32>], vector<16xi32>, vector<16xi1>
          %add3A_601 = vector.broadcast %mul3A_568 : i32 to vector<16xi32>
          %add3A_602 = arith.addi %add3A_601, %iota3A : vector<16xi32>
          %lt3A_603 = vector.broadcast %reduce_max3A_377 : i32 to vector<16xi32>
          %lt3A_604 = arith.cmpi slt, %add3A_602, %lt3A_603 : vector<16xi32>
          %shift_right_logical3A_605 = arith.constant 5 : i32
          %shift_right_logical3A_606 = vector.broadcast %shift_right_logical3A_605 : i32 to vector<16xi32>
          %shift_right_logical3A_607 = arith.shrui %get3A_584, %shift_right_logical3A_606 : vector<16xi32>
          %eq3A_608 = vector.broadcast %add3A_464 : i32 to vector<16xi32>
          %eq3A_609 = arith.cmpi eq, %shift_right_logical3A_607, %eq3A_608 : vector<16xi32>
          %and3A_610 = arith.andi %lt3A_604, %eq3A_609 : vector<16xi1>
          %and3A_611 = arith.constant 31 : i32
          %and3A_612 = vector.broadcast %and3A_611 : i32 to vector<16xi32>
          %and3A_613 = arith.andi %get3A_584, %and3A_612 : vector<16xi32>
          %add3A_614 = arith.addi %mul3A_3, %and3A_613 : vector<16xi32>
          tpu.vector_store_idx %arg7[%add3A_614], %broadcast_in_dim3A_4 masked %and3A_610 {add = true} : memref<16384xi32, #tpu.memory_space<vmem>>[vector<16xi32>], vector<16xi32>, vector<16xi1>
          %add3A_615 = vector.broadcast %mul3A_574 : i32 to vector<16xi32>
          %add3A_616 = arith.addi %add3A_615, %iota3A : vector<16xi32>
          %lt3A_617 = vector.broadcast %reduce_max3A_377 : i32 to vector<16xi32>
          %lt3A_618 = arith.cmpi slt, %add3A_616, %lt3A_617 : vector<16xi32>
          %shift_right_logical3A_619 = arith.constant 5 : i32
          %shift_right_logical3A_620 = vector.broadcast %shift_right_logical3A_619 : i32 to vector<16xi32>
          %shift_right_logical3A_621 = arith.shrui %get3A_586, %shift_right_logical3A_620 : vector<16xi32>
          %eq3A_622 = vector.broadcast %add3A_464 : i32 to vector<16xi32>
          %eq3A_623 = arith.cmpi eq, %shift_right_logical3A_621, %eq3A_622 : vector<16xi32>
          %and3A_624 = arith.andi %lt3A_618, %eq3A_623 : vector<16xi1>
          %and3A_625 = arith.constant 31 : i32
          %and3A_626 = vector.broadcast %and3A_625 : i32 to vector<16xi32>
          %and3A_627 = arith.andi %get3A_586, %and3A_626 : vector<16xi32>
          %add3A_628 = arith.addi %mul3A_3, %and3A_627 : vector<16xi32>
          tpu.vector_store_idx %arg7[%add3A_628], %broadcast_in_dim3A_4 masked %and3A_624 {add = true} : memref<16384xi32, #tpu.memory_space<vmem>>[vector<16xi32>], vector<16xi32>, vector<16xi1>
          %add3A_629 = vector.broadcast %mul3A_580 : i32 to vector<16xi32>
          %add3A_630 = arith.addi %add3A_629, %iota3A : vector<16xi32>
          %lt3A_631 = vector.broadcast %reduce_max3A_377 : i32 to vector<16xi32>
          %lt3A_632 = arith.cmpi slt, %add3A_630, %lt3A_631 : vector<16xi32>
          %shift_right_logical3A_633 = arith.constant 5 : i32
          %shift_right_logical3A_634 = vector.broadcast %shift_right_logical3A_633 : i32 to vector<16xi32>
          %shift_right_logical3A_635 = arith.shrui %get3A_588, %shift_right_logical3A_634 : vector<16xi32>
          %eq3A_636 = vector.broadcast %add3A_464 : i32 to vector<16xi32>
          %eq3A_637 = arith.cmpi eq, %shift_right_logical3A_635, %eq3A_636 : vector<16xi32>
          %and3A_638 = arith.andi %lt3A_632, %eq3A_637 : vector<16xi1>
          %and3A_639 = arith.constant 31 : i32
          %and3A_640 = vector.broadcast %and3A_639 : i32 to vector<16xi32>
          %and3A_641 = arith.andi %get3A_588, %and3A_640 : vector<16xi32>
          %add3A_642 = arith.addi %mul3A_3, %and3A_641 : vector<16xi32>
          tpu.vector_store_idx %arg7[%add3A_642], %broadcast_in_dim3A_4 masked %and3A_638 {add = true} : memref<16384xi32, #tpu.memory_space<vmem>>[vector<16xi32>], vector<16xi32>, vector<16xi1>
        }
        %scan3A_504 = arith.constant 0 : i32
        %scan3A_505 = arith.constant 0 : i32
        %scan3A_506 = arith.constant 2 : i32
        %scan3A_507 = arith.addi %scan3A_505, %scan3A_506 : i32
        %scan3A_508 = arith.constant 1 : i32
        scf.for %scan3A_556 = %scan3A_505 to %scan3A_507 step %scan3A_508  : i32 {
          %mul3A_557 = arith.constant 16 : i32
          %mul3A_558 = arith.muli %scan3A_556, %mul3A_557 : i32
          %add3A_559 = arith.constant 0 : i32
          %add3A_560 = arith.addi %add3A_559, %mul3A_558 : i32
          %get3A_561 = arith.index_cast %add3A_560 : i32 to index
          %get3A_562 = tpu.vector_load %arg7[%get3A_561] {strides = array<i32>} : memref<16384xi32, #tpu.memory_space<vmem>>, vector<16xi32>,
          %add3A_563 = arith.addi %broadcast_in_dim3A_6, %get3A_562 : vector<16xi32>
          %swap3A = arith.index_cast %add3A_560 : i32 to index
          %swap3A_564 = tpu.vector_load %arg7[%swap3A] {strides = array<i32>} : memref<16384xi32, #tpu.memory_space<vmem>>, vector<16xi32>,
          tpu.vector_store %arg7[%swap3A], %broadcast_in_dim3A_6 {strides = array<i32>} : memref<16384xi32, #tpu.memory_space<vmem>>, vector<16xi32>,
          %mul3A_565 = arith.constant 16 : i32
          %mul3A_566 = arith.muli %scan3A_556, %mul3A_565 : i32
          %add3A_567 = arith.constant 1024 : i32
          %add3A_568 = arith.addi %add3A_567, %mul3A_566 : i32
          %get3A_569 = arith.index_cast %add3A_568 : i32 to index
          %get3A_570 = tpu.vector_load %arg7[%get3A_569] {strides = array<i32>} : memref<16384xi32, #tpu.memory_space<vmem>>, vector<16xi32>,
          %add3A_571 = arith.addi %add3A_563, %get3A_570 : vector<16xi32>
          %swap3A_572 = arith.index_cast %add3A_568 : i32 to index
          %swap3A_573 = tpu.vector_load %arg7[%swap3A_572] {strides = array<i32>} : memref<16384xi32, #tpu.memory_space<vmem>>, vector<16xi32>,
          tpu.vector_store %arg7[%swap3A_572], %broadcast_in_dim3A_6 {strides = array<i32>} : memref<16384xi32, #tpu.memory_space<vmem>>, vector<16xi32>,
          %mul3A_574 = arith.constant 16 : i32
          %mul3A_575 = arith.muli %scan3A_556, %mul3A_574 : i32
          %add3A_576 = arith.constant 2048 : i32
          %add3A_577 = arith.addi %add3A_576, %mul3A_575 : i32
          %get3A_578 = arith.index_cast %add3A_577 : i32 to index
          %get3A_579 = tpu.vector_load %arg7[%get3A_578] {strides = array<i32>} : memref<16384xi32, #tpu.memory_space<vmem>>, vector<16xi32>,
          %add3A_580 = arith.addi %add3A_571, %get3A_579 : vector<16xi32>
          %swap3A_581 = arith.index_cast %add3A_577 : i32 to index
          %swap3A_582 = tpu.vector_load %arg7[%swap3A_581] {strides = array<i32>} : memref<16384xi32, #tpu.memory_space<vmem>>, vector<16xi32>,
          tpu.vector_store %arg7[%swap3A_581], %broadcast_in_dim3A_6 {strides = array<i32>} : memref<16384xi32, #tpu.memory_space<vmem>>, vector<16xi32>,
          %mul3A_583 = arith.constant 16 : i32
          %mul3A_584 = arith.muli %scan3A_556, %mul3A_583 : i32
          %add3A_585 = arith.constant 3072 : i32
          %add3A_586 = arith.addi %add3A_585, %mul3A_584 : i32
          %get3A_587 = arith.index_cast %add3A_586 : i32 to index
          %get3A_588 = tpu.vector_load %arg7[%get3A_587] {strides = array<i32>} : memref<16384xi32, #tpu.memory_space<vmem>>, vector<16xi32>,
          %add3A_589 = arith.addi %add3A_580, %get3A_588 : vector<16xi32>
          %swap3A_590 = arith.index_cast %add3A_586 : i32 to index
          %swap3A_591 = tpu.vector_load %arg7[%swap3A_590] {strides = array<i32>} : memref<16384xi32, #tpu.memory_space<vmem>>, vector<16xi32>,
          tpu.vector_store %arg7[%swap3A_590], %broadcast_in_dim3A_6 {strides = array<i32>} : memref<16384xi32, #tpu.memory_space<vmem>>, vector<16xi32>,
          %mul3A_592 = arith.constant 16 : i32
          %mul3A_593 = arith.muli %scan3A_556, %mul3A_592 : i32
          %add3A_594 = arith.constant 4096 : i32
          %add3A_595 = arith.addi %add3A_594, %mul3A_593 : i32
          %get3A_596 = arith.index_cast %add3A_595 : i32 to index
          %get3A_597 = tpu.vector_load %arg7[%get3A_596] {strides = array<i32>} : memref<16384xi32, #tpu.memory_space<vmem>>, vector<16xi32>,
          %add3A_598 = arith.addi %add3A_589, %get3A_597 : vector<16xi32>
          %swap3A_599 = arith.index_cast %add3A_595 : i32 to index
          %swap3A_600 = tpu.vector_load %arg7[%swap3A_599] {strides = array<i32>} : memref<16384xi32, #tpu.memory_space<vmem>>, vector<16xi32>,
          tpu.vector_store %arg7[%swap3A_599], %broadcast_in_dim3A_6 {strides = array<i32>} : memref<16384xi32, #tpu.memory_space<vmem>>, vector<16xi32>,
          %mul3A_601 = arith.constant 16 : i32
          %mul3A_602 = arith.muli %scan3A_556, %mul3A_601 : i32
          %add3A_603 = arith.constant 5120 : i32
          %add3A_604 = arith.addi %add3A_603, %mul3A_602 : i32
          %get3A_605 = arith.index_cast %add3A_604 : i32 to index
          %get3A_606 = tpu.vector_load %arg7[%get3A_605] {strides = array<i32>} : memref<16384xi32, #tpu.memory_space<vmem>>, vector<16xi32>,
          %add3A_607 = arith.addi %add3A_598, %get3A_606 : vector<16xi32>
          %swap3A_608 = arith.index_cast %add3A_604 : i32 to index
          %swap3A_609 = tpu.vector_load %arg7[%swap3A_608] {strides = array<i32>} : memref<16384xi32, #tpu.memory_space<vmem>>, vector<16xi32>,
          tpu.vector_store %arg7[%swap3A_608], %broadcast_in_dim3A_6 {strides = array<i32>} : memref<16384xi32, #tpu.memory_space<vmem>>, vector<16xi32>,
          %mul3A_610 = arith.constant 16 : i32
          %mul3A_611 = arith.muli %scan3A_556, %mul3A_610 : i32
          %add3A_612 = arith.constant 6144 : i32
          %add3A_613 = arith.addi %add3A_612, %mul3A_611 : i32
          %get3A_614 = arith.index_cast %add3A_613 : i32 to index
          %get3A_615 = tpu.vector_load %arg7[%get3A_614] {strides = array<i32>} : memref<16384xi32, #tpu.memory_space<vmem>>, vector<16xi32>,
          %add3A_616 = arith.addi %add3A_607, %get3A_615 : vector<16xi32>
          %swap3A_617 = arith.index_cast %add3A_613 : i32 to index
          %swap3A_618 = tpu.vector_load %arg7[%swap3A_617] {strides = array<i32>} : memref<16384xi32, #tpu.memory_space<vmem>>, vector<16xi32>,
          tpu.vector_store %arg7[%swap3A_617], %broadcast_in_dim3A_6 {strides = array<i32>} : memref<16384xi32, #tpu.memory_space<vmem>>, vector<16xi32>,
          %mul3A_619 = arith.constant 16 : i32
          %mul3A_620 = arith.muli %scan3A_556, %mul3A_619 : i32
          %add3A_621 = arith.constant 7168 : i32
          %add3A_622 = arith.addi %add3A_621, %mul3A_620 : i32
          %get3A_623 = arith.index_cast %add3A_622 : i32 to index
          %get3A_624 = tpu.vector_load %arg7[%get3A_623] {strides = array<i32>} : memref<16384xi32, #tpu.memory_space<vmem>>, vector<16xi32>,
          %add3A_625 = arith.addi %add3A_616, %get3A_624 : vector<16xi32>
          %swap3A_626 = arith.index_cast %add3A_622 : i32 to index
          %swap3A_627 = tpu.vector_load %arg7[%swap3A_626] {strides = array<i32>} : memref<16384xi32, #tpu.memory_space<vmem>>, vector<16xi32>,
          tpu.vector_store %arg7[%swap3A_626], %broadcast_in_dim3A_6 {strides = array<i32>} : memref<16384xi32, #tpu.memory_space<vmem>>, vector<16xi32>,
          %mul3A_628 = arith.constant 16 : i32
          %mul3A_629 = arith.muli %scan3A_556, %mul3A_628 : i32
          %add3A_630 = arith.constant 8192 : i32
          %add3A_631 = arith.addi %add3A_630, %mul3A_629 : i32
          %get3A_632 = arith.index_cast %add3A_631 : i32 to index
          %get3A_633 = tpu.vector_load %arg7[%get3A_632] {strides = array<i32>} : memref<16384xi32, #tpu.memory_space<vmem>>, vector<16xi32>,
          %add3A_634 = arith.addi %add3A_625, %get3A_633 : vector<16xi32>
          %swap3A_635 = arith.index_cast %add3A_631 : i32 to index
          %swap3A_636 = tpu.vector_load %arg7[%swap3A_635] {strides = array<i32>} : memref<16384xi32, #tpu.memory_space<vmem>>, vector<16xi32>,
          tpu.vector_store %arg7[%swap3A_635], %broadcast_in_dim3A_6 {strides = array<i32>} : memref<16384xi32, #tpu.memory_space<vmem>>, vector<16xi32>,
          %mul3A_637 = arith.constant 16 : i32
          %mul3A_638 = arith.muli %scan3A_556, %mul3A_637 : i32
          %add3A_639 = arith.constant 9216 : i32
          %add3A_640 = arith.addi %add3A_639, %mul3A_638 : i32
          %get3A_641 = arith.index_cast %add3A_640 : i32 to index
          %get3A_642 = tpu.vector_load %arg7[%get3A_641] {strides = array<i32>} : memref<16384xi32, #tpu.memory_space<vmem>>, vector<16xi32>,
          %add3A_643 = arith.addi %add3A_634, %get3A_642 : vector<16xi32>
          %swap3A_644 = arith.index_cast %add3A_640 : i32 to index
          %swap3A_645 = tpu.vector_load %arg7[%swap3A_644] {strides = array<i32>} : memref<16384xi32, #tpu.memory_space<vmem>>, vector<16xi32>,
          tpu.vector_store %arg7[%swap3A_644], %broadcast_in_dim3A_6 {strides = array<i32>} : memref<16384xi32, #tpu.memory_space<vmem>>, vector<16xi32>,
          %mul3A_646 = arith.constant 16 : i32
          %mul3A_647 = arith.muli %scan3A_556, %mul3A_646 : i32
          %add3A_648 = arith.constant 10240 : i32
          %add3A_649 = arith.addi %add3A_648, %mul3A_647 : i32
          %get3A_650 = arith.index_cast %add3A_649 : i32 to index
          %get3A_651 = tpu.vector_load %arg7[%get3A_650] {strides = array<i32>} : memref<16384xi32, #tpu.memory_space<vmem>>, vector<16xi32>,
          %add3A_652 = arith.addi %add3A_643, %get3A_651 : vector<16xi32>
          %swap3A_653 = arith.index_cast %add3A_649 : i32 to index
          %swap3A_654 = tpu.vector_load %arg7[%swap3A_653] {strides = array<i32>} : memref<16384xi32, #tpu.memory_space<vmem>>, vector<16xi32>,
          tpu.vector_store %arg7[%swap3A_653], %broadcast_in_dim3A_6 {strides = array<i32>} : memref<16384xi32, #tpu.memory_space<vmem>>, vector<16xi32>,
          %mul3A_655 = arith.constant 16 : i32
          %mul3A_656 = arith.muli %scan3A_556, %mul3A_655 : i32
          %add3A_657 = arith.constant 11264 : i32
          %add3A_658 = arith.addi %add3A_657, %mul3A_656 : i32
          %get3A_659 = arith.index_cast %add3A_658 : i32 to index
          %get3A_660 = tpu.vector_load %arg7[%get3A_659] {strides = array<i32>} : memref<16384xi32, #tpu.memory_space<vmem>>, vector<16xi32>,
          %add3A_661 = arith.addi %add3A_652, %get3A_660 : vector<16xi32>
          %swap3A_662 = arith.index_cast %add3A_658 : i32 to index
          %swap3A_663 = tpu.vector_load %arg7[%swap3A_662] {strides = array<i32>} : memref<16384xi32, #tpu.memory_space<vmem>>, vector<16xi32>,
          tpu.vector_store %arg7[%swap3A_662], %broadcast_in_dim3A_6 {strides = array<i32>} : memref<16384xi32, #tpu.memory_space<vmem>>, vector<16xi32>,
          %mul3A_664 = arith.constant 16 : i32
          %mul3A_665 = arith.muli %scan3A_556, %mul3A_664 : i32
          %add3A_666 = arith.constant 12288 : i32
          %add3A_667 = arith.addi %add3A_666, %mul3A_665 : i32
          %get3A_668 = arith.index_cast %add3A_667 : i32 to index
          %get3A_669 = tpu.vector_load %arg7[%get3A_668] {strides = array<i32>} : memref<16384xi32, #tpu.memory_space<vmem>>, vector<16xi32>,
          %add3A_670 = arith.addi %add3A_661, %get3A_669 : vector<16xi32>
          %swap3A_671 = arith.index_cast %add3A_667 : i32 to index
          %swap3A_672 = tpu.vector_load %arg7[%swap3A_671] {strides = array<i32>} : memref<16384xi32, #tpu.memory_space<vmem>>, vector<16xi32>,
          tpu.vector_store %arg7[%swap3A_671], %broadcast_in_dim3A_6 {strides = array<i32>} : memref<16384xi32, #tpu.memory_space<vmem>>, vector<16xi32>,
          %mul3A_673 = arith.constant 16 : i32
          %mul3A_674 = arith.muli %scan3A_556, %mul3A_673 : i32
          %add3A_675 = arith.constant 13312 : i32
          %add3A_676 = arith.addi %add3A_675, %mul3A_674 : i32
          %get3A_677 = arith.index_cast %add3A_676 : i32 to index
          %get3A_678 = tpu.vector_load %arg7[%get3A_677] {strides = array<i32>} : memref<16384xi32, #tpu.memory_space<vmem>>, vector<16xi32>,
          %add3A_679 = arith.addi %add3A_670, %get3A_678 : vector<16xi32>
          %swap3A_680 = arith.index_cast %add3A_676 : i32 to index
          %swap3A_681 = tpu.vector_load %arg7[%swap3A_680] {strides = array<i32>} : memref<16384xi32, #tpu.memory_space<vmem>>, vector<16xi32>,
          tpu.vector_store %arg7[%swap3A_680], %broadcast_in_dim3A_6 {strides = array<i32>} : memref<16384xi32, #tpu.memory_space<vmem>>, vector<16xi32>,
          %mul3A_682 = arith.constant 16 : i32
          %mul3A_683 = arith.muli %scan3A_556, %mul3A_682 : i32
          %add3A_684 = arith.constant 14336 : i32
          %add3A_685 = arith.addi %add3A_684, %mul3A_683 : i32
          %get3A_686 = arith.index_cast %add3A_685 : i32 to index
          %get3A_687 = tpu.vector_load %arg7[%get3A_686] {strides = array<i32>} : memref<16384xi32, #tpu.memory_space<vmem>>, vector<16xi32>,
          %add3A_688 = arith.addi %add3A_679, %get3A_687 : vector<16xi32>
          %swap3A_689 = arith.index_cast %add3A_685 : i32 to index
          %swap3A_690 = tpu.vector_load %arg7[%swap3A_689] {strides = array<i32>} : memref<16384xi32, #tpu.memory_space<vmem>>, vector<16xi32>,
          tpu.vector_store %arg7[%swap3A_689], %broadcast_in_dim3A_6 {strides = array<i32>} : memref<16384xi32, #tpu.memory_space<vmem>>, vector<16xi32>,
          %mul3A_691 = arith.constant 16 : i32
          %mul3A_692 = arith.muli %scan3A_556, %mul3A_691 : i32
          %add3A_693 = arith.constant 15360 : i32
          %add3A_694 = arith.addi %add3A_693, %mul3A_692 : i32
          %get3A_695 = arith.index_cast %add3A_694 : i32 to index
          %get3A_696 = tpu.vector_load %arg7[%get3A_695] {strides = array<i32>} : memref<16384xi32, #tpu.memory_space<vmem>>, vector<16xi32>,
          %add3A_697 = arith.addi %add3A_688, %get3A_696 : vector<16xi32>
          %swap3A_698 = arith.index_cast %add3A_694 : i32 to index
          %swap3A_699 = tpu.vector_load %arg7[%swap3A_698] {strides = array<i32>} : memref<16384xi32, #tpu.memory_space<vmem>>, vector<16xi32>,
          tpu.vector_store %arg7[%swap3A_698], %broadcast_in_dim3A_6 {strides = array<i32>} : memref<16384xi32, #tpu.memory_space<vmem>>, vector<16xi32>,
          %mul3A_700 = arith.constant 16 : i32
          %mul3A_701 = arith.muli %scan3A_556, %mul3A_700 : i32
          %swap3A_702 = arith.index_cast %mul3A_701 : i32 to index
          %swap3A_703 = tpu.vector_load %arg8[%swap3A_702] {strides = array<i32>} : memref<1024xi32, #tpu.memory_space<vmem>>, vector<16xi32>,
          tpu.vector_store %arg8[%swap3A_702], %add3A_697 {strides = array<i32>} : memref<1024xi32, #tpu.memory_space<vmem>>, vector<16xi32>,
          %reduce_sum3A_704 = arith.constant true
          %reduce_sum3A_705 = vector.broadcast %reduce_sum3A_704 : i1 to vector<16xi1>
          %reduce_sum3A_706 = tpu.scan <sum>, %add3A_697 masked %reduce_sum3A_705 : vector<16xi32>, vector<16xi1> -> vector<16xi32>
          %reduce_sum3A_707 = vector.extract %reduce_sum3A_706[15] : i32 from vector<16xi32>
          %swap3A_708 = arith.index_cast %scan3A_556 : i32 to index
          %swap3A_709 = memref.load %arg9[%swap3A_708] : memref<64xi32, #tpu.memory_space<smem>>
          memref.store %reduce_sum3A_707, %arg9[%swap3A_708] : memref<64xi32, #tpu.memory_space<smem>>
        }
        %scan3A_509 = arith.constant 2 : i32
        %scan3A_510 = arith.constant 0 : i32
        %scan3A_511 = arith.constant 0 : i32
        %scan3A_512 = arith.constant 0 : i32
        %scan3A_513 = arith.constant 0 : i32
        %scan3A_514 = arith.constant 0 : i32
        %scan3A_515 = arith.constant 2 : i32
        %scan3A_516 = arith.addi %scan3A_514, %scan3A_515 : i32
        %scan3A_517 = arith.constant 1 : i32
        %scan3A_518:4 = scf.for %scan3A_556 = %scan3A_514 to %scan3A_516 step %scan3A_517 iter_args(%scan3A_557 = %scan3A_510, %scan3A_558 = %scan3A_511, %scan3A_559 = %scan3A_512, %scan3A_560 = %scan3A_513) -> (i32, i32, i32, i32)  : i32 {
          %get3A_561 = arith.index_cast %scan3A_556 : i32 to index
          %get3A_562 = memref.load %arg9[%get3A_561] : memref<64xi32, #tpu.memory_space<smem>>
          %eq3A_563 = arith.constant 0 : i32
          %eq3A_564 = arith.cmpi eq, %scan3A_560, %eq3A_563 : i32
          %add3A_565 = arith.addi %scan3A_557, %get3A_562 : i32
          %ge3A_566 = arith.cmpi sge, %add3A_565, %sub3A_465 : i32
          %and3A_567 = arith.andi %eq3A_564, %ge3A_566 : i1
          %select_n3A_568 = arith.select %and3A_567, %scan3A_556, %scan3A_558 : i32
          %select_n3A_569 = arith.select %and3A_567, %scan3A_557, %scan3A_559 : i32
          %jit3A_570 = arith.constant 1 : i32
          %select_n3A_571 = arith.select %and3A_567, %jit3A_570, %scan3A_560 : i32
          %add3A_572 = arith.addi %scan3A_557, %get3A_562 : i32
          scf.yield %add3A_572, %select_n3A_568, %select_n3A_569, %select_n3A_571 : i32, i32, i32, i32
        }
        %scan3A_519 = arith.constant 2 : i32
        %mul3A_520 = arith.constant 16 : i32
        %mul3A_521 = arith.muli %scan3A_518#1, %mul3A_520 : i32
        %get3A_522 = arith.index_cast %mul3A_521 : i32 to index
        %get3A_523 = tpu.vector_load %arg8[%get3A_522] {strides = array<i32>} : memref<1024xi32, #tpu.memory_space<vmem>>, vector<16xi32>,
        %broadcast_in_dim3A_524 = arith.constant true
        %broadcast_in_dim3A_525 = vector.broadcast %broadcast_in_dim3A_524 : i1 to vector<16xi1>
        %masked_cumsum3A_526 = tpu.scan <sum>, %get3A_523 masked %broadcast_in_dim3A_525 : vector<16xi32>, vector<16xi1> -> vector<16xi32>
        %add3A_527 = vector.broadcast %scan3A_518#2 : i32 to vector<16xi32>
        %add3A_528 = arith.addi %masked_cumsum3A_526, %add3A_527 : vector<16xi32>
        %ge3A_529 = vector.broadcast %sub3A_465 : i32 to vector<16xi32>
        %ge3A_530 = arith.cmpi sge, %add3A_528, %ge3A_529 : vector<16xi32>
        %all_reduce_ffs3A_531 = tpu.all_reduce %ge3A_530 {dim = 0 : i64, kind = #tpu.reduction_kind<find_first_set>} : vector<16xi1> -> vector<16xi32>
        %reduce_max3A_532 = arith.constant true
        %reduce_max3A_533 = vector.broadcast %reduce_max3A_532 : i1 to vector<16xi1>
        %reduce_max3A_534 = arith.constant -2147483648 : i32
        %reduce_max3A_535 = vector.broadcast %reduce_max3A_534 : i32 to vector<16xi32>
        %reduce_max3A_536 = arith.xori %all_reduce_ffs3A_531, %reduce_max3A_535 : vector<16xi32>
        %reduce_max3A_537 = tpu.scan <max>, %reduce_max3A_536 masked %reduce_max3A_533 : vector<16xi32>, vector<16xi1> -> vector<16xi32>
        %reduce_max3A_538 = arith.xori %reduce_max3A_537, %reduce_max3A_535 : vector<16xi32>
        %reduce_max3A_539 = vector.extract %reduce_max3A_538[15] : i32 from vector<16xi32>
        %eq3A_540 = vector.broadcast %reduce_max3A_539 : i32 to vector<16xi32>
        %eq3A_541 = arith.cmpi eq, %iota3A, %eq3A_540 : vector<16xi32>
        %sub3A_542 = arith.subi %add3A_528, %get3A_523 : vector<16xi32>
        %jit3A_543 = arith.constant 0 : i32
        %broadcast_in_dim3A_544 = vector.broadcast %jit3A_543 : i32 to vector<16xi32>
        %select_n3A_545 = arith.select %eq3A_541, %sub3A_542, %broadcast_in_dim3A_544 : vector<16xi1>, vector<16xi32>
        %reduce_sum3A_546 = arith.constant true
        %reduce_sum3A_547 = vector.broadcast %reduce_sum3A_546 : i1 to vector<16xi1>
        %reduce_sum3A_548 = tpu.scan <sum>, %select_n3A_545 masked %reduce_sum3A_547 : vector<16xi32>, vector<16xi1> -> vector<16xi32>
        %reduce_sum3A_549 = vector.extract %reduce_sum3A_548[15] : i32 from vector<16xi32>
        %mul3A_550 = arith.constant 16 : i32
        %mul3A_551 = arith.muli %scan3A_518#1, %mul3A_550 : i32
        %add3A_552 = arith.addi %mul3A_551, %reduce_max3A_539 : i32
        %shift_left3A_553 = arith.constant 5 : i32
        %shift_left3A_554 = arith.shli %add3A_464, %shift_left3A_553 : i32
        %or3A_555 = arith.ori %shift_left3A_554, %add3A_552 : i32
        scf.yield %or3A_330, %or3A_555 : i32, i32
      }
      %parallel_loop3A_229 = arith.constant 0 : i32
      %parallel_loop3A_230 = arith.constant 2048 : i32
      %parallel_loop3A_231 = arith.constant 1 : i32
      scf.for %parallel_loop3A_232 = %parallel_loop3A_229 to %parallel_loop3A_230 step %parallel_loop3A_231  : i32 {
        %parallel_loop3A_233 = arith.constant 16 : i32
        %parallel_loop3A_234 = arith.muli %parallel_loop3A_232, %parallel_loop3A_233 : i32
        %parallel_loop3A_235 = arith.index_cast %parallel_loop3A_234 : i32 to index
        %parallel_loop3A_236 = tpu.vector_load %arg4[%parallel_loop3A_235] {strides = array<i32>} : memref<32768xf32, #tpu.memory_space<vmem>>, vector<16xf32>,
        %parallel_loop3A_237 = tpu.bitcast %parallel_loop3A_236 : vector<16xf32> -> vector<16xi32>
        %parallel_loop3A_238 = vector.broadcast %parallel_loop3A_234 : i32 to vector<16xi32>
        %parallel_loop3A_239 = arith.addi %parallel_loop3A_238, %iota3A : vector<16xi32>
        %parallel_loop3A_240 = vector.broadcast %cond3A_228#0 : i32 to vector<16xi32>
        %parallel_loop3A_241 = arith.cmpi sgt, %parallel_loop3A_237, %parallel_loop3A_240 : vector<16xi32>
        %parallel_loop3A_242 = vector.broadcast %cond3A_228#0 : i32 to vector<16xi32>
        %parallel_loop3A_243 = arith.cmpi eq, %parallel_loop3A_237, %parallel_loop3A_242 : vector<16xi32>
        %parallel_loop3A_244 = vector.broadcast %cond3A_228#1 : i32 to vector<16xi32>
        %parallel_loop3A_245 = arith.cmpi sle, %parallel_loop3A_239, %parallel_loop3A_244 : vector<16xi32>
        %parallel_loop3A_246 = arith.andi %parallel_loop3A_243, %parallel_loop3A_245 : vector<16xi1>
        %parallel_loop3A_247 = arith.ori %parallel_loop3A_241, %parallel_loop3A_246 : vector<16xi1>
        %parallel_loop3A_248 = arith.constant 1.000000e+00 : f32
        %parallel_loop3A_249 = arith.constant 0.000000e+00 : f32
        %parallel_loop3A_250 = vector.broadcast %parallel_loop3A_248 : f32 to vector<16xf32>
        %parallel_loop3A_251 = vector.broadcast %parallel_loop3A_249 : f32 to vector<16xf32>
        %parallel_loop3A_252 = arith.select %parallel_loop3A_247, %parallel_loop3A_250, %parallel_loop3A_251 : vector<16xi1>, vector<16xf32>
        %parallel_loop3A_253 = arith.index_cast %parallel_loop3A_234 : i32 to index
        %parallel_loop3A_254 = tpu.vector_load %arg4[%parallel_loop3A_253] {strides = array<i32>} : memref<32768xf32, #tpu.memory_space<vmem>>, vector<16xf32>,
        tpu.vector_store %arg4[%parallel_loop3A_253], %parallel_loop3A_252 {strides = array<i32>} : memref<32768xf32, #tpu.memory_space<vmem>>, vector<16xf32>,
      } {sc.loop_unroll_factor = 8 : i64, sc.parallel_access}
      "tpu.region"() ({
        %run_scoped3A = tpu.sem_alloc : memref<!tpu.dma_semaphore, #tpu.memory_space<semaphore_mem>>
        %dma_start3A = arith.constant 0 : i32
        %dma_start3A_232 = tpu.memref_slice %arg3[%add3A_17, %dma_start3A] : memref<128x32768xf32, #tpu.memory_space<hbm>> -> memref<1x32768xf32, #tpu.memory_space<hbm>>
        %dma_start3A_233 = tpu.memref_squeeze %dma_start3A_232 : memref<1x32768xf32, #tpu.memory_space<hbm>> -> memref<32768xf32, #tpu.memory_space<hbm>>
        %dma_start3A_234 = arith.constant 0 : i32
        %dma_start3A_235 = tpu.memref_slice %arg3[%add3A_17, %dma_start3A_234] : memref<128x32768xf32, #tpu.memory_space<hbm>> -> memref<1x32768xf32, #tpu.memory_space<hbm>>
        %dma_start3A_236 = tpu.memref_squeeze %dma_start3A_235 : memref<1x32768xf32, #tpu.memory_space<hbm>> -> memref<32768xf32, #tpu.memory_space<hbm>>
        tpu.enqueue_dma source(%arg4 : memref<32768xf32, #tpu.memory_space<vmem>>) target(%dma_start3A_236 : memref<32768xf32, #tpu.memory_space<hbm>>) target_semaphore(%run_scoped3A : memref<!tpu.dma_semaphore, #tpu.memory_space<semaphore_mem>>)
        %dma_wait3A = arith.constant 0 : i32
        %dma_wait3A_237 = tpu.memref_slice %arg3[%add3A_17, %dma_wait3A] : memref<128x32768xf32, #tpu.memory_space<hbm>> -> memref<1x32768xf32, #tpu.memory_space<hbm>>
        %dma_wait3A_238 = tpu.memref_squeeze %dma_wait3A_237 : memref<1x32768xf32, #tpu.memory_space<hbm>> -> memref<32768xf32, #tpu.memory_space<hbm>>
        %dma_wait3A_239 = arith.constant 0 : i32
        %dma_wait3A_240 = tpu.memref_slice %arg3[%add3A_17, %dma_wait3A_239] : memref<128x32768xf32, #tpu.memory_space<hbm>> -> memref<1x32768xf32, #tpu.memory_space<hbm>>
        %dma_wait3A_241 = tpu.memref_squeeze %dma_wait3A_240 : memref<1x32768xf32, #tpu.memory_space<hbm>> -> memref<32768xf32, #tpu.memory_space<hbm>>
        tpu.wait_dma2 semaphore(%run_scoped3A : memref<!tpu.dma_semaphore, #tpu.memory_space<semaphore_mem>>) src(%arg4 : memref<32768xf32, #tpu.memory_space<vmem>>) dst(%dma_wait3A_241 : memref<32768xf32, #tpu.memory_space<hbm>>)
        tpu.yield
      }) : () -> ()
    }
    %scan3A_13 = arith.constant 4 : i32
    return
  }
}

</mosaic_0001>

<sc_bundles>
// kernel: kernel.3.cloned.1.call-start
scs
__scs_entry_jumppad:
0x0: {  	(pc) =	sbr.rel $0x88, $3  }
0x1: {  	(tag) =	ssettag $0x0;
	lr =	simm.s32 $0x1  }
0x2: {  	[smem:$0x3FA0] =	sst lr;
	_ =	strace $0xD0000000  }
0x3: {  	_ = 	snop  }
0x4: {  	_ = 	snop  }
0x5: {  	_ = 	snop  }
0x6: {  	_ = 	snop  }
0x7: {  	_ = 	snop  }
__scs_overlays_trampoline_lowered:
0x8: {  	[smem:$0x3FAF] =	sst s0  }
0x9: {  	[smem:$0x3FB0] =	sst s1  }
0xa: {  	[smem:$0x3FB1] =	sst s2  }
0xb: {  	[smem:$0x3FB2] =	sst s3  }
0xc: {  	[smem:$0x3FB3] =	sst s4  }
0xd: {  	[smem:$0x3FB4] =	sst s5  }
0xe: {  	[smem:$0x3FB5] =	sst s6  }
0xf: {  	[smem:$0x3FB6] =	sst s7  }
0x10: {  	[smem:$0x3FB7] =	sst s8  }
0x11: {  	[smem:$0x3FB8] =	sst s9;
	s0 =	simm.s32 @!p0 $0x0  }
0x12: {  	s1 =	sld [smem:$0x3F9E];
	s0 =	simm.s32 @p0 $0x1  }
0x13: {  	[smem:$0x3FB9] =	sst s0;
	s0 =	simm.s32 @!p1 $0x0  }
0x14: {  	s2 =	sld [smem:$0x3F9D];
	s0 =	simm.s32 @p1 $0x1  }
0x15: {  	[smem:$0x3FBA] =	sst s0;
	s0 =	simm.s32 @!p2 $0x0  }
0x16: {  	s3 =	sld [smem:$0x3FDB];
	s0 =	simm.s32 @p2 $0x1  }
0x17: {  	s4 =	simm.s32 $0x1BF5;
	[smem:$0x3FBC] =	sst s0  }
0x18: {  	s0 =	sld [smem:$0x3F9F];
	_ =	swait.ge [sflag:s4], $0x0  }
0x19: {  	s7 =	sld [smem:$0x3FA0]  }
0x1a: {  	s8 =	sadd.s32 $0xFFFFE003, lr  }
0x1b: {  	s9 =	sadd.s32 $0xFFFFFEF7, lr;
	s5 =	simm.s32 $0xFFFFFFFF;
	p2 =	slt.u32 s8, $0xFFFFF086  }
0x1c: {  	p1 =	slt.u32 s9, $0xF7A;
	s5 =	simm.s32 @!p2 $0x0  }
0x1d: {  	s5 =	simm.s32 @p1 $0x1;
	p0 =	seq.s32 s7, s2  }
0x1e: {  	s7 =	smul.u32 @!p0 $0xF7A, s2;
	p2 =	seq.s32 @!p0 s5, $0x0  }
0x1f: {  	s9 =	smul.u32 $0xF7A, s1;
	s8 =	simm.s32 @!p0 $0x1BF5;
	p2 =	por !p2, p0  }
0x20: {  	[sflag:s8] =	ssyncset.s32 @!p0 $0xFFFFF086;
	s6 =	sadd.s32 @!p0 s3, s7;
	s7 =	simm.s32 @!p0 $0x108  }
0x21: {  	s3 =	sadd.s32 s3, s9;
	s6 =	sadd.s32 @!p0 $0x88, s6;
	s7 =	simm.s32 @p2 $0x1082  }
0x22: {  	[simem:s7], [sflag:s8] =	dma.local @!p0 [hbm:s6], $0xF7A  }
0x23: {  	s9 =	sor.u32 $0xD0000000, s2;
	s6 =	simm.s32 $0x108;
	_ =	swait.ge @!p0 [sflag:s8], $0x0  }
0x24: {  	s3 =	sadd.s32 $0x88, s3;
	s6 =	simm.s32 @!p1 $0x1082;
	[sflag:s4] =	ssyncset.s32 $0xFFFFF086  }
0x25: {  	[simem:s6], [sflag:s4] =	dma.local [hbm:s3], $0xF7A  }
0x26: {  	[smem:$0x3FA0] =	sst s1;
	(tag) =	ssettag s2;
	_ =	strace s9  }
0x27: {  	s1 =	sld [smem:$0x3FB0]  }
0x28: {  	s2 =	sld [smem:$0x3FB1]  }
0x29: {  	s4 =	sld [smem:$0x3FB3]  }
0x2a: {  	p0 =	seq.s32 s5, $0x0;
	s5 =	sld [smem:$0x3FB4]  }
0x2b: {  	s6 =	sld [smem:$0x3FB5]  }
0x2c: {  	s7 =	sld [smem:$0x3FB6]  }
0x2d: {  	s3 =	simm.s32 $0x108;
	s8 =	sld [smem:$0x3FB7]  }
0x2e: {  	s3 =	simm.s32 @!p0 $0x1082;
	s9 =	sld [smem:$0x3FB8]  }
0x2f: {  	lr =	sadd.s32 s0, s3;
	s0 =	sld [smem:$0x3FAF]  }
0x30: {  	s3 =	sld [smem:$0x3FB2]  }
0x31: {  	[smem:$0x3FBB] =	sst s10  }
0x32: {  	s10 =	sld [smem:$0x3FB9];
	_ =	sdelay $0x3  }
0x33: {  	p0 =	seq.s32 s10, $0x1;
	s10 =	sld [smem:$0x3FBB];
	_ =	sdelay $0x3  }
0x34: {  	[smem:$0x3FBB] =	sst s10  }
0x35: {  	s10 =	sld [smem:$0x3FBA];
	_ =	sdelay $0x3  }
0x36: {  	p1 =	seq.s32 s10, $0x1;
	s10 =	sld [smem:$0x3FBB];
	_ =	sdelay $0x3  }
0x37: {  	[smem:$0x3FBB] =	sst s10  }
0x38: {  	s10 =	sld [smem:$0x3FBC]  }
0x39: {  	_ = 	snop;
	(pc) =	sbr.ind lr, $3  }
0x3a: {  	_ = 	snop  }
0x3b: {  	_ = 	snop  }
0x3c: {  	p2 =	seq.s32 s10, $0x1;
	s10 =	sld [smem:$0x3FBB]  }
0x3d: {  	_ =	shalt  }
0x3e: {  	_ =	shalt  }
0x3f: {  	_ =	shalt  }
0x40: {  	_ =	shalt  }
0x41: {  	_ =	shalt  }
0x42: {  	_ =	shalt  }
0x43: {  	_ =	shalt  }
0x44: {  	_ =	shalt  }
0x45: {  	_ =	shalt  }
0x46: {  	_ =	shalt  }
0x47: {  	_ =	shalt  }
0x48: {  	_ =	shalt  }
0x49: {  	_ =	shalt  }
0x4a: {  	_ =	shalt  }
0x4b: {  	_ =	shalt  }
0x4c: {  	_ =	shalt  }
0x4d: {  	_ =	shalt  }
0x4e: {  	_ =	shalt  }
0x4f: {  	_ =	shalt  }
0x50: {  	_ =	shalt  }
0x51: {  	_ =	shalt  }
0x52: {  	_ =	shalt  }
0x53: {  	_ =	shalt  }
0x54: {  	_ =	shalt  }
0x55: {  	_ =	shalt  }
0x56: {  	_ =	shalt  }
0x57: {  	_ =	shalt  }
0x58: {  	_ =	shalt  }
0x59: {  	_ =	shalt  }
0x5a: {  	_ =	shalt  }
0x5b: {  	_ =	shalt  }
0x5c: {  	_ =	shalt  }
0x5d: {  	_ =	shalt  }
0x5e: {  	_ =	shalt  }
0x5f: {  	_ =	shalt  }
0x60: {  	_ =	shalt  }
0x61: {  	_ =	shalt  }
0x62: {  	_ =	shalt  }
0x63: {  	_ =	shalt  }
0x64: {  	_ =	shalt  }
0x65: {  	_ =	shalt  }
0x66: {  	_ =	shalt  }
0x67: {  	_ =	shalt  }
0x68: {  	_ =	shalt  }
0x69: {  	_ =	shalt  }
0x6a: {  	_ =	shalt  }
0x6b: {  	_ =	shalt  }
0x6c: {  	_ =	shalt  }
0x6d: {  	_ =	shalt  }
0x6e: {  	_ =	shalt  }
0x6f: {  	_ =	shalt  }
0x70: {  	_ =	shalt  }
0x71: {  	_ =	shalt  }
0x72: {  	_ =	shalt  }
0x73: {  	_ =	shalt  }
0x74: {  	_ =	shalt  }
0x75: {  	_ =	shalt  }
0x76: {  	_ =	shalt  }
0x77: {  	_ =	shalt  }
0x78: {  	_ =	shalt  }
0x79: {  	_ =	shalt  }
0x7a: {  	_ =	shalt  }
0x7b: {  	_ =	shalt  }
0x7c: {  	_ =	shalt  }
0x7d: {  	_ =	shalt  }
0x7e: {  	_ =	shalt  }
0x7f: {  	_ =	shalt  }
0x80: {  	_ =	shalt  }
0x81: {  	_ =	shalt  }
0x82: {  	_ =	shalt  }
0x83: {  	_ =	shalt  }
0x84: {  	_ =	shalt  }
0x85: {  	_ =	shalt  }
0x86: {  	_ =	shalt  }
0x87: {  	_ =	shalt  }
.Lfunc_end0:
.L_simem_size_0:
called_computation_lowered:
.L_overlay_start_0:
0x88: {  	s2 =	sld [smem:$0x3FD9]  }
0x89: {  	s3 =	sld [smem:$0x3FFE];
	_ =	sdelay $0x1  }
0x8a: {  	s1 =	srdreg.scid  }
0x8b: {  	s0 =	sand.u32 $0x1, s1  }
0x8c: {  	s18 =	sshll.u32 s0, $0xA;
	s2 =	sadd.s32 s3, s2  }
0x8d: {  	s2 =	sadd.s32 s2, s18  }
0x8e: {  	[smem:$0x3FC7] =	sst s2  }
0x8f: {  	_ = 	snop  }
0x90: {  	s2 =	sld [smem:$0x3FC9]  }
0x91: {  	s19 =	sld [smem:$0x3FD0];
	(tm) =	ssettm $0x1  }
0x92: {  	s4 =	sld [smem:$0x3FFB];
	_ =	sdelay $0x3  }
0x93: {  	_ =	strace s4  }
0x94: {  	s4 =	sld [smem:$0x3FFC];
	_ =	sdelay $0x3  }
0x95: {  	_ =	strace s4  }
0x96: {  	s4 =	sld [smem:$0x3FFD];
	_ =	sdelay $0x3  }
0x97: {  	_ =	strace s4  }
0x98: {  	_ =	strace $0x8FFFFFFF  }
0x99: {  	s20 =	sld [smem:$0x3FDB];
	_ =	sdelay $0x1  }
0x9a: {  	s5 =	simm.s32 $_scs_section_size  }
0x9b: {  	s6 =	simm.s32 $_size__tile_overlayer_lowered;
	s7 =	simm.s32 $_tile_overlayer_lowered  }
0x9c: {  	s23 =	simm.s32 $0x1BFF;
	s22 =	sshll.u32 s7, $0x1;
	s4 =	sadd.s32 s5, s20  }
0x9d: {  	s8 =	simm.s32 $0x0;
	s21 =	sshll.u32 s6, $0x1;
	s6 =	sadd.s32 s22, s4  }
0x9e: {  	[timem:s8], [sflag:s23] =	dma.local [hbm:s6], s21  }
0x9f: {  	_ =	swait.ge [sflag:s23], s21  }
0xa0: {  	s5 =	ssub.s32 $0x0, s21;
	[sflag:s23] =	ssyncset.done $0x0  }
0xa1: {  	[sflag:s23] =	ssyncadd.s32 s5;
	_ =	sdelay $0x1  }
0xa2: {  	s24 =	simm.s32 $0x1B8B  }
0xa3: {  	_ =	swait.ge [sflag:s24], $0x1  }
0xa4: {  	[sflag:s24] =	ssyncset.done $0x0  }
0xa5: {  	s25 =	simm.s32 $0x1B8E;
	[sflag:s24] =	ssyncadd.s32 $0xFFFFFFFF  }
0xa6: {  	s26 =	simm.s32 $execute0_lowered;
	[smem:$0x3FD2] =	sst s25  }
0xa7: {  	s5 =	sshll.u32 s26, $0x1;
	_ =	strace $0x80000046;
	[dreg:$0x1] =	wrdreg $0xFFFFFFFF  }
0xa8: {  	s28 =	simm.s32 $_size_execute0_lowered;
	s4 =	sadd.s32 s4, s5;
	[dreg:$0x0] =	wrdreg $0x0  }
0xa9: {  	s5 =	sshll.u32 s28, $0x1;
	[dreg:$0x2] =	wrdreg s4  }
0xaa: {  	[dreg:$0x3] =	wrdreg s5  }
0xab: {  	[dreg:$0x4] =	wrdreg $0xC0  }
0xac: {  	_ =	task [dreg:s8], $0x5FFFF  }
0xad: {  	[dreg:$0x1] =	wrdreg $0xFFFFFFFF  }
0xae: {  	[dreg:$0x0] =	wrdreg $0x60  }
0xaf: {  	[dreg:$0x2] =	wrdreg s2  }
0xb0: {  	[dreg:$0x3] =	wrdreg s19  }
0xb1: {  	[dreg:$0x4] =	wrdreg $0x9  }
0xb2: {  	_ =	task.clear_ibuf [dreg:s8], $0x5FFFF;
	_ =	strace $0x90000046  }
0xb3: {  	s29 =	simm.s32 $0x9;
	_ =	strace $0x80000048  }
0xb4: {  	_ =	swait.ge [sflag:s29], $0x1  }
0xb5: {  	[sflag:s29] =	ssyncadd.s32 $0xFFFFFFFF  }
0xb6: {  	_ =	strace $0x90000048  }
0xb7: {  	_ =	sfence  }
0xb8: {  	s30 =	sld [smem:$0x0];
	_ =	sdelay $0x2  }
0xb9: {  	s31 =	sshll.u32 s1, $0xD;
	s1 =	sshrl.u32 s1, $0x2  }
0xba: {  	s3 =	sand.u32 $0x4000, s31;
	s1 =	sadd.s32 s1, s30  }
0xbb: {  	s0 =	sor.u32 s3, s0;
	s1 =	sshll.u32 s1, $0x11  }
0xbc: {  	s0 =	sor.u32 s1, s0  }
0xbd: {  	s0 =	sadd.s32 $0x8F2B, s0  }
0xbe: {  	[sflag:s0] =	ssyncadd.remote.s32 $0x1  }
0xbf: {  	_ =	sfence.sel $0xFFFF  }
0xc0: {  	[dreg:$0x0] =	wrdreg $0xFFFFFFFF;
	(pc) =	sbr.abs _section_cstart, $3  }
0xc1: {  	[dreg:$0x1] =	wrdreg $0xFFFFFFFF  }
0xc2: {  	_ =	task.clear_ibuf [dreg:s8], $0x2FFFF;
	_ =	strace $0x9FFFFFFF  }
0xc3: {  	(tm) =	ssettm $0x7FFFFFFF  }
tec
execute0_lowered:
.L_overlay_start_1:
0x0: {  	(tag) =	ssettag $0x1  }
0x1: {  	s1 =	rddreg [dreg:$0x0]  }
0x2: {  	s2 =	rddreg [dreg:$0x1];
	s4 =	srdreg.scid  }
0x3: {  	s0 =	rddreg [dreg:$0x2];
	s3 =	simm.s32 $0x0;
	s8 =	simm.s32 $0x400  }
0x4: {  	s9 =	simm.s32 $0x1;
	s10 =	simm.s32 $0x8000;
	s11 =	simm.s32 $0x10100  }
.Ltmp0:
0x5: {  	s12 =	simm.s32 $0x18200;
	s5 =	sand.u32 $0x1, s4;
	(pc) =	sbr.rel .LBB2_1-.Ltmp0, $4  }
0x6: {  	v0 =	vlaneseq.u32;
	s13 =	simm.s32 $0x0;
	[smem:$0x7FF] =	sst s3;
	s6 =	ssub.s32 $0x2, s5  }
0x7: {  	s4 =	stileid.u32;
	v4 =	vmul.u32 $0xFFFFFFFF, v0;
	_ =	strace $0x80000047;
	s7 =	sshrl.u32 s6, $0x1  }
0x8: {  	v1 =	vimm.s32 $0x0;
	v3 =	vimm.s32 $0x1;
	s31 =	sshll.u32 s4, $0xF;
	s5 =	sshll.u32 s5, $0x6;
	s6 =	ssub.s32 s6, s7  }
0x9: {  	v5 =	vimm.f32 $0.0e+00;
	v2 =	vmul.u32 $0x400, v0;
	s5 =	sor.u32 s31, s5;
	v4 =	vadd.s32 $0xF, v4;
	s7 =	simm.s32 $0x80;
	s6 =	smax.u32 s6, $0x1  }
.LBB2_70:
0xa: {  	s13 =	sadd.s32 $0x1, s13  }
0xb: {  	p0 =	sne.s32 s13, s6  }
.Ltmp1:
0xc: {  	_ = 	snop;
	(pc) =	sbr.rel @!p0 .LBB2_71-.Ltmp1, $1  }
0xd: {  	_ =	sdelay $0x3  }
.LBB2_1:
0xe: {  	s14 =	simm.s32 $0x18240  }
0xf: {  	[tilespmem:s14+$0xFFFFFFC0] =	vst v1  }
0x10: {  	[tilespmem:s14+$0x30] =	vst v1  }
0x11: {  	[tilespmem:s14+$0x20] =	vst v1  }
0x12: {  	[tilespmem:s14+$0x10] =	vst v1  }
0x13: {  	[tilespmem:s14+$0x0] =	vst v1  }
0x14: {  	[tilespmem:s14+$0xFFFFFFF0] =	vst v1  }
0x15: {  	s15 =	simm.s32 $0x0;
	[tilespmem:s14+$0xFFFFFFE0] =	vst v1  }
.LBB2_2:
0x16: {  	s15 =	sadd.s32 $0x8, s15;
	[tilespmem:s14+$0xFFFFFFD0] =	vst v1;
	s14 =	sadd.s32 $0x80, s14  }
0x17: {  	[tilespmem:s14+$0xFFFFFFC0] =	vst v1;
	p0 =	slt.u32 s15, $0x3F8  }
0x18: {  	[tilespmem:s14+$0x30] =	vst v1  }
.Ltmp2:
0x19: {  	[tilespmem:s14+$0x20] =	vst v1;
	(pc) =	sbr.rel @p0 .LBB2_2-.Ltmp2, $4  }
0x1a: {  	[tilespmem:s14+$0x10] =	vst v1  }
0x1b: {  	[tilespmem:s14+$0x0] =	vst v1  }
0x1c: {  	[tilespmem:s14+$0xFFFFFFF0] =	vst v1  }
0x1d: {  	[tilespmem:s14+$0xFFFFFFE0] =	vst v1  }
0x1e: {  	[tilespmem:s14+$0xFFFFFFD0] =	vst v1;
	s14 =	simm.s32 $0x0;
	s15 =	simm.s32 $0x0  }
.LBB2_4:
0x1f: {  	s16 =	sshll.u32 s15, $0x4  }
0x20: {  	s16 =	sadd.s32 s5, s16  }
0x21: {  	s17 =	sadd.s32 s1, s16  }
0x22: {  	[tilespmem:s14], [sflag:$0x1] =	stream.strided.gather [hbm4b:s17+s7], $0x8000, s8, s7, $0x38;
	[tilespmem:$0x1C600] =	vst v63  }
0x23: {  	_ =	swait.ge [sflag:s9], $0x8000  }
0x24: {  	[sflag:s9] =	ssyncset.done $0x0  }
0x25: {  	s31 =	simm.s32 $0x0;
	[sflag:s9] =	ssyncadd.s32 $0xFFFF8000  }
0x26: {  	v6 =	vld [tilespmem:s31+$0x0]  }
0x27: {  	v7 =	vld [tilespmem:s31+$0x10]  }
0x28: {  	v8 =	vld [tilespmem:s31+$0x20]  }
0x29: {  	v9 =	vld [tilespmem:s31+$0x30]  }
0x2a: {  	v11 =	vld [tilespmem:s31+$0x50];
	_ =	sdelay $0x3  }
0x2b: {  	v6 =	vshrl.u32 v6, $0x14;
	v7 =	vshrl.u32 v7, $0x14;
	v9 =	vshrl.u32 v9, $0x14  }
0x2c: {  	v8 =	vshrl.u32 v8, $0x14;
	v11 =	vshrl.u32 v11, $0x14;
	v10 =	vadd.s32 v2, v6  }
0x2d: {  	v12 =	vld [tilespmem:s31+$0x40];
	v6 =	vand.u32 $0x7F, v6;
	v13 =	vadd.s32 v2, v7;
	v7 =	vand.u32 $0x7F, v7  }
0x2e: {  	v60 =	vld [tilespmem:s31+$0x60];
	v14 =	vadd.s32 v2, v8;
	v8 =	vand.u32 $0x7F, v8;
	v10 =	vand.u32 $0x7F80, v10  }
0x2f: {  	v14 =	vand.u32 $0x7F80, v14;
	v6 =	vor.u32 v6, v10;
	v10 =	vand.u32 $0x7F80, v13  }
0x30: {  	v15 =	vld [tilespmem:s31+$0x70];
	v7 =	vor.u32 v7, v10;
	v10 =	vand.u32 $0x7F, v9;
	v9 =	vadd.s32 v2, v9  }
0x31: {  	v61 =	vadd.s32 v2, v11;
	v8 =	vor.u32 v8, v14;
	v9 =	vand.u32 $0x7F80, v9  }
0x32: {  	v11 =	vand.u32 $0x7F, v11;
	v9 =	vor.u32 v10, v9;
	v10 =	vshrl.u32 v12, $0x14  }
0x33: {  	s18 =	simm.s32 $0x18200;
	v13 =	vshrl.u32 v60, $0x14;
	v12 =	vand.u32 $0x7F80, v61;
	v62 =	vadd.s32 v2, v10  }
0x34: {  	v10 =	vand.u32 $0x7F, v10;
	v14 =	vand.u32 $0x7F80, v62;
	[tilespmem:v6+s18+$0x0] =	vst.idx.add.s32.msk $0xffff, v3;
	v6 =	vor.u32 v11, v12  }
0x35: {  	v63 =	vshrl.u32 v15, $0x14;
	v11 =	vadd.s32 v2, v13;
	[tilespmem:v7+s18+$0x0] =	vst.idx.add.s32.msk $0xffff, v3;
	v7 =	vor.u32 v10, v14  }
0x36: {  	v10 =	vand.u32 $0x7F80, v11;
	v11 =	vadd.s32 v2, v63;
	[tilespmem:v8+s18+$0x0] =	vst.idx.add.s32.msk $0xffff, v3;
	v8 =	vand.u32 $0x7F, v13  }
0x37: {  	v12 =	vand.u32 $0x7F, v63;
	v11 =	vand.u32 $0x7F80, v11;
	v8 =	vor.u32 v8, v10  }
0x38: {  	s17 =	simm.s32 $0x200;
	[tilespmem:v9+s18+$0x0] =	vst.idx.add.s32.msk $0xffff, v3;
	v9 =	vor.u32 v12, v11  }
.LBB2_5:
0x39: {  	p0 =	sne.s32 s17, $0x1FE00;
	s19 =	smov.u32 s17;
	s17 =	sadd.s32 $0x200, s17  }
0x3a: {  	[tilespmem:v7+s18+$0x0] =	vst.idx.add.s32.msk $0xffff, v3  }
0x3b: {  	[tilespmem:v6+s18+$0x0] =	vst.idx.add.s32.msk $0xffff, v3  }
0x3c: {  	[tilespmem:v8+s18+$0x0] =	vst.idx.add.s32.msk $0xffff, v3  }
0x3d: {  	s19 =	sshra.s32 s19, $0x2;
	[tilespmem:v9+s18+$0x0] =	vst.idx.add.s32.msk $0xffff, v3  }
0x3e: {  	v6 =	vld [tilespmem:s19+$0x0]  }
0x3f: {  	v7 =	vld [tilespmem:s19+$0x10]  }
0x40: {  	v8 =	vld [tilespmem:s19+$0x20]  }
0x41: {  	v9 =	vld [tilespmem:s19+$0x30];
	_ =	sdelay $0x1  }
0x42: {  	v6 =	vshrl.u32 v6, $0x14  }
0x43: {  	v10 =	vld [tilespmem:s19+$0x40];
	v11 =	vadd.s32 v2, v6;
	v6 =	vand.u32 $0x7F, v6;
	v7 =	vshrl.u32 v7, $0x14  }
0x44: {  	v12 =	vld [tilespmem:s19+$0x50];
	v11 =	vand.u32 $0x7F80, v11;
	v13 =	vadd.s32 v2, v7;
	v7 =	vand.u32 $0x7F, v7  }
0x45: {  	v6 =	vor.u32 v6, v11;
	v11 =	vand.u32 $0x7F80, v13;
	v9 =	vshrl.u32 v9, $0x14  }
0x46: {  	v8 =	vshrl.u32 v8, $0x14;
	v13 =	vld [tilespmem:s19+$0x60];
	v7 =	vor.u32 v7, v11;
	v11 =	vand.u32 $0x7F, v9  }
0x47: {  	v14 =	vadd.s32 v2, v8;
	v9 =	vadd.s32 v2, v9  }
0x48: {  	v8 =	vand.u32 $0x7F, v8;
	v14 =	vand.u32 $0x7F80, v14;
	v9 =	vand.u32 $0x7F80, v9;
	v15 =	vld [tilespmem:s19+$0x70]  }
0x49: {  	v8 =	vor.u32 v8, v14;
	v9 =	vor.u32 v11, v9;
	v11 =	vshrl.u32 v12, $0x14  }
0x4a: {  	[tilespmem:v6+s18+$0x0] =	vst.idx.add.s32.msk $0xffff, v3;
	v6 =	vshrl.u32 v10, $0x14;
	v10 =	vadd.s32 v2, v11;
	v11 =	vand.u32 $0x7F, v11  }
0x4b: {  	[tilespmem:v7+s18+$0x0] =	vst.idx.add.s32.msk $0xffff, v3;
	v7 =	vadd.s32 v2, v6;
	v12 =	vand.u32 $0x7F, v6;
	v6 =	vand.u32 $0x7F80, v10  }
.Ltmp3:
0x4c: {  	v10 =	vshrl.u32 v13, $0x14;
	v7 =	vand.u32 $0x7F80, v7;
	v6 =	vor.u32 v11, v6;
	(pc) =	sbr.rel @p0 .LBB2_5-.Ltmp3, $4  }
0x4d: {  	v11 =	vadd.s32 v2, v10;
	v7 =	vor.u32 v12, v7;
	v12 =	vshrl.u32 v15, $0x14  }
0x4e: {  	v10 =	vand.u32 $0x7F, v10;
	[tilespmem:v8+s18+$0x0] =	vst.idx.add.s32.msk $0xffff, v3;
	v8 =	vand.u32 $0x7F80, v11;
	v11 =	vadd.s32 v2, v12  }
0x4f: {  	[tilespmem:v9+s18+$0x0] =	vst.idx.add.s32.msk $0xffff, v3;
	v8 =	vor.u32 v10, v8;
	v9 =	vand.u32 $0x7F80, v11;
	v10 =	vand.u32 $0x7F, v12  }
0x50: {  	v9 =	vor.u32 v10, v9  }
0x51: {  	_ =	sdelay $0x3  }
0x52: {  	[tilespmem:v7+s18+$0x0] =	vst.idx.add.s32.msk $0xffff, v3  }
0x53: {  	[tilespmem:v6+s18+$0x0] =	vst.idx.add.s32.msk $0xffff, v3  }
0x54: {  	[tilespmem:v8+s18+$0x0] =	vst.idx.add.s32.msk $0xffff, v3  }
0x55: {  	s17 =	simm.s32 $0x0;
	[tilespmem:v9+s18+$0x0] =	vst.idx.add.s32.msk $0xffff, v3  }
0x56: {  	s30 =	sand.u32 $0x3F0, s17;
	v6 =	vld [tilespmem:s18+$0x0];
	[tilespmem:s18+$0x0] =	vst v1  }
0x57: {  	v7 =	vld [tilespmem:s30+$0x18600]  }
0x58: {  	v8 =	vld [tilespmem:s30+$0x18A00]  }
0x59: {  	v9 =	vld [tilespmem:s30+$0x18E00]  }
0x5a: {  	v10 =	vld [tilespmem:s30+$0x19200]  }
0x5b: {  	v11 =	vld [tilespmem:s30+$0x19600]  }
0x5c: {  	v6 =	vadd.s32 v6, v7;
	v7 =	vld [tilespmem:s30+$0x19A00]  }
0x5d: {  	[tilespmem:s30+$0x18600] =	vst v1;
	v6 =	vadd.s32 v8, v6;
	v8 =	vld [tilespmem:s30+$0x19E00]  }
0x5e: {  	[tilespmem:s30+$0x18A00] =	vst v1;
	v49 =	vld [tilespmem:s30+$0x1A200];
	v6 =	vadd.s32 v9, v6  }
0x5f: {  	[tilespmem:s30+$0x18E00] =	vst v1;
	v50 =	vld [tilespmem:s30+$0x1A600];
	v6 =	vadd.s32 v10, v6  }
0x60: {  	[tilespmem:s30+$0x19200] =	vst v1;
	v51 =	vld [tilespmem:s30+$0x1AA00];
	v6 =	vadd.s32 v11, v6  }
0x61: {  	[tilespmem:s30+$0x19600] =	vst v1;
	v6 =	vadd.s32 v7, v6;
	v7 =	vld [tilespmem:s30+$0x1AE00]  }
0x62: {  	[tilespmem:s30+$0x1A200] =	vst v1;
	v6 =	vadd.s32 v8, v6;
	v8 =	vld [tilespmem:s30+$0x1B200]  }
0x63: {  	v52 =	vld [tilespmem:s30+$0x1B600];
	[tilespmem:s30+$0x1A600] =	vst v1;
	v6 =	vadd.s32 v49, v6  }
0x64: {  	v53 =	vld [tilespmem:s30+$0x1BA00];
	[tilespmem:s30+$0x1AA00] =	vst v1;
	v6 =	vadd.s32 v50, v6  }
0x65: {  	v54 =	vld [tilespmem:s30+$0x1BE00];
	[tilespmem:s30+$0x1B600] =	vst v1;
	v6 =	vadd.s32 v51, v6  }
0x66: {  	[tilespmem:s30+$0x1BA00] =	vst v1;
	v6 =	vadd.s32 v7, v6  }
0x67: {  	[tilespmem:s30+$0x1BE00] =	vst v1;
	v6 =	vadd.s32 v8, v6  }
0x68: {  	[tilespmem:s30+$0x19A00] =	vst v1;
	v6 =	vadd.s32 v52, v6  }
0x69: {  	[tilespmem:s30+$0x19E00] =	vst v1;
	v6 =	vadd.s32 v53, v6  }
0x6a: {  	[tilespmem:s30+$0x1AE00] =	vst v1;
	v6 =	vadd.s32 v54, v6  }
0x6b: {  	s19 =	simm.s32 $0x1C200;
	[tilespmem:s30+$0x1B200] =	vst v1;
	(xrf0) =	vadd.scan.msk.s32 $0xffff, v6  }
0x6c: {  	s31 =	simm.s32 $0x10;
	s18 =	simm.s32 $0x18210;
	[tilespmem:s19+$0x0] =	vst v6  }
0x6d: {  	s20 =	sand.u32 $0x3F0, s31;
	v6 =	vld [tilespmem:s18+$0x0];
	[tilespmem:s18+$0x0] =	vst v1  }
0x6e: {  	v7 =	vld [tilespmem:s20+$0x18600]  }
0x6f: {  	v8 =	vld [tilespmem:s20+$0x18A00]  }
0x70: {  	v55 =	vld [tilespmem:s20+$0x18E00]  }
0x71: {  	v56 =	vld [tilespmem:s20+$0x19200];
	v57, _, _ =	vpop (xrf0)  }
0x72: {  	v12 =	vld [tilespmem:s20+$0x19600];
	(v2sf) =	vpush v57, $0xF  }
0x73: {  	[tilespmem:s20+$0x18600] =	vst v1;
	v6 =	vadd.s32 v6, v7;
	v7 =	vld [tilespmem:s20+$0x19A00]  }
0x74: {  	[tilespmem:s20+$0x18A00] =	vst v1;
	v6 =	vadd.s32 v8, v6;
	v8 =	vld [tilespmem:s20+$0x19E00]  }
0x75: {  	[tilespmem:s20+$0x18E00] =	vst v1;
	v58 =	vld [tilespmem:s20+$0x1A200];
	v6 =	vadd.s32 v55, v6  }
0x76: {  	[tilespmem:s20+$0x19200] =	vst v1;
	v59 =	vld [tilespmem:s20+$0x1A600];
	v6 =	vadd.s32 v56, v6  }
0x77: {  	[tilespmem:s20+$0x19600] =	vst v1;
	v60 =	vld [tilespmem:s20+$0x1AA00];
	v6 =	vadd.s32 v12, v6  }
0x78: {  	[tilespmem:s20+$0x1A200] =	vst v1;
	v6 =	vadd.s32 v7, v6;
	v7 =	vld [tilespmem:s20+$0x1AE00]  }
0x79: {  	[tilespmem:s20+$0x1A600] =	vst v1;
	v6 =	vadd.s32 v8, v6;
	v8 =	vld [tilespmem:s20+$0x1B200]  }
0x7a: {  	v61 =	vld [tilespmem:s20+$0x1B600];
	[tilespmem:s20+$0x1AA00] =	vst v1;
	v6 =	vadd.s32 v58, v6  }
0x7b: {  	v62 =	vld [tilespmem:s20+$0x1BA00];
	[tilespmem:s20+$0x1B600] =	vst v1;
	v6 =	vadd.s32 v59, v6  }
0x7c: {  	v63 =	vld [tilespmem:s20+$0x1BE00];
	[tilespmem:s20+$0x1BA00] =	vst v1;
	v6 =	vadd.s32 v60, v6  }
0x7d: {  	[tilespmem:s20+$0x1BE00] =	vst v1;
	v6 =	vadd.s32 v7, v6  }
0x7e: {  	[tilespmem:s20+$0x19A00] =	vst v1;
	v6 =	vadd.s32 v8, v6  }
0x7f: {  	[tilespmem:s20+$0x19E00] =	vst v1;
	v6 =	vadd.s32 v61, v6  }
0x80: {  	s23 =	simm.s32 $0x20;
	s21 =	simm.s32 $0x0;
	[tilespmem:s20+$0x1AE00] =	vst v1;
	v6 =	vadd.s32 v62, v6  }
0x81: {  	s19 =	simm.s32 $0x1;
	[tilespmem:s20+$0x1B200] =	vst v1;
	s20 =	simm.s32 $0x1C210;
	v6 =	vadd.s32 v63, v6;
	s24 =	spop (v2sf)  }
.LBB2_7:
0x82: {  	s18 =	sadd.s32 $0x10, s18;
	[smem:s21] =	sst s24  }
0x83: {  	[tilespmem:s20+$0x0] =	vst v6;
	(xrf0) =	vadd.scan.msk.s32 $0xffff, v6;
	s24 =	smov.u32 s23;
	s22 =	sadd.s32 $0x10, s23;
	s21 =	smov.u32 s19  }
0x84: {  	p0 =	sne.s32 s23, $0x3F0;
	v6 =	vld [tilespmem:s18+$0x0]  }
0x85: {  	s23 =	sand.u32 $0x3F0, s24;
	[tilespmem:s18+$0x0] =	vst v1  }
0x86: {  	v7 =	vld [tilespmem:s23+$0x18600]  }
0x87: {  	[tilespmem:s23+$0x18600] =	vst v1;
	v8 =	vld [tilespmem:s23+$0x18A00]  }
0x88: {  	[tilespmem:s23+$0x18A00] =	vst v1;
	v9 =	vld [tilespmem:s23+$0x18E00]  }
0x89: {  	[tilespmem:s23+$0x18E00] =	vst v1;
	v10 =	vld [tilespmem:s23+$0x19200];
	v11, _, _ =	vpop (xrf0)  }
0x8a: {  	[tilespmem:s23+$0x19200] =	vst v1;
	v12 =	vld [tilespmem:s23+$0x19600];
	(v2sf) =	vpush v11, $0xF  }
0x8b: {  	v6 =	vadd.s32 v6, v7;
	[tilespmem:s23+$0x19600] =	vst v1;
	v7 =	vld [tilespmem:s23+$0x19A00]  }
0x8c: {  	v6 =	vadd.s32 v8, v6;
	[tilespmem:s23+$0x19A00] =	vst v1;
	v8 =	vld [tilespmem:s23+$0x19E00]  }
0x8d: {  	v6 =	vadd.s32 v9, v6;
	[tilespmem:s23+$0x19E00] =	vst v1;
	v9 =	vld [tilespmem:s23+$0x1A200]  }
0x8e: {  	v6 =	vadd.s32 v10, v6;
	[tilespmem:s23+$0x1A200] =	vst v1;
	v10 =	vld [tilespmem:s23+$0x1A600]  }
0x8f: {  	v6 =	vadd.s32 v12, v6;
	[tilespmem:s23+$0x1A600] =	vst v1;
	v11 =	vld [tilespmem:s23+$0x1AA00]  }
0x90: {  	v6 =	vadd.s32 v7, v6;
	[tilespmem:s23+$0x1AA00] =	vst v1;
	v7 =	vld [tilespmem:s23+$0x1AE00]  }
0x91: {  	v6 =	vadd.s32 v8, v6;
	[tilespmem:s23+$0x1AE00] =	vst v1;
	v8 =	vld [tilespmem:s23+$0x1B200]  }
0x92: {  	v6 =	vadd.s32 v9, v6;
	[tilespmem:s23+$0x1B200] =	vst v1;
	v9 =	vld [tilespmem:s23+$0x1B600]  }
0x93: {  	v6 =	vadd.s32 v10, v6;
	[tilespmem:s23+$0x1B600] =	vst v1;
	v10 =	vld [tilespmem:s23+$0x1BA00]  }
0x94: {  	v6 =	vadd.s32 v11, v6;
	[tilespmem:s23+$0x1BA00] =	vst v1;
	v11 =	vld [tilespmem:s23+$0x1BE00]  }
.Ltmp4:
0x95: {  	v6 =	vadd.s32 v7, v6;
	[tilespmem:s23+$0x1BE00] =	vst v1;
	(pc) =	sbr.rel @p0 .LBB2_7-.Ltmp4, $4  }
0x96: {  	v6 =	vadd.s32 v8, v6  }
0x97: {  	v6 =	vadd.s32 v9, v6  }
0x98: {  	s19 =	sadd.s32 $0x1, s19;
	v6 =	vadd.s32 v10, v6  }
0x99: {  	s20 =	sadd.s32 $0x10, s20;
	s23 =	smov.u32 s22;
	v6 =	vadd.s32 v11, v6;
	s24 =	spop (v2sf)  }
0x9a: {  	(xrf0) =	vadd.scan.msk.s32 $0xffff, v6;
	_ =	sdelay $0x5  }
0x9b: {  	v7, _, _ =	vpop (xrf0)  }
0x9c: {  	(v2sf) =	vpush v7, $0xF;
	_ =	sdelay $0xe  }
0x9d: {  	[smem:s21] =	sst s24;
	s18 =	spop (v2sf)  }
0x9e: {  	[tilespmem:s20+$0x0] =	vst v6;
	[smem:s19] =	sst s18  }
0x9f: {  	s18 =	sld [smem:$0x3F];
	_ =	sdelay $0x1  }
0xa0: {  	s21 =	simm.s32 $0x3E;
	p1 =	por $0x1, $0x1;
	s23 =	simm.s32 $0x3E  }
0xa1: {  	s24 =	simm.s32 $0x0;
	s20 =	simm.s32 $0x0;
	s22 =	sadd.s32 $0x0, s18  }
0xa2: {  	s19 =	simm.s32 $0x3F;
	s18 =	simm.s32 $0x0;
	p2 =	sgt.s32 s22, $0x1FFF  }
.LBB2_9:
0xa3: {  	s25 =	sld [smem:s23+$0x0]  }
0xa4: {  	p1 =	por !p1, !p2;
	s26 =	smov.u32 s21;
	p0 =	sne.s32 s21, $0x0  }
.Ltmp5:
0xa5: {  	s21 =	sadd.s32 $0xFFFFFFFF, s21;
	p1 =	por !p1, !p1;
	(pc) =	sbr.rel @p0 .LBB2_9-.Ltmp5, $4  }
0xa6: {  	s17 =	smov.u32 @p1 s19;
	s24 =	simm.s32 @p1 $0x1;
	s19 =	smov.u32 s26  }
0xa7: {  	s18 =	smov.u32 @p1 s20;
	s20 =	smov.u32 s22  }
0xa8: {  	s22 =	sadd.s32 s22, s25  }
0xa9: {  	s23 =	sadd.s32 $0xFFFFFFFF, s23;
	p1 =	seq.s32 s24, $0x0;
	p2 =	sgt.s32 s22, $0x1FFF  }
0xaa: {  	p0 =	por !p1, !p2  }
0xab: {  	p0 =	por !p0, !p0  }
0xac: {  	s17 =	smov.u32 @p0 s19  }
0xad: {  	s17 =	sshll.u32 s17, $0x4  }
0xae: {  	v6 =	vld [tilespmem:s17+$0x1C200];
	_ =	sdelay $0x4  }
0xaf: {  	v6 =	vperm.xlane v6, v4;
	_ =	sdelay $0x1  }
0xb0: {  	(xrf0) =	vadd.scan.msk.s32 $0xffff, v6;
	_ =	sdelay $0x5  }
0xb1: {  	s18 =	smov.u32 @p0 s20;
	v7, _, _ =	vpop (xrf0)  }
0xb2: {  	v7 =	vadd.s32 s18, v7  }
0xb3: {  	vm0 =	vgt.s32 v7, $0x1FFF  }
0xb4: {  	v8 =	vmctz.xlane vm0;
	_ =	sdelay $0x1  }
0xb5: {  	v8 =	vxor.u32 $0x80000000, v8  }
0xb6: {  	(xrf0) =	vmax.scan.msk.u32 $0xffff, v8;
	_ =	sdelay $0x5  }
0xb7: {  	v8, _, _ =	vpop (xrf0)  }
0xb8: {  	(v2sf) =	vpush v8, $0xF;
	_ =	sdelay $0xa  }
0xb9: {  	s19 =	simm.s32 $0x40  }
0xba: {  	v9 =	vld [tilespmem:s19+$0xFFFFFFC0]  }
0xbb: {  	v10 =	vld [tilespmem:s19+$0x30]  }
0xbc: {  	v12 =	vld [tilespmem:s19+$0xFFFFFFE0]  }
0xbd: {  	v13 =	vld [tilespmem:s19+$0xFFFFFFD0];
	s30 =	spop (v2sf)  }
0xbe: {  	s18 =	sxor.u32 $0x80000000, s30  }
0xbf: {  	v11 =	vld [tilespmem:s19+$0x0];
	s17 =	ssub.s32 s17, s18  }
0xc0: {  	v14 =	vld [tilespmem:s19+$0x10];
	s17 =	sadd.s32 $0xF, s17  }
0xc1: {  	v16 =	vld [tilespmem:s19+$0x20];
	v9 =	vshrl.u32 v9, $0x14;
	v12 =	vshrl.u32 v12, $0x14;
	v8 =	vmov s17  }
0xc2: {  	s31 =	simm.s32 $0xC0;
	v13 =	vshrl.u32 v13, $0x14;
	vm8 =	veq.s32 v9, v8;
	v9 =	vshrl.u32 v10, $0x14;
	v10 =	vld [tilespmem:s19+$0xFFFFFFF0]  }
0xc3: {  	vm10 =	veq.s32 v12, v8;
	v12 =	vld [tilespmem:s31+$0xFFFFFFC0];
	v15 =	vsel vm8, $0x1, v1;
	vm9 =	veq.s32 v9, v8  }
0xc4: {  	v11 =	vshrl.u32 v11, $0x14;
	vm2 =	veq.s32 v13, v8;
	v13 =	vld [tilespmem:s31+$0xFFFFFFE0];
	(xrf0) =	vadd.scan.msk.s32 $0xffff, v15;
	v9 =	vsel vm9, $0x1, v1  }
0xc5: {  	v14 =	vshrl.u32 v14, $0x14;
	vm1 =	veq.s32 v11, v8;
	(xrf0) =	vadd.scan.msk.s32 $0xffff, v9;
	v9 =	vld [tilespmem:s31+$0x30]  }
0xc6: {  	vm12 =	veq.s32 v14, v8;
	v11 =	vsel vm1, $0x1, v1;
	v15 =	vld [tilespmem:s31+$0x0]  }
0xc7: {  	v20 =	vld [tilespmem:s31+$0x10];
	v14 =	vshrl.u32 v16, $0x14;
	v17 =	vsel vm10, $0x1, v1;
	(xrf0) =	vadd.scan.msk.s32 $0xffff, v11;
	v10 =	vshrl.u32 v10, $0x14  }
0xc8: {  	v18 =	vsel vm2, $0x1, v1;
	vm13 =	veq.s32 v14, v8;
	(xrf0) =	vadd.scan.msk.s32 $0xffff, v17;
	vm11 =	veq.s32 v10, v8;
	v10 =	vld [tilespmem:s31+$0xFFFFFFD0]  }
0xc9: {  	v12 =	vshrl.u32 v12, $0x14;
	v14 =	vshrl.u32 v13, $0x14;
	v13 =	vsel vm13, $0x1, v1;
	(xrf0) =	vadd.scan.msk.s32 $0xffff, v18  }
0xca: {  	s21 =	simm.s32 $0x10140;
	vm14 =	veq.s32 v12, v8;
	v19 =	vsel vm11, $0x1, v1;
	v16, _, _ =	vpop (xrf0);
	v17 =	vshrl.u32 v9, $0x14  }
0xcb: {  	v12 =	vld [tilespmem:s31+$0xFFFFFFF0];
	v11 =	vshrl.u32 v15, $0x14;
	v15 =	vsel vm12, $0x1, v1;
	[tilespmem:s21+$0xFFFFFFC0] =	vst v16;
	v16, _, _ =	vpop (xrf0);
	(xrf0) =	vadd.scan.msk.s32 $0xffff, v19  }
0xcc: {  	s24 =	simm.s32 $0x8;
	v18 =	vsel vm14, $0x1, v1;
	vm15 =	veq.s32 v17, v8;
	[tilespmem:s21+$0x30] =	vst v16;
	(xrf0) =	vadd.scan.msk.s32 $0xffff, v15  }
0xcd: {  	s25 =	simm.s32 $0x140;
	s22 =	simm.s32 $0x10140;
	s23 =	simm.s32 $0x10140;
	v9 =	vld [tilespmem:s31+$0x20];
	v16 =	vsel vm15, $0x1, v1;
	v15 =	vshrl.u32 v10, $0x14;
	v10 =	vshrl.u32 v20, $0x14;
	(xrf0) =	vadd.scan.msk.s32 $0xffff, v18;
	v17, _, _ =	vpop (xrf0)  }
.LBB2_11:
0xce: {  	v18 =	vld [tilespmem:s25+$0x0];
	s24 =	sadd.s32 $0x8, s24;
	vm0 =	veq.s32 v14, v8;
	vm1 =	veq.s32 v11, v8;
	(xrf0) =	vadd.scan.msk.s32 $0xffff, v16;
	[tilespmem:s22+$0x0] =	vst v17;
	s23 =	sadd.s32 $0x80, s23;
	s20 =	simm.s32 $0x70;
	v11, _, _ =	vpop (xrf0)  }
0xcf: {  	vm2 =	veq.s32 v15, v8;
	v14 =	vld [tilespmem:s25+$0x30];
	p0 =	slt.u32 s24, $0x7F8;
	v15 =	vsel vm0, $0x1, v1;
	v16 =	vsel vm1, $0x1, v1;
	v17, _, _ =	vpop (xrf0);
	(xrf0) =	vadd.scan.msk.s32 $0xffff, v13  }
0xd0: {  	v19 =	vsel vm2, $0x1, v1;
	v13 =	vld [tilespmem:s25+$0xFFFFFFC0];
	v12 =	vshrl.u32 v12, $0x14;
	[tilespmem:s22+$0xFFFFFFD0] =	vst v17  }
0xd1: {  	v17 =	vld [tilespmem:s25+$0xFFFFFFE0];
	vm0 =	veq.s32 v12, v8;
	[tilespmem:s22+$0xFFFFFFE0] =	vst v11;
	v11, _, _ =	vpop (xrf0)  }
0xd2: {  	v20 =	vld [tilespmem:s25+$0xFFFFFFD0];
	v21 =	vsel vm0, $0x1, v1;
	(xrf0) =	vadd.scan.msk.s32 $0xffff, v16;
	[tilespmem:s22+$0xFFFFFFF0] =	vst v11;
	v11, _, _ =	vpop (xrf0)  }
0xd3: {  	v22 =	vshrl.u32 v9, $0x14;
	vm0 =	veq.s32 v10, v8;
	v16 =	vld [tilespmem:s25+$0x10];
	v12, _, _ =	vpop (xrf0);
	(xrf0) =	vadd.scan.msk.s32 $0xffff, v15;
	[tilespmem:s22+$0x10] =	vst v11  }
.Ltmp6:
0xd4: {  	v11 =	vshrl.u32 v18, $0x14;
	v15 =	vsel vm0, $0x1, v1;
	v9 =	vld [tilespmem:s25+$0x20];
	[tilespmem:s23+$0xFFFFFFC0] =	vst v12;
	(xrf0) =	vadd.scan.msk.s32 $0xffff, v19;
	v12, _, _ =	vpop (xrf0);
	(pc) =	sbr.rel @p0 .LBB2_11-.Ltmp6, $4  }
0xd5: {  	vm0 =	veq.s32 v22, v8;
	v18 =	vshrl.u32 v14, $0x14;
	v13 =	vshrl.u32 v13, $0x14;
	[tilespmem:s23+$0x30] =	vst v12;
	v10, _, _ =	vpop (xrf0)  }
0xd6: {  	vm1 =	veq.s32 v13, v8;
	v14 =	vshrl.u32 v17, $0x14;
	v12 =	vld [tilespmem:s25+$0xFFFFFFF0];
	(xrf0) =	vadd.scan.msk.s32 $0xffff, v21;
	[tilespmem:s22+$0x20] =	vst v10;
	s22 =	smov.u32 s23  }
0xd7: {  	v13 =	vsel vm0, $0x1, v1;
	v19 =	vsel vm1, $0x1, v1;
	vm1 =	veq.s32 v18, v8;
	(xrf0) =	vadd.scan.msk.s32 $0xffff, v15  }
0xd8: {  	s25 =	sadd.s32 $0x80, s25;
	v15 =	vshrl.u32 v20, $0x14;
	v10 =	vshrl.u32 v16, $0x14;
	v16 =	vsel vm1, $0x1, v1;
	(xrf0) =	vadd.scan.msk.s32 $0xffff, v19;
	v17, _, _ =	vpop (xrf0)  }
0xd9: {  	vm0 =	veq.s32 v11, v8;
	(xrf0) =	vadd.scan.msk.s32 $0xffff, v16  }
0xda: {  	vm1 =	veq.s32 v14, v8;
	v11, _, _ =	vpop (xrf0);
	[tilespmem:s22+$0x0] =	vst v17;
	v14 =	vsel vm0, $0x1, v1;
	(xrf0) =	vadd.scan.msk.s32 $0xffff, v13  }
0xdb: {  	v9 =	vshrl.u32 v9, $0x14;
	vm0 =	veq.s32 v15, v8;
	v15, _, _ =	vpop (xrf0);
	(xrf0) =	vadd.scan.msk.s32 $0xffff, v14;
	v12 =	vshrl.u32 v12, $0x14  }
0xdc: {  	v13 =	vsel vm1, $0x1, v1;
	v14 =	vsel vm0, $0x1, v1;
	[tilespmem:s22+$0xFFFFFFD0] =	vst v15;
	v15, _, _ =	vpop (xrf0);
	vm0 =	veq.s32 v12, v8  }
0xdd: {  	[tilespmem:s22+$0xFFFFFFE0] =	vst v11;
	(xrf0) =	vadd.scan.msk.s32 $0xffff, v13;
	v11, _, _ =	vpop (xrf0);
	v12 =	vsel vm0, $0x1, v1;
	vm0 =	veq.s32 v10, v8  }
0xde: {  	(xrf0) =	vadd.scan.msk.s32 $0xffff, v14;
	v10, _, _ =	vpop (xrf0);
	[tilespmem:s22+$0x10] =	vst v11;
	v11 =	vsel vm0, $0x1, v1  }
0xdf: {  	s23 =	sadd.s32 $0x80, s23;
	[tilespmem:s22+$0xFFFFFFF0] =	vst v15;
	vm0 =	veq.s32 v9, v8;
	(xrf0) =	vadd.scan.msk.s32 $0xffff, v12;
	v13, _, _ =	vpop (xrf0)  }
0xe0: {  	[tilespmem:s23+$0xFFFFFFC0] =	vst v10;
	v10 =	vsel vm0, $0x1, v1;
	v9, _, _ =	vpop (xrf0);
	(xrf0) =	vadd.scan.msk.s32 $0xffff, v11  }
0xe1: {  	[tilespmem:s23+$0x30] =	vst v13;
	v11, _, _ =	vpop (xrf0);
	(xrf0) =	vadd.scan.msk.s32 $0xffff, v10  }
0xe2: {  	[tilespmem:s22+$0x20] =	vst v9  }
0xe3: {  	v9, _, _ =	vpop (xrf0);
	[tilespmem:s23+$0x0] =	vst v11  }
0xe4: {  	v10, _, _ =	vpop (xrf0);
	[tilespmem:s23+$0xFFFFFFE0] =	vst v9  }
0xe5: {  	[tilespmem:s23+$0xFFFFFFD0] =	vst v10;
	v9, _, _ =	vpop (xrf0)  }
0xe6: {  	[tilespmem:s23+$0xFFFFFFF0] =	vst v9;
	v9, _, _ =	vpop (xrf0)  }
0xe7: {  	[tilespmem:s23+$0x10] =	vst v9;
	v9, _, _ =	vpop (xrf0)  }
0xe8: {  	[tilespmem:s23+$0x20] =	vst v9  }
0xe9: {  	v10 =	vld [tilespmem:s21+$0xFFFFFFC0]  }
0xea: {  	v15 =	vld [tilespmem:s19+$0xFFFFFFD0]  }
0xeb: {  	v17 =	vld [tilespmem:s19+$0xFFFFFFC0]  }
0xec: {  	v11 =	vld [tilespmem:s19+$0xFFFFFFF0]  }
0xed: {  	v9 =	vld [tilespmem:s19+$0x30]  }
0xee: {  	v21 =	vld [tilespmem:s19+$0xFFFFFFE0]  }
0xef: {  	s29 =	simm.s32 $0x0;
	v13 =	vimm.s32 $0x0  }
0xf0: {  	s30 =	simm.s32 $0x10;
	v18 =	vor.u32 s29, v0;
	v14 =	vld [tilespmem:s21+$0xFFFFFFD0];
	v16 =	vadd.s32 v10, v13;
	v10 =	vshrl.u32 v17, $0x14  }
0xf1: {  	v22 =	vor.u32 s30, v0;
	v12 =	vld [tilespmem:s19+$0x0];
	v19 =	vshrl.u32 v15, $0x14;
	vm4 =	veq.s32 v10, v8  }
0xf2: {  	v20 =	vld [tilespmem:s21+$0xFFFFFFE0];
	v23 =	vshrl.u32 v11, $0x14;
	v27 =	vshrl.u32 v9, $0x14;
	v24 =	vmpcnt.ones.xlane vm4  }
0xf3: {  	v10 =	vld [tilespmem:s19+$0x10];
	vm3 =	veq.s32 v19, v8;
	v19 =	vshrl.u32 v21, $0x14;
	v26 =	vadd.s32 $0xFFFFFFFF, v16  }
0xf4: {  	v28 =	vld [tilespmem:s21+$0xFFFFFFF0];
	v16 =	vmpcnt.ones.xlane vm3;
	vm2 =	veq.s32 v19, v8;
	v13 =	vadd.s32 v13, v24  }
0xf5: {  	vm0 =	veq.s32 v23, v8;
	v23 =	vld [tilespmem:s21+$0x0];
	v30 =	vmpcnt.ones.xlane vm2;
	v14 =	vadd.s32 v13, v14  }
0xf6: {  	v24 =	vadd.s32 v13, v16;
	v16 =	vshrl.u32 v12, $0x14;
	v13 =	vld [tilespmem:s19+$0x20];
	v29 =	vadd.s32 $0xFFFFFFFF, v14  }
0xf7: {  	v25 =	vld [tilespmem:s21+$0x10];
	v19 =	vadd.s32 v24, v20;
	v20 =	vmpcnt.ones.xlane vm0;
	vm1 =	veq.s32 v16, v8  }
0xf8: {  	v14 =	vld [tilespmem:s21+$0x30];
	v24 =	vadd.s32 v24, v30;
	v31 =	vshrl.u32 v10, $0x14;
	v19 =	vadd.s32 $0xFFFFFFFF, v19  }
0xf9: {  	v16 =	vld [tilespmem:s21+$0x20];
	v63 =	vmpcnt.ones.xlane vm1;
	[tilespmem:v26+s10+$0x0] =	vst.idx.msk vm4, v17;
	v17 =	vadd.s32 v24, v28;
	v20 =	vadd.s32 v24, v20  }
0xfa: {  	[tilespmem:v26+s11+$0x0] =	vst.idx.msk vm4, v18;
	v17 =	vadd.s32 $0xFFFFFFFF, v17;
	vm4 =	veq.s32 v31, v8;
	v18 =	vadd.s32 v20, v23  }
0xfb: {  	v20 =	vadd.s32 v20, v63;
	v23 =	vshrl.u32 v13, $0x14;
	v18 =	vadd.s32 $0xFFFFFFFF, v18;
	[tilespmem:v29+s10+$0x0] =	vst.idx.msk vm3, v15  }
0xfc: {  	s31 =	simm.s32 $0x20;
	v15 =	vadd.s32 v20, v25;
	vm5 =	veq.s32 v23, v8;
	[tilespmem:v29+s11+$0x0] =	vst.idx.msk vm3, v22;
	v22 =	vmpcnt.ones.xlane vm4  }
0xfd: {  	s22 =	simm.s32 $0xF0;
	v15 =	vadd.s32 $0xFFFFFFFF, v15;
	vm3 =	veq.s32 v27, v8;
	[tilespmem:v19+s10+$0x0] =	vst.idx.msk vm2, v21;
	v21 =	vor.u32 s31, v0  }
.LBB2_13:
0xfe: {  	s23 =	sadd.s32 $0xFFFFFFC0, s20;
	[tilespmem:v19+s11+$0x0] =	vst.idx.msk vm2, v21;
	v19 =	vadd.s32 v20, v22;
	v20 =	vmpcnt.ones.xlane vm5;
	s21 =	sadd.s32 $0x80, s21;
	s19 =	sadd.s32 $0x80, s19  }
0xff: {  	p0 =	sne.s32 s22, $0x7FF0;
	v21 =	vmpcnt.ones.xlane vm3;
	[tilespmem:v17+s10+$0x0] =	vst.idx.msk vm0, v11;
	v11 =	vor.u32 s23, v0;
	v16 =	vadd.s32 v19, v16;
	s23 =	smov.u32 s22;
	s22 =	sadd.s32 $0x80, s22  }
0x100: {  	s24 =	sadd.s32 $0xFFFFFFD0, s20;
	[tilespmem:v17+s11+$0x0] =	vst.idx.msk vm0, v11;
	v11 =	vadd.s32 $0xFFFFFFFF, v16;
	v16 =	vadd.s32 v19, v20  }
0x101: {  	[tilespmem:v18+s10+$0x0] =	vst.idx.msk vm1, v12;
	v12 =	vor.u32 s24, v0;
	v14 =	vadd.s32 v16, v14;
	v16 =	vadd.s32 v16, v21  }
0x102: {  	s24 =	sadd.s32 $0xFFFFFFE0, s20;
	[tilespmem:v18+s11+$0x0] =	vst.idx.msk vm1, v12;
	v12 =	vadd.s32 $0xFFFFFFFF, v14  }
0x103: {  	[tilespmem:v15+s10+$0x0] =	vst.idx.msk vm4, v10;
	v10 =	vor.u32 s24, v0  }
0x104: {  	s24 =	sadd.s32 $0xFFFFFFF0, s20;
	[tilespmem:v15+s11+$0x0] =	vst.idx.msk vm4, v10  }
0x105: {  	v10 =	vor.u32 s24, v0;
	[tilespmem:v11+s10+$0x0] =	vst.idx.msk vm5, v13  }
0x106: {  	[tilespmem:v11+s11+$0x0] =	vst.idx.msk vm5, v10  }
0x107: {  	[tilespmem:v12+s10+$0x0] =	vst.idx.msk vm3, v9;
	v9 =	vor.u32 s20, v0;
	s20 =	smov.u32 s23  }
0x108: {  	[tilespmem:v12+s11+$0x0] =	vst.idx.msk vm3, v9  }
0x109: {  	v10 =	vld [tilespmem:s21+$0xFFFFFFC0]  }
0x10a: {  	v15 =	vld [tilespmem:s19+$0xFFFFFFD0]  }
0x10b: {  	v17 =	vld [tilespmem:s19+$0xFFFFFFC0]  }
0x10c: {  	v11 =	vld [tilespmem:s19+$0xFFFFFFF0]  }
0x10d: {  	v21 =	vld [tilespmem:s19+$0xFFFFFFE0]  }
0x10e: {  	s23 =	sadd.s32 $0xFFFFFF90, s20;
	v9 =	vld [tilespmem:s19+$0x30];
	v13 =	vadd.s32 v10, v16  }
0x10f: {  	v18 =	vor.u32 s23, v0;
	v14 =	vld [tilespmem:s21+$0xFFFFFFD0];
	v19 =	vshrl.u32 v15, $0x14  }
0x110: {  	s23 =	sadd.s32 $0xFFFFFFA0, s20;
	v12 =	vld [tilespmem:s19+$0x0];
	v10 =	vshrl.u32 v17, $0x14  }
0x111: {  	v22 =	vor.u32 s23, v0;
	v20 =	vld [tilespmem:s21+$0xFFFFFFE0];
	vm4 =	veq.s32 v10, v8;
	v23 =	vshrl.u32 v11, $0x14  }
0x112: {  	vm3 =	veq.s32 v19, v8;
	v10 =	vld [tilespmem:s19+$0x10];
	v24 =	vmpcnt.ones.xlane vm4;
	v19 =	vshrl.u32 v21, $0x14  }
0x113: {  	v26 =	vadd.s32 $0xFFFFFFFF, v13;
	v13 =	vmpcnt.ones.xlane vm3;
	v25 =	vld [tilespmem:s21+$0x10];
	v27 =	vshrl.u32 v9, $0x14  }
0x114: {  	vm0 =	veq.s32 v23, v8;
	vm2 =	veq.s32 v19, v8;
	v28 =	vld [tilespmem:s21+$0xFFFFFFF0];
	v16 =	vadd.s32 v16, v24  }
0x115: {  	v23 =	vld [tilespmem:s21+$0x0];
	v14 =	vadd.s32 v16, v14;
	v24 =	vadd.s32 v16, v13;
	v16 =	vshrl.u32 v12, $0x14  }
0x116: {  	v13 =	vld [tilespmem:s19+$0x20];
	v29 =	vadd.s32 $0xFFFFFFFF, v14;
	v19 =	vadd.s32 v24, v20;
	v20 =	vmpcnt.ones.xlane vm2  }
0x117: {  	v30 =	vmpcnt.ones.xlane vm0;
	vm1 =	veq.s32 v16, v8;
	v14 =	vld [tilespmem:s21+$0x30];
	v31 =	vshrl.u32 v10, $0x14  }
0x118: {  	v19 =	vadd.s32 $0xFFFFFFFF, v19;
	v16 =	vld [tilespmem:s21+$0x20];
	v20 =	vadd.s32 v24, v20;
	v24 =	vmpcnt.ones.xlane vm1  }
.Ltmp7:
0x119: {  	[tilespmem:v26+s10+$0x0] =	vst.idx.msk vm4, v17;
	v17 =	vadd.s32 v20, v28;
	v20 =	vadd.s32 v20, v30;
	(pc) =	sbr.rel @p0 .LBB2_13-.Ltmp7, $4  }
0x11a: {  	[tilespmem:v26+s11+$0x0] =	vst.idx.msk vm4, v18;
	v17 =	vadd.s32 $0xFFFFFFFF, v17;
	v18 =	vadd.s32 v20, v23;
	v20 =	vadd.s32 v20, v24  }
0x11b: {  	vm4 =	veq.s32 v31, v8;
	[tilespmem:v29+s10+$0x0] =	vst.idx.msk vm3, v15;
	v15 =	vadd.s32 v20, v25;
	v23 =	vshrl.u32 v13, $0x14  }
0x11c: {  	s23 =	sadd.s32 $0xFFFFFFB0, s20;
	v18 =	vadd.s32 $0xFFFFFFFF, v18;
	[tilespmem:v29+s11+$0x0] =	vst.idx.msk vm3, v22;
	v15 =	vadd.s32 $0xFFFFFFFF, v15;
	v22 =	vmpcnt.ones.xlane vm4  }
0x11d: {  	vm5 =	veq.s32 v23, v8;
	vm3 =	veq.s32 v27, v8;
	[tilespmem:v19+s10+$0x0] =	vst.idx.msk vm2, v21;
	v21 =	vor.u32 s23, v0  }
0x11e: {  	v8 =	vmpcnt.ones.xlane vm5  }
0x11f: {  	v20 =	vadd.s32 v20, v22;
	v63 =	vmpcnt.ones.xlane vm3;
	v23 =	vmov s18  }
0x120: {  	v6 =	vsub.s32 v7, v6;
	vm6 =	veq.s32 v23, v0;
	v7 =	vadd.s32 v20, v8  }
0x121: {  	v6 =	vnsel vm6, $0x0, v6;
	v8 =	vadd.s32 v7, v63  }
0x122: {  	(xrf0) =	vadd.scan.msk.s32 $0xffff, v6;
	v6 =	vxor.u32 $0x80000000, v8  }
0x123: {  	(xrf0) =	vmax.scan.msk.u32 $0xffff, v6;
	_ =	sdelay $0x4  }
0x124: {  	v6, _, _ =	vpop (xrf0)  }
0x125: {  	(v2sf) =	vpush v6, $0xF;
	v6, _, _ =	vpop (xrf0)  }
0x126: {  	(v2sf) =	vpush v6, $0xF;
	_ =	sdelay $0xd  }
0x127: {  	s19 =	spop (v2sf)  }
0x128: {  	s18 =	spop (v2sf)  }
0x129: {  	s22 =	sadd.s32 $0x8000003F, s18  }
0x12a: {  	s25 =	sadd.s32 $0xFFFFFFC0, s20;
	s23 =	sand.u32 $0x3F, s22  }
0x12b: {  	[tilespmem:v19+s11+$0x0] =	vst.idx.msk vm2, v21;
	s28 =	sshra.s32 s22, $0x1F;
	p1 =	slt.s32 s22, $0x1;
	p0 =	sne.s32 s23, $0x0  }
0x12c: {  	s21 =	sadd.s32 $0xFFFFFFD0, s20;
	[tilespmem:v17+s10+$0x0] =	vst.idx.msk vm0, v11;
	v8 =	vadd.s32 v20, v16;
	v6 =	vor.u32 s25, v0;
	s23 =	sshrl.u32 s28, $0x1A;
	p0 =	por !p1, !p0  }
0x12d: {  	[tilespmem:v17+s11+$0x0] =	vst.idx.msk vm0, v6;
	v6 =	vadd.s32 $0xFFFFFFFF, v8;
	s22 =	sadd.s32 s23, s22;
	s23 =	simm.s32 $0x1;
	p0 =	por !p0, !p0  }
0x12e: {  	v7 =	vadd.s32 v7, v14;
	v8 =	vor.u32 s21, v0;
	[tilespmem:v18+s10+$0x0] =	vst.idx.msk vm1, v12;
	s30 =	sshra.s32 s22, $0x6;
	s23 =	simm.s32 @!p0 $0x0  }
0x12f: {  	s26 =	sadd.s32 $0xFFFFFFE0, s20;
	v7 =	vadd.s32 $0xFFFFFFFF, v7;
	[tilespmem:v18+s11+$0x0] =	vst.idx.msk vm1, v8;
	s22 =	ssub.s32 s30, s23  }
0x130: {  	v8 =	vor.u32 s26, v0;
	[tilespmem:v15+s10+$0x0] =	vst.idx.msk vm4, v10;
	p0 =	slt.s32 s22, $0x1  }
.Ltmp8:
0x131: {  	s29 =	sadd.s32 $0xFFFFFFF0, s20;
	[tilespmem:v15+s11+$0x0] =	vst.idx.msk vm4, v8;
	(pc) =	sbr.rel @p0 .LBB2_18-.Ltmp8, $4  }
0x132: {  	v8 =	vor.u32 s29, v0;
	[tilespmem:v6+s10+$0x0] =	vst.idx.msk vm5, v13  }
0x133: {  	[tilespmem:v6+s11+$0x0] =	vst.idx.msk vm5, v8  }
0x134: {  	v6 =	vor.u32 s20, v0;
	[tilespmem:v7+s10+$0x0] =	vst.idx.msk vm3, v9;
	s31 =	sxor.u32 $0x80000000, s18  }
0x135: {  	[tilespmem:v7+s11+$0x0] =	vst.idx.msk vm3, v6;
	v6 =	vmov s31  }
0x136: {  	s20 =	simm.s32 $0x8020  }
0x137: {  	v7 =	vld [tilespmem:s20+$0xFFFFFFF0]  }
0x138: {  	v8 =	vld [tilespmem:s20+$0xFFFFFFE0]  }
0x139: {  	v9 =	vld [tilespmem:s20+$0x0]  }
0x13a: {  	s21 =	simm.s32 $0x0;
	v11 =	vld [tilespmem:s20+$0x10]  }
0x13b: {  	s23 =	simm.s32 $0x10;
	v10 =	vor.u32 s21, v0  }
0x13c: {  	vm0 =	vlt.s32 v10, v6;
	v10 =	vor.u32 s23, v0  }
0x13d: {  	vm1 =	vlt.s32 v10, v6  }
0x13e: {  	p0 =	sne.s32 s22, $0x1;
	v7 =	vshrl.u32 v7, $0xA;
	v8 =	vshrl.u32 v8, $0xA;
	v9 =	vshrl.u32 v9, $0xA  }
.Ltmp9:
0x13f: {  	s30 =	simm.s32 $0x20;
	v11 =	vshrl.u32 v11, $0xA;
	v10 =	vand.u32 $0x3FF, v7;
	v7 =	vand.u32 $0x3FF, v8;
	(pc) =	sbr.rel @!p0 .LBB2_17-.Ltmp9, $4  }
0x140: {  	s31 =	simm.s32 $0x30;
	v8 =	vor.u32 s30, v0;
	v9 =	vand.u32 $0x3FF, v9;
	v7 =	vor.u32 v2, v7  }
0x141: {  	vm2 =	vlt.s32 v8, v6;
	v8 =	vor.u32 v2, v10;
	v10 =	vor.u32 s31, v0  }
0x142: {  	v11 =	vand.u32 $0x3FF, v11;
	v9 =	vor.u32 v2, v9;
	vm3 =	vlt.s32 v10, v6  }
0x143: {  	s22 =	sadd.s32 $0xFFFFFFFF, s22;
	v10 =	vor.u32 v2, v11  }
.LBB2_16:
0x144: {  	_ = 	snop  }
0x145: {  	p0 =	sne.s32 s22, $0x1;
	[tilespmem:v7+s12+$0x0] =	vst.idx.add.s32.msk vm0, v3;
	s21 =	sadd.s32 $0x40, s21;
	s20 =	sadd.s32 $0x40, s20  }
0x146: {  	s22 =	sadd.s32 $0xFFFFFFFF, s22;
	[tilespmem:v8+s12+$0x0] =	vst.idx.add.s32.msk vm1, v3  }
0x147: {  	[tilespmem:v9+s12+$0x0] =	vst.idx.add.s32.msk vm2, v3  }
0x148: {  	[tilespmem:v10+s12+$0x0] =	vst.idx.add.s32.msk vm3, v3  }
0x149: {  	v7 =	vld [tilespmem:s20+$0xFFFFFFF0]  }
0x14a: {  	v8 =	vld [tilespmem:s20+$0xFFFFFFE0]  }
0x14b: {  	v9 =	vld [tilespmem:s20+$0x0]  }
0x14c: {  	s23 =	sadd.s32 $0x10, s21;
	v10 =	vor.u32 s21, v0  }
0x14d: {  	vm0 =	vlt.s32 v10, v6;
	v11 =	vld [tilespmem:s20+$0x10]  }
0x14e: {  	s24 =	sadd.s32 $0x20, s21;
	v10 =	vor.u32 s23, v0;
	v7 =	vshrl.u32 v7, $0xA  }
0x14f: {  	vm1 =	vlt.s32 v10, v6;
	v8 =	vshrl.u32 v8, $0xA;
	v10 =	vand.u32 $0x3FF, v7  }
.Ltmp10:
0x150: {  	v7 =	vand.u32 $0x3FF, v8;
	v8 =	vor.u32 s24, v0;
	v9 =	vshrl.u32 v9, $0xA;
	(pc) =	sbr.rel @p0 .LBB2_16-.Ltmp10, $4  }
0x151: {  	s23 =	sadd.s32 $0x30, s21;
	v7 =	vor.u32 v2, v7;
	vm2 =	vlt.s32 v8, v6;
	v9 =	vand.u32 $0x3FF, v9  }
0x152: {  	v8 =	vor.u32 v2, v10;
	v10 =	vor.u32 s23, v0;
	v11 =	vshrl.u32 v11, $0xA  }
0x153: {  	v9 =	vor.u32 v2, v9;
	vm3 =	vlt.s32 v10, v6;
	v10 =	vand.u32 $0x3FF, v11  }
0x154: {  	v10 =	vor.u32 v2, v10  }
.LBB2_17:
0x155: {  	_ =	sdelay $0x4  }
0x156: {  	[tilespmem:v7+s12+$0x0] =	vst.idx.add.s32.msk vm0, v3  }
0x157: {  	[tilespmem:v8+s12+$0x0] =	vst.idx.add.s32.msk vm1, v3  }
0x158: {  	[tilespmem:v9+s12+$0x0] =	vst.idx.add.s32.msk vm2, v3  }
0x159: {  	[tilespmem:v10+s12+$0x0] =	vst.idx.add.s32.msk vm3, v3  }
.LBB2_18:
0x15a: {  	s21 =	simm.s32 $0x18200;
	s20 =	simm.s32 $0x0  }
0x15b: {  	v7 =	vld [tilespmem:s21+$0x0];
	[tilespmem:s21+$0x0] =	vst v1;
	s30 =	sand.u32 $0x3F0, s20  }
0x15c: {  	v8 =	vld [tilespmem:s30+$0x18600]  }
0x15d: {  	v9 =	vld [tilespmem:s30+$0x18A00]  }
0x15e: {  	v10 =	vld [tilespmem:s30+$0x18E00]  }
0x15f: {  	v11 =	vld [tilespmem:s30+$0x19200]  }
0x160: {  	v12 =	vld [tilespmem:s30+$0x19600]  }
0x161: {  	v7 =	vadd.s32 v7, v8;
	v8 =	vld [tilespmem:s30+$0x19A00]  }
0x162: {  	[tilespmem:s30+$0x18600] =	vst v1;
	v44 =	vld [tilespmem:s30+$0x19E00];
	v7 =	vadd.s32 v9, v7  }
0x163: {  	[tilespmem:s30+$0x18A00] =	vst v1;
	v45 =	vld [tilespmem:s30+$0x1A200];
	v7 =	vadd.s32 v10, v7  }
0x164: {  	[tilespmem:s30+$0x18E00] =	vst v1;
	v46 =	vld [tilespmem:s30+$0x1A600];
	v7 =	vadd.s32 v11, v7  }
0x165: {  	[tilespmem:s30+$0x19200] =	vst v1;
	v47 =	vld [tilespmem:s30+$0x1AA00];
	v7 =	vadd.s32 v12, v7  }
0x166: {  	[tilespmem:s30+$0x19600] =	vst v1;
	v7 =	vadd.s32 v8, v7;
	v8 =	vld [tilespmem:s30+$0x1AE00]  }
0x167: {  	[tilespmem:s30+$0x19E00] =	vst v1;
	v48 =	vld [tilespmem:s30+$0x1B200];
	v7 =	vadd.s32 v44, v7  }
0x168: {  	[tilespmem:s30+$0x1A200] =	vst v1;
	v49 =	vld [tilespmem:s30+$0x1B600];
	v7 =	vadd.s32 v45, v7  }
0x169: {  	[tilespmem:s30+$0x1A600] =	vst v1;
	v50 =	vld [tilespmem:s30+$0x1BA00];
	v7 =	vadd.s32 v46, v7  }
0x16a: {  	[tilespmem:s30+$0x1AA00] =	vst v1;
	v51 =	vld [tilespmem:s30+$0x1BE00];
	v7 =	vadd.s32 v47, v7  }
0x16b: {  	[tilespmem:s30+$0x1B200] =	vst v1;
	v7 =	vadd.s32 v8, v7  }
0x16c: {  	[tilespmem:s30+$0x1B600] =	vst v1;
	v7 =	vadd.s32 v48, v7  }
0x16d: {  	[tilespmem:s30+$0x1BA00] =	vst v1;
	v7 =	vadd.s32 v49, v7  }
0x16e: {  	[tilespmem:s30+$0x1BE00] =	vst v1;
	v7 =	vadd.s32 v50, v7  }
0x16f: {  	[tilespmem:s30+$0x19A00] =	vst v1;
	v7 =	vadd.s32 v51, v7  }
0x170: {  	s22 =	simm.s32 $0x1C200;
	[tilespmem:s30+$0x1AE00] =	vst v1;
	(xrf0) =	vadd.scan.msk.s32 $0xffff, v7  }
0x171: {  	s31 =	simm.s32 $0x10;
	s21 =	simm.s32 $0x18210;
	[tilespmem:s22+$0x0] =	vst v7  }
0x172: {  	s23 =	sand.u32 $0x3F0, s31;
	v7 =	vld [tilespmem:s21+$0x0];
	[tilespmem:s21+$0x0] =	vst v1  }
0x173: {  	v8 =	vld [tilespmem:s23+$0x18600]  }
0x174: {  	v52 =	vld [tilespmem:s23+$0x18A00]  }
0x175: {  	v53 =	vld [tilespmem:s23+$0x18E00]  }
0x176: {  	v54 =	vld [tilespmem:s23+$0x19200];
	v55, _, _ =	vpop (xrf0)  }
0x177: {  	v13 =	vld [tilespmem:s23+$0x19600];
	(v2sf) =	vpush v55, $0xF  }
0x178: {  	[tilespmem:s23+$0x18600] =	vst v1;
	v7 =	vadd.s32 v7, v8;
	v8 =	vld [tilespmem:s23+$0x19A00]  }
0x179: {  	[tilespmem:s23+$0x18A00] =	vst v1;
	v56 =	vld [tilespmem:s23+$0x19E00];
	v7 =	vadd.s32 v52, v7  }
0x17a: {  	[tilespmem:s23+$0x18E00] =	vst v1;
	v57 =	vld [tilespmem:s23+$0x1A200];
	v7 =	vadd.s32 v53, v7  }
0x17b: {  	[tilespmem:s23+$0x19200] =	vst v1;
	v58 =	vld [tilespmem:s23+$0x1A600];
	v7 =	vadd.s32 v54, v7  }
0x17c: {  	[tilespmem:s23+$0x19600] =	vst v1;
	v59 =	vld [tilespmem:s23+$0x1AA00];
	v7 =	vadd.s32 v13, v7  }
0x17d: {  	[tilespmem:s23+$0x19E00] =	vst v1;
	v7 =	vadd.s32 v8, v7;
	v8 =	vld [tilespmem:s23+$0x1AE00]  }
0x17e: {  	v60 =	vld [tilespmem:s23+$0x1B200];
	[tilespmem:s23+$0x1A200] =	vst v1;
	v7 =	vadd.s32 v56, v7  }
0x17f: {  	v61 =	vld [tilespmem:s23+$0x1B600];
	[tilespmem:s23+$0x1A600] =	vst v1;
	v7 =	vadd.s32 v57, v7  }
0x180: {  	v62 =	vld [tilespmem:s23+$0x1BA00];
	[tilespmem:s23+$0x1AA00] =	vst v1;
	v7 =	vadd.s32 v58, v7  }
0x181: {  	v63 =	vld [tilespmem:s23+$0x1BE00];
	[tilespmem:s23+$0x1B200] =	vst v1;
	v7 =	vadd.s32 v59, v7  }
0x182: {  	[tilespmem:s23+$0x1B600] =	vst v1;
	v7 =	vadd.s32 v8, v7  }
0x183: {  	[tilespmem:s23+$0x1BA00] =	vst v1;
	v7 =	vadd.s32 v60, v7  }
0x184: {  	[tilespmem:s23+$0x1BE00] =	vst v1;
	v7 =	vadd.s32 v61, v7  }
0x185: {  	s19 =	ssub.s32 $0x2000, s19;
	s26 =	simm.s32 $0x20;
	s24 =	simm.s32 $0x0;
	[tilespmem:s23+$0x19A00] =	vst v1;
	v7 =	vadd.s32 v62, v7  }
0x186: {  	s22 =	simm.s32 $0x1;
	[tilespmem:s23+$0x1AE00] =	vst v1;
	s23 =	simm.s32 $0x1C210;
	v7 =	vadd.s32 v63, v7;
	s28 =	spop (v2sf)  }
.LBB2_19:
0x187: {  	s21 =	sadd.s32 $0x10, s21;
	[smem:s24] =	sst s28  }
0x188: {  	[tilespmem:s23+$0x0] =	vst v7;
	(xrf0) =	vadd.scan.msk.s32 $0xffff, v7;
	s28 =	smov.u32 s26;
	s25 =	sadd.s32 $0x10, s26;
	s24 =	smov.u32 s22  }
0x189: {  	p0 =	sne.s32 s26, $0x3F0;
	v7 =	vld [tilespmem:s21+$0x0]  }
0x18a: {  	s26 =	sand.u32 $0x3F0, s28;
	[tilespmem:s21+$0x0] =	vst v1  }
0x18b: {  	v8 =	vld [tilespmem:s26+$0x18600]  }
0x18c: {  	[tilespmem:s26+$0x18600] =	vst v1;
	v9 =	vld [tilespmem:s26+$0x18A00]  }
0x18d: {  	[tilespmem:s26+$0x18A00] =	vst v1;
	v10 =	vld [tilespmem:s26+$0x18E00]  }
0x18e: {  	[tilespmem:s26+$0x18E00] =	vst v1;
	v11 =	vld [tilespmem:s26+$0x19200];
	v12, _, _ =	vpop (xrf0)  }
0x18f: {  	[tilespmem:s26+$0x19200] =	vst v1;
	v13 =	vld [tilespmem:s26+$0x19600];
	(v2sf) =	vpush v12, $0xF  }
0x190: {  	v7 =	vadd.s32 v7, v8;
	[tilespmem:s26+$0x19600] =	vst v1;
	v8 =	vld [tilespmem:s26+$0x19A00]  }
0x191: {  	v7 =	vadd.s32 v9, v7;
	[tilespmem:s26+$0x19A00] =	vst v1;
	v9 =	vld [tilespmem:s26+$0x19E00]  }
0x192: {  	v7 =	vadd.s32 v10, v7;
	[tilespmem:s26+$0x19E00] =	vst v1;
	v10 =	vld [tilespmem:s26+$0x1A200]  }
0x193: {  	v7 =	vadd.s32 v11, v7;
	[tilespmem:s26+$0x1A200] =	vst v1;
	v11 =	vld [tilespmem:s26+$0x1A600]  }
0x194: {  	v7 =	vadd.s32 v13, v7;
	[tilespmem:s26+$0x1A600] =	vst v1;
	v12 =	vld [tilespmem:s26+$0x1AA00]  }
0x195: {  	v7 =	vadd.s32 v8, v7;
	[tilespmem:s26+$0x1AA00] =	vst v1;
	v8 =	vld [tilespmem:s26+$0x1AE00]  }
0x196: {  	v7 =	vadd.s32 v9, v7;
	[tilespmem:s26+$0x1AE00] =	vst v1;
	v9 =	vld [tilespmem:s26+$0x1B200]  }
0x197: {  	v7 =	vadd.s32 v10, v7;
	[tilespmem:s26+$0x1B200] =	vst v1;
	v10 =	vld [tilespmem:s26+$0x1B600]  }
0x198: {  	v7 =	vadd.s32 v11, v7;
	[tilespmem:s26+$0x1B600] =	vst v1;
	v11 =	vld [tilespmem:s26+$0x1BA00]  }
0x199: {  	v7 =	vadd.s32 v12, v7;
	[tilespmem:s26+$0x1BA00] =	vst v1;
	v12 =	vld [tilespmem:s26+$0x1BE00]  }
.Ltmp11:
0x19a: {  	v7 =	vadd.s32 v8, v7;
	[tilespmem:s26+$0x1BE00] =	vst v1;
	(pc) =	sbr.rel @p0 .LBB2_19-.Ltmp11, $4  }
0x19b: {  	v7 =	vadd.s32 v9, v7  }
0x19c: {  	v7 =	vadd.s32 v10, v7  }
0x19d: {  	s22 =	sadd.s32 $0x1, s22;
	v7 =	vadd.s32 v11, v7  }
0x19e: {  	s23 =	sadd.s32 $0x10, s23;
	s26 =	smov.u32 s25;
	v7 =	vadd.s32 v12, v7;
	s28 =	spop (v2sf)  }
0x19f: {  	(xrf0) =	vadd.scan.msk.s32 $0xffff, v7;
	_ =	sdelay $0x5  }
0x1a0: {  	v8, _, _ =	vpop (xrf0)  }
0x1a1: {  	(v2sf) =	vpush v8, $0xF;
	_ =	sdelay $0xe  }
0x1a2: {  	[smem:s24] =	sst s28;
	s21 =	spop (v2sf)  }
0x1a3: {  	[tilespmem:s23+$0x0] =	vst v7;
	[smem:s22] =	sst s21  }
0x1a4: {  	s21 =	sld [smem:$0x3F];
	_ =	sdelay $0x1  }
0x1a5: {  	s24 =	simm.s32 $0x3E;
	p1 =	por $0x1, $0x1;
	s26 =	simm.s32 $0x3E  }
0x1a6: {  	s28 =	simm.s32 $0x0;
	s23 =	simm.s32 $0x0;
	s25 =	sadd.s32 $0x0, s21  }
0x1a7: {  	s22 =	simm.s32 $0x3F;
	s21 =	simm.s32 $0x0;
	p2 =	sge.s32 s25, s19  }
.LBB2_21:
0x1a8: {  	s29 =	sld [smem:s26+$0x0]  }
0x1a9: {  	p1 =	por !p1, !p2;
	s30 =	smov.u32 s24;
	p0 =	sne.s32 s24, $0x0  }
.Ltmp12:
0x1aa: {  	s24 =	sadd.s32 $0xFFFFFFFF, s24;
	p1 =	por !p1, !p1;
	(pc) =	sbr.rel @p0 .LBB2_21-.Ltmp12, $4  }
0x1ab: {  	s20 =	smov.u32 @p1 s22;
	s28 =	simm.s32 @p1 $0x1;
	s22 =	smov.u32 s30  }
0x1ac: {  	s21 =	smov.u32 @p1 s23;
	s23 =	smov.u32 s25  }
0x1ad: {  	s25 =	sadd.s32 s25, s29  }
0x1ae: {  	s26 =	sadd.s32 $0xFFFFFFFF, s26;
	p1 =	seq.s32 s28, $0x0;
	p2 =	sge.s32 s25, s19  }
0x1af: {  	p0 =	por !p1, !p2  }
0x1b0: {  	p0 =	por !p0, !p0  }
0x1b1: {  	s20 =	smov.u32 @p0 s22  }
0x1b2: {  	s20 =	sshll.u32 s20, $0x4  }
0x1b3: {  	v7 =	vld [tilespmem:s20+$0x1C200];
	_ =	sdelay $0x4  }
0x1b4: {  	v7 =	vperm.xlane v7, v4;
	_ =	sdelay $0x1  }
0x1b5: {  	(xrf0) =	vadd.scan.msk.s32 $0xffff, v7;
	_ =	sdelay $0x5  }
0x1b6: {  	s21 =	smov.u32 @p0 s23;
	v8, _, _ =	vpop (xrf0)  }
0x1b7: {  	v8 =	vadd.s32 s21, v8  }
0x1b8: {  	vm0 =	vge.s32 v8, s19  }
0x1b9: {  	v9 =	vmctz.xlane vm0;
	_ =	sdelay $0x1  }
0x1ba: {  	v9 =	vxor.u32 $0x80000000, v9  }
0x1bb: {  	(xrf0) =	vmax.scan.msk.u32 $0xffff, v9;
	_ =	sdelay $0x5  }
0x1bc: {  	v9, _, _ =	vpop (xrf0)  }
0x1bd: {  	(v2sf) =	vpush v9, $0xF;
	_ =	sdelay $0xe  }
0x1be: {  	s26 =	spop (v2sf)  }
0x1bf: {  	s21 =	sxor.u32 $0x80000000, s26  }
0x1c0: {  	v63 =	vmov s21  }
0x1c1: {  	v7 =	vsub.s32 v8, v7;
	vm15 =	veq.s32 v63, v0  }
0x1c2: {  	v7 =	vnsel vm15, $0x0, v7  }
0x1c3: {  	(xrf0) =	vadd.scan.msk.s32 $0xffff, v7;
	_ =	sdelay $0x5  }
0x1c4: {  	v7, _, _ =	vpop (xrf0)  }
0x1c5: {  	(v2sf) =	vpush v7, $0xF;
	_ =	sdelay $0x2  }
0x1c6: {  	s18 =	sadd.s32 $0x8000000F, s18  }
0x1c7: {  	s28 =	sand.u32 $0xF, s18  }
0x1c8: {  	s29 =	sshra.s32 s18, $0x1F;
	p5 =	slt.s32 s18, $0x1;
	p6 =	sne.s32 s28, $0x0  }
0x1c9: {  	s30 =	sshrl.u32 s29, $0x1C;
	p0 =	por !p5, !p6  }
0x1ca: {  	s22 =	simm.s32 $0x1;
	s18 =	sadd.s32 s30, s18;
	p0 =	por !p0, !p0  }
0x1cb: {  	s18 =	sshra.s32 s18, $0x4;
	s22 =	simm.s32 @!p0 $0x0  }
0x1cc: {  	s23 =	ssub.s32 s18, s22  }
0x1cd: {  	p0 =	slt.s32 s23, $0x1  }
.Ltmp13:
0x1ce: {  	_ = 	snop;
	(pc) =	sbr.rel @p0 .LBB2_23-.Ltmp13, $3  }
0x1cf: {  	_ =	sdelay $0x1  }
0x1d0: {  	s31 =	ssub.s32 s20, s21  }
0x1d1: {  	s18 =	sadd.s32 $0xF, s31;
	s21 =	spop (v2sf)  }
0x1d2: {  	p1 =	sne.s32 s23, $0x1  }
.Ltmp14:
0x1d3: {  	_ = 	snop;
	(pc) =	sbr.rel @!p1 .LBB2_25-.Ltmp14, $3  }
0x1d4: {  	_ =	sdelay $0x1  }
0x1d5: {  	s24 =	simm.s32 $0x8000;
	s20 =	simm.s32 $0x10100  }
0x1d6: {  	v7 =	vmov s18;
	v11 =	vimm.s32 $0x0;
	s22 =	simm.s32 $0x0;
	s23 =	sadd.s32 $0xFFFFFFFF, s23;
	p0 =	por $0x0, $0x0;
	v8 =	vld [tilespmem:s24+$0x0]  }
0x1d7: {  	_ =	sdelay $0x3  }
0x1d8: {  	v9 =	vshrl.u32 v8, $0xA  }
0x1d9: {  	v10 =	vor.u32 s22, v0;
	v9 =	vand.u32 $0x3FF, v9  }
0x1da: {  	vm0 =	vlt.s32 v10, v6;
	vm1 =	veq.s32 v9, v7  }
0x1db: {  	vm0 =	vmand vm0, vm1  }
0x1dc: {  	v9 =	vsel vm0, $0x1, v1  }
0x1dd: {  	(xrf0) =	vadd.scan.msk.s32 $0xffff, v9;
	_ =	sdelay $0x5  }
0x1de: {  	v9, _, _ =	vpop (xrf0)  }
0x1df: {  	v9 =	vadd.s32 v9, v11  }
0x1e0: {  	v9 =	vadd.s32 $0xFFFFFFFF, v9  }
0x1e1: {  	v12 =	vld [tilespmem:s20+$0x0];
	_ =	sdelay $0x1  }
0x1e2: {  	p1 =	sne.s32 s23, $0x1  }
.Ltmp15:
0x1e3: {  	_ = 	snop;
	(pc) =	sbr.rel @!p1 .LBB2_27-.Ltmp15, $4  }
0x1e4: {  	v10 =	vmpcnt.ones.xlane vm0;
	[tilespmem:v9+s10+$0x0] =	vst.idx.msk vm0, v8  }
0x1e5: {  	s25 =	simm.s32 $0x8010;
	[tilespmem:v9+s11+$0x0] =	vst.idx.msk vm0, v12  }
0x1e6: {  	s26 =	sadd.s32 $0xFFFFFFFF, s23;
	v10 =	vadd.s32 v11, v10;
	v8 =	vld [tilespmem:s25+$0x0]  }
0x1e7: {  	p0 =	por $0x1, $0x1;
	s24 =	simm.s32 $0x0;
	s23 =	simm.s32 $0x10100;
	v9 =	vmov v10  }
.LBB2_28:
0x1e8: {  	p1 =	sne.s32 s26, $0x1;
	_ =	sdelay $0x2  }
0x1e9: {  	s24 =	sadd.s32 $0x10, s24;
	v11 =	vshrl.u32 v8, $0xA  }
0x1ea: {  	v12 =	vor.u32 s24, v0;
	v11 =	vand.u32 $0x3FF, v11  }
0x1eb: {  	vm0 =	vlt.s32 v12, v6;
	vm1 =	veq.s32 v11, v7  }
0x1ec: {  	vm0 =	vmand vm0, vm1  }
0x1ed: {  	v11 =	vsel vm0, $0x1, v1;
	v12 =	vmpcnt.ones.xlane vm0  }
0x1ee: {  	(xrf0) =	vadd.scan.msk.s32 $0xffff, v11  }
0x1ef: {  	v10 =	vadd.s32 v10, v12;
	_ =	sdelay $0x4  }
0x1f0: {  	v11, _, _ =	vpop (xrf0)  }
0x1f1: {  	v11 =	vadd.s32 v11, v9;
	v9 =	vmov v10  }
0x1f2: {  	s23 =	sadd.s32 $0x10, s23;
	v11 =	vadd.s32 $0xFFFFFFFF, v11  }
0x1f3: {  	v12 =	vld [tilespmem:s23+$0x0];
	_ =	sdelay $0x2  }
.Ltmp16:
0x1f4: {  	(pc) =	sbr.rel @p1 .LBB2_28-.Ltmp16, $4  }
0x1f5: {  	[tilespmem:v11+s10+$0x0] =	vst.idx.msk vm0, v8  }
0x1f6: {  	s25 =	sadd.s32 $0x10, s25;
	[tilespmem:v11+s11+$0x0] =	vst.idx.msk vm0, v12  }
0x1f7: {  	v8 =	vld [tilespmem:s25+$0x0]  }
0x1f8: {  	s26 =	sadd.s32 $0xFFFFFFFF, s26  }
0x1f9: {  	v11 =	vmov v10  }
.LBB2_30:
0x1fa: {  	_ = 	snop  }
0x1fb: {  	s24 =	sadd.s32 @p0 $0x10, s24  }
0x1fc: {  	s22 =	smov.u32 @p0 s24;
	v10 =	vshrl.u32 v8, $0xA  }
0x1fd: {  	v12 =	vor.u32 s22, v0;
	v10 =	vand.u32 $0x3FF, v10  }
0x1fe: {  	vm0 =	vlt.s32 v12, v6;
	vm1 =	veq.s32 v10, v7  }
0x1ff: {  	vm0 =	vmand vm0, vm1  }
0x200: {  	v6 =	vsel vm0, $0x1, v1  }
0x201: {  	(xrf0) =	vadd.scan.msk.s32 $0xffff, v6;
	_ =	sdelay $0x5  }
0x202: {  	v6, _, _ =	vpop (xrf0)  }
0x203: {  	s22 =	sadd.s32 @p0 $0x10, s23;
	v6 =	vadd.s32 v6, v9  }
0x204: {  	s20 =	smov.u32 @p0 s22;
	v6 =	vadd.s32 $0xFFFFFFFF, v6  }
0x205: {  	v7 =	vld [tilespmem:s20+$0x0]  }
.Ltmp17:
0x206: {  	_ = 	snop;
	(pc) =	sbr.rel .LBB2_31-.Ltmp17, $3  }
0x207: {  	v63 =	vmpcnt.ones.xlane vm0;
	_ =	sdelay $0x1  }
0x208: {  	v9 =	vadd.s32 v11, v63;
	[tilespmem:v6+s10+$0x0] =	vst.idx.msk vm0, v8  }
0x209: {  	[tilespmem:v6+s11+$0x0] =	vst.idx.msk vm0, v7;
	v6 =	vxor.u32 $0x80000000, v9  }
.LBB2_23:
0x20a: {  	v6 =	vimm.s32 $0x80000000  }
.LBB2_31:
0x20b: {  	(xrf0) =	vmax.scan.msk.u32 $0xffff, v6;
	_ =	sdelay $0x5  }
0x20c: {  	v6, _, _ =	vpop (xrf0)  }
0x20d: {  	(v2sf) =	vpush v6, $0xF;
	_ =	sdelay $0xe  }
0x20e: {  	s20 =	spop (v2sf)  }
0x20f: {  	s22 =	sxor.u32 $0x80000000, s20  }
0x210: {  	p0 =	sgt.s32 s22, $0x10  }
.Ltmp18:
0x211: {  	_ = 	snop;
	(pc) =	sbr.rel @p0 .LBB2_33-.Ltmp18, $2  }
0x212: {  	_ =	sdelay $0x2  }
0x213: {  	s19 =	ssub.s32 s19, s21;
	v6 =	vmov s22  }
0x214: {  	v7 =	vld [tilespmem:$0x8000];
	_ =	sdelay $0x1  }
0x215: {  	v8 =	vld [tilespmem:$0x10100];
	_ =	sdelay $0x2  }
0x216: {  	vm0 =	vgt.s32 v6, v0;
	v6 =	vxor.u32 $0x80000000, v7  }
0x217: {  	v6 =	vnsel vm0, $0x0, v6  }
0x218: {  	(xrf1) =	vsort.dscd.msk.u32 $0xffff, v6, v8;
	_ =	sdelay $0xc  }
0x219: {  	s17 =	sadd.s32 $0xFFFFFFFF, s19  }
0x21a: {  	v9 =	vmov s17;
	v6, _, _ =	vpop (xrf1)  }
0x21b: {  	vm1 =	veq.s32 v9, v0;
	v6 =	vxor.u32 $0x80000000, v6  }
0x21c: {  	v6 =	vnsel vm1, $0x0, v6  }
0x21d: {  	(xrf0) =	vadd.scan.msk.s32 $0xffff, v6;
	_ =	sdelay $0x5  }
0x21e: {  	v6, _, _ =	vpop (xrf0)  }
0x21f: {  	v63 =	vbroadcast v6, $0xF;
	_ =	sdelay $0x1  }
0x220: {  	vm13 =	vgt.s32 v7, v63  }
0x221: {  	vm1 =	vmand vm0, vm13  }
0x222: {  	v10 =	vsel vm1, $0x1, v1  }
0x223: {  	(xrf0) =	vadd.scan.msk.s32 $0xffff, v10;
	_ =	sdelay $0x5  }
0x224: {  	(v2sf) =	vpush v6, $0xF;
	v6, _, _ =	vpop (xrf0)  }
0x225: {  	(v2sf) =	vpush v6, $0xF;
	_ =	sdelay $0x6  }
0x226: {  	vm14 =	veq.s32 v7, v63  }
0x227: {  	vm0 =	vmand vm0, vm14  }
0x228: {  	v6 =	vsel vm0, $0x1, v1  }
0x229: {  	(xrf0) =	vadd.scan.msk.s32 $0xffff, v6;
	_ =	sdelay $0x3  }
0x22a: {  	s17 =	spop (v2sf)  }
0x22b: {  	s18 =	spop (v2sf)  }
0x22c: {  	v6, _, _ =	vpop (xrf0);
	s18 =	ssub.s32 s19, s18  }
0x22d: {  	vm15 =	veq.s32 v6, s18  }
0x22e: {  	vm0 =	vmand vm0, vm15  }
0x22f: {  	v6 =	vnsel vm0, $0x0, v8  }
0x230: {  	(xrf0) =	vadd.scan.msk.s32 $0xffff, v6;
	_ =	sdelay $0x5  }
0x231: {  	v6, _, _ =	vpop (xrf0)  }
0x232: {  	(v2sf) =	vpush v6, $0xF;
	_ =	sdelay $0xa  }
.Ltmp19:
0x233: {  	_ = 	snop;
	(pc) =	sbr.rel .LBB2_67-.Ltmp19, $2  }
0x234: {  	_ =	sdelay $0x2  }
0x235: {  	s20 =	spop (v2sf)  }
.LBB2_33:
0x236: {  	s21 =	sadd.s32 $0x8000003F, s20  }
0x237: {  	s22 =	sand.u32 $0x3F, s21  }
0x238: {  	s23 =	sshra.s32 s21, $0x1F;
	p0 =	slt.s32 s21, $0x1;
	p1 =	sne.s32 s22, $0x0  }
0x239: {  	s31 =	sshrl.u32 s23, $0x1A;
	p0 =	por !p0, !p1  }
0x23a: {  	s22 =	simm.s32 $0x1;
	s21 =	sadd.s32 s31, s21;
	p0 =	por !p0, !p0  }
0x23b: {  	s21 =	sshra.s32 s21, $0x6;
	s22 =	simm.s32 @!p0 $0x0  }
0x23c: {  	s23 =	ssub.s32 s21, s22  }
0x23d: {  	p0 =	slt.s32 s23, $0x1  }
.Ltmp20:
0x23e: {  	_ = 	snop;
	(pc) =	sbr.rel @p0 .LBB2_37-.Ltmp20, $1  }
0x23f: {  	_ =	sdelay $0x3  }
0x240: {  	s21 =	simm.s32 $0x8020  }
0x241: {  	v7 =	vld [tilespmem:s21+$0xFFFFFFE0];
	_ =	sdelay $0x1  }
0x242: {  	v8 =	vld [tilespmem:s21+$0xFFFFFFF0]  }
0x243: {  	v11 =	vld [tilespmem:s21+$0x0]  }
0x244: {  	s22 =	simm.s32 $0x0;
	s31 =	simm.s32 $0x20;
	v9 =	vld [tilespmem:s21+$0x10]  }
0x245: {  	s24 =	simm.s32 $0x10;
	v10 =	vor.u32 s22, v0;
	v12 =	vor.u32 s31, v0;
	v7 =	vand.u32 $0x3FF, v7  }
0x246: {  	vm3 =	vlt.s32 v10, v6;
	v10 =	vor.u32 v2, v7;
	v7 =	vor.u32 s24, v0  }
0x247: {  	s25 =	simm.s32 $0x30;
	p0 =	sne.s32 s23, $0x1;
	vm1 =	vlt.s32 v12, v6;
	v8 =	vand.u32 $0x3FF, v8;
	vm0 =	vlt.s32 v7, v6  }
.Ltmp21:
0x248: {  	v11 =	vand.u32 $0x3FF, v11;
	v7 =	vor.u32 v2, v8;
	v8 =	vor.u32 s25, v0;
	(pc) =	sbr.rel @!p0 .LBB2_36-.Ltmp21, $3  }
0x249: {  	v9 =	vand.u32 $0x3FF, v9;
	vm2 =	vlt.s32 v8, v6;
	v8 =	vor.u32 v2, v11  }
0x24a: {  	v9 =	vor.u32 v2, v9;
	_ =	sdelay $0x1  }
0x24b: {  	s23 =	sadd.s32 $0xFFFFFFFF, s23;
	[tilespmem:v10+s12+$0x0] =	vst.idx.add.s32.msk vm3, v3  }
.LBB2_35:
0x24c: {  	p0 =	sne.s32 s23, $0x1;
	[tilespmem:v7+s12+$0x0] =	vst.idx.add.s32.msk vm0, v3;
	s22 =	sadd.s32 $0x40, s22;
	s21 =	sadd.s32 $0x40, s21  }
0x24d: {  	s23 =	sadd.s32 $0xFFFFFFFF, s23;
	[tilespmem:v8+s12+$0x0] =	vst.idx.add.s32.msk vm1, v3  }
0x24e: {  	[tilespmem:v9+s12+$0x0] =	vst.idx.add.s32.msk vm2, v3  }
0x24f: {  	v7 =	vld [tilespmem:s21+$0xFFFFFFF0]  }
0x250: {  	v8 =	vld [tilespmem:s21+$0xFFFFFFE0]  }
0x251: {  	v9 =	vld [tilespmem:s21+$0x10]  }
0x252: {  	s24 =	sadd.s32 $0x10, s22;
	v11 =	vor.u32 s22, v0;
	v10 =	vld [tilespmem:s21+$0x0]  }
0x253: {  	s25 =	sadd.s32 $0x20, s22;
	vm3 =	vlt.s32 v11, v6;
	v11 =	vor.u32 s24, v0  }
0x254: {  	s24 =	sadd.s32 $0x30, s22;
	vm0 =	vlt.s32 v11, v6;
	v7 =	vand.u32 $0x3FF, v7  }
0x255: {  	v11 =	vor.u32 s24, v0;
	v8 =	vand.u32 $0x3FF, v8;
	v7 =	vor.u32 v2, v7  }
0x256: {  	v12 =	vor.u32 v2, v8;
	v8 =	vor.u32 s25, v0;
	v9 =	vand.u32 $0x3FF, v9  }
.Ltmp22:
0x257: {  	vm2 =	vlt.s32 v11, v6;
	vm1 =	vlt.s32 v8, v6;
	v8 =	vand.u32 $0x3FF, v10;
	(pc) =	sbr.rel @p0 .LBB2_35-.Ltmp22, $3  }
0x258: {  	v8 =	vor.u32 v2, v8  }
0x259: {  	v9 =	vor.u32 v2, v9;
	_ =	sdelay $0x1  }
0x25a: {  	[tilespmem:v12+s12+$0x0] =	vst.idx.add.s32.msk vm3, v3  }
.LBB2_36:
0x25b: {  	_ =	sdelay $0x4  }
0x25c: {  	[tilespmem:v7+s12+$0x0] =	vst.idx.add.s32.msk vm0, v3  }
0x25d: {  	[tilespmem:v8+s12+$0x0] =	vst.idx.add.s32.msk vm1, v3  }
0x25e: {  	[tilespmem:v9+s12+$0x0] =	vst.idx.add.s32.msk vm2, v3  }
.LBB2_37:
0x25f: {  	s22 =	simm.s32 $0x18200;
	s21 =	simm.s32 $0x0  }
0x260: {  	v7 =	vld [tilespmem:s22+$0x0];
	[tilespmem:s22+$0x0] =	vst v1;
	s30 =	sand.u32 $0x3F0, s21  }
0x261: {  	v8 =	vld [tilespmem:s30+$0x18600]  }
0x262: {  	v9 =	vld [tilespmem:s30+$0x18A00]  }
0x263: {  	v10 =	vld [tilespmem:s30+$0x18E00]  }
0x264: {  	v11 =	vld [tilespmem:s30+$0x19200]  }
0x265: {  	v12 =	vld [tilespmem:s30+$0x19600]  }
0x266: {  	v7 =	vadd.s32 v7, v8;
	v8 =	vld [tilespmem:s30+$0x19A00]  }
0x267: {  	[tilespmem:s30+$0x18600] =	vst v1;
	v44 =	vld [tilespmem:s30+$0x19E00];
	v7 =	vadd.s32 v9, v7  }
0x268: {  	[tilespmem:s30+$0x18A00] =	vst v1;
	v45 =	vld [tilespmem:s30+$0x1A200];
	v7 =	vadd.s32 v10, v7  }
0x269: {  	[tilespmem:s30+$0x18E00] =	vst v1;
	v46 =	vld [tilespmem:s30+$0x1A600];
	v7 =	vadd.s32 v11, v7  }
0x26a: {  	[tilespmem:s30+$0x19200] =	vst v1;
	v47 =	vld [tilespmem:s30+$0x1AA00];
	v7 =	vadd.s32 v12, v7  }
0x26b: {  	[tilespmem:s30+$0x19600] =	vst v1;
	v7 =	vadd.s32 v8, v7;
	v8 =	vld [tilespmem:s30+$0x1AE00]  }
0x26c: {  	[tilespmem:s30+$0x19E00] =	vst v1;
	v48 =	vld [tilespmem:s30+$0x1B200];
	v7 =	vadd.s32 v44, v7  }
0x26d: {  	[tilespmem:s30+$0x1A200] =	vst v1;
	v49 =	vld [tilespmem:s30+$0x1B600];
	v7 =	vadd.s32 v45, v7  }
0x26e: {  	[tilespmem:s30+$0x1A600] =	vst v1;
	v50 =	vld [tilespmem:s30+$0x1BA00];
	v7 =	vadd.s32 v46, v7  }
0x26f: {  	[tilespmem:s30+$0x1AA00] =	vst v1;
	v51 =	vld [tilespmem:s30+$0x1BE00];
	v7 =	vadd.s32 v47, v7  }
0x270: {  	[tilespmem:s30+$0x1B200] =	vst v1;
	v7 =	vadd.s32 v8, v7  }
0x271: {  	[tilespmem:s30+$0x1B600] =	vst v1;
	v7 =	vadd.s32 v48, v7  }
0x272: {  	[tilespmem:s30+$0x1BA00] =	vst v1;
	v7 =	vadd.s32 v49, v7  }
0x273: {  	[tilespmem:s30+$0x1BE00] =	vst v1;
	v7 =	vadd.s32 v50, v7  }
0x274: {  	[tilespmem:s30+$0x19A00] =	vst v1;
	v7 =	vadd.s32 v51, v7  }
0x275: {  	s23 =	simm.s32 $0x1C200;
	[tilespmem:s30+$0x1AE00] =	vst v1;
	(xrf0) =	vadd.scan.msk.s32 $0xffff, v7  }
0x276: {  	s31 =	simm.s32 $0x10;
	s22 =	simm.s32 $0x18210;
	[tilespmem:s23+$0x0] =	vst v7  }
0x277: {  	s24 =	sand.u32 $0x3F0, s31;
	v7 =	vld [tilespmem:s22+$0x0];
	[tilespmem:s22+$0x0] =	vst v1  }
0x278: {  	v8 =	vld [tilespmem:s24+$0x18600]  }
0x279: {  	v52 =	vld [tilespmem:s24+$0x18A00]  }
0x27a: {  	v53 =	vld [tilespmem:s24+$0x18E00]  }
0x27b: {  	v54 =	vld [tilespmem:s24+$0x19200];
	v55, _, _ =	vpop (xrf0)  }
0x27c: {  	v13 =	vld [tilespmem:s24+$0x19600];
	(v2sf) =	vpush v55, $0xF  }
0x27d: {  	[tilespmem:s24+$0x18600] =	vst v1;
	v7 =	vadd.s32 v7, v8;
	v8 =	vld [tilespmem:s24+$0x19A00]  }
0x27e: {  	[tilespmem:s24+$0x18A00] =	vst v1;
	v56 =	vld [tilespmem:s24+$0x19E00];
	v7 =	vadd.s32 v52, v7  }
0x27f: {  	[tilespmem:s24+$0x18E00] =	vst v1;
	v57 =	vld [tilespmem:s24+$0x1A200];
	v7 =	vadd.s32 v53, v7  }
0x280: {  	[tilespmem:s24+$0x19200] =	vst v1;
	v58 =	vld [tilespmem:s24+$0x1A600];
	v7 =	vadd.s32 v54, v7  }
0x281: {  	[tilespmem:s24+$0x19600] =	vst v1;
	v59 =	vld [tilespmem:s24+$0x1AA00];
	v7 =	vadd.s32 v13, v7  }
0x282: {  	[tilespmem:s24+$0x19E00] =	vst v1;
	v7 =	vadd.s32 v8, v7;
	v8 =	vld [tilespmem:s24+$0x1AE00]  }
0x283: {  	v60 =	vld [tilespmem:s24+$0x1B200];
	[tilespmem:s24+$0x1A200] =	vst v1;
	v7 =	vadd.s32 v56, v7  }
0x284: {  	v61 =	vld [tilespmem:s24+$0x1B600];
	[tilespmem:s24+$0x1A600] =	vst v1;
	v7 =	vadd.s32 v57, v7  }
0x285: {  	v62 =	vld [tilespmem:s24+$0x1BA00];
	[tilespmem:s24+$0x1AA00] =	vst v1;
	v7 =	vadd.s32 v58, v7  }
0x286: {  	v63 =	vld [tilespmem:s24+$0x1BE00];
	[tilespmem:s24+$0x1B200] =	vst v1;
	v7 =	vadd.s32 v59, v7  }
0x287: {  	[tilespmem:s24+$0x1B600] =	vst v1;
	v7 =	vadd.s32 v8, v7  }
0x288: {  	[tilespmem:s24+$0x1BA00] =	vst v1;
	v7 =	vadd.s32 v60, v7  }
0x289: {  	[tilespmem:s24+$0x1BE00] =	vst v1;
	v7 =	vadd.s32 v61, v7  }
0x28a: {  	s28 =	simm.s32 $0x20;
	s25 =	simm.s32 $0x0;
	[tilespmem:s24+$0x19A00] =	vst v1;
	v7 =	vadd.s32 v62, v7  }
0x28b: {  	s23 =	simm.s32 $0x1;
	[tilespmem:s24+$0x1AE00] =	vst v1;
	s24 =	simm.s32 $0x1C210;
	v7 =	vadd.s32 v63, v7;
	s29 =	spop (v2sf)  }
.LBB2_38:
0x28c: {  	s22 =	sadd.s32 $0x10, s22;
	[smem:s25] =	sst s29  }
0x28d: {  	[tilespmem:s24+$0x0] =	vst v7;
	(xrf0) =	vadd.scan.msk.s32 $0xffff, v7;
	s29 =	smov.u32 s28;
	s26 =	sadd.s32 $0x10, s28;
	s25 =	smov.u32 s23  }
0x28e: {  	p0 =	sne.s32 s28, $0x3F0;
	v7 =	vld [tilespmem:s22+$0x0]  }
0x28f: {  	s28 =	sand.u32 $0x3F0, s29;
	[tilespmem:s22+$0x0] =	vst v1  }
0x290: {  	v8 =	vld [tilespmem:s28+$0x18600]  }
0x291: {  	[tilespmem:s28+$0x18600] =	vst v1;
	v9 =	vld [tilespmem:s28+$0x18A00]  }
0x292: {  	[tilespmem:s28+$0x18A00] =	vst v1;
	v10 =	vld [tilespmem:s28+$0x18E00]  }
0x293: {  	[tilespmem:s28+$0x18E00] =	vst v1;
	v11 =	vld [tilespmem:s28+$0x19200];
	v12, _, _ =	vpop (xrf0)  }
0x294: {  	[tilespmem:s28+$0x19200] =	vst v1;
	v13 =	vld [tilespmem:s28+$0x19600];
	(v2sf) =	vpush v12, $0xF  }
0x295: {  	v7 =	vadd.s32 v7, v8;
	[tilespmem:s28+$0x19600] =	vst v1;
	v8 =	vld [tilespmem:s28+$0x19A00]  }
0x296: {  	v7 =	vadd.s32 v9, v7;
	[tilespmem:s28+$0x19A00] =	vst v1;
	v9 =	vld [tilespmem:s28+$0x19E00]  }
0x297: {  	v7 =	vadd.s32 v10, v7;
	[tilespmem:s28+$0x19E00] =	vst v1;
	v10 =	vld [tilespmem:s28+$0x1A200]  }
0x298: {  	v7 =	vadd.s32 v11, v7;
	[tilespmem:s28+$0x1A200] =	vst v1;
	v11 =	vld [tilespmem:s28+$0x1A600]  }
0x299: {  	v7 =	vadd.s32 v13, v7;
	[tilespmem:s28+$0x1A600] =	vst v1;
	v12 =	vld [tilespmem:s28+$0x1AA00]  }
0x29a: {  	v7 =	vadd.s32 v8, v7;
	[tilespmem:s28+$0x1AA00] =	vst v1;
	v8 =	vld [tilespmem:s28+$0x1AE00]  }
0x29b: {  	v7 =	vadd.s32 v9, v7;
	[tilespmem:s28+$0x1AE00] =	vst v1;
	v9 =	vld [tilespmem:s28+$0x1B200]  }
0x29c: {  	v7 =	vadd.s32 v10, v7;
	[tilespmem:s28+$0x1B200] =	vst v1;
	v10 =	vld [tilespmem:s28+$0x1B600]  }
0x29d: {  	v7 =	vadd.s32 v11, v7;
	[tilespmem:s28+$0x1B600] =	vst v1;
	v11 =	vld [tilespmem:s28+$0x1BA00]  }
0x29e: {  	v7 =	vadd.s32 v12, v7;
	[tilespmem:s28+$0x1BA00] =	vst v1;
	v12 =	vld [tilespmem:s28+$0x1BE00]  }
.Ltmp23:
0x29f: {  	v7 =	vadd.s32 v8, v7;
	[tilespmem:s28+$0x1BE00] =	vst v1;
	(pc) =	sbr.rel @p0 .LBB2_38-.Ltmp23, $4  }
0x2a0: {  	v7 =	vadd.s32 v9, v7  }
0x2a1: {  	v7 =	vadd.s32 v10, v7  }
0x2a2: {  	s23 =	sadd.s32 $0x1, s23;
	v7 =	vadd.s32 v11, v7  }
0x2a3: {  	s24 =	sadd.s32 $0x10, s24;
	s28 =	smov.u32 s26;
	v7 =	vadd.s32 v12, v7;
	s29 =	spop (v2sf)  }
0x2a4: {  	(xrf0) =	vadd.scan.msk.s32 $0xffff, v7;
	_ =	sdelay $0x5  }
0x2a5: {  	v8, _, _ =	vpop (xrf0)  }
0x2a6: {  	(v2sf) =	vpush v8, $0xF;
	_ =	sdelay $0xe  }
0x2a7: {  	[smem:s25] =	sst s29;
	s22 =	spop (v2sf)  }
0x2a8: {  	[tilespmem:s24+$0x0] =	vst v7;
	[smem:s23] =	sst s22  }
0x2a9: {  	s22 =	sld [smem:$0x3F];
	_ =	sdelay $0x1  }
0x2aa: {  	s25 =	simm.s32 $0x3E;
	p1 =	por $0x1, $0x1;
	s28 =	simm.s32 $0x3E  }
0x2ab: {  	s29 =	simm.s32 $0x0;
	s24 =	simm.s32 $0x0;
	s26 =	sadd.s32 $0x0, s22  }
0x2ac: {  	s23 =	simm.s32 $0x3F;
	s22 =	simm.s32 $0x0;
	p2 =	sge.s32 s26, s19  }
.LBB2_40:
0x2ad: {  	s30 =	sld [smem:s28+$0x0]  }
0x2ae: {  	p1 =	por !p1, !p2;
	s31 =	smov.u32 s25;
	p0 =	sne.s32 s25, $0x0  }
.Ltmp24:
0x2af: {  	s25 =	sadd.s32 $0xFFFFFFFF, s25;
	p1 =	por !p1, !p1;
	(pc) =	sbr.rel @p0 .LBB2_40-.Ltmp24, $4  }
0x2b0: {  	s21 =	smov.u32 @p1 s23;
	s29 =	simm.s32 @p1 $0x1;
	s23 =	smov.u32 s31  }
0x2b1: {  	s22 =	smov.u32 @p1 s24;
	s24 =	smov.u32 s26  }
0x2b2: {  	s26 =	sadd.s32 s26, s30  }
0x2b3: {  	s28 =	sadd.s32 $0xFFFFFFFF, s28;
	p1 =	seq.s32 s29, $0x0;
	p2 =	sge.s32 s26, s19  }
0x2b4: {  	p0 =	por !p1, !p2  }
0x2b5: {  	p0 =	por !p0, !p0  }
0x2b6: {  	s21 =	smov.u32 @p0 s23  }
0x2b7: {  	s21 =	sshll.u32 s21, $0x4  }
0x2b8: {  	v7 =	vld [tilespmem:s21+$0x1C200];
	_ =	sdelay $0x4  }
0x2b9: {  	v7 =	vperm.xlane v7, v4;
	_ =	sdelay $0x1  }
0x2ba: {  	(xrf0) =	vadd.scan.msk.s32 $0xffff, v7;
	_ =	sdelay $0x5  }
0x2bb: {  	s22 =	smov.u32 @p0 s24;
	v8, _, _ =	vpop (xrf0)  }
0x2bc: {  	v8 =	vadd.s32 s22, v8  }
0x2bd: {  	vm0 =	vge.s32 v8, s19  }
0x2be: {  	v9 =	vmctz.xlane vm0;
	_ =	sdelay $0x1  }
0x2bf: {  	v9 =	vxor.u32 $0x80000000, v9  }
0x2c0: {  	(xrf0) =	vmax.scan.msk.u32 $0xffff, v9;
	_ =	sdelay $0x5  }
0x2c1: {  	v9, _, _ =	vpop (xrf0)  }
0x2c2: {  	(v2sf) =	vpush v9, $0xF;
	_ =	sdelay $0xe  }
0x2c3: {  	s26 =	spop (v2sf)  }
0x2c4: {  	s22 =	sxor.u32 $0x80000000, s26  }
0x2c5: {  	v63 =	vmov s22  }
0x2c6: {  	v7 =	vsub.s32 v8, v7;
	vm15 =	veq.s32 v63, v0  }
0x2c7: {  	v7 =	vnsel vm15, $0x0, v7  }
0x2c8: {  	(xrf0) =	vadd.scan.msk.s32 $0xffff, v7;
	_ =	sdelay $0x5  }
0x2c9: {  	v7, _, _ =	vpop (xrf0)  }
0x2ca: {  	(v2sf) =	vpush v7, $0xF;
	_ =	sdelay $0x2  }
0x2cb: {  	s20 =	sadd.s32 $0x8000000F, s20  }
0x2cc: {  	s28 =	sand.u32 $0xF, s20  }
0x2cd: {  	s29 =	sshra.s32 s20, $0x1F;
	p5 =	slt.s32 s20, $0x1;
	p6 =	sne.s32 s28, $0x0  }
0x2ce: {  	s30 =	sshrl.u32 s29, $0x1C;
	p0 =	por !p5, !p6  }
0x2cf: {  	s23 =	simm.s32 $0x1;
	s20 =	sadd.s32 s30, s20;
	p0 =	por !p0, !p0  }
0x2d0: {  	s20 =	sshra.s32 s20, $0x4;
	s23 =	simm.s32 @!p0 $0x0  }
0x2d1: {  	s24 =	ssub.s32 s20, s23  }
0x2d2: {  	p0 =	slt.s32 s24, $0x1  }
.Ltmp25:
0x2d3: {  	_ = 	snop;
	(pc) =	sbr.rel @p0 .LBB2_42-.Ltmp25, $3  }
0x2d4: {  	_ =	sdelay $0x1  }
0x2d5: {  	s31 =	ssub.s32 s21, s22  }
0x2d6: {  	s21 =	sadd.s32 $0xF, s31;
	s22 =	spop (v2sf)  }
0x2d7: {  	p1 =	sne.s32 s24, $0x1  }
.Ltmp26:
0x2d8: {  	_ = 	snop;
	(pc) =	sbr.rel @!p1 .LBB2_44-.Ltmp26, $3  }
0x2d9: {  	_ =	sdelay $0x1  }
0x2da: {  	s25 =	simm.s32 $0x8000;
	s20 =	simm.s32 $0x10100  }
0x2db: {  	v7 =	vmov s21;
	v10 =	vimm.s32 $0x0;
	s23 =	simm.s32 $0x0;
	s24 =	sadd.s32 $0xFFFFFFFF, s24;
	p0 =	por $0x0, $0x0;
	v11 =	vld [tilespmem:s25+$0x0]  }
0x2dc: {  	_ =	sdelay $0x3  }
0x2dd: {  	v8 =	vor.u32 s23, v0;
	v9 =	vand.u32 $0x3FF, v11  }
0x2de: {  	vm0 =	vlt.s32 v8, v6;
	vm1 =	veq.s32 v9, v7  }
0x2df: {  	vm0 =	vmand vm0, vm1  }
0x2e0: {  	v8 =	vsel vm0, $0x1, v1  }
0x2e1: {  	(xrf0) =	vadd.scan.msk.s32 $0xffff, v8;
	_ =	sdelay $0x5  }
0x2e2: {  	v8, _, _ =	vpop (xrf0)  }
0x2e3: {  	v8 =	vadd.s32 v8, v10  }
0x2e4: {  	v11 =	vld [tilespmem:s20+$0x0];
	v8 =	vadd.s32 $0xFFFFFFFF, v8  }
0x2e5: {  	p1 =	sne.s32 s24, $0x1  }
.Ltmp27:
0x2e6: {  	_ = 	snop;
	(pc) =	sbr.rel @!p1 .LBB2_46-.Ltmp27, $3  }
0x2e7: {  	v9 =	vmpcnt.ones.xlane vm0;
	_ =	sdelay $0x1  }
0x2e8: {  	s26 =	simm.s32 $0x8010;
	s28 =	sadd.s32 $0xFFFFFFFF, s24;
	v9 =	vadd.s32 v10, v9;
	[tilespmem:v8+s11+$0x0] =	vst.idx.msk vm0, v11  }
0x2e9: {  	p0 =	por $0x1, $0x1;
	s25 =	simm.s32 $0x0;
	s24 =	simm.s32 $0x10100;
	v8 =	vmov v9;
	v11 =	vld [tilespmem:s26+$0x0]  }
.LBB2_47:
0x2ea: {  	p1 =	sne.s32 s28, $0x1;
	_ =	sdelay $0x2  }
0x2eb: {  	s25 =	sadd.s32 $0x10, s25  }
0x2ec: {  	v10 =	vor.u32 s25, v0;
	v11 =	vand.u32 $0x3FF, v11  }
0x2ed: {  	vm0 =	vlt.s32 v10, v6;
	vm1 =	veq.s32 v11, v7  }
0x2ee: {  	vm0 =	vmand vm0, vm1  }
0x2ef: {  	v10 =	vsel vm0, $0x1, v1;
	v11 =	vmpcnt.ones.xlane vm0  }
0x2f0: {  	(xrf0) =	vadd.scan.msk.s32 $0xffff, v10  }
0x2f1: {  	v9 =	vadd.s32 v9, v11;
	_ =	sdelay $0x4  }
0x2f2: {  	v10, _, _ =	vpop (xrf0)  }
0x2f3: {  	s24 =	sadd.s32 $0x10, s24;
	v10 =	vadd.s32 v10, v8;
	v8 =	vmov v9  }
0x2f4: {  	v11 =	vld [tilespmem:s24+$0x0];
	v10 =	vadd.s32 $0xFFFFFFFF, v10;
	_ =	sdelay $0x1  }
.Ltmp28:
0x2f5: {  	(pc) =	sbr.rel @p1 .LBB2_47-.Ltmp28, $3  }
0x2f6: {  	_ =	sdelay $0x1  }
0x2f7: {  	s26 =	sadd.s32 $0x10, s26;
	[tilespmem:v10+s11+$0x0] =	vst.idx.msk vm0, v11  }
0x2f8: {  	s28 =	sadd.s32 $0xFFFFFFFF, s28;
	v11 =	vld [tilespmem:s26+$0x0]  }
0x2f9: {  	v10 =	vmov v9  }
.LBB2_49:
0x2fa: {  	_ = 	snop  }
0x2fb: {  	s25 =	sadd.s32 @p0 $0x10, s25  }
0x2fc: {  	s23 =	smov.u32 @p0 s25  }
0x2fd: {  	v9 =	vor.u32 s23, v0;
	v11 =	vand.u32 $0x3FF, v11  }
0x2fe: {  	vm0 =	vlt.s32 v9, v6;
	vm1 =	veq.s32 v11, v7  }
0x2ff: {  	vm0 =	vmand vm0, vm1  }
0x300: {  	v6 =	vsel vm0, $0x1, v1  }
0x301: {  	(xrf0) =	vadd.scan.msk.s32 $0xffff, v6;
	_ =	sdelay $0x5  }
0x302: {  	s23 =	sadd.s32 @p0 $0x10, s24;
	v6, _, _ =	vpop (xrf0)  }
0x303: {  	s20 =	smov.u32 @p0 s23;
	v6 =	vadd.s32 v6, v8  }
0x304: {  	v7 =	vld [tilespmem:s20+$0x0];
	v6 =	vadd.s32 $0xFFFFFFFF, v6  }
.Ltmp29:
0x305: {  	_ = 	snop;
	(pc) =	sbr.rel .LBB2_50-.Ltmp29, $3  }
0x306: {  	v8 =	vmpcnt.ones.xlane vm0;
	_ =	sdelay $0x1  }
0x307: {  	v8 =	vadd.s32 v10, v8  }
0x308: {  	[tilespmem:v6+s11+$0x0] =	vst.idx.msk vm0, v7;
	v6 =	vxor.u32 $0x80000000, v8  }
.LBB2_42:
0x309: {  	v6 =	vimm.s32 $0x80000000  }
.LBB2_50:
0x30a: {  	(xrf0) =	vmax.scan.msk.u32 $0xffff, v6;
	_ =	sdelay $0x5  }
0x30b: {  	v6, _, _ =	vpop (xrf0)  }
0x30c: {  	(v2sf) =	vpush v6, $0xF;
	_ =	sdelay $0xe  }
0x30d: {  	s23 =	spop (v2sf)  }
0x30e: {  	s20 =	sadd.s32 $0x8000003F, s23  }
0x30f: {  	s24 =	sand.u32 $0x3F, s20  }
0x310: {  	s31 =	sshra.s32 s20, $0x1F;
	p1 =	slt.s32 s20, $0x1;
	p0 =	sne.s32 s24, $0x0  }
0x311: {  	s24 =	sshrl.u32 s31, $0x1A;
	p0 =	por !p1, !p0  }
0x312: {  	s20 =	sadd.s32 s24, s20;
	s24 =	simm.s32 $0x1;
	p0 =	por !p0, !p0  }
0x313: {  	s20 =	sshra.s32 s20, $0x6;
	s24 =	simm.s32 @!p0 $0x0  }
0x314: {  	s20 =	ssub.s32 s20, s24  }
0x315: {  	p0 =	slt.s32 s20, $0x1  }
.Ltmp30:
0x316: {  	_ = 	snop;
	(pc) =	sbr.rel @p0 .LBB2_58-.Ltmp30, $3  }
0x317: {  	_ =	sdelay $0x1  }
0x318: {  	s23 =	sxor.u32 $0x80000000, s23  }
0x319: {  	v6 =	vmov s23  }
0x31a: {  	p2 =	sne.s32 s20, $0x1  }
.Ltmp31:
0x31b: {  	_ = 	snop;
	(pc) =	sbr.rel @!p2 .LBB2_52-.Ltmp31, $4  }
0x31c: {  	_ = 	snop  }
0x31d: {  	s23 =	simm.s32 $0x0;
	s24 =	simm.s32 $0x20;
	s25 =	simm.s32 $0x10  }
0x31e: {  	s28 =	simm.s32 $0x30;
	v9 =	vor.u32 s24, v0;
	v7 =	vor.u32 s23, v0;
	v8 =	vor.u32 s25, v0  }
0x31f: {  	s26 =	simm.s32 $0x10120;
	p1 =	por $0x0, $0x0;
	s25 =	sadd.s32 $0xFFFFFFFF, s20;
	v11 =	vor.u32 s28, v0;
	vm0 =	vlt.s32 v7, v6;
	vm1 =	vlt.s32 v8, v6  }
0x320: {  	v10 =	vld [tilespmem:s26+$0xFFFFFFF0]  }
0x321: {  	v12 =	vld [tilespmem:s26+$0xFFFFFFE0]  }
0x322: {  	s23 =	simm.s32 $0x40  }
0x323: {  	vm2 =	vmmov vm0;
	s31 =	simm.s32 $0x50;
	v13 =	vor.u32 s23, v0  }
0x324: {  	v14 =	vld [tilespmem:s26+$0x0];
	vm3 =	vmmov vm1;
	p2 =	sne.s32 s25, $0x1;
	vm0 =	vlt.s32 v13, v6;
	v13 =	vor.u32 s31, v0  }
.Ltmp32:
0x325: {  	vm5 =	vlt.s32 v9, v6;
	vm1 =	vlt.s32 v13, v6;
	v10 =	vshrl.u32 v10, $0x5;
	(pc) =	sbr.rel @!p2 .LBB2_54-.Ltmp32, $4  }
0x326: {  	v9 =	vshrl.u32 v12, $0x5;
	v13 =	vadd.s32 v2, v10;
	v12 =	vand.u32 $0x7F, v10;
	v10 =	vld [tilespmem:s26+$0x10]  }
0x327: {  	s24 =	simm.s32 $0x60;
	s28 =	simm.s32 $0x70  }
0x328: {  	vm4 =	vlt.s32 v11, v6;
	s25 =	sadd.s32 $0xFFFFFFFF, s25;
	v7 =	vor.u32 s24, v0;
	v8 =	vor.u32 s28, v0  }
0x329: {  	p1 =	por $0x1, $0x1;
	s24 =	simm.s32 $0x10160;
	v14 =	vshrl.u32 v14, $0x5;
	v16 =	vadd.s32 v2, v9;
	v15 =	vand.u32 $0x7F, v9;
	s26 =	simm.s32 $0x10160  }
.LBB2_55:
0x32a: {  	p2 =	sne.s32 s25, $0x1;
	s23 =	sadd.s32 $0x40, s23;
	s26 =	sadd.s32 $0x40, s26;
	v9 =	vand.u32 $0xFFFFF80, v16;
	v11 =	vand.u32 $0xFFFFF80, v13;
	v13 =	vand.u32 $0x7F, v14  }
0x32b: {  	s25 =	sadd.s32 $0xFFFFFFFF, s25;
	v14 =	vadd.s32 v2, v14;
	s28 =	sadd.s32 $0x20, s23;
	s29 =	sadd.s32 $0x30, s23;
	v9 =	vor.u32 v15, v9;
	v10 =	vshrl.u32 v10, $0x5  }
0x32c: {  	v11 =	vor.u32 v12, v11;
	v12 =	vand.u32 $0xFFFFF80, v14;
	v14 =	vadd.s32 v2, v10  }
0x32d: {  	v12 =	vor.u32 v13, v12;
	v10 =	vand.u32 $0x7F, v10;
	v13 =	vand.u32 $0xFFFFF80, v14  }
0x32e: {  	v15 =	vor.u32 s29, v0;
	v14 =	vor.u32 s28, v0;
	v10 =	vor.u32 v10, v13;
	_ =	sdelay $0x1  }
0x32f: {  	[tilespmem:v9+s12+$0x0] =	vst.idx.add.s32.msk vm2, v3;
	vm2 =	vmmov vm0  }
0x330: {  	[tilespmem:v11+s12+$0x0] =	vst.idx.add.s32.msk vm3, v3;
	vm3 =	vmmov vm1  }
0x331: {  	[tilespmem:v12+s12+$0x0] =	vst.idx.add.s32.msk vm5, v3  }
0x332: {  	[tilespmem:v10+s12+$0x0] =	vst.idx.add.s32.msk vm4, v3  }
0x333: {  	v9 =	vor.u32 s23, v0;
	v11 =	vld [tilespmem:s24+$0xFFFFFFF0]  }
0x334: {  	vm0 =	vlt.s32 v9, v6;
	v9 =	vld [tilespmem:s24+$0xFFFFFFE0]  }
0x335: {  	s28 =	sadd.s32 $0x10, s23;
	v17 =	vld [tilespmem:s24+$0x0]  }
.Ltmp33:
0x336: {  	(pc) =	sbr.rel @p2 .LBB2_55-.Ltmp33, $4  }
0x337: {  	v12 =	vor.u32 s28, v0;
	vm4 =	vlt.s32 v8, v6;
	v8 =	vmov v15;
	v10 =	vld [tilespmem:s24+$0x10];
	s24 =	smov.u32 s26  }
0x338: {  	vm5 =	vlt.s32 v7, v6;
	v7 =	vmovc v14;
	vm1 =	vlt.s32 v12, v6;
	v11 =	vshrl.u32 v11, $0x5  }
0x339: {  	v9 =	vshrl.u32 v9, $0x5;
	v13 =	vadd.s32 v2, v11;
	v12 =	vand.u32 $0x7F, v11  }
0x33a: {  	v16 =	vadd.s32 v2, v9;
	v15 =	vand.u32 $0x7F, v9;
	v14 =	vshrl.u32 v17, $0x5  }
0x33b: {  	s26 =	smov.u32 s24;
	v11 =	vmov v8;
	v9 =	vmov v7  }
.LBB2_57:
0x33c: {  	v7 =	vand.u32 @p1 $0xFFFFF80, v16;
	v8 =	vand.u32 @p1 $0xFFFFF80, v13;
	v13 =	vand.u32 @p1 $0x7F, v14  }
0x33d: {  	v14 =	vadd.s32 @p1 v2, v14;
	v10 =	vshrl.u32 @p1 v10, $0x5;
	v7 =	vor.u32 @p1 v15, v7  }
0x33e: {  	v8 =	vor.u32 @p1 v12, v8;
	v12 =	vand.u32 @p1 $0xFFFFF80, v14;
	v14 =	vadd.s32 @p1 v2, v10  }
0x33f: {  	v10 =	vand.u32 @p1 $0x7F, v10;
	v12 =	vor.u32 @p1 v13, v12;
	v13 =	vand.u32 @p1 $0xFFFFF80, v14  }
0x340: {  	v10 =	vor.u32 @p1 v10, v13;
	_ =	sdelay $0x1  }
0x341: {  	[tilespmem:v7+s12+$0x0] =	vst.idx.add.s32.msk @p1 vm2, v3  }
0x342: {  	[tilespmem:v8+s12+$0x0] =	vst.idx.add.s32.msk @p1 vm3, v3  }
0x343: {  	[tilespmem:v12+s12+$0x0] =	vst.idx.add.s32.msk @p1 vm5, v3  }
0x344: {  	[tilespmem:v10+s12+$0x0] =	vst.idx.add.s32.msk @p1 vm4, v3  }
0x345: {  	v7 =	vld [tilespmem:s26+$0xFFFFFFF0]  }
0x346: {  	v8 =	vld [tilespmem:s26+$0xFFFFFFE0]  }
0x347: {  	v10 =	vld [tilespmem:s26+$0x0]  }
0x348: {  	v12 =	vld [tilespmem:s26+$0x10];
	_ =	sdelay $0x2  }
0x349: {  	vm0 =	vmmov vm0;
	vm1 =	vmmov vm1  }
0x34a: {  	vm14 =	vlt.s32 v11, v6;
	vm15 =	vlt.s32 v9, v6;
	v7 =	vshrl.u32 v7, $0x5  }
0x34b: {  	v8 =	vshrl.u32 v8, $0x5;
	v10 =	vshrl.u32 v10, $0x5;
	v61 =	vshrl.u32 v12, $0x5  }
0x34c: {  	v58 =	vadd.s32 v2, v7;
	v7 =	vand.u32 $0x7F, v7;
	v59 =	vadd.s32 v2, v8  }
0x34d: {  	v8 =	vand.u32 $0x7F, v8;
	v60 =	vand.u32 $0x7F, v10;
	v11 =	vand.u32 $0xFFFFF80, v59  }
0x34e: {  	v10 =	vadd.s32 v2, v10;
	v9 =	vand.u32 $0xFFFFF80, v58;
	v8 =	vor.u32 v8, v11  }
0x34f: {  	v63 =	vadd.s32 v2, v61;
	v62 =	vand.u32 $0xFFFFF80, v10;
	v7 =	vor.u32 v7, v9  }
0x350: {  	v10 =	vand.u32 $0xFFFFF80, v63;
	v9 =	vor.u32 v60, v62;
	v11 =	vand.u32 $0x7F, v61  }
0x351: {  	v10 =	vor.u32 v11, v10;
	_ =	sdelay $0x1  }
0x352: {  	[tilespmem:v8+s12+$0x0] =	vst.idx.add.s32.msk vm0, v3  }
0x353: {  	[tilespmem:v7+s12+$0x0] =	vst.idx.add.s32.msk vm1, v3  }
0x354: {  	[tilespmem:v9+s12+$0x0] =	vst.idx.add.s32.msk vm15, v3  }
0x355: {  	[tilespmem:v10+s12+$0x0] =	vst.idx.add.s32.msk vm14, v3  }
.LBB2_58:
0x356: {  	s24 =	simm.s32 $0x18200;
	s23 =	simm.s32 $0x0  }
0x357: {  	v7 =	vld [tilespmem:s24+$0x0];
	[tilespmem:s24+$0x0] =	vst v1;
	s30 =	sand.u32 $0x3F0, s23  }
0x358: {  	v8 =	vld [tilespmem:s30+$0x18600]  }
0x359: {  	v9 =	vld [tilespmem:s30+$0x18A00]  }
0x35a: {  	v10 =	vld [tilespmem:s30+$0x18E00]  }
0x35b: {  	v11 =	vld [tilespmem:s30+$0x19200]  }
0x35c: {  	v12 =	vld [tilespmem:s30+$0x19600]  }
0x35d: {  	v7 =	vadd.s32 v7, v8;
	v8 =	vld [tilespmem:s30+$0x19A00]  }
0x35e: {  	[tilespmem:s30+$0x18600] =	vst v1;
	v44 =	vld [tilespmem:s30+$0x19E00];
	v7 =	vadd.s32 v9, v7  }
0x35f: {  	[tilespmem:s30+$0x18A00] =	vst v1;
	v45 =	vld [tilespmem:s30+$0x1A200];
	v7 =	vadd.s32 v10, v7  }
0x360: {  	[tilespmem:s30+$0x18E00] =	vst v1;
	v46 =	vld [tilespmem:s30+$0x1A600];
	v7 =	vadd.s32 v11, v7  }
0x361: {  	[tilespmem:s30+$0x19200] =	vst v1;
	v47 =	vld [tilespmem:s30+$0x1AA00];
	v7 =	vadd.s32 v12, v7  }
0x362: {  	[tilespmem:s30+$0x19600] =	vst v1;
	v7 =	vadd.s32 v8, v7;
	v8 =	vld [tilespmem:s30+$0x1AE00]  }
0x363: {  	[tilespmem:s30+$0x19E00] =	vst v1;
	v48 =	vld [tilespmem:s30+$0x1B200];
	v7 =	vadd.s32 v44, v7  }
0x364: {  	[tilespmem:s30+$0x1A200] =	vst v1;
	v49 =	vld [tilespmem:s30+$0x1B600];
	v7 =	vadd.s32 v45, v7  }
0x365: {  	[tilespmem:s30+$0x1A600] =	vst v1;
	v50 =	vld [tilespmem:s30+$0x1BA00];
	v7 =	vadd.s32 v46, v7  }
0x366: {  	[tilespmem:s30+$0x1AA00] =	vst v1;
	v51 =	vld [tilespmem:s30+$0x1BE00];
	v7 =	vadd.s32 v47, v7  }
0x367: {  	[tilespmem:s30+$0x1B200] =	vst v1;
	v7 =	vadd.s32 v8, v7  }
0x368: {  	[tilespmem:s30+$0x1B600] =	vst v1;
	v7 =	vadd.s32 v48, v7  }
0x369: {  	[tilespmem:s30+$0x1BA00] =	vst v1;
	v7 =	vadd.s32 v49, v7  }
0x36a: {  	[tilespmem:s30+$0x1BE00] =	vst v1;
	v7 =	vadd.s32 v50, v7  }
0x36b: {  	[tilespmem:s30+$0x19A00] =	vst v1;
	v7 =	vadd.s32 v51, v7  }
0x36c: {  	s25 =	simm.s32 $0x1C200;
	[tilespmem:s30+$0x1AE00] =	vst v1;
	(xrf0) =	vadd.scan.msk.s32 $0xffff, v7  }
0x36d: {  	s31 =	simm.s32 $0x10;
	s24 =	simm.s32 $0x18210;
	[tilespmem:s25+$0x0] =	vst v7  }
0x36e: {  	s25 =	sand.u32 $0x3F0, s31;
	v7 =	vld [tilespmem:s24+$0x0];
	[tilespmem:s24+$0x0] =	vst v1  }
0x36f: {  	v8 =	vld [tilespmem:s25+$0x18600]  }
0x370: {  	v52 =	vld [tilespmem:s25+$0x18A00]  }
0x371: {  	v53 =	vld [tilespmem:s25+$0x18E00]  }
0x372: {  	v54 =	vld [tilespmem:s25+$0x19200];
	v55, _, _ =	vpop (xrf0)  }
0x373: {  	v13 =	vld [tilespmem:s25+$0x19600];
	(v2sf) =	vpush v55, $0xF  }
0x374: {  	[tilespmem:s25+$0x18600] =	vst v1;
	v7 =	vadd.s32 v7, v8;
	v8 =	vld [tilespmem:s25+$0x19A00]  }
0x375: {  	[tilespmem:s25+$0x18A00] =	vst v1;
	v56 =	vld [tilespmem:s25+$0x19E00];
	v7 =	vadd.s32 v52, v7  }
0x376: {  	[tilespmem:s25+$0x18E00] =	vst v1;
	v57 =	vld [tilespmem:s25+$0x1A200];
	v7 =	vadd.s32 v53, v7  }
0x377: {  	[tilespmem:s25+$0x19200] =	vst v1;
	v58 =	vld [tilespmem:s25+$0x1A600];
	v7 =	vadd.s32 v54, v7  }
0x378: {  	[tilespmem:s25+$0x19600] =	vst v1;
	v59 =	vld [tilespmem:s25+$0x1AA00];
	v7 =	vadd.s32 v13, v7  }
0x379: {  	[tilespmem:s25+$0x19E00] =	vst v1;
	v7 =	vadd.s32 v8, v7;
	v8 =	vld [tilespmem:s25+$0x1AE00]  }
0x37a: {  	v60 =	vld [tilespmem:s25+$0x1B200];
	[tilespmem:s25+$0x1A200] =	vst v1;
	v7 =	vadd.s32 v56, v7  }
0x37b: {  	v61 =	vld [tilespmem:s25+$0x1B600];
	[tilespmem:s25+$0x1A600] =	vst v1;
	v7 =	vadd.s32 v57, v7  }
0x37c: {  	v62 =	vld [tilespmem:s25+$0x1BA00];
	[tilespmem:s25+$0x1AA00] =	vst v1;
	v7 =	vadd.s32 v58, v7  }
0x37d: {  	v63 =	vld [tilespmem:s25+$0x1BE00];
	[tilespmem:s25+$0x1B200] =	vst v1;
	v7 =	vadd.s32 v59, v7  }
0x37e: {  	[tilespmem:s25+$0x1B600] =	vst v1;
	v7 =	vadd.s32 v8, v7  }
0x37f: {  	s17 =	sshll.u32 s17, $0x14;
	[tilespmem:s25+$0x1BA00] =	vst v1;
	v7 =	vadd.s32 v60, v7  }
0x380: {  	s26 =	sshll.u32 s18, $0xA;
	s18 =	ssub.s32 s19, s22;
	s19 =	simm.s32 $0x1;
	[tilespmem:s25+$0x1BE00] =	vst v1;
	v7 =	vadd.s32 v61, v7  }
0x381: {  	s22 =	simm.s32 $0x0;
	s17 =	sor.u32 s17, s26;
	s26 =	simm.s32 $0x20;
	[tilespmem:s25+$0x19A00] =	vst v1;
	v7 =	vadd.s32 v62, v7  }
0x382: {  	s17 =	sor.u32 s21, s17;
	s21 =	simm.s32 $0x1C210;
	[tilespmem:s25+$0x1AE00] =	vst v1;
	v7 =	vadd.s32 v63, v7;
	s28 =	spop (v2sf)  }
.LBB2_59:
0x383: {  	s24 =	sadd.s32 $0x10, s24;
	[smem:s22] =	sst s28  }
0x384: {  	[tilespmem:s21+$0x0] =	vst v7;
	(xrf0) =	vadd.scan.msk.s32 $0xffff, v7;
	s28 =	smov.u32 s26;
	s25 =	sadd.s32 $0x10, s26;
	s22 =	smov.u32 s19  }
0x385: {  	p1 =	sne.s32 s26, $0x3F0;
	v7 =	vld [tilespmem:s24+$0x0]  }
0x386: {  	s26 =	sand.u32 $0x3F0, s28;
	[tilespmem:s24+$0x0] =	vst v1  }
0x387: {  	v8 =	vld [tilespmem:s26+$0x18600]  }
0x388: {  	[tilespmem:s26+$0x18600] =	vst v1;
	v9 =	vld [tilespmem:s26+$0x18A00]  }
0x389: {  	[tilespmem:s26+$0x18A00] =	vst v1;
	v10 =	vld [tilespmem:s26+$0x18E00]  }
0x38a: {  	[tilespmem:s26+$0x18E00] =	vst v1;
	v11 =	vld [tilespmem:s26+$0x19200];
	v12, _, _ =	vpop (xrf0)  }
0x38b: {  	[tilespmem:s26+$0x19200] =	vst v1;
	v13 =	vld [tilespmem:s26+$0x19600];
	(v2sf) =	vpush v12, $0xF  }
0x38c: {  	v7 =	vadd.s32 v7, v8;
	[tilespmem:s26+$0x19600] =	vst v1;
	v8 =	vld [tilespmem:s26+$0x19A00]  }
0x38d: {  	v7 =	vadd.s32 v9, v7;
	[tilespmem:s26+$0x19A00] =	vst v1;
	v9 =	vld [tilespmem:s26+$0x19E00]  }
0x38e: {  	v7 =	vadd.s32 v10, v7;
	[tilespmem:s26+$0x19E00] =	vst v1;
	v10 =	vld [tilespmem:s26+$0x1A200]  }
0x38f: {  	v7 =	vadd.s32 v11, v7;
	[tilespmem:s26+$0x1A200] =	vst v1;
	v11 =	vld [tilespmem:s26+$0x1A600]  }
0x390: {  	v7 =	vadd.s32 v13, v7;
	[tilespmem:s26+$0x1A600] =	vst v1;
	v12 =	vld [tilespmem:s26+$0x1AA00]  }
0x391: {  	v7 =	vadd.s32 v8, v7;
	[tilespmem:s26+$0x1AA00] =	vst v1;
	v8 =	vld [tilespmem:s26+$0x1AE00]  }
0x392: {  	v7 =	vadd.s32 v9, v7;
	[tilespmem:s26+$0x1AE00] =	vst v1;
	v9 =	vld [tilespmem:s26+$0x1B200]  }
0x393: {  	v7 =	vadd.s32 v10, v7;
	[tilespmem:s26+$0x1B200] =	vst v1;
	v10 =	vld [tilespmem:s26+$0x1B600]  }
0x394: {  	v7 =	vadd.s32 v11, v7;
	[tilespmem:s26+$0x1B600] =	vst v1;
	v11 =	vld [tilespmem:s26+$0x1BA00]  }
0x395: {  	v7 =	vadd.s32 v12, v7;
	[tilespmem:s26+$0x1BA00] =	vst v1;
	v12 =	vld [tilespmem:s26+$0x1BE00]  }
.Ltmp34:
0x396: {  	v7 =	vadd.s32 v8, v7;
	[tilespmem:s26+$0x1BE00] =	vst v1;
	(pc) =	sbr.rel @p1 .LBB2_59-.Ltmp34, $4  }
0x397: {  	v7 =	vadd.s32 v9, v7  }
0x398: {  	v7 =	vadd.s32 v10, v7  }
0x399: {  	s19 =	sadd.s32 $0x1, s19;
	v7 =	vadd.s32 v11, v7  }
0x39a: {  	s21 =	sadd.s32 $0x10, s21;
	s26 =	smov.u32 s25;
	v7 =	vadd.s32 v12, v7;
	s28 =	spop (v2sf)  }
0x39b: {  	(xrf0) =	vadd.scan.msk.s32 $0xffff, v7;
	_ =	sdelay $0x5  }
0x39c: {  	v8, _, _ =	vpop (xrf0)  }
0x39d: {  	(v2sf) =	vpush v8, $0xF;
	_ =	sdelay $0xe  }
0x39e: {  	[smem:s22] =	sst s28;
	s31 =	spop (v2sf)  }
0x39f: {  	[tilespmem:s21+$0x0] =	vst v7;
	[smem:s19] =	sst s31  }
0x3a0: {  	s19 =	sld [smem:$0x0];
	_ =	sdelay $0x1  }
0x3a1: {  	s21 =	simm.s32 $0x1;
	p2 =	por $0x1, $0x1;
	s26 =	simm.s32 $0x1  }
0x3a2: {  	s25 =	simm.s32 $0x0;
	s28 =	simm.s32 $0x0;
	s24 =	sadd.s32 $0x0, s19  }
0x3a3: {  	s22 =	simm.s32 $0x0;
	s19 =	simm.s32 $0x0;
	p3 =	sge.s32 s24, s18  }
.LBB2_61:
0x3a4: {  	s29 =	sld [smem:s26+$0x0]  }
0x3a5: {  	p2 =	por !p2, !p3;
	s30 =	smov.u32 s21;
	p1 =	sne.s32 s21, $0x3F  }
.Ltmp35:
0x3a6: {  	s21 =	sadd.s32 $0x1, s21;
	p2 =	por !p2, !p2;
	(pc) =	sbr.rel @p1 .LBB2_61-.Ltmp35, $4  }
0x3a7: {  	s23 =	smov.u32 @p2 s25;
	s28 =	simm.s32 @p2 $0x1;
	s25 =	smov.u32 s30  }
0x3a8: {  	s19 =	smov.u32 @p2 s22;
	s22 =	smov.u32 s24  }
0x3a9: {  	s24 =	sadd.s32 s24, s29  }
0x3aa: {  	s26 =	sadd.s32 $0x1, s26;
	p2 =	seq.s32 s28, $0x0;
	p3 =	sge.s32 s24, s18  }
0x3ab: {  	p1 =	por !p2, !p3  }
0x3ac: {  	p1 =	por !p1, !p1  }
0x3ad: {  	s23 =	smov.u32 @p1 s25  }
0x3ae: {  	s23 =	sshll.u32 s23, $0x4  }
0x3af: {  	v7 =	vld [tilespmem:s23+$0x1C200];
	_ =	sdelay $0x4  }
0x3b0: {  	(xrf0) =	vadd.scan.msk.s32 $0xffff, v7;
	_ =	sdelay $0x5  }
0x3b1: {  	s19 =	smov.u32 @p1 s22;
	v8, _, _ =	vpop (xrf0)  }
0x3b2: {  	v8 =	vadd.s32 s19, v8  }
0x3b3: {  	vm0 =	vge.s32 v8, s18  }
0x3b4: {  	v9 =	vmctz.xlane vm0;
	_ =	sdelay $0x1  }
0x3b5: {  	v9 =	vxor.u32 $0x80000000, v9  }
0x3b6: {  	(xrf0) =	vmax.scan.msk.u32 $0xffff, v9;
	_ =	sdelay $0x5  }
0x3b7: {  	v9, _, _ =	vpop (xrf0)  }
0x3b8: {  	(v2sf) =	vpush v9, $0xF;
	_ =	sdelay $0xe  }
0x3b9: {  	s31 =	spop (v2sf)  }
0x3ba: {  	s19 =	sxor.u32 $0x80000000, s31  }
0x3bb: {  	v63 =	vmov s19  }
0x3bc: {  	v7 =	vsub.s32 v8, v7;
	vm15 =	veq.s32 v63, v0  }
0x3bd: {  	v7 =	vnsel vm15, $0x0, v7  }
0x3be: {  	(xrf0) =	vadd.scan.msk.s32 $0xffff, v7;
	_ =	sdelay $0x5  }
0x3bf: {  	v7, _, _ =	vpop (xrf0)  }
0x3c0: {  	(v2sf) =	vpush v7, $0xF;
	_ =	sdelay $0xa  }
.Ltmp36:
0x3c1: {  	_ = 	snop;
	(pc) =	sbr.rel @p0 .LBB2_66-.Ltmp36, $2  }
0x3c2: {  	_ =	sdelay $0x2  }
0x3c3: {  	s19 =	sadd.s32 s23, s19;
	s21 =	spop (v2sf)  }
0x3c4: {  	p0 =	seq.s32 s20, $0x1  }
.Ltmp37:
0x3c5: {  	s23 =	simm.s32 $0x10120;
	(pc) =	sbr.rel @p0 .LBB2_65-.Ltmp37, $4  }
0x3c6: {  	v11 =	vld [tilespmem:s23+$0xFFFFFFF0]  }
0x3c7: {  	v7 =	vmov s19;
	s22 =	simm.s32 $0x0;
	s24 =	simm.s32 $0x10;
	s25 =	simm.s32 $0x20;
	v10 =	vld [tilespmem:s23+$0xFFFFFFE0]  }
0x3c8: {  	v9 =	vor.u32 s22, v0;
	v12 =	vor.u32 s24, v0;
	v13 =	vor.u32 s25, v0;
	v8 =	vld [tilespmem:s23+$0x10]  }
0x3c9: {  	s20 =	sadd.s32 $0xFFFFFFFF, s20;
	s24 =	simm.s32 $0x30;
	vm0 =	vlt.s32 v9, v6;
	vm2 =	vlt.s32 v12, v6;
	vm1 =	vlt.s32 v13, v6;
	v9 =	vld [tilespmem:s23+$0x0]  }
.LBB2_64:
0x3ca: {  	p0 =	seq.s32 s20, $0x1;
	v12 =	vor.u32 s24, v0;
	s22 =	sadd.s32 $0x40, s22;
	s23 =	sadd.s32 $0x40, s23  }
0x3cb: {  	s20 =	sadd.s32 $0xFFFFFFFF, s20;
	v13 =	vshrl.u32 v11, $0x5;
	v11 =	vand.u32 $0x1F, v11;
	vm3 =	vlt.s32 v12, v6  }
0x3cc: {  	v12 =	vshrl.u32 v10, $0x5;
	v10 =	vand.u32 $0x1F, v10;
	vm4 =	veq.s32 v13, v7  }
0x3cd: {  	vm5 =	veq.s32 v12, v7;
	vm4 =	vmand vm2, vm4;
	v12 =	vshrl.u32 v8, $0x5  }
0x3ce: {  	vm5 =	vmand vm0, vm5;
	v13 =	vshrl.u32 v9, $0x5;
	vm0 =	veq.s32 v12, v7  }
0x3cf: {  	v10 =	vor.u32 v2, v10;
	vm2 =	veq.s32 v13, v7;
	vm3 =	vmand vm3, vm0  }
0x3d0: {  	v11 =	vor.u32 v2, v11;
	v9 =	vand.u32 $0x1F, v9;
	vm1 =	vmand vm1, vm2  }
0x3d1: {  	s24 =	sadd.s32 $0x10, s22;
	v8 =	vand.u32 $0x1F, v8;
	v12 =	vor.u32 s22, v0;
	v9 =	vor.u32 v2, v9  }
0x3d2: {  	v8 =	vor.u32 v2, v8;
	v13 =	vor.u32 s24, v0  }
0x3d3: {  	vm0 =	vlt.s32 v12, v6;
	vm2 =	vlt.s32 v13, v6  }
0x3d4: {  	[tilespmem:v10+s12+$0x0] =	vst.idx.add.s32.msk vm5, v3  }
0x3d5: {  	[tilespmem:v11+s12+$0x0] =	vst.idx.add.s32.msk vm4, v3  }
0x3d6: {  	s24 =	sadd.s32 $0x20, s22;
	[tilespmem:v9+s12+$0x0] =	vst.idx.add.s32.msk vm1, v3  }
.Ltmp38:
0x3d7: {  	[tilespmem:v8+s12+$0x0] =	vst.idx.add.s32.msk vm3, v3;
	(pc) =	sbr.rel @!p0 .LBB2_64-.Ltmp38, $4  }
0x3d8: {  	v8 =	vor.u32 s24, v0;
	v11 =	vld [tilespmem:s23+$0xFFFFFFF0]  }
0x3d9: {  	vm1 =	vlt.s32 v8, v6;
	v10 =	vld [tilespmem:s23+$0xFFFFFFE0]  }
0x3da: {  	v8 =	vld [tilespmem:s23+$0x10]  }
0x3db: {  	s24 =	sadd.s32 $0x30, s22;
	v9 =	vld [tilespmem:s23+$0x0]  }
.LBB2_65:
0x3dc: {  	_ = 	snop  }
0x3dd: {  	v12 =	vor.u32 s24, v0;
	v13 =	vshrl.u32 v11, $0x5;
	v59 =	vand.u32 $0x1F, v11  }
0x3de: {  	vm3 =	vlt.s32 v12, v6;
	v6 =	vshrl.u32 v10, $0x5;
	vm4 =	veq.s32 v13, v7  }
0x3df: {  	v60 =	vand.u32 $0x1F, v10;
	vm5 =	veq.s32 v6, v7;
	vm2 =	vmand vm2, vm4  }
0x3e0: {  	v6 =	vshrl.u32 v8, $0x5;
	vm0 =	vmand vm0, vm5;
	v61 =	vshrl.u32 v9, $0x5  }
0x3e1: {  	vm14 =	veq.s32 v6, v7;
	v6 =	vor.u32 v2, v60;
	vm15 =	veq.s32 v61, v7  }
0x3e2: {  	v62 =	vand.u32 $0x1F, v9;
	v7 =	vor.u32 v2, v59;
	vm1 =	vmand vm1, vm15  }
0x3e3: {  	v63 =	vand.u32 $0x1F, v8;
	vm3 =	vmand vm3, vm14;
	v9 =	vor.u32 v2, v62  }
0x3e4: {  	v8 =	vor.u32 v2, v63;
	_ =	sdelay $0x1  }
0x3e5: {  	[tilespmem:v6+s12+$0x0] =	vst.idx.add.s32.msk vm0, v3  }
0x3e6: {  	[tilespmem:v7+s12+$0x0] =	vst.idx.add.s32.msk vm2, v3  }
0x3e7: {  	[tilespmem:v9+s12+$0x0] =	vst.idx.add.s32.msk vm1, v3  }
0x3e8: {  	[tilespmem:v8+s12+$0x0] =	vst.idx.add.s32.msk vm3, v3  }
.LBB2_66:
0x3e9: {  	v6 =	vld [tilespmem:$0x18200]  }
0x3ea: {  	v7 =	vld [tilespmem:$0x18600]  }
0x3eb: {  	v8 =	vld [tilespmem:$0x18A00]  }
0x3ec: {  	v9 =	vld [tilespmem:$0x18E00]  }
0x3ed: {  	v10 =	vld [tilespmem:$0x19200]  }
0x3ee: {  	v11 =	vld [tilespmem:$0x19600]  }
0x3ef: {  	v12 =	vld [tilespmem:$0x19A00]  }
0x3f0: {  	v13 =	vld [tilespmem:$0x19E00]  }
0x3f1: {  	v14 =	vld [tilespmem:$0x1A200]  }
0x3f2: {  	v15 =	vld [tilespmem:$0x1A600]  }
0x3f3: {  	v16 =	vld [tilespmem:$0x1AA00]  }
0x3f4: {  	v17 =	vld [tilespmem:$0x1AE00]  }
0x3f5: {  	v18 =	vld [tilespmem:$0x1B200]  }
0x3f6: {  	v19 =	vld [tilespmem:$0x1B600]  }
0x3f7: {  	v20 =	vld [tilespmem:$0x1BA00]  }
0x3f8: {  	v21 =	vld [tilespmem:$0x1BE00]  }
0x3f9: {  	v22 =	vld [tilespmem:$0x18210]  }
0x3fa: {  	v23 =	vld [tilespmem:$0x18610]  }
0x3fb: {  	v24 =	vld [tilespmem:$0x18A10]  }
0x3fc: {  	v25 =	vld [tilespmem:$0x18E10]  }
0x3fd: {  	v26 =	vld [tilespmem:$0x19210]  }
0x3fe: {  	v6 =	vadd.s32 v6, v7;
	v7 =	vld [tilespmem:$0x19610]  }
0x3ff: {  	v52 =	vld [tilespmem:$0x19A10];
	v51 =	vadd.s32 v22, v23;
	v6 =	vadd.s32 v8, v6  }
0x400: {  	v53 =	vld [tilespmem:$0x19E10];
	v8 =	vadd.s32 v24, v51;
	v6 =	vadd.s32 v9, v6  }
0x401: {  	v54 =	vld [tilespmem:$0x1A210];
	v8 =	vadd.s32 v25, v8;
	v6 =	vadd.s32 v10, v6  }
0x402: {  	v55 =	vld [tilespmem:$0x1A610];
	v8 =	vadd.s32 v26, v8;
	v6 =	vadd.s32 v11, v6  }
0x403: {  	v56 =	vld [tilespmem:$0x1AA10];
	v6 =	vadd.s32 v12, v6;
	v7 =	vadd.s32 v7, v8  }
0x404: {  	v57 =	vld [tilespmem:$0x1AE10];
	v6 =	vadd.s32 v13, v6;
	v7 =	vadd.s32 v52, v7  }
0x405: {  	v58 =	vld [tilespmem:$0x1B210];
	v6 =	vadd.s32 v14, v6;
	v7 =	vadd.s32 v53, v7  }
0x406: {  	v59 =	vld [tilespmem:$0x1B610];
	v6 =	vadd.s32 v15, v6;
	v7 =	vadd.s32 v54, v7  }
0x407: {  	v60 =	vld [tilespmem:$0x1BA10];
	v6 =	vadd.s32 v16, v6;
	v7 =	vadd.s32 v55, v7  }
0x408: {  	[tilespmem:$0x18200] =	vst v1;
	v61 =	vld [tilespmem:$0x1BE10];
	v6 =	vadd.s32 v17, v6;
	v7 =	vadd.s32 v56, v7  }
0x409: {  	[tilespmem:$0x18600] =	vst v1;
	v6 =	vadd.s32 v18, v6;
	v7 =	vadd.s32 v57, v7  }
0x40a: {  	[tilespmem:$0x18A00] =	vst v1;
	v6 =	vadd.s32 v19, v6;
	v7 =	vadd.s32 v58, v7  }
0x40b: {  	[tilespmem:$0x18E00] =	vst v1;
	v6 =	vadd.s32 v20, v6;
	v7 =	vadd.s32 v59, v7  }
0x40c: {  	[tilespmem:$0x19200] =	vst v1;
	v6 =	vadd.s32 v21, v6;
	v7 =	vadd.s32 v60, v7  }
0x40d: {  	[tilespmem:$0x19600] =	vst v1;
	(xrf0) =	vadd.scan.msk.s32 $0xffff, v6;
	v7 =	vadd.s32 v61, v7  }
0x40e: {  	[tilespmem:$0x19A00] =	vst v1;
	(xrf0) =	vadd.scan.msk.s32 $0xffff, v7  }
0x40f: {  	[tilespmem:$0x19E00] =	vst v1  }
0x410: {  	[tilespmem:$0x1A200] =	vst v1  }
0x411: {  	[tilespmem:$0x1A600] =	vst v1  }
0x412: {  	[tilespmem:$0x1AA00] =	vst v1  }
0x413: {  	[tilespmem:$0x1AE00] =	vst v1;
	v62, _, _ =	vpop (xrf0)  }
0x414: {  	[tilespmem:$0x1B200] =	vst v1;
	(v2sf) =	vpush v62, $0xF;
	v63, _, _ =	vpop (xrf0)  }
0x415: {  	[tilespmem:$0x1B600] =	vst v1;
	(v2sf) =	vpush v63, $0xF  }
0x416: {  	[tilespmem:$0x1BA00] =	vst v1  }
0x417: {  	[tilespmem:$0x1BE00] =	vst v1  }
0x418: {  	[tilespmem:$0x18210] =	vst v1  }
0x419: {  	[tilespmem:$0x18610] =	vst v1  }
0x41a: {  	[tilespmem:$0x18A10] =	vst v1  }
0x41b: {  	[tilespmem:$0x18E10] =	vst v1  }
0x41c: {  	[tilespmem:$0x19210] =	vst v1  }
0x41d: {  	[tilespmem:$0x19A10] =	vst v1  }
0x41e: {  	[tilespmem:$0x19E10] =	vst v1  }
0x41f: {  	[tilespmem:$0x1A210] =	vst v1  }
0x420: {  	[tilespmem:$0x1A610] =	vst v1  }
0x421: {  	[tilespmem:$0x1AA10] =	vst v1  }
0x422: {  	[tilespmem:$0x1AE10] =	vst v1  }
0x423: {  	[tilespmem:$0x1B210] =	vst v1;
	s20 =	spop (v2sf)  }
0x424: {  	[tilespmem:$0x1B610] =	vst v1;
	s22 =	spop (v2sf)  }
0x425: {  	s18 =	ssub.s32 s18, s21;
	[tilespmem:$0x1BA10] =	vst v1;
	s30 =	sadd.s32 s20, s22  }
0x426: {  	[tilespmem:$0x1BE10] =	vst v1;
	p0 =	slt.s32 s20, s18;
	p1 =	sge.s32 s30, s18  }
0x427: {  	[tilespmem:$0x19610] =	vst v1;
	p0 =	por !p0, !p1  }
0x428: {  	s21 =	simm.s32 $0x10;
	[tilespmem:$0x1C200] =	vst v6;
	p0 =	por !p0, !p0  }
0x429: {  	[tilespmem:$0x1C210] =	vst v7;
	s21 =	simm.s32 @!p0 $0x0  }
0x42a: {  	v6 =	vld [tilespmem:s21+$0x1C200];
	_ =	sdelay $0x4  }
0x42b: {  	(xrf0) =	vadd.scan.msk.s32 $0xffff, v6;
	_ =	sdelay $0x5  }
0x42c: {  	[smem:$0x0] =	sst s20;
	s20 =	simm.s32 @!p0 $0x0;
	v6, _, _ =	vpop (xrf0)  }
0x42d: {  	v6 =	vadd.s32 s20, v6  }
0x42e: {  	vm0 =	vge.s32 v6, s18  }
0x42f: {  	v6 =	vmctz.xlane vm0;
	_ =	sdelay $0x1  }
0x430: {  	v6 =	vxor.u32 $0x80000000, v6  }
0x431: {  	(xrf0) =	vmax.scan.msk.u32 $0xffff, v6;
	_ =	sdelay $0x5  }
0x432: {  	v6, _, _ =	vpop (xrf0)  }
0x433: {  	(v2sf) =	vpush v6, $0xF;
	_ =	sdelay $0xe  }
0x434: {  	s31 =	spop (v2sf)  }
0x435: {  	s18 =	sadd.s32 s31, s21  }
0x436: {  	s19 =	sshll.u32 s19, $0x5;
	s18 =	sadd.s32 $0x80000000, s18  }
0x437: {  	[smem:$0x1] =	sst s22;
	s20 =	sor.u32 s19, s18  }
.LBB2_67:
0x438: {  	s18 =	simm.s32 $0x40  }
0x439: {  	v8 =	vld [tilespmem:s18+$0x30]  }
0x43a: {  	v10 =	vld [tilespmem:s18+$0xFFFFFFD0]  }
0x43b: {  	s19 =	simm.s32 $0x70;
	v12 =	vld [tilespmem:s18+$0xFFFFFFF0]  }
0x43c: {  	v6 =	vmov s17;
	v7 =	vmov s20;
	s26 =	simm.s32 $0x10;
	s28 =	simm.s32 $0x20;
	s29 =	simm.s32 $0x30;
	v13 =	vor.u32 s19, v0;
	v15 =	vld [tilespmem:s18+$0x0]  }
0x43d: {  	s30 =	simm.s32 $0x40;
	s22 =	simm.s32 $0x50;
	s31 =	simm.s32 $0x60;
	v14 =	vor.u32 s26, v0;
	v63 =	vor.u32 s28, v0;
	v16 =	vld [tilespmem:s18+$0x10];
	v17 =	vor.u32 s29, v0  }
0x43e: {  	v18 =	vld [tilespmem:s18+$0x20];
	v19 =	vor.u32 s30, v0;
	v20 =	vor.u32 s22, v0;
	v22 =	vor.u32 s31, v0  }
0x43f: {  	vm1 =	vle.s32 v13, v7;
	vm5 =	vle.s32 v14, v7;
	vm8 =	vle.s32 v63, v7  }
0x440: {  	s21 =	simm.s32 $0x0;
	v9 =	vld [tilespmem:s18+$0xFFFFFFC0];
	vm9 =	vle.s32 v17, v7;
	vm11 =	vle.s32 v20, v7;
	vm13 =	vle.s32 v22, v7  }
0x441: {  	v11 =	vld [tilespmem:s18+$0xFFFFFFE0];
	vm0 =	veq.s32 v8, v6;
	vm2 =	vgt.s32 v8, v6;
	v8 =	vor.u32 s21, v0  }
0x442: {  	vm3 =	veq.s32 v12, v6;
	vm6 =	veq.s32 v15, v6;
	vm7 =	veq.s32 v16, v6  }
0x443: {  	vm10 =	veq.s32 v18, v6;
	vm0 =	vmand vm1, vm0;
	vm1 =	veq.s32 v10, v6  }
0x444: {  	vm4 =	vle.s32 v8, v7;
	vm3 =	vmand vm9, vm3;
	vm0 =	vmor vm2, vm0  }
0x445: {  	vm9 =	vgt.s32 v10, v6;
	v21 =	vsel vm0, $0x3F800000, v5;
	vm0 =	veq.s32 v9, v6  }
0x446: {  	vm2 =	veq.s32 v11, v6;
	vm5 =	vmand vm5, vm1;
	vm12 =	vmand vm4, vm0  }
0x447: {  	vm0 =	vle.s32 v19, v7;
	vm4 =	vmand vm8, vm2;
	vm2 =	vmand vm13, vm10  }
0x448: {  	vm10 =	vgt.s32 v12, v6;
	vm8 =	vgt.s32 v16, v6;
	vm1 =	vmand vm0, vm6  }
0x449: {  	vm0 =	vmand vm11, vm7;
	vm7 =	vgt.s32 v9, v6;
	vm11 =	vgt.s32 v11, v6  }
0x44a: {  	s17 =	simm.s32 $0x0;
	s20 =	simm.s32 $0xC0;
	[tilespmem:s18+$0x30] =	vst v21;
	vm6 =	vgt.s32 v15, v6;
	vm12 =	vmor vm7, vm12;
	vm7 =	vgt.s32 v18, v6  }
.LBB2_68:
0x44b: {  	v8 =	vld [tilespmem:s20+$0x30];
	s17 =	sadd.s32 $0x8, s17;
	vm5 =	vmor vm9, vm5;
	vm4 =	vmor vm11, vm4;
	vm3 =	vmor vm10, vm3  }
0x44c: {  	vm1 =	vmor vm6, vm1;
	vm0 =	vmor vm8, vm0;
	vm2 =	vmor vm7, vm2;
	v9 =	vld [tilespmem:s20+$0xFFFFFFC0];
	p0 =	slt.u32 s17, $0x7F8  }
0x44d: {  	v11 =	vsel vm12, $0x3F800000, v5;
	v12 =	vsel vm5, $0x3F800000, v5;
	v13 =	vsel vm4, $0x3F800000, v5;
	v10 =	vld [tilespmem:s20+$0xFFFFFFD0]  }
0x44e: {  	s19 =	sadd.s32 $0x80, s19;
	v15 =	vsel vm1, $0x3F800000, v5;
	v16 =	vsel vm0, $0x3F800000, v5;
	v14 =	vld [tilespmem:s20+$0xFFFFFFE0];
	[tilespmem:s18+$0xFFFFFFC0] =	vst v11;
	v11 =	vsel vm3, $0x3F800000, v5  }
0x44f: {  	s21 =	sadd.s32 $0xFFFFFFA0, s19;
	s22 =	sadd.s32 $0xFFFFFFB0, s19;
	s23 =	sadd.s32 $0xFFFFFFC0, s19;
	v18 =	vor.u32 s19, v0;
	v17 =	vld [tilespmem:s20+$0xFFFFFFF0];
	[tilespmem:s18+$0xFFFFFFD0] =	vst v12;
	v12 =	vsel vm2, $0x3F800000, v5  }
0x450: {  	s24 =	sadd.s32 $0xFFFFFFE0, s19;
	s25 =	sadd.s32 $0xFFFFFFF0, s19;
	v19 =	vor.u32 s21, v0;
	s21 =	sadd.s32 $0xFFFFFFD0, s19;
	vm1 =	vle.s32 v18, v7;
	v20 =	vld [tilespmem:s20+$0x0];
	vm0 =	veq.s32 v8, v6;
	[tilespmem:s18+$0xFFFFFFE0] =	vst v13  }
0x451: {  	s26 =	sadd.s32 $0xFFFFFF90, s19;
	v13 =	vor.u32 s22, v0;
	vm2 =	vgt.s32 v8, v6;
	v18 =	vld [tilespmem:s20+$0x10];
	vm0 =	vmand vm1, vm0;
	[tilespmem:s18+$0xFFFFFFF0] =	vst v11  }
0x452: {  	v8 =	vor.u32 s26, v0;
	v11 =	vor.u32 s23, v0;
	v21 =	vld [tilespmem:s20+$0x20];
	vm0 =	vmor vm2, vm0;
	[tilespmem:s18+$0x0] =	vst v15  }
0x453: {  	v22 =	vor.u32 s24, v0;
	v15 =	vor.u32 s21, v0;
	v23 =	vsel vm0, $0x3F800000, v5;
	[tilespmem:s18+$0x10] =	vst v16  }
0x454: {  	vm1 =	veq.s32 v10, v6;
	vm0 =	veq.s32 v9, v6;
	v16 =	vor.u32 s25, v0;
	[tilespmem:s20+$0x30] =	vst v23  }
0x455: {  	vm2 =	veq.s32 v14, v6;
	vm3 =	veq.s32 v17, v6;
	vm6 =	veq.s32 v20, v6;
	[tilespmem:s18+$0x20] =	vst v12;
	s18 =	smov.u32 s20  }
0x456: {  	vm5 =	vle.s32 v19, v7;
	vm4 =	vle.s32 v8, v7;
	vm7 =	veq.s32 v18, v6  }
0x457: {  	vm8 =	vle.s32 v13, v7;
	vm9 =	vle.s32 v11, v7;
	vm10 =	veq.s32 v21, v6  }
0x458: {  	vm12 =	vle.s32 v22, v7;
	vm11 =	vle.s32 v15, v7;
	vm13 =	vle.s32 v16, v7  }
.Ltmp39:
0x459: {  	vm5 =	vmand vm5, vm1;
	vm14 =	vmand vm4, vm0;
	vm4 =	vmand vm8, vm2;
	(pc) =	sbr.rel @p0 .LBB2_68-.Ltmp39, $4  }
0x45a: {  	vm3 =	vmand vm9, vm3;
	vm1 =	vmand vm11, vm6;
	vm0 =	vmand vm12, vm7  }
0x45b: {  	vm9 =	vgt.s32 v10, v6;
	vm7 =	vgt.s32 v9, v6;
	vm2 =	vmand vm13, vm10  }
0x45c: {  	vm11 =	vgt.s32 v14, v6;
	vm6 =	vgt.s32 v20, v6;
	vm10 =	vgt.s32 v17, v6  }
0x45d: {  	s20 =	sadd.s32 $0x80, s20;
	vm8 =	vgt.s32 v18, v6;
	vm12 =	vmor vm7, vm14;
	vm7 =	vgt.s32 v21, v6  }
0x45e: {  	vm5 =	vmor vm9, vm5;
	v6 =	vsel vm12, $0x3F800000, v5  }
0x45f: {  	vm4 =	vmor vm11, vm4;
	v7 =	vsel vm5, $0x3F800000, v5;
	[tilespmem:s18+$0xFFFFFFC0] =	vst v6  }
0x460: {  	vm3 =	vmor vm10, vm3;
	v6 =	vsel vm4, $0x3F800000, v5;
	[tilespmem:s18+$0xFFFFFFD0] =	vst v7  }
0x461: {  	vm1 =	vmor vm6, vm1;
	v7 =	vsel vm3, $0x3F800000, v5;
	[tilespmem:s18+$0xFFFFFFE0] =	vst v6  }
0x462: {  	vm0 =	vmor vm8, vm0;
	v6 =	vsel vm1, $0x3F800000, v5;
	[tilespmem:s18+$0xFFFFFFF0] =	vst v7  }
0x463: {  	vm15 =	vmor vm7, vm2;
	v7 =	vsel vm0, $0x3F800000, v5;
	[tilespmem:s18+$0x0] =	vst v6  }
0x464: {  	s15 =	sadd.s32 $0x1, s15;
	v6 =	vsel vm15, $0x3F800000, v5;
	[tilespmem:s18+$0x10] =	vst v7  }
0x465: {  	s16 =	sadd.s32 s2, s16;
	p0 =	sne.s32 s15, $0x4;
	[tilespmem:s18+$0x20] =	vst v6  }
0x466: {  	[hbm4b:s16+s7] =	stream.strided.scatter [tilespmem:s3], [sflag:$0x1], $0x8000, s8, s7, $0x38;
	[tilespmem:$0x1C600] =	vst v63  }
.Ltmp40:
0x467: {  	_ = 	snop;
	(pc) =	sbr.rel @p0 .LBB2_4-.Ltmp40, $4  }
.Ltmp41:
0x468: {  	_ = 	snop;
	(pc) =	sbr.rel @!p0 .LBB2_70-.Ltmp41, $4  }
0x469: {  	_ =	swait.ge [sflag:s9], $0x8000  }
0x46a: {  	[sflag:s9] =	ssyncset.done $0x0  }
0x46b: {  	[sflag:s9] =	ssyncadd.s32 $0xFFFF8000  }
0x46c: {  	_ = 	snop  }
.LBB2_25:
.Ltmp42:
0x46d: {  	(pc) =	sbr.rel .LBB2_30-.Ltmp42, $2  }
0x46e: {  	_ =	sdelay $0x2  }
0x46f: {  	s24 =	simm.s32 $0x0;
	v9 =	vimm.s32 $0x0;
	s23 =	simm.s32 $0x10100  }
.LBB2_27:
.Ltmp43:
0x470: {  	(pc) =	sbr.rel .LBB2_30-.Ltmp43, $2  }
0x471: {  	_ =	sdelay $0x2  }
0x472: {  	s24 =	simm.s32 $0x0;
	v11 =	vmov v10;
	v9 =	vmov v10;
	s23 =	simm.s32 $0x10100  }
.LBB2_44:
.Ltmp44:
0x473: {  	(pc) =	sbr.rel .LBB2_49-.Ltmp44, $2  }
0x474: {  	_ =	sdelay $0x2  }
0x475: {  	s25 =	simm.s32 $0x0;
	v8 =	vimm.s32 $0x0;
	s24 =	simm.s32 $0x10100  }
.LBB2_52:
.Ltmp45:
0x476: {  	(pc) =	sbr.rel .LBB2_57-.Ltmp45, $2  }
0x477: {  	_ =	sdelay $0x2  }
0x478: {  	_ = 	snop  }
.LBB2_46:
.Ltmp46:
0x479: {  	(pc) =	sbr.rel .LBB2_49-.Ltmp46, $2  }
0x47a: {  	_ =	sdelay $0x2  }
0x47b: {  	s25 =	simm.s32 $0x0;
	v10 =	vmov v9;
	v8 =	vmov v9;
	s24 =	simm.s32 $0x10100  }
.LBB2_54:
.Ltmp47:
0x47c: {  	(pc) =	sbr.rel .LBB2_57-.Ltmp47, $2  }
0x47d: {  	_ =	sdelay $0x2  }
0x47e: {  	s26 =	simm.s32 $0x10160;
	v11 =	vmov v8;
	v9 =	vmov v7  }
.LBB2_71:
0x47f: {  	_ =	sfence.sel $0x180000  }
0x480: {  	[bflag:$0x0] =	sbarrier.arrive $0xFFFF  }
0x481: {  	p0 =	sne.s32 s4, $0x0;
	_ =	strace $0x90000047  }
0x482: {  	s0 =	sadd.s32 @!p0 $0x100000, s0;
	[bflag:$0x2] =	sbarrier.arrive $0xFFFF  }
0x483: {  	[sflag:s0] =	ssyncadd.tile.s32 @!p0 $0x1;
	_ =	shalt  }
.Lfunc_end2:
_tile_overlayer_lowered:
.L_overlay_start_2:
0x484: {  	(tag) =	ssettag $0x2  }
0x485: {  	s0 =	rddreg [dreg:$0x0];
	s2 =	stileid.u32  }
0x486: {  	s1 =	rddreg [dreg:$0x1];
	p0 =	sne.s32 s2, $0x0  }
0x487: {  	s3 =	rddreg [dreg:$0x2];
	[bflag:$0x3] =	sbarrier.arrive $0xFFFF;
	s2 =	simm.s32 @!p0 $0x1C01  }
0x488: {  	[timem:s3], [sflag:s2] =	dma.local @!p0 [hbm:s0], s1  }
0x489: {  	s0 =	simm.s32 @!p0 $0x1  }
0x48a: {  	_ =	swait.ge @!p0 [sflag:s0], s1  }
0x48b: {  	s1 =	ssub.s32 @!p0 $0x0, s1;
	[sflag:s0] =	ssyncset.done @!p0 $0x0  }
0x48c: {  	[sflag:s0] =	ssyncadd.s32 @!p0 s1  }
0x48d: {  	[bflag:$0x3] =	sbarrier.arrive $0xFFFF  }
0x48e: {  	_ =	shalt  }

</sc_bundles>
